<compile_context>
chip_gen: v7x
topology: tpu7x:2x2x1
jax: 0.10.2.dev20260603
libtpu: 0.0.44.dev20260713+nightly
codegen_flags: <defaults>
</compile_context>

<pallas_src>
import functools

import jax
import jax.numpy as jnp
from jax import lax
from jax.experimental import pallas as pl
from jax.experimental.pallas import tpu as pltpu
from jax.experimental.pallas import tpu_sc as plsc

N = 10000
H = 128
NC = 2
NS = 16
NW = NC * NS
K = 128
NCH = 80
NCHH = NCH // 2
E_TILE = NCH * K
E_PAD = NW * E_TILE
PN = 10112
RPT = PN // NS

_mesh = plsc.VectorSubcoreMesh(core_axis_name="c", subcore_axis_name="s")



NB = 2


@functools.partial(
    pl.kernel,
    mesh=_mesh,
    out_type=jax.ShapeDtypeStruct((NC, PN, H), jnp.float32),
    scratch_types=[
        pltpu.VMEM_SHARED((PN, H), jnp.float32),
        pltpu.VMEM((NCHH, K), jnp.int32),
        pltpu.VMEM((NCHH, K), jnp.int32),
        pltpu.VMEM((K, H), jnp.float32),
        pltpu.VMEM((K, H), jnp.float32),
        pltpu.SemaphoreType.DMA,
        pltpu.SemaphoreType.DMA,
    ],
)
def _sc_spmm(g_hbm, e_hbm, z_hbm, out_hbm, acc_sh, src_v, dst_v, b0, b1,
             g0, g1):
    bufs = [b0, b1]
    gsem = [g0, g1]
    c = lax.axis_index("c")
    s = lax.axis_index("s")
    w = c * NS + s
    pltpu.sync_copy(z_hbm.at[pl.ds(s * RPT, RPT)], acc_sh.at[pl.ds(s * RPT, RPT)])
    plsc.subcore_barrier()

    for h in range(2):
        pltpu.sync_copy(e_hbm.at[0, w, pl.ds(h * NCHH, NCHH)], src_v)
        pltpu.sync_copy(e_hbm.at[1, w, pl.ds(h * NCHH, NCHH)], dst_v)
        for b in range(NB):
            pltpu.async_copy(g_hbm.at[src_v.at[b]], bufs[b], gsem[b])

        def outer(jo, carry):
            for b in range(NB):
                jj = jo * NB + b
                pltpu.make_async_copy(g_hbm.at[src_v.at[jj]], bufs[b],
                                      gsem[b]).wait()
                pltpu.sync_copy(bufs[b], acc_sh.at[dst_v.at[jj]], add=True)
                pltpu.async_copy(g_hbm.at[src_v.at[jj + NB]], bufs[b], gsem[b])
            return carry

        lax.fori_loop(0, NCHH // NB - 1, outer, 0)
        for b in range(NB):
            jj = NCHH - NB + b
            pltpu.make_async_copy(g_hbm.at[src_v.at[jj]], bufs[b],
                                  gsem[b]).wait()
            pltpu.sync_copy(bufs[b], acc_sh.at[dst_v.at[jj]], add=True)
    plsc.subcore_barrier()
    pltpu.sync_copy(acc_sh.at[pl.ds(s * RPT, RPT)],
                    out_hbm.at[c, pl.ds(s * RPT, RPT)])


NBLK = PN // K


@functools.partial(
    pl.kernel,
    mesh=_mesh,
    out_type=jax.ShapeDtypeStruct((NC * PN,), jnp.float32),
    scratch_types=[
        pltpu.VMEM_SHARED((PN,), jnp.float32),
        pltpu.VMEM((NCH, K), jnp.int32),
        pltpu.VMEM((K,), jnp.float32),
        pltpu.VMEM((K,), jnp.float32),
        pltpu.SemaphoreType.DMA,
    ],
)
def _sc_degree(e_hbm, ones_hbm, z_hbm, out_hbm, acc_sh, dst_v, ones_v,
               blk_v, sem):
    c = lax.axis_index("c")
    s = lax.axis_index("s")
    w = c * NS + s
    pltpu.sync_copy(z_hbm, blk_v)
    pltpu.sync_copy(e_hbm.at[1, w], dst_v)
    pltpu.sync_copy(ones_hbm, ones_v)
    for i in range(5):
        blk = s + i * NS
        @pl.when(blk < NBLK)
        def _():
            pltpu.sync_copy(blk_v, acc_sh.at[pl.ds(blk * K, K)])
    plsc.subcore_barrier()

    def body(j, carry):
        pltpu.sync_copy(ones_v, acc_sh.at[dst_v.at[j]], add=True)
        return carry

    lax.fori_loop(0, NCH, body, 0)
    plsc.subcore_barrier()
    for i in range(5):
        blk = s + i * NS
        @pl.when(blk < NBLK)
        def _():
            pltpu.sync_copy(acc_sh.at[pl.ds(blk * K, K)], blk_v)
            pltpu.sync_copy(blk_v, out_hbm.at[pl.ds(c * PN + blk * K, K)])



def _prep_body(x_ref, we_ref, be_ref, wc0_ref, degp_ref, g0_ref, dis_ref):
    blk = pl.program_id(0)
    deg = degp_ref[0] + degp_ref[1] + 1.0
    row = lax.broadcasted_iota(jnp.int32, (BR, 1), 0) + blk * BR
    dis = jnp.where(row < N, lax.rsqrt(deg), 0.0)
    h0 = jnp.maximum(
        jnp.dot(x_ref[...], we_ref[...], preferred_element_type=jnp.float32)
        + be_ref[...], 0.0)
    g0_ref[...] = dis * jnp.dot(h0, wc0_ref[...],
                                preferred_element_type=jnp.float32)
    dis_ref[...] = dis


def _mid_body(accp_ref, g_ref, dis_ref, b_ref, wn_ref, gn_ref):
    dis = dis_ref[...]
    agg = accp_ref[0] + accp_ref[1] + g_ref[...]
    h = jnp.maximum(dis * agg + b_ref[...], 0.0)
    gn_ref[...] = dis * jnp.dot(h, wn_ref[...],
                                preferred_element_type=jnp.float32)


def _final_body(accp_ref, g_ref, dis_ref, b_ref, wd_ref, bd_ref, out_ref):
    dis = dis_ref[...]
    agg = accp_ref[0] + accp_ref[1] + g_ref[...]
    h = jnp.maximum(dis * agg + b_ref[...], 0.0)
    out_ref[...] = (jnp.dot(h, wd_ref[...],
                            preferred_element_type=jnp.float32)
                    + bd_ref[...])[:N]


def _tc(body, out_shapes, *args):
    return pl.pallas_call(body, out_shape=out_shapes)(*args)


GR = 8
BR = PN // GR

_prep_call = pl.pallas_call(
    _prep_body,
    grid=(GR,),
    in_specs=[
        pl.BlockSpec((BR, H), lambda i: (i, 0)),
        pl.BlockSpec((H, H), lambda i: (0, 0)),
        pl.BlockSpec((1, H), lambda i: (0, 0)),
        pl.BlockSpec((H, H), lambda i: (0, 0)),
        pl.BlockSpec((NC, BR, 1), lambda i: (0, i, 0)),
    ],
    out_specs=(pl.BlockSpec((BR, H), lambda i: (i, 0)),
               pl.BlockSpec((BR, 1), lambda i: (i, 0))),
    out_shape=(jax.ShapeDtypeStruct((PN, H), jnp.float32),
               jax.ShapeDtypeStruct((PN, 1), jnp.float32)),
)

_mid_call = pl.pallas_call(
    _mid_body,
    grid=(GR,),
    in_specs=[
        pl.BlockSpec((NC, BR, H), lambda i: (0, i, 0)),
        pl.BlockSpec((BR, H), lambda i: (i, 0)),
        pl.BlockSpec((BR, 1), lambda i: (i, 0)),
        pl.BlockSpec((1, H), lambda i: (0, 0)),
        pl.BlockSpec((H, H), lambda i: (0, 0)),
    ],
    out_specs=pl.BlockSpec((BR, H), lambda i: (i, 0)),
    out_shape=jax.ShapeDtypeStruct((PN, H), jnp.float32),
)



def kernel(x, edge_index, W_enc, b_enc, W_conv, b_conv, W_dec, b_dec):
    f32 = jnp.float32
    L = W_conv.shape[0]
    d_out = W_dec.shape[1]

    e_t = edge_index.shape[1] // NW
    real = edge_index.reshape(2, NW, e_t)
    padrow = (N + jnp.arange(E_TILE - e_t, dtype=jnp.int32) % (PN - N))
    pads = jnp.broadcast_to(padrow, (2, NW, E_TILE - e_t))
    e3 = jnp.concatenate([real, pads], axis=2).reshape(2, NW, NCH, K)
    xp = jnp.pad(x, ((0, PN - N), (0, 0)))
    zeros = jnp.zeros((PN, H), f32)
    ones1 = jnp.ones((K,), f32)
    zeros1 = jnp.zeros((K,), f32)
    be2 = b_enc.reshape(1, H)
    bd2 = b_dec.reshape(1, d_out)

    degp = _sc_degree(e3, ones1, zeros1).reshape(NC, PN, 1)
    g, dis = _prep_call(xp, W_enc, be2, W_conv[0], degp)

    for i in range(L):
        accp = _sc_spmm(g, e3, zeros)
        bi = b_conv[i].reshape(1, H)
        if i + 1 < L:
            g = _mid_call(accp, g, dis, bi, W_conv[i + 1])
        else:
            out = _tc(_final_body, jax.ShapeDtypeStruct((N, d_out), f32),
                      accp, g, dis, bi, W_dec, bd2)
    return out

# --- scband reference (transcript-rebuilt; emitter-appended) ---
"""Pipeline reference for scband-encoder-processor-decoder-gnn-78958678770242 (READ-ONLY COPY).

The authoritative reference and input builder live on the scoring server;
editing this copy changes nothing except your own understanding.
"""

import jax, jax.numpy as jnp
import numpy as np

N = 10000
E = 320000
D_IN = 128
H = 128
L = 4
D_OUT = 3


def setup_inputs(seed: int = 0) -> dict:
    key = jax.random.key(seed)
    ks = jax.random.split(key, 10)
    x = jax.random.normal(ks[0], (N, D_IN), dtype=jnp.float32)
    edge_index = jax.random.randint(ks[1], (2, E), 0, N, dtype=jnp.int32)
    s_in = 1.0 / np.sqrt(D_IN)
    s_h = 1.0 / np.sqrt(H)
    W_enc = jax.random.uniform(ks[2], (D_IN, H), jnp.float32, -s_in, s_in)
    b_enc = jax.random.uniform(ks[3], (H,), jnp.float32, -s_in, s_in)
    W_conv = jax.random.uniform(ks[4], (L, H, H), jnp.float32, -s_h, s_h)
    b_conv = jnp.zeros((L, H), dtype=jnp.float32)
    W_dec = jax.random.uniform(ks[5], (H, D_OUT), jnp.float32, -s_h, s_h)
    b_dec = jax.random.uniform(ks[6], (D_OUT,), jnp.float32, -s_h, s_h)
    return {"x": x, "edge_index": edge_index, "W_enc": W_enc, "b_enc": b_enc,
            "W_conv": W_conv, "b_conv": b_conv, "W_dec": W_dec, "b_dec": b_dec}


def _gcn_conv(x, src, dst, deg_inv_sqrt, W, b):
    # PyG GCNConv: h = D^{-1/2} (A + I) D^{-1/2} X W + b
    h = x @ W
    norm = deg_inv_sqrt[src] * deg_inv_sqrt[dst]
    msgs = h[src] * norm[:, None]
    out = jnp.zeros_like(h).at[dst].add(msgs)
    return out + b


def reference(x, edge_index, W_enc, b_enc, W_conv, b_conv, W_dec, b_dec):
    n = x.shape[0]
    loop = jnp.arange(n, dtype=edge_index.dtype)
    src = jnp.concatenate([edge_index[0], loop])
    dst = jnp.concatenate([edge_index[1], loop])
    deg = jnp.zeros((n,), dtype=x.dtype).at[dst].add(1.0)
    deg_inv_sqrt = jnp.where(deg > 0, 1.0 / jnp.sqrt(deg), 0.0)
    h = jax.nn.relu(x @ W_enc + b_enc)
    for i in range(L):
        h = jax.nn.relu(_gcn_conv(h, src, dst, deg_inv_sqrt, W_conv[i], b_conv[i]))
    return h @ W_dec + b_dec

if __name__ == "__main__":
    import jax
    _d = setup_inputs()
    print(jax.jit(kernel)(*tuple(_d.values())))

</pallas_src>

<mosaic_0001>
#map = affine_map<(d0, d1) -> (0, 0)>
#map1 = affine_map<(d0, d1) -> (0, 0, 0, 0)>
#map2 = affine_map<(d0, d1) -> (0, 0, 0)>
module attributes {stable_mosaic.version = 14 : i64} {
  func.func @_sc_spmm(%arg0: i32, %arg1: i32, %arg2: memref<10112x128xf32, #tpu.memory_space<hbm>>, %arg3: memref<2x32x80x128xi32, #tpu.memory_space<hbm>>, %arg4: memref<10112x128xf32, #tpu.memory_space<hbm>>, %arg5: memref<2x10112x128xf32, #tpu.memory_space<hbm>>, %arg6: memref<10112x128xf32, #tpu.memory_space<vmem_shared>>, %arg7: memref<40x128xi32, #tpu.memory_space<vmem>>, %arg8: memref<40x128xi32, #tpu.memory_space<vmem>>, %arg9: memref<128x128xf32, #tpu.memory_space<vmem>>, %arg10: memref<128x128xf32, #tpu.memory_space<vmem>>, %arg11: memref<!tpu.dma_semaphore, #tpu.memory_space<semaphore_mem>>, %arg12: memref<!tpu.dma_semaphore, #tpu.memory_space<semaphore_mem>>) attributes {dimension_semantics = [#tpu.dimension_semantics<core_parallel>, #tpu.dimension_semantics<subcore_parallel>], iteration_bounds = array<i64: 2, 16>, scalar_prefetch = 0 : i64, scratch_operands = 7 : i64, tpu.core_type = #tpu.core_type<sc_vector_subcore>, window_params = [{transform_indices = #map}, {transform_indices = #map1}, {transform_indices = #map}, {transform_indices = #map2}]} {
    %mul3A = arith.constant 16 : i32
    %mul3A_0 = arith.muli %arg0, %mul3A : i32
    %add3A = arith.addi %mul3A_0, %arg1 : i32
    %mul3A_1 = arith.constant 632 : i32
    %mul3A_2 = arith.muli %arg1, %mul3A_1 : i32
    %mul3A_3 = arith.constant 632 : i32
    %mul3A_4 = arith.muli %arg1, %mul3A_3 : i32
    "tpu.region"() ({
      %run_scoped3A_82 = tpu.sem_alloc : memref<!tpu.dma_semaphore, #tpu.memory_space<semaphore_mem>>
      %dma_start3A_83 = arith.constant 0 : i32
      %dma_start3A_84 = tpu.memref_slice %arg6[%mul3A_4, %dma_start3A_83] : memref<10112x128xf32, #tpu.memory_space<vmem_shared>> -> memref<632x128xf32, #tpu.memory_space<vmem_shared>>
      %dma_start3A_85 = arith.constant 0 : i32
      %dma_start3A_86 = tpu.memref_slice %arg4[%mul3A_2, %dma_start3A_85] : memref<10112x128xf32, #tpu.memory_space<hbm>> -> memref<632x128xf32, #tpu.memory_space<hbm>>
      tpu.enqueue_dma source(%dma_start3A_86 : memref<632x128xf32, #tpu.memory_space<hbm>>) target(%dma_start3A_84 : memref<632x128xf32, #tpu.memory_space<vmem_shared>>) target_semaphore(%run_scoped3A_82 : memref<!tpu.dma_semaphore, #tpu.memory_space<semaphore_mem>>)
      %dma_wait3A_87 = arith.constant 0 : i32
      %dma_wait3A_88 = tpu.memref_slice %arg6[%mul3A_4, %dma_wait3A_87] : memref<10112x128xf32, #tpu.memory_space<vmem_shared>> -> memref<632x128xf32, #tpu.memory_space<vmem_shared>>
      %dma_wait3A_89 = arith.constant 0 : i32
      %dma_wait3A_90 = tpu.memref_slice %arg4[%mul3A_2, %dma_wait3A_89] : memref<10112x128xf32, #tpu.memory_space<hbm>> -> memref<632x128xf32, #tpu.memory_space<hbm>>
      tpu.wait_dma2 semaphore(%run_scoped3A_82 : memref<!tpu.dma_semaphore, #tpu.memory_space<semaphore_mem>>) src(%dma_wait3A_90 : memref<632x128xf32, #tpu.memory_space<hbm>>) dst(%dma_wait3A_88 : memref<632x128xf32, #tpu.memory_space<vmem_shared>>)
      tpu.yield
    }) : () -> ()
    %barrier3A = arith.constant 0 : index
    tpu.barrier barrier_id(%barrier3A)
    %run_scoped3A = arith.constant 0 : i32
    "tpu.region"() ({
      %run_scoped3A_82 = tpu.sem_alloc : memref<!tpu.dma_semaphore, #tpu.memory_space<semaphore_mem>>
      %dma_start3A_83 = arith.constant 0 : i32
      %dma_start3A_84 = arith.constant 0 : i32
      %dma_start3A_85 = tpu.memref_slice %arg3[%run_scoped3A, %add3A, %dma_start3A_83, %dma_start3A_84] : memref<2x32x80x128xi32, #tpu.memory_space<hbm>> -> memref<1x1x40x128xi32, #tpu.memory_space<hbm>>
      %dma_start3A_86 = tpu.memref_squeeze %dma_start3A_85 : memref<1x1x40x128xi32, #tpu.memory_space<hbm>> -> memref<40x128xi32, #tpu.memory_space<hbm>>
      %dma_start3A_87 = arith.constant 0 : i32
      %dma_start3A_88 = arith.constant 0 : i32
      %dma_start3A_89 = tpu.memref_slice %arg3[%run_scoped3A, %add3A, %dma_start3A_87, %dma_start3A_88] : memref<2x32x80x128xi32, #tpu.memory_space<hbm>> -> memref<1x1x40x128xi32, #tpu.memory_space<hbm>>
      %dma_start3A_90 = tpu.memref_squeeze %dma_start3A_89 : memref<1x1x40x128xi32, #tpu.memory_space<hbm>> -> memref<40x128xi32, #tpu.memory_space<hbm>>
      tpu.enqueue_dma source(%dma_start3A_90 : memref<40x128xi32, #tpu.memory_space<hbm>>) target(%arg7 : memref<40x128xi32, #tpu.memory_space<vmem>>) target_semaphore(%run_scoped3A_82 : memref<!tpu.dma_semaphore, #tpu.memory_space<semaphore_mem>>)
      %dma_wait3A_91 = arith.constant 0 : i32
      %dma_wait3A_92 = arith.constant 0 : i32
      %dma_wait3A_93 = tpu.memref_slice %arg3[%run_scoped3A, %add3A, %dma_wait3A_91, %dma_wait3A_92] : memref<2x32x80x128xi32, #tpu.memory_space<hbm>> -> memref<1x1x40x128xi32, #tpu.memory_space<hbm>>
      %dma_wait3A_94 = tpu.memref_squeeze %dma_wait3A_93 : memref<1x1x40x128xi32, #tpu.memory_space<hbm>> -> memref<40x128xi32, #tpu.memory_space<hbm>>
      %dma_wait3A_95 = arith.constant 0 : i32
      %dma_wait3A_96 = arith.constant 0 : i32
      %dma_wait3A_97 = tpu.memref_slice %arg3[%run_scoped3A, %add3A, %dma_wait3A_95, %dma_wait3A_96] : memref<2x32x80x128xi32, #tpu.memory_space<hbm>> -> memref<1x1x40x128xi32, #tpu.memory_space<hbm>>
      %dma_wait3A_98 = tpu.memref_squeeze %dma_wait3A_97 : memref<1x1x40x128xi32, #tpu.memory_space<hbm>> -> memref<40x128xi32, #tpu.memory_space<hbm>>
      tpu.wait_dma2 semaphore(%run_scoped3A_82 : memref<!tpu.dma_semaphore, #tpu.memory_space<semaphore_mem>>) src(%dma_wait3A_98 : memref<40x128xi32, #tpu.memory_space<hbm>>) dst(%arg7 : memref<40x128xi32, #tpu.memory_space<vmem>>)
      tpu.yield
    }) : () -> ()
    %run_scoped3A_5 = arith.constant 1 : i32
    "tpu.region"() ({
      %run_scoped3A_82 = tpu.sem_alloc : memref<!tpu.dma_semaphore, #tpu.memory_space<semaphore_mem>>
      %dma_start3A_83 = arith.constant 0 : i32
      %dma_start3A_84 = arith.constant 0 : i32
      %dma_start3A_85 = tpu.memref_slice %arg3[%run_scoped3A_5, %add3A, %dma_start3A_83, %dma_start3A_84] : memref<2x32x80x128xi32, #tpu.memory_space<hbm>> -> memref<1x1x40x128xi32, #tpu.memory_space<hbm>>
      %dma_start3A_86 = tpu.memref_squeeze %dma_start3A_85 : memref<1x1x40x128xi32, #tpu.memory_space<hbm>> -> memref<40x128xi32, #tpu.memory_space<hbm>>
      %dma_start3A_87 = arith.constant 0 : i32
      %dma_start3A_88 = arith.constant 0 : i32
      %dma_start3A_89 = tpu.memref_slice %arg3[%run_scoped3A_5, %add3A, %dma_start3A_87, %dma_start3A_88] : memref<2x32x80x128xi32, #tpu.memory_space<hbm>> -> memref<1x1x40x128xi32, #tpu.memory_space<hbm>>
      %dma_start3A_90 = tpu.memref_squeeze %dma_start3A_89 : memref<1x1x40x128xi32, #tpu.memory_space<hbm>> -> memref<40x128xi32, #tpu.memory_space<hbm>>
      tpu.enqueue_dma source(%dma_start3A_90 : memref<40x128xi32, #tpu.memory_space<hbm>>) target(%arg8 : memref<40x128xi32, #tpu.memory_space<vmem>>) target_semaphore(%run_scoped3A_82 : memref<!tpu.dma_semaphore, #tpu.memory_space<semaphore_mem>>)
      %dma_wait3A_91 = arith.constant 0 : i32
      %dma_wait3A_92 = arith.constant 0 : i32
      %dma_wait3A_93 = tpu.memref_slice %arg3[%run_scoped3A_5, %add3A, %dma_wait3A_91, %dma_wait3A_92] : memref<2x32x80x128xi32, #tpu.memory_space<hbm>> -> memref<1x1x40x128xi32, #tpu.memory_space<hbm>>
      %dma_wait3A_94 = tpu.memref_squeeze %dma_wait3A_93 : memref<1x1x40x128xi32, #tpu.memory_space<hbm>> -> memref<40x128xi32, #tpu.memory_space<hbm>>
      %dma_wait3A_95 = arith.constant 0 : i32
      %dma_wait3A_96 = arith.constant 0 : i32
      %dma_wait3A_97 = tpu.memref_slice %arg3[%run_scoped3A_5, %add3A, %dma_wait3A_95, %dma_wait3A_96] : memref<2x32x80x128xi32, #tpu.memory_space<hbm>> -> memref<1x1x40x128xi32, #tpu.memory_space<hbm>>
      %dma_wait3A_98 = tpu.memref_squeeze %dma_wait3A_97 : memref<1x1x40x128xi32, #tpu.memory_space<hbm>> -> memref<40x128xi32, #tpu.memory_space<hbm>>
      tpu.wait_dma2 semaphore(%run_scoped3A_82 : memref<!tpu.dma_semaphore, #tpu.memory_space<semaphore_mem>>) src(%dma_wait3A_98 : memref<40x128xi32, #tpu.memory_space<hbm>>) dst(%arg8 : memref<40x128xi32, #tpu.memory_space<vmem>>)
      tpu.yield
    }) : () -> ()
    %dma_start3A = arith.constant 0 : i32
    %dma_start3A_6 = arith.constant 0 : i32
    %dma_start3A_7 = tpu.memref_slice %arg7[%dma_start3A, %dma_start3A_6] : memref<40x128xi32, #tpu.memory_space<vmem>> -> memref<1x128xi32, #tpu.memory_space<vmem>>
    %dma_start3A_8 = tpu.memref_squeeze %dma_start3A_7 : memref<1x128xi32, #tpu.memory_space<vmem>> -> memref<128xi32, #tpu.memory_space<vmem>>
    %dma_start3A_9 = arith.constant 0 : i32
    %dma_start3A_10 = arith.constant 0 : i32
    %dma_start3A_11 = tpu.memref_slice %arg2[%dma_start3A_9, %dma_start3A_10] : memref<10112x128xf32, #tpu.memory_space<hbm>> -> memref<10112x128xf32, #tpu.memory_space<hbm>>
    tpu.enqueue_indirect_dma source(%dma_start3A_11 : memref<10112x128xf32, #tpu.memory_space<hbm>>) target(%arg9 : memref<128x128xf32, #tpu.memory_space<vmem>>) offsets(%dma_start3A_8 : memref<128xi32, #tpu.memory_space<vmem>>) semaphore(%arg11 : memref<!tpu.dma_semaphore, #tpu.memory_space<semaphore_mem>>)
    %dma_start3A_12 = arith.constant 1 : i32
    %dma_start3A_13 = arith.constant 0 : i32
    %dma_start3A_14 = tpu.memref_slice %arg7[%dma_start3A_12, %dma_start3A_13] : memref<40x128xi32, #tpu.memory_space<vmem>> -> memref<1x128xi32, #tpu.memory_space<vmem>>
    %dma_start3A_15 = tpu.memref_squeeze %dma_start3A_14 : memref<1x128xi32, #tpu.memory_space<vmem>> -> memref<128xi32, #tpu.memory_space<vmem>>
    %dma_start3A_16 = arith.constant 0 : i32
    %dma_start3A_17 = arith.constant 0 : i32
    %dma_start3A_18 = tpu.memref_slice %arg2[%dma_start3A_16, %dma_start3A_17] : memref<10112x128xf32, #tpu.memory_space<hbm>> -> memref<10112x128xf32, #tpu.memory_space<hbm>>
    tpu.enqueue_indirect_dma source(%dma_start3A_18 : memref<10112x128xf32, #tpu.memory_space<hbm>>) target(%arg10 : memref<128x128xf32, #tpu.memory_space<vmem>>) offsets(%dma_start3A_15 : memref<128xi32, #tpu.memory_space<vmem>>) semaphore(%arg12 : memref<!tpu.dma_semaphore, #tpu.memory_space<semaphore_mem>>)
    %scan3A = arith.constant 0 : i32
    %scan3A_19 = arith.constant 0 : i32
    %scan3A_20 = arith.constant 19 : i32
    %scan3A_21 = arith.addi %scan3A_19, %scan3A_20 : i32
    %scan3A_22 = arith.constant 1 : i32
    scf.for %scan3A_82 = %scan3A_19 to %scan3A_21 step %scan3A_22  : i32 {
      %mul3A_83 = arith.constant 2 : i32
      %mul3A_84 = arith.muli %scan3A_82, %mul3A_83 : i32
      %add3A_85 = arith.constant 0 : i32
      %add3A_86 = arith.addi %mul3A_84, %add3A_85 : i32
      %dma_wait3A_87 = arith.constant 0 : i32
      %dma_wait3A_88 = tpu.memref_slice %arg7[%add3A_86, %dma_wait3A_87] : memref<40x128xi32, #tpu.memory_space<vmem>> -> memref<1x128xi32, #tpu.memory_space<vmem>>
      %dma_wait3A_89 = tpu.memref_squeeze %dma_wait3A_88 : memref<1x128xi32, #tpu.memory_space<vmem>> -> memref<128xi32, #tpu.memory_space<vmem>>
      %dma_wait3A_90 = arith.constant 0 : i32
      %dma_wait3A_91 = arith.constant 0 : i32
      %dma_wait3A_92 = tpu.memref_slice %arg2[%dma_wait3A_90, %dma_wait3A_91] : memref<10112x128xf32, #tpu.memory_space<hbm>> -> memref<10112x128xf32, #tpu.memory_space<hbm>>
      tpu.wait_indirect_dma semaphore(%arg11 : memref<!tpu.dma_semaphore, #tpu.memory_space<semaphore_mem>>) src(%dma_wait3A_92 : memref<10112x128xf32, #tpu.memory_space<hbm>>) dst(%arg9 : memref<128x128xf32, #tpu.memory_space<vmem>>)
      "tpu.region"() ({
        %run_scoped3A_119 = tpu.sem_alloc : memref<!tpu.dma_semaphore, #tpu.memory_space<semaphore_mem>>
        %dma_start3A_120 = arith.constant 0 : i32
        %dma_start3A_121 = tpu.memref_slice %arg8[%add3A_86, %dma_start3A_120] : memref<40x128xi32, #tpu.memory_space<vmem>> -> memref<1x128xi32, #tpu.memory_space<vmem>>
        %dma_start3A_122 = tpu.memref_squeeze %dma_start3A_121 : memref<1x128xi32, #tpu.memory_space<vmem>> -> memref<128xi32, #tpu.memory_space<vmem>>
        %dma_start3A_123 = arith.constant 0 : i32
        %dma_start3A_124 = arith.constant 0 : i32
        %dma_start3A_125 = tpu.memref_slice %arg6[%dma_start3A_123, %dma_start3A_124] : memref<10112x128xf32, #tpu.memory_space<vmem_shared>> -> memref<10112x128xf32, #tpu.memory_space<vmem_shared>>
        tpu.enqueue_indirect_dma source(%arg9 : memref<128x128xf32, #tpu.memory_space<vmem>>) target(%dma_start3A_125 : memref<10112x128xf32, #tpu.memory_space<vmem_shared>>) offsets(%dma_start3A_122 : memref<128xi32, #tpu.memory_space<vmem>>) semaphore(%run_scoped3A_119 : memref<!tpu.dma_semaphore, #tpu.memory_space<semaphore_mem>>) {add = true}
        %dma_wait3A_126 = arith.constant 0 : i32
        %dma_wait3A_127 = tpu.memref_slice %arg8[%add3A_86, %dma_wait3A_126] : memref<40x128xi32, #tpu.memory_space<vmem>> -> memref<1x128xi32, #tpu.memory_space<vmem>>
        %dma_wait3A_128 = tpu.memref_squeeze %dma_wait3A_127 : memref<1x128xi32, #tpu.memory_space<vmem>> -> memref<128xi32, #tpu.memory_space<vmem>>
        %dma_wait3A_129 = arith.constant 0 : i32
        %dma_wait3A_130 = arith.constant 0 : i32
        %dma_wait3A_131 = tpu.memref_slice %arg6[%dma_wait3A_129, %dma_wait3A_130] : memref<10112x128xf32, #tpu.memory_space<vmem_shared>> -> memref<10112x128xf32, #tpu.memory_space<vmem_shared>>
        tpu.wait_indirect_dma semaphore(%run_scoped3A_119 : memref<!tpu.dma_semaphore, #tpu.memory_space<semaphore_mem>>) src(%arg9 : memref<128x128xf32, #tpu.memory_space<vmem>>) dst(%dma_wait3A_131 : memref<10112x128xf32, #tpu.memory_space<vmem_shared>>)
        tpu.yield
      }) : () -> ()
      %add3A_93 = arith.constant 2 : i32
      %add3A_94 = arith.addi %add3A_86, %add3A_93 : i32
      %dma_start3A_95 = arith.constant 0 : i32
      %dma_start3A_96 = tpu.memref_slice %arg7[%add3A_94, %dma_start3A_95] : memref<40x128xi32, #tpu.memory_space<vmem>> -> memref<1x128xi32, #tpu.memory_space<vmem>>
      %dma_start3A_97 = tpu.memref_squeeze %dma_start3A_96 : memref<1x128xi32, #tpu.memory_space<vmem>> -> memref<128xi32, #tpu.memory_space<vmem>>
      %dma_start3A_98 = arith.constant 0 : i32
      %dma_start3A_99 = arith.constant 0 : i32
      %dma_start3A_100 = tpu.memref_slice %arg2[%dma_start3A_98, %dma_start3A_99] : memref<10112x128xf32, #tpu.memory_space<hbm>> -> memref<10112x128xf32, #tpu.memory_space<hbm>>
      tpu.enqueue_indirect_dma source(%dma_start3A_100 : memref<10112x128xf32, #tpu.memory_space<hbm>>) target(%arg9 : memref<128x128xf32, #tpu.memory_space<vmem>>) offsets(%dma_start3A_97 : memref<128xi32, #tpu.memory_space<vmem>>) semaphore(%arg11 : memref<!tpu.dma_semaphore, #tpu.memory_space<semaphore_mem>>)
      %mul3A_101 = arith.constant 2 : i32
      %mul3A_102 = arith.muli %scan3A_82, %mul3A_101 : i32
      %add3A_103 = arith.constant 1 : i32
      %add3A_104 = arith.addi %mul3A_102, %add3A_103 : i32
      %dma_wait3A_105 = arith.constant 0 : i32
      %dma_wait3A_106 = tpu.memref_slice %arg7[%add3A_104, %dma_wait3A_105] : memref<40x128xi32, #tpu.memory_space<vmem>> -> memref<1x128xi32, #tpu.memory_space<vmem>>
      %dma_wait3A_107 = tpu.memref_squeeze %dma_wait3A_106 : memref<1x128xi32, #tpu.memory_space<vmem>> -> memref<128xi32, #tpu.memory_space<vmem>>
      %dma_wait3A_108 = arith.constant 0 : i32
      %dma_wait3A_109 = arith.constant 0 : i32
      %dma_wait3A_110 = tpu.memref_slice %arg2[%dma_wait3A_108, %dma_wait3A_109] : memref<10112x128xf32, #tpu.memory_space<hbm>> -> memref<10112x128xf32, #tpu.memory_space<hbm>>
      tpu.wait_indirect_dma semaphore(%arg12 : memref<!tpu.dma_semaphore, #tpu.memory_space<semaphore_mem>>) src(%dma_wait3A_110 : memref<10112x128xf32, #tpu.memory_space<hbm>>) dst(%arg10 : memref<128x128xf32, #tpu.memory_space<vmem>>)
      "tpu.region"() ({
        %run_scoped3A_119 = tpu.sem_alloc : memref<!tpu.dma_semaphore, #tpu.memory_space<semaphore_mem>>
        %dma_start3A_120 = arith.constant 0 : i32
        %dma_start3A_121 = tpu.memref_slice %arg8[%add3A_104, %dma_start3A_120] : memref<40x128xi32, #tpu.memory_space<vmem>> -> memref<1x128xi32, #tpu.memory_space<vmem>>
        %dma_start3A_122 = tpu.memref_squeeze %dma_start3A_121 : memref<1x128xi32, #tpu.memory_space<vmem>> -> memref<128xi32, #tpu.memory_space<vmem>>
        %dma_start3A_123 = arith.constant 0 : i32
        %dma_start3A_124 = arith.constant 0 : i32
        %dma_start3A_125 = tpu.memref_slice %arg6[%dma_start3A_123, %dma_start3A_124] : memref<10112x128xf32, #tpu.memory_space<vmem_shared>> -> memref<10112x128xf32, #tpu.memory_space<vmem_shared>>
        tpu.enqueue_indirect_dma source(%arg10 : memref<128x128xf32, #tpu.memory_space<vmem>>) target(%dma_start3A_125 : memref<10112x128xf32, #tpu.memory_space<vmem_shared>>) offsets(%dma_start3A_122 : memref<128xi32, #tpu.memory_space<vmem>>) semaphore(%run_scoped3A_119 : memref<!tpu.dma_semaphore, #tpu.memory_space<semaphore_mem>>) {add = true}
        %dma_wait3A_126 = arith.constant 0 : i32
        %dma_wait3A_127 = tpu.memref_slice %arg8[%add3A_104, %dma_wait3A_126] : memref<40x128xi32, #tpu.memory_space<vmem>> -> memref<1x128xi32, #tpu.memory_space<vmem>>
        %dma_wait3A_128 = tpu.memref_squeeze %dma_wait3A_127 : memref<1x128xi32, #tpu.memory_space<vmem>> -> memref<128xi32, #tpu.memory_space<vmem>>
        %dma_wait3A_129 = arith.constant 0 : i32
        %dma_wait3A_130 = arith.constant 0 : i32
        %dma_wait3A_131 = tpu.memref_slice %arg6[%dma_wait3A_129, %dma_wait3A_130] : memref<10112x128xf32, #tpu.memory_space<vmem_shared>> -> memref<10112x128xf32, #tpu.memory_space<vmem_shared>>
        tpu.wait_indirect_dma semaphore(%run_scoped3A_119 : memref<!tpu.dma_semaphore, #tpu.memory_space<semaphore_mem>>) src(%arg10 : memref<128x128xf32, #tpu.memory_space<vmem>>) dst(%dma_wait3A_131 : memref<10112x128xf32, #tpu.memory_space<vmem_shared>>)
        tpu.yield
      }) : () -> ()
      %add3A_111 = arith.constant 2 : i32
      %add3A_112 = arith.addi %add3A_104, %add3A_111 : i32
      %dma_start3A_113 = arith.constant 0 : i32
      %dma_start3A_114 = tpu.memref_slice %arg7[%add3A_112, %dma_start3A_113] : memref<40x128xi32, #tpu.memory_space<vmem>> -> memref<1x128xi32, #tpu.memory_space<vmem>>
      %dma_start3A_115 = tpu.memref_squeeze %dma_start3A_114 : memref<1x128xi32, #tpu.memory_space<vmem>> -> memref<128xi32, #tpu.memory_space<vmem>>
      %dma_start3A_116 = arith.constant 0 : i32
      %dma_start3A_117 = arith.constant 0 : i32
      %dma_start3A_118 = tpu.memref_slice %arg2[%dma_start3A_116, %dma_start3A_117] : memref<10112x128xf32, #tpu.memory_space<hbm>> -> memref<10112x128xf32, #tpu.memory_space<hbm>>
      tpu.enqueue_indirect_dma source(%dma_start3A_118 : memref<10112x128xf32, #tpu.memory_space<hbm>>) target(%arg10 : memref<128x128xf32, #tpu.memory_space<vmem>>) offsets(%dma_start3A_115 : memref<128xi32, #tpu.memory_space<vmem>>) semaphore(%arg12 : memref<!tpu.dma_semaphore, #tpu.memory_space<semaphore_mem>>)
    }
    %scan3A_23 = arith.constant 19 : i32
    %dma_wait3A = arith.constant 38 : i32
    %dma_wait3A_24 = arith.constant 0 : i32
    %dma_wait3A_25 = tpu.memref_slice %arg7[%dma_wait3A, %dma_wait3A_24] : memref<40x128xi32, #tpu.memory_space<vmem>> -> memref<1x128xi32, #tpu.memory_space<vmem>>
    %dma_wait3A_26 = tpu.memref_squeeze %dma_wait3A_25 : memref<1x128xi32, #tpu.memory_space<vmem>> -> memref<128xi32, #tpu.memory_space<vmem>>
    %dma_wait3A_27 = arith.constant 0 : i32
    %dma_wait3A_28 = arith.constant 0 : i32
    %dma_wait3A_29 = tpu.memref_slice %arg2[%dma_wait3A_27, %dma_wait3A_28] : memref<10112x128xf32, #tpu.memory_space<hbm>> -> memref<10112x128xf32, #tpu.memory_space<hbm>>
    tpu.wait_indirect_dma semaphore(%arg11 : memref<!tpu.dma_semaphore, #tpu.memory_space<semaphore_mem>>) src(%dma_wait3A_29 : memref<10112x128xf32, #tpu.memory_space<hbm>>) dst(%arg9 : memref<128x128xf32, #tpu.memory_space<vmem>>)
    %run_scoped3A_30 = arith.constant 38 : i32
    "tpu.region"() ({
      %run_scoped3A_82 = tpu.sem_alloc : memref<!tpu.dma_semaphore, #tpu.memory_space<semaphore_mem>>
      %dma_start3A_83 = arith.constant 0 : i32
      %dma_start3A_84 = tpu.memref_slice %arg8[%run_scoped3A_30, %dma_start3A_83] : memref<40x128xi32, #tpu.memory_space<vmem>> -> memref<1x128xi32, #tpu.memory_space<vmem>>
      %dma_start3A_85 = tpu.memref_squeeze %dma_start3A_84 : memref<1x128xi32, #tpu.memory_space<vmem>> -> memref<128xi32, #tpu.memory_space<vmem>>
      %dma_start3A_86 = arith.constant 0 : i32
      %dma_start3A_87 = arith.constant 0 : i32
      %dma_start3A_88 = tpu.memref_slice %arg6[%dma_start3A_86, %dma_start3A_87] : memref<10112x128xf32, #tpu.memory_space<vmem_shared>> -> memref<10112x128xf32, #tpu.memory_space<vmem_shared>>
      tpu.enqueue_indirect_dma source(%arg9 : memref<128x128xf32, #tpu.memory_space<vmem>>) target(%dma_start3A_88 : memref<10112x128xf32, #tpu.memory_space<vmem_shared>>) offsets(%dma_start3A_85 : memref<128xi32, #tpu.memory_space<vmem>>) semaphore(%run_scoped3A_82 : memref<!tpu.dma_semaphore, #tpu.memory_space<semaphore_mem>>) {add = true}
      %dma_wait3A_89 = arith.constant 0 : i32
      %dma_wait3A_90 = tpu.memref_slice %arg8[%run_scoped3A_30, %dma_wait3A_89] : memref<40x128xi32, #tpu.memory_space<vmem>> -> memref<1x128xi32, #tpu.memory_space<vmem>>
      %dma_wait3A_91 = tpu.memref_squeeze %dma_wait3A_90 : memref<1x128xi32, #tpu.memory_space<vmem>> -> memref<128xi32, #tpu.memory_space<vmem>>
      %dma_wait3A_92 = arith.constant 0 : i32
      %dma_wait3A_93 = arith.constant 0 : i32
      %dma_wait3A_94 = tpu.memref_slice %arg6[%dma_wait3A_92, %dma_wait3A_93] : memref<10112x128xf32, #tpu.memory_space<vmem_shared>> -> memref<10112x128xf32, #tpu.memory_space<vmem_shared>>
      tpu.wait_indirect_dma semaphore(%run_scoped3A_82 : memref<!tpu.dma_semaphore, #tpu.memory_space<semaphore_mem>>) src(%arg9 : memref<128x128xf32, #tpu.memory_space<vmem>>) dst(%dma_wait3A_94 : memref<10112x128xf32, #tpu.memory_space<vmem_shared>>)
      tpu.yield
    }) : () -> ()
    %dma_wait3A_31 = arith.constant 39 : i32
    %dma_wait3A_32 = arith.constant 0 : i32
    %dma_wait3A_33 = tpu.memref_slice %arg7[%dma_wait3A_31, %dma_wait3A_32] : memref<40x128xi32, #tpu.memory_space<vmem>> -> memref<1x128xi32, #tpu.memory_space<vmem>>
    %dma_wait3A_34 = tpu.memref_squeeze %dma_wait3A_33 : memref<1x128xi32, #tpu.memory_space<vmem>> -> memref<128xi32, #tpu.memory_space<vmem>>
    %dma_wait3A_35 = arith.constant 0 : i32
    %dma_wait3A_36 = arith.constant 0 : i32
    %dma_wait3A_37 = tpu.memref_slice %arg2[%dma_wait3A_35, %dma_wait3A_36] : memref<10112x128xf32, #tpu.memory_space<hbm>> -> memref<10112x128xf32, #tpu.memory_space<hbm>>
    tpu.wait_indirect_dma semaphore(%arg12 : memref<!tpu.dma_semaphore, #tpu.memory_space<semaphore_mem>>) src(%dma_wait3A_37 : memref<10112x128xf32, #tpu.memory_space<hbm>>) dst(%arg10 : memref<128x128xf32, #tpu.memory_space<vmem>>)
    %run_scoped3A_38 = arith.constant 39 : i32
    "tpu.region"() ({
      %run_scoped3A_82 = tpu.sem_alloc : memref<!tpu.dma_semaphore, #tpu.memory_space<semaphore_mem>>
      %dma_start3A_83 = arith.constant 0 : i32
      %dma_start3A_84 = tpu.memref_slice %arg8[%run_scoped3A_38, %dma_start3A_83] : memref<40x128xi32, #tpu.memory_space<vmem>> -> memref<1x128xi32, #tpu.memory_space<vmem>>
      %dma_start3A_85 = tpu.memref_squeeze %dma_start3A_84 : memref<1x128xi32, #tpu.memory_space<vmem>> -> memref<128xi32, #tpu.memory_space<vmem>>
      %dma_start3A_86 = arith.constant 0 : i32
      %dma_start3A_87 = arith.constant 0 : i32
      %dma_start3A_88 = tpu.memref_slice %arg6[%dma_start3A_86, %dma_start3A_87] : memref<10112x128xf32, #tpu.memory_space<vmem_shared>> -> memref<10112x128xf32, #tpu.memory_space<vmem_shared>>
      tpu.enqueue_indirect_dma source(%arg10 : memref<128x128xf32, #tpu.memory_space<vmem>>) target(%dma_start3A_88 : memref<10112x128xf32, #tpu.memory_space<vmem_shared>>) offsets(%dma_start3A_85 : memref<128xi32, #tpu.memory_space<vmem>>) semaphore(%run_scoped3A_82 : memref<!tpu.dma_semaphore, #tpu.memory_space<semaphore_mem>>) {add = true}
      %dma_wait3A_89 = arith.constant 0 : i32
      %dma_wait3A_90 = tpu.memref_slice %arg8[%run_scoped3A_38, %dma_wait3A_89] : memref<40x128xi32, #tpu.memory_space<vmem>> -> memref<1x128xi32, #tpu.memory_space<vmem>>
      %dma_wait3A_91 = tpu.memref_squeeze %dma_wait3A_90 : memref<1x128xi32, #tpu.memory_space<vmem>> -> memref<128xi32, #tpu.memory_space<vmem>>
      %dma_wait3A_92 = arith.constant 0 : i32
      %dma_wait3A_93 = arith.constant 0 : i32
      %dma_wait3A_94 = tpu.memref_slice %arg6[%dma_wait3A_92, %dma_wait3A_93] : memref<10112x128xf32, #tpu.memory_space<vmem_shared>> -> memref<10112x128xf32, #tpu.memory_space<vmem_shared>>
      tpu.wait_indirect_dma semaphore(%run_scoped3A_82 : memref<!tpu.dma_semaphore, #tpu.memory_space<semaphore_mem>>) src(%arg10 : memref<128x128xf32, #tpu.memory_space<vmem>>) dst(%dma_wait3A_94 : memref<10112x128xf32, #tpu.memory_space<vmem_shared>>)
      tpu.yield
    }) : () -> ()
    %run_scoped3A_39 = arith.constant 0 : i32
    "tpu.region"() ({
      %run_scoped3A_82 = tpu.sem_alloc : memref<!tpu.dma_semaphore, #tpu.memory_space<semaphore_mem>>
      %dma_start3A_83 = arith.constant 40 : i32
      %dma_start3A_84 = arith.constant 0 : i32
      %dma_start3A_85 = tpu.memref_slice %arg3[%run_scoped3A_39, %add3A, %dma_start3A_83, %dma_start3A_84] : memref<2x32x80x128xi32, #tpu.memory_space<hbm>> -> memref<1x1x40x128xi32, #tpu.memory_space<hbm>>
      %dma_start3A_86 = tpu.memref_squeeze %dma_start3A_85 : memref<1x1x40x128xi32, #tpu.memory_space<hbm>> -> memref<40x128xi32, #tpu.memory_space<hbm>>
      %dma_start3A_87 = arith.constant 40 : i32
      %dma_start3A_88 = arith.constant 0 : i32
      %dma_start3A_89 = tpu.memref_slice %arg3[%run_scoped3A_39, %add3A, %dma_start3A_87, %dma_start3A_88] : memref<2x32x80x128xi32, #tpu.memory_space<hbm>> -> memref<1x1x40x128xi32, #tpu.memory_space<hbm>>
      %dma_start3A_90 = tpu.memref_squeeze %dma_start3A_89 : memref<1x1x40x128xi32, #tpu.memory_space<hbm>> -> memref<40x128xi32, #tpu.memory_space<hbm>>
      tpu.enqueue_dma source(%dma_start3A_90 : memref<40x128xi32, #tpu.memory_space<hbm>>) target(%arg7 : memref<40x128xi32, #tpu.memory_space<vmem>>) target_semaphore(%run_scoped3A_82 : memref<!tpu.dma_semaphore, #tpu.memory_space<semaphore_mem>>)
      %dma_wait3A_91 = arith.constant 40 : i32
      %dma_wait3A_92 = arith.constant 0 : i32
      %dma_wait3A_93 = tpu.memref_slice %arg3[%run_scoped3A_39, %add3A, %dma_wait3A_91, %dma_wait3A_92] : memref<2x32x80x128xi32, #tpu.memory_space<hbm>> -> memref<1x1x40x128xi32, #tpu.memory_space<hbm>>
      %dma_wait3A_94 = tpu.memref_squeeze %dma_wait3A_93 : memref<1x1x40x128xi32, #tpu.memory_space<hbm>> -> memref<40x128xi32, #tpu.memory_space<hbm>>
      %dma_wait3A_95 = arith.constant 40 : i32
      %dma_wait3A_96 = arith.constant 0 : i32
      %dma_wait3A_97 = tpu.memref_slice %arg3[%run_scoped3A_39, %add3A, %dma_wait3A_95, %dma_wait3A_96] : memref<2x32x80x128xi32, #tpu.memory_space<hbm>> -> memref<1x1x40x128xi32, #tpu.memory_space<hbm>>
      %dma_wait3A_98 = tpu.memref_squeeze %dma_wait3A_97 : memref<1x1x40x128xi32, #tpu.memory_space<hbm>> -> memref<40x128xi32, #tpu.memory_space<hbm>>
      tpu.wait_dma2 semaphore(%run_scoped3A_82 : memref<!tpu.dma_semaphore, #tpu.memory_space<semaphore_mem>>) src(%dma_wait3A_98 : memref<40x128xi32, #tpu.memory_space<hbm>>) dst(%arg7 : memref<40x128xi32, #tpu.memory_space<vmem>>)
      tpu.yield
    }) : () -> ()
    %run_scoped3A_40 = arith.constant 1 : i32
    "tpu.region"() ({
      %run_scoped3A_82 = tpu.sem_alloc : memref<!tpu.dma_semaphore, #tpu.memory_space<semaphore_mem>>
      %dma_start3A_83 = arith.constant 40 : i32
      %dma_start3A_84 = arith.constant 0 : i32
      %dma_start3A_85 = tpu.memref_slice %arg3[%run_scoped3A_40, %add3A, %dma_start3A_83, %dma_start3A_84] : memref<2x32x80x128xi32, #tpu.memory_space<hbm>> -> memref<1x1x40x128xi32, #tpu.memory_space<hbm>>
      %dma_start3A_86 = tpu.memref_squeeze %dma_start3A_85 : memref<1x1x40x128xi32, #tpu.memory_space<hbm>> -> memref<40x128xi32, #tpu.memory_space<hbm>>
      %dma_start3A_87 = arith.constant 40 : i32
      %dma_start3A_88 = arith.constant 0 : i32
      %dma_start3A_89 = tpu.memref_slice %arg3[%run_scoped3A_40, %add3A, %dma_start3A_87, %dma_start3A_88] : memref<2x32x80x128xi32, #tpu.memory_space<hbm>> -> memref<1x1x40x128xi32, #tpu.memory_space<hbm>>
      %dma_start3A_90 = tpu.memref_squeeze %dma_start3A_89 : memref<1x1x40x128xi32, #tpu.memory_space<hbm>> -> memref<40x128xi32, #tpu.memory_space<hbm>>
      tpu.enqueue_dma source(%dma_start3A_90 : memref<40x128xi32, #tpu.memory_space<hbm>>) target(%arg8 : memref<40x128xi32, #tpu.memory_space<vmem>>) target_semaphore(%run_scoped3A_82 : memref<!tpu.dma_semaphore, #tpu.memory_space<semaphore_mem>>)
      %dma_wait3A_91 = arith.constant 40 : i32
      %dma_wait3A_92 = arith.constant 0 : i32
      %dma_wait3A_93 = tpu.memref_slice %arg3[%run_scoped3A_40, %add3A, %dma_wait3A_91, %dma_wait3A_92] : memref<2x32x80x128xi32, #tpu.memory_space<hbm>> -> memref<1x1x40x128xi32, #tpu.memory_space<hbm>>
      %dma_wait3A_94 = tpu.memref_squeeze %dma_wait3A_93 : memref<1x1x40x128xi32, #tpu.memory_space<hbm>> -> memref<40x128xi32, #tpu.memory_space<hbm>>
      %dma_wait3A_95 = arith.constant 40 : i32
      %dma_wait3A_96 = arith.constant 0 : i32
      %dma_wait3A_97 = tpu.memref_slice %arg3[%run_scoped3A_40, %add3A, %dma_wait3A_95, %dma_wait3A_96] : memref<2x32x80x128xi32, #tpu.memory_space<hbm>> -> memref<1x1x40x128xi32, #tpu.memory_space<hbm>>
      %dma_wait3A_98 = tpu.memref_squeeze %dma_wait3A_97 : memref<1x1x40x128xi32, #tpu.memory_space<hbm>> -> memref<40x128xi32, #tpu.memory_space<hbm>>
      tpu.wait_dma2 semaphore(%run_scoped3A_82 : memref<!tpu.dma_semaphore, #tpu.memory_space<semaphore_mem>>) src(%dma_wait3A_98 : memref<40x128xi32, #tpu.memory_space<hbm>>) dst(%arg8 : memref<40x128xi32, #tpu.memory_space<vmem>>)
      tpu.yield
    }) : () -> ()
    %dma_start3A_41 = arith.constant 0 : i32
    %dma_start3A_42 = arith.constant 0 : i32
    %dma_start3A_43 = tpu.memref_slice %arg7[%dma_start3A_41, %dma_start3A_42] : memref<40x128xi32, #tpu.memory_space<vmem>> -> memref<1x128xi32, #tpu.memory_space<vmem>>
    %dma_start3A_44 = tpu.memref_squeeze %dma_start3A_43 : memref<1x128xi32, #tpu.memory_space<vmem>> -> memref<128xi32, #tpu.memory_space<vmem>>
    %dma_start3A_45 = arith.constant 0 : i32
    %dma_start3A_46 = arith.constant 0 : i32
    %dma_start3A_47 = tpu.memref_slice %arg2[%dma_start3A_45, %dma_start3A_46] : memref<10112x128xf32, #tpu.memory_space<hbm>> -> memref<10112x128xf32, #tpu.memory_space<hbm>>
    tpu.enqueue_indirect_dma source(%dma_start3A_47 : memref<10112x128xf32, #tpu.memory_space<hbm>>) target(%arg9 : memref<128x128xf32, #tpu.memory_space<vmem>>) offsets(%dma_start3A_44 : memref<128xi32, #tpu.memory_space<vmem>>) semaphore(%arg11 : memref<!tpu.dma_semaphore, #tpu.memory_space<semaphore_mem>>)
    %dma_start3A_48 = arith.constant 1 : i32
    %dma_start3A_49 = arith.constant 0 : i32
    %dma_start3A_50 = tpu.memref_slice %arg7[%dma_start3A_48, %dma_start3A_49] : memref<40x128xi32, #tpu.memory_space<vmem>> -> memref<1x128xi32, #tpu.memory_space<vmem>>
    %dma_start3A_51 = tpu.memref_squeeze %dma_start3A_50 : memref<1x128xi32, #tpu.memory_space<vmem>> -> memref<128xi32, #tpu.memory_space<vmem>>
    %dma_start3A_52 = arith.constant 0 : i32
    %dma_start3A_53 = arith.constant 0 : i32
    %dma_start3A_54 = tpu.memref_slice %arg2[%dma_start3A_52, %dma_start3A_53] : memref<10112x128xf32, #tpu.memory_space<hbm>> -> memref<10112x128xf32, #tpu.memory_space<hbm>>
    tpu.enqueue_indirect_dma source(%dma_start3A_54 : memref<10112x128xf32, #tpu.memory_space<hbm>>) target(%arg10 : memref<128x128xf32, #tpu.memory_space<vmem>>) offsets(%dma_start3A_51 : memref<128xi32, #tpu.memory_space<vmem>>) semaphore(%arg12 : memref<!tpu.dma_semaphore, #tpu.memory_space<semaphore_mem>>)
    %scan3A_55 = arith.constant 0 : i32
    %scan3A_56 = arith.constant 0 : i32
    %scan3A_57 = arith.constant 19 : i32
    %scan3A_58 = arith.addi %scan3A_56, %scan3A_57 : i32
    %scan3A_59 = arith.constant 1 : i32
    scf.for %scan3A_82 = %scan3A_56 to %scan3A_58 step %scan3A_59  : i32 {
      %mul3A_83 = arith.constant 2 : i32
      %mul3A_84 = arith.muli %scan3A_82, %mul3A_83 : i32
      %add3A_85 = arith.constant 0 : i32
      %add3A_86 = arith.addi %mul3A_84, %add3A_85 : i32
      %dma_wait3A_87 = arith.constant 0 : i32
      %dma_wait3A_88 = tpu.memref_slice %arg7[%add3A_86, %dma_wait3A_87] : memref<40x128xi32, #tpu.memory_space<vmem>> -> memref<1x128xi32, #tpu.memory_space<vmem>>
      %dma_wait3A_89 = tpu.memref_squeeze %dma_wait3A_88 : memref<1x128xi32, #tpu.memory_space<vmem>> -> memref<128xi32, #tpu.memory_space<vmem>>
      %dma_wait3A_90 = arith.constant 0 : i32
      %dma_wait3A_91 = arith.constant 0 : i32
      %dma_wait3A_92 = tpu.memref_slice %arg2[%dma_wait3A_90, %dma_wait3A_91] : memref<10112x128xf32, #tpu.memory_space<hbm>> -> memref<10112x128xf32, #tpu.memory_space<hbm>>
      tpu.wait_indirect_dma semaphore(%arg11 : memref<!tpu.dma_semaphore, #tpu.memory_space<semaphore_mem>>) src(%dma_wait3A_92 : memref<10112x128xf32, #tpu.memory_space<hbm>>) dst(%arg9 : memref<128x128xf32, #tpu.memory_space<vmem>>)
      "tpu.region"() ({
        %run_scoped3A_119 = tpu.sem_alloc : memref<!tpu.dma_semaphore, #tpu.memory_space<semaphore_mem>>
        %dma_start3A_120 = arith.constant 0 : i32
        %dma_start3A_121 = tpu.memref_slice %arg8[%add3A_86, %dma_start3A_120] : memref<40x128xi32, #tpu.memory_space<vmem>> -> memref<1x128xi32, #tpu.memory_space<vmem>>
        %dma_start3A_122 = tpu.memref_squeeze %dma_start3A_121 : memref<1x128xi32, #tpu.memory_space<vmem>> -> memref<128xi32, #tpu.memory_space<vmem>>
        %dma_start3A_123 = arith.constant 0 : i32
        %dma_start3A_124 = arith.constant 0 : i32
        %dma_start3A_125 = tpu.memref_slice %arg6[%dma_start3A_123, %dma_start3A_124] : memref<10112x128xf32, #tpu.memory_space<vmem_shared>> -> memref<10112x128xf32, #tpu.memory_space<vmem_shared>>
        tpu.enqueue_indirect_dma source(%arg9 : memref<128x128xf32, #tpu.memory_space<vmem>>) target(%dma_start3A_125 : memref<10112x128xf32, #tpu.memory_space<vmem_shared>>) offsets(%dma_start3A_122 : memref<128xi32, #tpu.memory_space<vmem>>) semaphore(%run_scoped3A_119 : memref<!tpu.dma_semaphore, #tpu.memory_space<semaphore_mem>>) {add = true}
        %dma_wait3A_126 = arith.constant 0 : i32
        %dma_wait3A_127 = tpu.memref_slice %arg8[%add3A_86, %dma_wait3A_126] : memref<40x128xi32, #tpu.memory_space<vmem>> -> memref<1x128xi32, #tpu.memory_space<vmem>>
        %dma_wait3A_128 = tpu.memref_squeeze %dma_wait3A_127 : memref<1x128xi32, #tpu.memory_space<vmem>> -> memref<128xi32, #tpu.memory_space<vmem>>
        %dma_wait3A_129 = arith.constant 0 : i32
        %dma_wait3A_130 = arith.constant 0 : i32
        %dma_wait3A_131 = tpu.memref_slice %arg6[%dma_wait3A_129, %dma_wait3A_130] : memref<10112x128xf32, #tpu.memory_space<vmem_shared>> -> memref<10112x128xf32, #tpu.memory_space<vmem_shared>>
        tpu.wait_indirect_dma semaphore(%run_scoped3A_119 : memref<!tpu.dma_semaphore, #tpu.memory_space<semaphore_mem>>) src(%arg9 : memref<128x128xf32, #tpu.memory_space<vmem>>) dst(%dma_wait3A_131 : memref<10112x128xf32, #tpu.memory_space<vmem_shared>>)
        tpu.yield
      }) : () -> ()
      %add3A_93 = arith.constant 2 : i32
      %add3A_94 = arith.addi %add3A_86, %add3A_93 : i32
      %dma_start3A_95 = arith.constant 0 : i32
      %dma_start3A_96 = tpu.memref_slice %arg7[%add3A_94, %dma_start3A_95] : memref<40x128xi32, #tpu.memory_space<vmem>> -> memref<1x128xi32, #tpu.memory_space<vmem>>
      %dma_start3A_97 = tpu.memref_squeeze %dma_start3A_96 : memref<1x128xi32, #tpu.memory_space<vmem>> -> memref<128xi32, #tpu.memory_space<vmem>>
      %dma_start3A_98 = arith.constant 0 : i32
      %dma_start3A_99 = arith.constant 0 : i32
      %dma_start3A_100 = tpu.memref_slice %arg2[%dma_start3A_98, %dma_start3A_99] : memref<10112x128xf32, #tpu.memory_space<hbm>> -> memref<10112x128xf32, #tpu.memory_space<hbm>>
      tpu.enqueue_indirect_dma source(%dma_start3A_100 : memref<10112x128xf32, #tpu.memory_space<hbm>>) target(%arg9 : memref<128x128xf32, #tpu.memory_space<vmem>>) offsets(%dma_start3A_97 : memref<128xi32, #tpu.memory_space<vmem>>) semaphore(%arg11 : memref<!tpu.dma_semaphore, #tpu.memory_space<semaphore_mem>>)
      %mul3A_101 = arith.constant 2 : i32
      %mul3A_102 = arith.muli %scan3A_82, %mul3A_101 : i32
      %add3A_103 = arith.constant 1 : i32
      %add3A_104 = arith.addi %mul3A_102, %add3A_103 : i32
      %dma_wait3A_105 = arith.constant 0 : i32
      %dma_wait3A_106 = tpu.memref_slice %arg7[%add3A_104, %dma_wait3A_105] : memref<40x128xi32, #tpu.memory_space<vmem>> -> memref<1x128xi32, #tpu.memory_space<vmem>>
      %dma_wait3A_107 = tpu.memref_squeeze %dma_wait3A_106 : memref<1x128xi32, #tpu.memory_space<vmem>> -> memref<128xi32, #tpu.memory_space<vmem>>
      %dma_wait3A_108 = arith.constant 0 : i32
      %dma_wait3A_109 = arith.constant 0 : i32
      %dma_wait3A_110 = tpu.memref_slice %arg2[%dma_wait3A_108, %dma_wait3A_109] : memref<10112x128xf32, #tpu.memory_space<hbm>> -> memref<10112x128xf32, #tpu.memory_space<hbm>>
      tpu.wait_indirect_dma semaphore(%arg12 : memref<!tpu.dma_semaphore, #tpu.memory_space<semaphore_mem>>) src(%dma_wait3A_110 : memref<10112x128xf32, #tpu.memory_space<hbm>>) dst(%arg10 : memref<128x128xf32, #tpu.memory_space<vmem>>)
      "tpu.region"() ({
        %run_scoped3A_119 = tpu.sem_alloc : memref<!tpu.dma_semaphore, #tpu.memory_space<semaphore_mem>>
        %dma_start3A_120 = arith.constant 0 : i32
        %dma_start3A_121 = tpu.memref_slice %arg8[%add3A_104, %dma_start3A_120] : memref<40x128xi32, #tpu.memory_space<vmem>> -> memref<1x128xi32, #tpu.memory_space<vmem>>
        %dma_start3A_122 = tpu.memref_squeeze %dma_start3A_121 : memref<1x128xi32, #tpu.memory_space<vmem>> -> memref<128xi32, #tpu.memory_space<vmem>>
        %dma_start3A_123 = arith.constant 0 : i32
        %dma_start3A_124 = arith.constant 0 : i32
        %dma_start3A_125 = tpu.memref_slice %arg6[%dma_start3A_123, %dma_start3A_124] : memref<10112x128xf32, #tpu.memory_space<vmem_shared>> -> memref<10112x128xf32, #tpu.memory_space<vmem_shared>>
        tpu.enqueue_indirect_dma source(%arg10 : memref<128x128xf32, #tpu.memory_space<vmem>>) target(%dma_start3A_125 : memref<10112x128xf32, #tpu.memory_space<vmem_shared>>) offsets(%dma_start3A_122 : memref<128xi32, #tpu.memory_space<vmem>>) semaphore(%run_scoped3A_119 : memref<!tpu.dma_semaphore, #tpu.memory_space<semaphore_mem>>) {add = true}
        %dma_wait3A_126 = arith.constant 0 : i32
        %dma_wait3A_127 = tpu.memref_slice %arg8[%add3A_104, %dma_wait3A_126] : memref<40x128xi32, #tpu.memory_space<vmem>> -> memref<1x128xi32, #tpu.memory_space<vmem>>
        %dma_wait3A_128 = tpu.memref_squeeze %dma_wait3A_127 : memref<1x128xi32, #tpu.memory_space<vmem>> -> memref<128xi32, #tpu.memory_space<vmem>>
        %dma_wait3A_129 = arith.constant 0 : i32
        %dma_wait3A_130 = arith.constant 0 : i32
        %dma_wait3A_131 = tpu.memref_slice %arg6[%dma_wait3A_129, %dma_wait3A_130] : memref<10112x128xf32, #tpu.memory_space<vmem_shared>> -> memref<10112x128xf32, #tpu.memory_space<vmem_shared>>
        tpu.wait_indirect_dma semaphore(%run_scoped3A_119 : memref<!tpu.dma_semaphore, #tpu.memory_space<semaphore_mem>>) src(%arg10 : memref<128x128xf32, #tpu.memory_space<vmem>>) dst(%dma_wait3A_131 : memref<10112x128xf32, #tpu.memory_space<vmem_shared>>)
        tpu.yield
      }) : () -> ()
      %add3A_111 = arith.constant 2 : i32
      %add3A_112 = arith.addi %add3A_104, %add3A_111 : i32
      %dma_start3A_113 = arith.constant 0 : i32
      %dma_start3A_114 = tpu.memref_slice %arg7[%add3A_112, %dma_start3A_113] : memref<40x128xi32, #tpu.memory_space<vmem>> -> memref<1x128xi32, #tpu.memory_space<vmem>>
      %dma_start3A_115 = tpu.memref_squeeze %dma_start3A_114 : memref<1x128xi32, #tpu.memory_space<vmem>> -> memref<128xi32, #tpu.memory_space<vmem>>
      %dma_start3A_116 = arith.constant 0 : i32
      %dma_start3A_117 = arith.constant 0 : i32
      %dma_start3A_118 = tpu.memref_slice %arg2[%dma_start3A_116, %dma_start3A_117] : memref<10112x128xf32, #tpu.memory_space<hbm>> -> memref<10112x128xf32, #tpu.memory_space<hbm>>
      tpu.enqueue_indirect_dma source(%dma_start3A_118 : memref<10112x128xf32, #tpu.memory_space<hbm>>) target(%arg10 : memref<128x128xf32, #tpu.memory_space<vmem>>) offsets(%dma_start3A_115 : memref<128xi32, #tpu.memory_space<vmem>>) semaphore(%arg12 : memref<!tpu.dma_semaphore, #tpu.memory_space<semaphore_mem>>)
    }
    %scan3A_60 = arith.constant 19 : i32
    %dma_wait3A_61 = arith.constant 38 : i32
    %dma_wait3A_62 = arith.constant 0 : i32
    %dma_wait3A_63 = tpu.memref_slice %arg7[%dma_wait3A_61, %dma_wait3A_62] : memref<40x128xi32, #tpu.memory_space<vmem>> -> memref<1x128xi32, #tpu.memory_space<vmem>>
    %dma_wait3A_64 = tpu.memref_squeeze %dma_wait3A_63 : memref<1x128xi32, #tpu.memory_space<vmem>> -> memref<128xi32, #tpu.memory_space<vmem>>
    %dma_wait3A_65 = arith.constant 0 : i32
    %dma_wait3A_66 = arith.constant 0 : i32
    %dma_wait3A_67 = tpu.memref_slice %arg2[%dma_wait3A_65, %dma_wait3A_66] : memref<10112x128xf32, #tpu.memory_space<hbm>> -> memref<10112x128xf32, #tpu.memory_space<hbm>>
    tpu.wait_indirect_dma semaphore(%arg11 : memref<!tpu.dma_semaphore, #tpu.memory_space<semaphore_mem>>) src(%dma_wait3A_67 : memref<10112x128xf32, #tpu.memory_space<hbm>>) dst(%arg9 : memref<128x128xf32, #tpu.memory_space<vmem>>)
    %run_scoped3A_68 = arith.constant 38 : i32
    "tpu.region"() ({
      %run_scoped3A_82 = tpu.sem_alloc : memref<!tpu.dma_semaphore, #tpu.memory_space<semaphore_mem>>
      %dma_start3A_83 = arith.constant 0 : i32
      %dma_start3A_84 = tpu.memref_slice %arg8[%run_scoped3A_68, %dma_start3A_83] : memref<40x128xi32, #tpu.memory_space<vmem>> -> memref<1x128xi32, #tpu.memory_space<vmem>>
      %dma_start3A_85 = tpu.memref_squeeze %dma_start3A_84 : memref<1x128xi32, #tpu.memory_space<vmem>> -> memref<128xi32, #tpu.memory_space<vmem>>
      %dma_start3A_86 = arith.constant 0 : i32
      %dma_start3A_87 = arith.constant 0 : i32
      %dma_start3A_88 = tpu.memref_slice %arg6[%dma_start3A_86, %dma_start3A_87] : memref<10112x128xf32, #tpu.memory_space<vmem_shared>> -> memref<10112x128xf32, #tpu.memory_space<vmem_shared>>
      tpu.enqueue_indirect_dma source(%arg9 : memref<128x128xf32, #tpu.memory_space<vmem>>) target(%dma_start3A_88 : memref<10112x128xf32, #tpu.memory_space<vmem_shared>>) offsets(%dma_start3A_85 : memref<128xi32, #tpu.memory_space<vmem>>) semaphore(%run_scoped3A_82 : memref<!tpu.dma_semaphore, #tpu.memory_space<semaphore_mem>>) {add = true}
      %dma_wait3A_89 = arith.constant 0 : i32
      %dma_wait3A_90 = tpu.memref_slice %arg8[%run_scoped3A_68, %dma_wait3A_89] : memref<40x128xi32, #tpu.memory_space<vmem>> -> memref<1x128xi32, #tpu.memory_space<vmem>>
      %dma_wait3A_91 = tpu.memref_squeeze %dma_wait3A_90 : memref<1x128xi32, #tpu.memory_space<vmem>> -> memref<128xi32, #tpu.memory_space<vmem>>
      %dma_wait3A_92 = arith.constant 0 : i32
      %dma_wait3A_93 = arith.constant 0 : i32
      %dma_wait3A_94 = tpu.memref_slice %arg6[%dma_wait3A_92, %dma_wait3A_93] : memref<10112x128xf32, #tpu.memory_space<vmem_shared>> -> memref<10112x128xf32, #tpu.memory_space<vmem_shared>>
      tpu.wait_indirect_dma semaphore(%run_scoped3A_82 : memref<!tpu.dma_semaphore, #tpu.memory_space<semaphore_mem>>) src(%arg9 : memref<128x128xf32, #tpu.memory_space<vmem>>) dst(%dma_wait3A_94 : memref<10112x128xf32, #tpu.memory_space<vmem_shared>>)
      tpu.yield
    }) : () -> ()
    %dma_wait3A_69 = arith.constant 39 : i32
    %dma_wait3A_70 = arith.constant 0 : i32
    %dma_wait3A_71 = tpu.memref_slice %arg7[%dma_wait3A_69, %dma_wait3A_70] : memref<40x128xi32, #tpu.memory_space<vmem>> -> memref<1x128xi32, #tpu.memory_space<vmem>>
    %dma_wait3A_72 = tpu.memref_squeeze %dma_wait3A_71 : memref<1x128xi32, #tpu.memory_space<vmem>> -> memref<128xi32, #tpu.memory_space<vmem>>
    %dma_wait3A_73 = arith.constant 0 : i32
    %dma_wait3A_74 = arith.constant 0 : i32
    %dma_wait3A_75 = tpu.memref_slice %arg2[%dma_wait3A_73, %dma_wait3A_74] : memref<10112x128xf32, #tpu.memory_space<hbm>> -> memref<10112x128xf32, #tpu.memory_space<hbm>>
    tpu.wait_indirect_dma semaphore(%arg12 : memref<!tpu.dma_semaphore, #tpu.memory_space<semaphore_mem>>) src(%dma_wait3A_75 : memref<10112x128xf32, #tpu.memory_space<hbm>>) dst(%arg10 : memref<128x128xf32, #tpu.memory_space<vmem>>)
    %run_scoped3A_76 = arith.constant 39 : i32
    "tpu.region"() ({
      %run_scoped3A_82 = tpu.sem_alloc : memref<!tpu.dma_semaphore, #tpu.memory_space<semaphore_mem>>
      %dma_start3A_83 = arith.constant 0 : i32
      %dma_start3A_84 = tpu.memref_slice %arg8[%run_scoped3A_76, %dma_start3A_83] : memref<40x128xi32, #tpu.memory_space<vmem>> -> memref<1x128xi32, #tpu.memory_space<vmem>>
      %dma_start3A_85 = tpu.memref_squeeze %dma_start3A_84 : memref<1x128xi32, #tpu.memory_space<vmem>> -> memref<128xi32, #tpu.memory_space<vmem>>
      %dma_start3A_86 = arith.constant 0 : i32
      %dma_start3A_87 = arith.constant 0 : i32
      %dma_start3A_88 = tpu.memref_slice %arg6[%dma_start3A_86, %dma_start3A_87] : memref<10112x128xf32, #tpu.memory_space<vmem_shared>> -> memref<10112x128xf32, #tpu.memory_space<vmem_shared>>
      tpu.enqueue_indirect_dma source(%arg10 : memref<128x128xf32, #tpu.memory_space<vmem>>) target(%dma_start3A_88 : memref<10112x128xf32, #tpu.memory_space<vmem_shared>>) offsets(%dma_start3A_85 : memref<128xi32, #tpu.memory_space<vmem>>) semaphore(%run_scoped3A_82 : memref<!tpu.dma_semaphore, #tpu.memory_space<semaphore_mem>>) {add = true}
      %dma_wait3A_89 = arith.constant 0 : i32
      %dma_wait3A_90 = tpu.memref_slice %arg8[%run_scoped3A_76, %dma_wait3A_89] : memref<40x128xi32, #tpu.memory_space<vmem>> -> memref<1x128xi32, #tpu.memory_space<vmem>>
      %dma_wait3A_91 = tpu.memref_squeeze %dma_wait3A_90 : memref<1x128xi32, #tpu.memory_space<vmem>> -> memref<128xi32, #tpu.memory_space<vmem>>
      %dma_wait3A_92 = arith.constant 0 : i32
      %dma_wait3A_93 = arith.constant 0 : i32
      %dma_wait3A_94 = tpu.memref_slice %arg6[%dma_wait3A_92, %dma_wait3A_93] : memref<10112x128xf32, #tpu.memory_space<vmem_shared>> -> memref<10112x128xf32, #tpu.memory_space<vmem_shared>>
      tpu.wait_indirect_dma semaphore(%run_scoped3A_82 : memref<!tpu.dma_semaphore, #tpu.memory_space<semaphore_mem>>) src(%arg10 : memref<128x128xf32, #tpu.memory_space<vmem>>) dst(%dma_wait3A_94 : memref<10112x128xf32, #tpu.memory_space<vmem_shared>>)
      tpu.yield
    }) : () -> ()
    %barrier3A_77 = arith.constant 0 : index
    tpu.barrier barrier_id(%barrier3A_77)
    %mul3A_78 = arith.constant 632 : i32
    %mul3A_79 = arith.muli %arg1, %mul3A_78 : i32
    %mul3A_80 = arith.constant 632 : i32
    %mul3A_81 = arith.muli %arg1, %mul3A_80 : i32
    "tpu.region"() ({
      %run_scoped3A_82 = tpu.sem_alloc : memref<!tpu.dma_semaphore, #tpu.memory_space<semaphore_mem>>
      %dma_start3A_83 = arith.constant 0 : i32
      %dma_start3A_84 = tpu.memref_slice %arg5[%arg0, %mul3A_81, %dma_start3A_83] : memref<2x10112x128xf32, #tpu.memory_space<hbm>> -> memref<1x632x128xf32, #tpu.memory_space<hbm>>
      %dma_start3A_85 = tpu.memref_squeeze %dma_start3A_84 : memref<1x632x128xf32, #tpu.memory_space<hbm>> -> memref<632x128xf32, #tpu.memory_space<hbm>>
      %dma_start3A_86 = arith.constant 0 : i32
      %dma_start3A_87 = tpu.memref_slice %arg6[%mul3A_79, %dma_start3A_86] : memref<10112x128xf32, #tpu.memory_space<vmem_shared>> -> memref<632x128xf32, #tpu.memory_space<vmem_shared>>
      tpu.enqueue_dma source(%dma_start3A_87 : memref<632x128xf32, #tpu.memory_space<vmem_shared>>) target(%dma_start3A_85 : memref<632x128xf32, #tpu.memory_space<hbm>>) target_semaphore(%run_scoped3A_82 : memref<!tpu.dma_semaphore, #tpu.memory_space<semaphore_mem>>)
      %dma_wait3A_88 = arith.constant 0 : i32
      %dma_wait3A_89 = tpu.memref_slice %arg5[%arg0, %mul3A_81, %dma_wait3A_88] : memref<2x10112x128xf32, #tpu.memory_space<hbm>> -> memref<1x632x128xf32, #tpu.memory_space<hbm>>
      %dma_wait3A_90 = tpu.memref_squeeze %dma_wait3A_89 : memref<1x632x128xf32, #tpu.memory_space<hbm>> -> memref<632x128xf32, #tpu.memory_space<hbm>>
      %dma_wait3A_91 = arith.constant 0 : i32
      %dma_wait3A_92 = tpu.memref_slice %arg6[%mul3A_79, %dma_wait3A_91] : memref<10112x128xf32, #tpu.memory_space<vmem_shared>> -> memref<632x128xf32, #tpu.memory_space<vmem_shared>>
      tpu.wait_dma2 semaphore(%run_scoped3A_82 : memref<!tpu.dma_semaphore, #tpu.memory_space<semaphore_mem>>) src(%dma_wait3A_92 : memref<632x128xf32, #tpu.memory_space<vmem_shared>>) dst(%dma_wait3A_90 : memref<632x128xf32, #tpu.memory_space<hbm>>)
      tpu.yield
    }) : () -> ()
    return
  }
}

#map = affine_map<(d0, d1) -> (0, 0)>
#map1 = affine_map<(d0, d1) -> (0, 0, 0, 0)>
#map2 = affine_map<(d0, d1) -> (0, 0, 0)>
module attributes {stable_mosaic.version = 14 : i64} {
  func.func @_sc_spmm(%arg0: i32, %arg1: i32, %arg2: memref<10112x128xf32, #tpu.memory_space<hbm>>, %arg3: memref<2x32x80x128xi32, #tpu.memory_space<hbm>>, %arg4: memref<10112x128xf32, #tpu.memory_space<hbm>>, %arg5: memref<2x10112x128xf32, #tpu.memory_space<hbm>>, %arg6: memref<10112x128xf32, #tpu.memory_space<vmem_shared>>, %arg7: memref<40x128xi32, #tpu.memory_space<vmem>>, %arg8: memref<40x128xi32, #tpu.memory_space<vmem>>, %arg9: memref<128x128xf32, #tpu.memory_space<vmem>>, %arg10: memref<128x128xf32, #tpu.memory_space<vmem>>, %arg11: memref<!tpu.dma_semaphore, #tpu.memory_space<semaphore_mem>>, %arg12: memref<!tpu.dma_semaphore, #tpu.memory_space<semaphore_mem>>) attributes {dimension_semantics = [#tpu.dimension_semantics<core_parallel>, #tpu.dimension_semantics<subcore_parallel>], iteration_bounds = array<i64: 2, 16>, scalar_prefetch = 0 : i64, scratch_operands = 7 : i64, tpu.core_type = #tpu.core_type<sc_vector_subcore>, window_params = [{transform_indices = #map}, {transform_indices = #map1}, {transform_indices = #map}, {transform_indices = #map2}]} {
    %mul3A = arith.constant 16 : i32
    %mul3A_0 = arith.muli %arg0, %mul3A : i32
    %add3A = arith.addi %mul3A_0, %arg1 : i32
    %mul3A_1 = arith.constant 632 : i32
    %mul3A_2 = arith.muli %arg1, %mul3A_1 : i32
    %mul3A_3 = arith.constant 632 : i32
    %mul3A_4 = arith.muli %arg1, %mul3A_3 : i32
    "tpu.region"() ({
      %run_scoped3A_82 = tpu.sem_alloc : memref<!tpu.dma_semaphore, #tpu.memory_space<semaphore_mem>>
      %dma_start3A_83 = arith.constant 0 : i32
      %dma_start3A_84 = tpu.memref_slice %arg6[%mul3A_4, %dma_start3A_83] : memref<10112x128xf32, #tpu.memory_space<vmem_shared>> -> memref<632x128xf32, #tpu.memory_space<vmem_shared>>
      %dma_start3A_85 = arith.constant 0 : i32
      %dma_start3A_86 = tpu.memref_slice %arg4[%mul3A_2, %dma_start3A_85] : memref<10112x128xf32, #tpu.memory_space<hbm>> -> memref<632x128xf32, #tpu.memory_space<hbm>>
      tpu.enqueue_dma source(%dma_start3A_86 : memref<632x128xf32, #tpu.memory_space<hbm>>) target(%dma_start3A_84 : memref<632x128xf32, #tpu.memory_space<vmem_shared>>) target_semaphore(%run_scoped3A_82 : memref<!tpu.dma_semaphore, #tpu.memory_space<semaphore_mem>>)
      %dma_wait3A_87 = arith.constant 0 : i32
      %dma_wait3A_88 = tpu.memref_slice %arg6[%mul3A_4, %dma_wait3A_87] : memref<10112x128xf32, #tpu.memory_space<vmem_shared>> -> memref<632x128xf32, #tpu.memory_space<vmem_shared>>
      %dma_wait3A_89 = arith.constant 0 : i32
      %dma_wait3A_90 = tpu.memref_slice %arg4[%mul3A_2, %dma_wait3A_89] : memref<10112x128xf32, #tpu.memory_space<hbm>> -> memref<632x128xf32, #tpu.memory_space<hbm>>
      tpu.wait_dma2 semaphore(%run_scoped3A_82 : memref<!tpu.dma_semaphore, #tpu.memory_space<semaphore_mem>>) src(%dma_wait3A_90 : memref<632x128xf32, #tpu.memory_space<hbm>>) dst(%dma_wait3A_88 : memref<632x128xf32, #tpu.memory_space<vmem_shared>>)
      tpu.yield
    }) : () -> ()
    %barrier3A = arith.constant 0 : index
    tpu.barrier barrier_id(%barrier3A)
    %run_scoped3A = arith.constant 0 : i32
    "tpu.region"() ({
      %run_scoped3A_82 = tpu.sem_alloc : memref<!tpu.dma_semaphore, #tpu.memory_space<semaphore_mem>>
      %dma_start3A_83 = arith.constant 0 : i32
      %dma_start3A_84 = arith.constant 0 : i32
      %dma_start3A_85 = tpu.memref_slice %arg3[%run_scoped3A, %add3A, %dma_start3A_83, %dma_start3A_84] : memref<2x32x80x128xi32, #tpu.memory_space<hbm>> -> memref<1x1x40x128xi32, #tpu.memory_space<hbm>>
      %dma_start3A_86 = tpu.memref_squeeze %dma_start3A_85 : memref<1x1x40x128xi32, #tpu.memory_space<hbm>> -> memref<40x128xi32, #tpu.memory_space<hbm>>
      %dma_start3A_87 = arith.constant 0 : i32
      %dma_start3A_88 = arith.constant 0 : i32
      %dma_start3A_89 = tpu.memref_slice %arg3[%run_scoped3A, %add3A, %dma_start3A_87, %dma_start3A_88] : memref<2x32x80x128xi32, #tpu.memory_space<hbm>> -> memref<1x1x40x128xi32, #tpu.memory_space<hbm>>
      %dma_start3A_90 = tpu.memref_squeeze %dma_start3A_89 : memref<1x1x40x128xi32, #tpu.memory_space<hbm>> -> memref<40x128xi32, #tpu.memory_space<hbm>>
      tpu.enqueue_dma source(%dma_start3A_90 : memref<40x128xi32, #tpu.memory_space<hbm>>) target(%arg7 : memref<40x128xi32, #tpu.memory_space<vmem>>) target_semaphore(%run_scoped3A_82 : memref<!tpu.dma_semaphore, #tpu.memory_space<semaphore_mem>>)
      %dma_wait3A_91 = arith.constant 0 : i32
      %dma_wait3A_92 = arith.constant 0 : i32
      %dma_wait3A_93 = tpu.memref_slice %arg3[%run_scoped3A, %add3A, %dma_wait3A_91, %dma_wait3A_92] : memref<2x32x80x128xi32, #tpu.memory_space<hbm>> -> memref<1x1x40x128xi32, #tpu.memory_space<hbm>>
      %dma_wait3A_94 = tpu.memref_squeeze %dma_wait3A_93 : memref<1x1x40x128xi32, #tpu.memory_space<hbm>> -> memref<40x128xi32, #tpu.memory_space<hbm>>
      %dma_wait3A_95 = arith.constant 0 : i32
      %dma_wait3A_96 = arith.constant 0 : i32
      %dma_wait3A_97 = tpu.memref_slice %arg3[%run_scoped3A, %add3A, %dma_wait3A_95, %dma_wait3A_96] : memref<2x32x80x128xi32, #tpu.memory_space<hbm>> -> memref<1x1x40x128xi32, #tpu.memory_space<hbm>>
      %dma_wait3A_98 = tpu.memref_squeeze %dma_wait3A_97 : memref<1x1x40x128xi32, #tpu.memory_space<hbm>> -> memref<40x128xi32, #tpu.memory_space<hbm>>
      tpu.wait_dma2 semaphore(%run_scoped3A_82 : memref<!tpu.dma_semaphore, #tpu.memory_space<semaphore_mem>>) src(%dma_wait3A_98 : memref<40x128xi32, #tpu.memory_space<hbm>>) dst(%arg7 : memref<40x128xi32, #tpu.memory_space<vmem>>)
      tpu.yield
    }) : () -> ()
    %run_scoped3A_5 = arith.constant 1 : i32
    "tpu.region"() ({
      %run_scoped3A_82 = tpu.sem_alloc : memref<!tpu.dma_semaphore, #tpu.memory_space<semaphore_mem>>
      %dma_start3A_83 = arith.constant 0 : i32
      %dma_start3A_84 = arith.constant 0 : i32
      %dma_start3A_85 = tpu.memref_slice %arg3[%run_scoped3A_5, %add3A, %dma_start3A_83, %dma_start3A_84] : memref<2x32x80x128xi32, #tpu.memory_space<hbm>> -> memref<1x1x40x128xi32, #tpu.memory_space<hbm>>
      %dma_start3A_86 = tpu.memref_squeeze %dma_start3A_85 : memref<1x1x40x128xi32, #tpu.memory_space<hbm>> -> memref<40x128xi32, #tpu.memory_space<hbm>>
      %dma_start3A_87 = arith.constant 0 : i32
      %dma_start3A_88 = arith.constant 0 : i32
      %dma_start3A_89 = tpu.memref_slice %arg3[%run_scoped3A_5, %add3A, %dma_start3A_87, %dma_start3A_88] : memref<2x32x80x128xi32, #tpu.memory_space<hbm>> -> memref<1x1x40x128xi32, #tpu.memory_space<hbm>>
      %dma_start3A_90 = tpu.memref_squeeze %dma_start3A_89 : memref<1x1x40x128xi32, #tpu.memory_space<hbm>> -> memref<40x128xi32, #tpu.memory_space<hbm>>
      tpu.enqueue_dma source(%dma_start3A_90 : memref<40x128xi32, #tpu.memory_space<hbm>>) target(%arg8 : memref<40x128xi32, #tpu.memory_space<vmem>>) target_semaphore(%run_scoped3A_82 : memref<!tpu.dma_semaphore, #tpu.memory_space<semaphore_mem>>)
      %dma_wait3A_91 = arith.constant 0 : i32
      %dma_wait3A_92 = arith.constant 0 : i32
      %dma_wait3A_93 = tpu.memref_slice %arg3[%run_scoped3A_5, %add3A, %dma_wait3A_91, %dma_wait3A_92] : memref<2x32x80x128xi32, #tpu.memory_space<hbm>> -> memref<1x1x40x128xi32, #tpu.memory_space<hbm>>
      %dma_wait3A_94 = tpu.memref_squeeze %dma_wait3A_93 : memref<1x1x40x128xi32, #tpu.memory_space<hbm>> -> memref<40x128xi32, #tpu.memory_space<hbm>>
      %dma_wait3A_95 = arith.constant 0 : i32
      %dma_wait3A_96 = arith.constant 0 : i32
      %dma_wait3A_97 = tpu.memref_slice %arg3[%run_scoped3A_5, %add3A, %dma_wait3A_95, %dma_wait3A_96] : memref<2x32x80x128xi32, #tpu.memory_space<hbm>> -> memref<1x1x40x128xi32, #tpu.memory_space<hbm>>
      %dma_wait3A_98 = tpu.memref_squeeze %dma_wait3A_97 : memref<1x1x40x128xi32, #tpu.memory_space<hbm>> -> memref<40x128xi32, #tpu.memory_space<hbm>>
      tpu.wait_dma2 semaphore(%run_scoped3A_82 : memref<!tpu.dma_semaphore, #tpu.memory_space<semaphore_mem>>) src(%dma_wait3A_98 : memref<40x128xi32, #tpu.memory_space<hbm>>) dst(%arg8 : memref<40x128xi32, #tpu.memory_space<vmem>>)
      tpu.yield
    }) : () -> ()
    %dma_start3A = arith.constant 0 : i32
    %dma_start3A_6 = arith.constant 0 : i32
    %dma_start3A_7 = tpu.memref_slice %arg7[%dma_start3A, %dma_start3A_6] : memref<40x128xi32, #tpu.memory_space<vmem>> -> memref<1x128xi32, #tpu.memory_space<vmem>>
    %dma_start3A_8 = tpu.memref_squeeze %dma_start3A_7 : memref<1x128xi32, #tpu.memory_space<vmem>> -> memref<128xi32, #tpu.memory_space<vmem>>
    %dma_start3A_9 = arith.constant 0 : i32
    %dma_start3A_10 = arith.constant 0 : i32
    %dma_start3A_11 = tpu.memref_slice %arg2[%dma_start3A_9, %dma_start3A_10] : memref<10112x128xf32, #tpu.memory_space<hbm>> -> memref<10112x128xf32, #tpu.memory_space<hbm>>
    tpu.enqueue_indirect_dma source(%dma_start3A_11 : memref<10112x128xf32, #tpu.memory_space<hbm>>) target(%arg9 : memref<128x128xf32, #tpu.memory_space<vmem>>) offsets(%dma_start3A_8 : memref<128xi32, #tpu.memory_space<vmem>>) semaphore(%arg11 : memref<!tpu.dma_semaphore, #tpu.memory_space<semaphore_mem>>)
    %dma_start3A_12 = arith.constant 1 : i32
    %dma_start3A_13 = arith.constant 0 : i32
    %dma_start3A_14 = tpu.memref_slice %arg7[%dma_start3A_12, %dma_start3A_13] : memref<40x128xi32, #tpu.memory_space<vmem>> -> memref<1x128xi32, #tpu.memory_space<vmem>>
    %dma_start3A_15 = tpu.memref_squeeze %dma_start3A_14 : memref<1x128xi32, #tpu.memory_space<vmem>> -> memref<128xi32, #tpu.memory_space<vmem>>
    %dma_start3A_16 = arith.constant 0 : i32
    %dma_start3A_17 = arith.constant 0 : i32
    %dma_start3A_18 = tpu.memref_slice %arg2[%dma_start3A_16, %dma_start3A_17] : memref<10112x128xf32, #tpu.memory_space<hbm>> -> memref<10112x128xf32, #tpu.memory_space<hbm>>
    tpu.enqueue_indirect_dma source(%dma_start3A_18 : memref<10112x128xf32, #tpu.memory_space<hbm>>) target(%arg10 : memref<128x128xf32, #tpu.memory_space<vmem>>) offsets(%dma_start3A_15 : memref<128xi32, #tpu.memory_space<vmem>>) semaphore(%arg12 : memref<!tpu.dma_semaphore, #tpu.memory_space<semaphore_mem>>)
    %scan3A = arith.constant 0 : i32
    %scan3A_19 = arith.constant 0 : i32
    %scan3A_20 = arith.constant 19 : i32
    %scan3A_21 = arith.addi %scan3A_19, %scan3A_20 : i32
    %scan3A_22 = arith.constant 1 : i32
    scf.for %scan3A_82 = %scan3A_19 to %scan3A_21 step %scan3A_22  : i32 {
      %mul3A_83 = arith.constant 2 : i32
      %mul3A_84 = arith.muli %scan3A_82, %mul3A_83 : i32
      %add3A_85 = arith.constant 0 : i32
      %add3A_86 = arith.addi %mul3A_84, %add3A_85 : i32
      %dma_wait3A_87 = arith.constant 0 : i32
      %dma_wait3A_88 = tpu.memref_slice %arg7[%add3A_86, %dma_wait3A_87] : memref<40x128xi32, #tpu.memory_space<vmem>> -> memref<1x128xi32, #tpu.memory_space<vmem>>
      %dma_wait3A_89 = tpu.memref_squeeze %dma_wait3A_88 : memref<1x128xi32, #tpu.memory_space<vmem>> -> memref<128xi32, #tpu.memory_space<vmem>>
      %dma_wait3A_90 = arith.constant 0 : i32
      %dma_wait3A_91 = arith.constant 0 : i32
      %dma_wait3A_92 = tpu.memref_slice %arg2[%dma_wait3A_90, %dma_wait3A_91] : memref<10112x128xf32, #tpu.memory_space<hbm>> -> memref<10112x128xf32, #tpu.memory_space<hbm>>
      tpu.wait_indirect_dma semaphore(%arg11 : memref<!tpu.dma_semaphore, #tpu.memory_space<semaphore_mem>>) src(%dma_wait3A_92 : memref<10112x128xf32, #tpu.memory_space<hbm>>) dst(%arg9 : memref<128x128xf32, #tpu.memory_space<vmem>>)
      "tpu.region"() ({
        %run_scoped3A_119 = tpu.sem_alloc : memref<!tpu.dma_semaphore, #tpu.memory_space<semaphore_mem>>
        %dma_start3A_120 = arith.constant 0 : i32
        %dma_start3A_121 = tpu.memref_slice %arg8[%add3A_86, %dma_start3A_120] : memref<40x128xi32, #tpu.memory_space<vmem>> -> memref<1x128xi32, #tpu.memory_space<vmem>>
        %dma_start3A_122 = tpu.memref_squeeze %dma_start3A_121 : memref<1x128xi32, #tpu.memory_space<vmem>> -> memref<128xi32, #tpu.memory_space<vmem>>
        %dma_start3A_123 = arith.constant 0 : i32
        %dma_start3A_124 = arith.constant 0 : i32
        %dma_start3A_125 = tpu.memref_slice %arg6[%dma_start3A_123, %dma_start3A_124] : memref<10112x128xf32, #tpu.memory_space<vmem_shared>> -> memref<10112x128xf32, #tpu.memory_space<vmem_shared>>
        tpu.enqueue_indirect_dma source(%arg9 : memref<128x128xf32, #tpu.memory_space<vmem>>) target(%dma_start3A_125 : memref<10112x128xf32, #tpu.memory_space<vmem_shared>>) offsets(%dma_start3A_122 : memref<128xi32, #tpu.memory_space<vmem>>) semaphore(%run_scoped3A_119 : memref<!tpu.dma_semaphore, #tpu.memory_space<semaphore_mem>>) {add = true}
        %dma_wait3A_126 = arith.constant 0 : i32
        %dma_wait3A_127 = tpu.memref_slice %arg8[%add3A_86, %dma_wait3A_126] : memref<40x128xi32, #tpu.memory_space<vmem>> -> memref<1x128xi32, #tpu.memory_space<vmem>>
        %dma_wait3A_128 = tpu.memref_squeeze %dma_wait3A_127 : memref<1x128xi32, #tpu.memory_space<vmem>> -> memref<128xi32, #tpu.memory_space<vmem>>
        %dma_wait3A_129 = arith.constant 0 : i32
        %dma_wait3A_130 = arith.constant 0 : i32
        %dma_wait3A_131 = tpu.memref_slice %arg6[%dma_wait3A_129, %dma_wait3A_130] : memref<10112x128xf32, #tpu.memory_space<vmem_shared>> -> memref<10112x128xf32, #tpu.memory_space<vmem_shared>>
        tpu.wait_indirect_dma semaphore(%run_scoped3A_119 : memref<!tpu.dma_semaphore, #tpu.memory_space<semaphore_mem>>) src(%arg9 : memref<128x128xf32, #tpu.memory_space<vmem>>) dst(%dma_wait3A_131 : memref<10112x128xf32, #tpu.memory_space<vmem_shared>>)
        tpu.yield
      }) : () -> ()
      %add3A_93 = arith.constant 2 : i32
      %add3A_94 = arith.addi %add3A_86, %add3A_93 : i32
      %dma_start3A_95 = arith.constant 0 : i32
      %dma_start3A_96 = tpu.memref_slice %arg7[%add3A_94, %dma_start3A_95] : memref<40x128xi32, #tpu.memory_space<vmem>> -> memref<1x128xi32, #tpu.memory_space<vmem>>
      %dma_start3A_97 = tpu.memref_squeeze %dma_start3A_96 : memref<1x128xi32, #tpu.memory_space<vmem>> -> memref<128xi32, #tpu.memory_space<vmem>>
      %dma_start3A_98 = arith.constant 0 : i32
      %dma_start3A_99 = arith.constant 0 : i32
      %dma_start3A_100 = tpu.memref_slice %arg2[%dma_start3A_98, %dma_start3A_99] : memref<10112x128xf32, #tpu.memory_space<hbm>> -> memref<10112x128xf32, #tpu.memory_space<hbm>>
      tpu.enqueue_indirect_dma source(%dma_start3A_100 : memref<10112x128xf32, #tpu.memory_space<hbm>>) target(%arg9 : memref<128x128xf32, #tpu.memory_space<vmem>>) offsets(%dma_start3A_97 : memref<128xi32, #tpu.memory_space<vmem>>) semaphore(%arg11 : memref<!tpu.dma_semaphore, #tpu.memory_space<semaphore_mem>>)
      %mul3A_101 = arith.constant 2 : i32
      %mul3A_102 = arith.muli %scan3A_82, %mul3A_101 : i32
      %add3A_103 = arith.constant 1 : i32
      %add3A_104 = arith.addi %mul3A_102, %add3A_103 : i32
      %dma_wait3A_105 = arith.constant 0 : i32
      %dma_wait3A_106 = tpu.memref_slice %arg7[%add3A_104, %dma_wait3A_105] : memref<40x128xi32, #tpu.memory_space<vmem>> -> memref<1x128xi32, #tpu.memory_space<vmem>>
      %dma_wait3A_107 = tpu.memref_squeeze %dma_wait3A_106 : memref<1x128xi32, #tpu.memory_space<vmem>> -> memref<128xi32, #tpu.memory_space<vmem>>
      %dma_wait3A_108 = arith.constant 0 : i32
      %dma_wait3A_109 = arith.constant 0 : i32
      %dma_wait3A_110 = tpu.memref_slice %arg2[%dma_wait3A_108, %dma_wait3A_109] : memref<10112x128xf32, #tpu.memory_space<hbm>> -> memref<10112x128xf32, #tpu.memory_space<hbm>>
      tpu.wait_indirect_dma semaphore(%arg12 : memref<!tpu.dma_semaphore, #tpu.memory_space<semaphore_mem>>) src(%dma_wait3A_110 : memref<10112x128xf32, #tpu.memory_space<hbm>>) dst(%arg10 : memref<128x128xf32, #tpu.memory_space<vmem>>)
      "tpu.region"() ({
        %run_scoped3A_119 = tpu.sem_alloc : memref<!tpu.dma_semaphore, #tpu.memory_space<semaphore_mem>>
        %dma_start3A_120 = arith.constant 0 : i32
        %dma_start3A_121 = tpu.memref_slice %arg8[%add3A_104, %dma_start3A_120] : memref<40x128xi32, #tpu.memory_space<vmem>> -> memref<1x128xi32, #tpu.memory_space<vmem>>
        %dma_start3A_122 = tpu.memref_squeeze %dma_start3A_121 : memref<1x128xi32, #tpu.memory_space<vmem>> -> memref<128xi32, #tpu.memory_space<vmem>>
        %dma_start3A_123 = arith.constant 0 : i32
        %dma_start3A_124 = arith.constant 0 : i32
        %dma_start3A_125 = tpu.memref_slice %arg6[%dma_start3A_123, %dma_start3A_124] : memref<10112x128xf32, #tpu.memory_space<vmem_shared>> -> memref<10112x128xf32, #tpu.memory_space<vmem_shared>>
        tpu.enqueue_indirect_dma source(%arg10 : memref<128x128xf32, #tpu.memory_space<vmem>>) target(%dma_start3A_125 : memref<10112x128xf32, #tpu.memory_space<vmem_shared>>) offsets(%dma_start3A_122 : memref<128xi32, #tpu.memory_space<vmem>>) semaphore(%run_scoped3A_119 : memref<!tpu.dma_semaphore, #tpu.memory_space<semaphore_mem>>) {add = true}
        %dma_wait3A_126 = arith.constant 0 : i32
        %dma_wait3A_127 = tpu.memref_slice %arg8[%add3A_104, %dma_wait3A_126] : memref<40x128xi32, #tpu.memory_space<vmem>> -> memref<1x128xi32, #tpu.memory_space<vmem>>
        %dma_wait3A_128 = tpu.memref_squeeze %dma_wait3A_127 : memref<1x128xi32, #tpu.memory_space<vmem>> -> memref<128xi32, #tpu.memory_space<vmem>>
        %dma_wait3A_129 = arith.constant 0 : i32
        %dma_wait3A_130 = arith.constant 0 : i32
        %dma_wait3A_131 = tpu.memref_slice %arg6[%dma_wait3A_129, %dma_wait3A_130] : memref<10112x128xf32, #tpu.memory_space<vmem_shared>> -> memref<10112x128xf32, #tpu.memory_space<vmem_shared>>
        tpu.wait_indirect_dma semaphore(%run_scoped3A_119 : memref<!tpu.dma_semaphore, #tpu.memory_space<semaphore_mem>>) src(%arg10 : memref<128x128xf32, #tpu.memory_space<vmem>>) dst(%dma_wait3A_131 : memref<10112x128xf32, #tpu.memory_space<vmem_shared>>)
        tpu.yield
      }) : () -> ()
      %add3A_111 = arith.constant 2 : i32
      %add3A_112 = arith.addi %add3A_104, %add3A_111 : i32
      %dma_start3A_113 = arith.constant 0 : i32
      %dma_start3A_114 = tpu.memref_slice %arg7[%add3A_112, %dma_start3A_113] : memref<40x128xi32, #tpu.memory_space<vmem>> -> memref<1x128xi32, #tpu.memory_space<vmem>>
      %dma_start3A_115 = tpu.memref_squeeze %dma_start3A_114 : memref<1x128xi32, #tpu.memory_space<vmem>> -> memref<128xi32, #tpu.memory_space<vmem>>
      %dma_start3A_116 = arith.constant 0 : i32
      %dma_start3A_117 = arith.constant 0 : i32
      %dma_start3A_118 = tpu.memref_slice %arg2[%dma_start3A_116, %dma_start3A_117] : memref<10112x128xf32, #tpu.memory_space<hbm>> -> memref<10112x128xf32, #tpu.memory_space<hbm>>
      tpu.enqueue_indirect_dma source(%dma_start3A_118 : memref<10112x128xf32, #tpu.memory_space<hbm>>) target(%arg10 : memref<128x128xf32, #tpu.memory_space<vmem>>) offsets(%dma_start3A_115 : memref<128xi32, #tpu.memory_space<vmem>>) semaphore(%arg12 : memref<!tpu.dma_semaphore, #tpu.memory_space<semaphore_mem>>)
    }
    %scan3A_23 = arith.constant 19 : i32
    %dma_wait3A = arith.constant 38 : i32
    %dma_wait3A_24 = arith.constant 0 : i32
    %dma_wait3A_25 = tpu.memref_slice %arg7[%dma_wait3A, %dma_wait3A_24] : memref<40x128xi32, #tpu.memory_space<vmem>> -> memref<1x128xi32, #tpu.memory_space<vmem>>
    %dma_wait3A_26 = tpu.memref_squeeze %dma_wait3A_25 : memref<1x128xi32, #tpu.memory_space<vmem>> -> memref<128xi32, #tpu.memory_space<vmem>>
    %dma_wait3A_27 = arith.constant 0 : i32
    %dma_wait3A_28 = arith.constant 0 : i32
    %dma_wait3A_29 = tpu.memref_slice %arg2[%dma_wait3A_27, %dma_wait3A_28] : memref<10112x128xf32, #tpu.memory_space<hbm>> -> memref<10112x128xf32, #tpu.memory_space<hbm>>
    tpu.wait_indirect_dma semaphore(%arg11 : memref<!tpu.dma_semaphore, #tpu.memory_space<semaphore_mem>>) src(%dma_wait3A_29 : memref<10112x128xf32, #tpu.memory_space<hbm>>) dst(%arg9 : memref<128x128xf32, #tpu.memory_space<vmem>>)
    %run_scoped3A_30 = arith.constant 38 : i32
    "tpu.region"() ({
      %run_scoped3A_82 = tpu.sem_alloc : memref<!tpu.dma_semaphore, #tpu.memory_space<semaphore_mem>>
      %dma_start3A_83 = arith.constant 0 : i32
      %dma_start3A_84 = tpu.memref_slice %arg8[%run_scoped3A_30, %dma_start3A_83] : memref<40x128xi32, #tpu.memory_space<vmem>> -> memref<1x128xi32, #tpu.memory_space<vmem>>
      %dma_start3A_85 = tpu.memref_squeeze %dma_start3A_84 : memref<1x128xi32, #tpu.memory_space<vmem>> -> memref<128xi32, #tpu.memory_space<vmem>>
      %dma_start3A_86 = arith.constant 0 : i32
      %dma_start3A_87 = arith.constant 0 : i32
      %dma_start3A_88 = tpu.memref_slice %arg6[%dma_start3A_86, %dma_start3A_87] : memref<10112x128xf32, #tpu.memory_space<vmem_shared>> -> memref<10112x128xf32, #tpu.memory_space<vmem_shared>>
      tpu.enqueue_indirect_dma source(%arg9 : memref<128x128xf32, #tpu.memory_space<vmem>>) target(%dma_start3A_88 : memref<10112x128xf32, #tpu.memory_space<vmem_shared>>) offsets(%dma_start3A_85 : memref<128xi32, #tpu.memory_space<vmem>>) semaphore(%run_scoped3A_82 : memref<!tpu.dma_semaphore, #tpu.memory_space<semaphore_mem>>) {add = true}
      %dma_wait3A_89 = arith.constant 0 : i32
      %dma_wait3A_90 = tpu.memref_slice %arg8[%run_scoped3A_30, %dma_wait3A_89] : memref<40x128xi32, #tpu.memory_space<vmem>> -> memref<1x128xi32, #tpu.memory_space<vmem>>
      %dma_wait3A_91 = tpu.memref_squeeze %dma_wait3A_90 : memref<1x128xi32, #tpu.memory_space<vmem>> -> memref<128xi32, #tpu.memory_space<vmem>>
      %dma_wait3A_92 = arith.constant 0 : i32
      %dma_wait3A_93 = arith.constant 0 : i32
      %dma_wait3A_94 = tpu.memref_slice %arg6[%dma_wait3A_92, %dma_wait3A_93] : memref<10112x128xf32, #tpu.memory_space<vmem_shared>> -> memref<10112x128xf32, #tpu.memory_space<vmem_shared>>
      tpu.wait_indirect_dma semaphore(%run_scoped3A_82 : memref<!tpu.dma_semaphore, #tpu.memory_space<semaphore_mem>>) src(%arg9 : memref<128x128xf32, #tpu.memory_space<vmem>>) dst(%dma_wait3A_94 : memref<10112x128xf32, #tpu.memory_space<vmem_shared>>)
      tpu.yield
    }) : () -> ()
    %dma_wait3A_31 = arith.constant 39 : i32
    %dma_wait3A_32 = arith.constant 0 : i32
    %dma_wait3A_33 = tpu.memref_slice %arg7[%dma_wait3A_31, %dma_wait3A_32] : memref<40x128xi32, #tpu.memory_space<vmem>> -> memref<1x128xi32, #tpu.memory_space<vmem>>
    %dma_wait3A_34 = tpu.memref_squeeze %dma_wait3A_33 : memref<1x128xi32, #tpu.memory_space<vmem>> -> memref<128xi32, #tpu.memory_space<vmem>>
    %dma_wait3A_35 = arith.constant 0 : i32
    %dma_wait3A_36 = arith.constant 0 : i32
    %dma_wait3A_37 = tpu.memref_slice %arg2[%dma_wait3A_35, %dma_wait3A_36] : memref<10112x128xf32, #tpu.memory_space<hbm>> -> memref<10112x128xf32, #tpu.memory_space<hbm>>
    tpu.wait_indirect_dma semaphore(%arg12 : memref<!tpu.dma_semaphore, #tpu.memory_space<semaphore_mem>>) src(%dma_wait3A_37 : memref<10112x128xf32, #tpu.memory_space<hbm>>) dst(%arg10 : memref<128x128xf32, #tpu.memory_space<vmem>>)
    %run_scoped3A_38 = arith.constant 39 : i32
    "tpu.region"() ({
      %run_scoped3A_82 = tpu.sem_alloc : memref<!tpu.dma_semaphore, #tpu.memory_space<semaphore_mem>>
      %dma_start3A_83 = arith.constant 0 : i32
      %dma_start3A_84 = tpu.memref_slice %arg8[%run_scoped3A_38, %dma_start3A_83] : memref<40x128xi32, #tpu.memory_space<vmem>> -> memref<1x128xi32, #tpu.memory_space<vmem>>
      %dma_start3A_85 = tpu.memref_squeeze %dma_start3A_84 : memref<1x128xi32, #tpu.memory_space<vmem>> -> memref<128xi32, #tpu.memory_space<vmem>>
      %dma_start3A_86 = arith.constant 0 : i32
      %dma_start3A_87 = arith.constant 0 : i32
      %dma_start3A_88 = tpu.memref_slice %arg6[%dma_start3A_86, %dma_start3A_87] : memref<10112x128xf32, #tpu.memory_space<vmem_shared>> -> memref<10112x128xf32, #tpu.memory_space<vmem_shared>>
      tpu.enqueue_indirect_dma source(%arg10 : memref<128x128xf32, #tpu.memory_space<vmem>>) target(%dma_start3A_88 : memref<10112x128xf32, #tpu.memory_space<vmem_shared>>) offsets(%dma_start3A_85 : memref<128xi32, #tpu.memory_space<vmem>>) semaphore(%run_scoped3A_82 : memref<!tpu.dma_semaphore, #tpu.memory_space<semaphore_mem>>) {add = true}
      %dma_wait3A_89 = arith.constant 0 : i32
      %dma_wait3A_90 = tpu.memref_slice %arg8[%run_scoped3A_38, %dma_wait3A_89] : memref<40x128xi32, #tpu.memory_space<vmem>> -> memref<1x128xi32, #tpu.memory_space<vmem>>
      %dma_wait3A_91 = tpu.memref_squeeze %dma_wait3A_90 : memref<1x128xi32, #tpu.memory_space<vmem>> -> memref<128xi32, #tpu.memory_space<vmem>>
      %dma_wait3A_92 = arith.constant 0 : i32
      %dma_wait3A_93 = arith.constant 0 : i32
      %dma_wait3A_94 = tpu.memref_slice %arg6[%dma_wait3A_92, %dma_wait3A_93] : memref<10112x128xf32, #tpu.memory_space<vmem_shared>> -> memref<10112x128xf32, #tpu.memory_space<vmem_shared>>
      tpu.wait_indirect_dma semaphore(%run_scoped3A_82 : memref<!tpu.dma_semaphore, #tpu.memory_space<semaphore_mem>>) src(%arg10 : memref<128x128xf32, #tpu.memory_space<vmem>>) dst(%dma_wait3A_94 : memref<10112x128xf32, #tpu.memory_space<vmem_shared>>)
      tpu.yield
    }) : () -> ()
    %run_scoped3A_39 = arith.constant 0 : i32
    "tpu.region"() ({
      %run_scoped3A_82 = tpu.sem_alloc : memref<!tpu.dma_semaphore, #tpu.memory_space<semaphore_mem>>
      %dma_start3A_83 = arith.constant 40 : i32
      %dma_start3A_84 = arith.constant 0 : i32
      %dma_start3A_85 = tpu.memref_slice %arg3[%run_scoped3A_39, %add3A, %dma_start3A_83, %dma_start3A_84] : memref<2x32x80x128xi32, #tpu.memory_space<hbm>> -> memref<1x1x40x128xi32, #tpu.memory_space<hbm>>
      %dma_start3A_86 = tpu.memref_squeeze %dma_start3A_85 : memref<1x1x40x128xi32, #tpu.memory_space<hbm>> -> memref<40x128xi32, #tpu.memory_space<hbm>>
      %dma_start3A_87 = arith.constant 40 : i32
      %dma_start3A_88 = arith.constant 0 : i32
      %dma_start3A_89 = tpu.memref_slice %arg3[%run_scoped3A_39, %add3A, %dma_start3A_87, %dma_start3A_88] : memref<2x32x80x128xi32, #tpu.memory_space<hbm>> -> memref<1x1x40x128xi32, #tpu.memory_space<hbm>>
      %dma_start3A_90 = tpu.memref_squeeze %dma_start3A_89 : memref<1x1x40x128xi32, #tpu.memory_space<hbm>> -> memref<40x128xi32, #tpu.memory_space<hbm>>
      tpu.enqueue_dma source(%dma_start3A_90 : memref<40x128xi32, #tpu.memory_space<hbm>>) target(%arg7 : memref<40x128xi32, #tpu.memory_space<vmem>>) target_semaphore(%run_scoped3A_82 : memref<!tpu.dma_semaphore, #tpu.memory_space<semaphore_mem>>)
      %dma_wait3A_91 = arith.constant 40 : i32
      %dma_wait3A_92 = arith.constant 0 : i32
      %dma_wait3A_93 = tpu.memref_slice %arg3[%run_scoped3A_39, %add3A, %dma_wait3A_91, %dma_wait3A_92] : memref<2x32x80x128xi32, #tpu.memory_space<hbm>> -> memref<1x1x40x128xi32, #tpu.memory_space<hbm>>
      %dma_wait3A_94 = tpu.memref_squeeze %dma_wait3A_93 : memref<1x1x40x128xi32, #tpu.memory_space<hbm>> -> memref<40x128xi32, #tpu.memory_space<hbm>>
      %dma_wait3A_95 = arith.constant 40 : i32
      %dma_wait3A_96 = arith.constant 0 : i32
      %dma_wait3A_97 = tpu.memref_slice %arg3[%run_scoped3A_39, %add3A, %dma_wait3A_95, %dma_wait3A_96] : memref<2x32x80x128xi32, #tpu.memory_space<hbm>> -> memref<1x1x40x128xi32, #tpu.memory_space<hbm>>
      %dma_wait3A_98 = tpu.memref_squeeze %dma_wait3A_97 : memref<1x1x40x128xi32, #tpu.memory_space<hbm>> -> memref<40x128xi32, #tpu.memory_space<hbm>>
      tpu.wait_dma2 semaphore(%run_scoped3A_82 : memref<!tpu.dma_semaphore, #tpu.memory_space<semaphore_mem>>) src(%dma_wait3A_98 : memref<40x128xi32, #tpu.memory_space<hbm>>) dst(%arg7 : memref<40x128xi32, #tpu.memory_space<vmem>>)
      tpu.yield
    }) : () -> ()
    %run_scoped3A_40 = arith.constant 1 : i32
    "tpu.region"() ({
      %run_scoped3A_82 = tpu.sem_alloc : memref<!tpu.dma_semaphore, #tpu.memory_space<semaphore_mem>>
      %dma_start3A_83 = arith.constant 40 : i32
      %dma_start3A_84 = arith.constant 0 : i32
      %dma_start3A_85 = tpu.memref_slice %arg3[%run_scoped3A_40, %add3A, %dma_start3A_83, %dma_start3A_84] : memref<2x32x80x128xi32, #tpu.memory_space<hbm>> -> memref<1x1x40x128xi32, #tpu.memory_space<hbm>>
      %dma_start3A_86 = tpu.memref_squeeze %dma_start3A_85 : memref<1x1x40x128xi32, #tpu.memory_space<hbm>> -> memref<40x128xi32, #tpu.memory_space<hbm>>
      %dma_start3A_87 = arith.constant 40 : i32
      %dma_start3A_88 = arith.constant 0 : i32
      %dma_start3A_89 = tpu.memref_slice %arg3[%run_scoped3A_40, %add3A, %dma_start3A_87, %dma_start3A_88] : memref<2x32x80x128xi32, #tpu.memory_space<hbm>> -> memref<1x1x40x128xi32, #tpu.memory_space<hbm>>
      %dma_start3A_90 = tpu.memref_squeeze %dma_start3A_89 : memref<1x1x40x128xi32, #tpu.memory_space<hbm>> -> memref<40x128xi32, #tpu.memory_space<hbm>>
      tpu.enqueue_dma source(%dma_start3A_90 : memref<40x128xi32, #tpu.memory_space<hbm>>) target(%arg8 : memref<40x128xi32, #tpu.memory_space<vmem>>) target_semaphore(%run_scoped3A_82 : memref<!tpu.dma_semaphore, #tpu.memory_space<semaphore_mem>>)
      %dma_wait3A_91 = arith.constant 40 : i32
      %dma_wait3A_92 = arith.constant 0 : i32
      %dma_wait3A_93 = tpu.memref_slice %arg3[%run_scoped3A_40, %add3A, %dma_wait3A_91, %dma_wait3A_92] : memref<2x32x80x128xi32, #tpu.memory_space<hbm>> -> memref<1x1x40x128xi32, #tpu.memory_space<hbm>>
      %dma_wait3A_94 = tpu.memref_squeeze %dma_wait3A_93 : memref<1x1x40x128xi32, #tpu.memory_space<hbm>> -> memref<40x128xi32, #tpu.memory_space<hbm>>
      %dma_wait3A_95 = arith.constant 40 : i32
      %dma_wait3A_96 = arith.constant 0 : i32
      %dma_wait3A_97 = tpu.memref_slice %arg3[%run_scoped3A_40, %add3A, %dma_wait3A_95, %dma_wait3A_96] : memref<2x32x80x128xi32, #tpu.memory_space<hbm>> -> memref<1x1x40x128xi32, #tpu.memory_space<hbm>>
      %dma_wait3A_98 = tpu.memref_squeeze %dma_wait3A_97 : memref<1x1x40x128xi32, #tpu.memory_space<hbm>> -> memref<40x128xi32, #tpu.memory_space<hbm>>
      tpu.wait_dma2 semaphore(%run_scoped3A_82 : memref<!tpu.dma_semaphore, #tpu.memory_space<semaphore_mem>>) src(%dma_wait3A_98 : memref<40x128xi32, #tpu.memory_space<hbm>>) dst(%arg8 : memref<40x128xi32, #tpu.memory_space<vmem>>)
      tpu.yield
    }) : () -> ()
    %dma_start3A_41 = arith.constant 0 : i32
    %dma_start3A_42 = arith.constant 0 : i32
    %dma_start3A_43 = tpu.memref_slice %arg7[%dma_start3A_41, %dma_start3A_42] : memref<40x128xi32, #tpu.memory_space<vmem>> -> memref<1x128xi32, #tpu.memory_space<vmem>>
    %dma_start3A_44 = tpu.memref_squeeze %dma_start3A_43 : memref<1x128xi32, #tpu.memory_space<vmem>> -> memref<128xi32, #tpu.memory_space<vmem>>
    %dma_start3A_45 = arith.constant 0 : i32
    %dma_start3A_46 = arith.constant 0 : i32
    %dma_start3A_47 = tpu.memref_slice %arg2[%dma_start3A_45, %dma_start3A_46] : memref<10112x128xf32, #tpu.memory_space<hbm>> -> memref<10112x128xf32, #tpu.memory_space<hbm>>
    tpu.enqueue_indirect_dma source(%dma_start3A_47 : memref<10112x128xf32, #tpu.memory_space<hbm>>) target(%arg9 : memref<128x128xf32, #tpu.memory_space<vmem>>) offsets(%dma_start3A_44 : memref<128xi32, #tpu.memory_space<vmem>>) semaphore(%arg11 : memref<!tpu.dma_semaphore, #tpu.memory_space<semaphore_mem>>)
    %dma_start3A_48 = arith.constant 1 : i32
    %dma_start3A_49 = arith.constant 0 : i32
    %dma_start3A_50 = tpu.memref_slice %arg7[%dma_start3A_48, %dma_start3A_49] : memref<40x128xi32, #tpu.memory_space<vmem>> -> memref<1x128xi32, #tpu.memory_space<vmem>>
    %dma_start3A_51 = tpu.memref_squeeze %dma_start3A_50 : memref<1x128xi32, #tpu.memory_space<vmem>> -> memref<128xi32, #tpu.memory_space<vmem>>
    %dma_start3A_52 = arith.constant 0 : i32
    %dma_start3A_53 = arith.constant 0 : i32
    %dma_start3A_54 = tpu.memref_slice %arg2[%dma_start3A_52, %dma_start3A_53] : memref<10112x128xf32, #tpu.memory_space<hbm>> -> memref<10112x128xf32, #tpu.memory_space<hbm>>
    tpu.enqueue_indirect_dma source(%dma_start3A_54 : memref<10112x128xf32, #tpu.memory_space<hbm>>) target(%arg10 : memref<128x128xf32, #tpu.memory_space<vmem>>) offsets(%dma_start3A_51 : memref<128xi32, #tpu.memory_space<vmem>>) semaphore(%arg12 : memref<!tpu.dma_semaphore, #tpu.memory_space<semaphore_mem>>)
    %scan3A_55 = arith.constant 0 : i32
    %scan3A_56 = arith.constant 0 : i32
    %scan3A_57 = arith.constant 19 : i32
    %scan3A_58 = arith.addi %scan3A_56, %scan3A_57 : i32
    %scan3A_59 = arith.constant 1 : i32
    scf.for %scan3A_82 = %scan3A_56 to %scan3A_58 step %scan3A_59  : i32 {
      %mul3A_83 = arith.constant 2 : i32
      %mul3A_84 = arith.muli %scan3A_82, %mul3A_83 : i32
      %add3A_85 = arith.constant 0 : i32
      %add3A_86 = arith.addi %mul3A_84, %add3A_85 : i32
      %dma_wait3A_87 = arith.constant 0 : i32
      %dma_wait3A_88 = tpu.memref_slice %arg7[%add3A_86, %dma_wait3A_87] : memref<40x128xi32, #tpu.memory_space<vmem>> -> memref<1x128xi32, #tpu.memory_space<vmem>>
      %dma_wait3A_89 = tpu.memref_squeeze %dma_wait3A_88 : memref<1x128xi32, #tpu.memory_space<vmem>> -> memref<128xi32, #tpu.memory_space<vmem>>
      %dma_wait3A_90 = arith.constant 0 : i32
      %dma_wait3A_91 = arith.constant 0 : i32
      %dma_wait3A_92 = tpu.memref_slice %arg2[%dma_wait3A_90, %dma_wait3A_91] : memref<10112x128xf32, #tpu.memory_space<hbm>> -> memref<10112x128xf32, #tpu.memory_space<hbm>>
      tpu.wait_indirect_dma semaphore(%arg11 : memref<!tpu.dma_semaphore, #tpu.memory_space<semaphore_mem>>) src(%dma_wait3A_92 : memref<10112x128xf32, #tpu.memory_space<hbm>>) dst(%arg9 : memref<128x128xf32, #tpu.memory_space<vmem>>)
      "tpu.region"() ({
        %run_scoped3A_119 = tpu.sem_alloc : memref<!tpu.dma_semaphore, #tpu.memory_space<semaphore_mem>>
        %dma_start3A_120 = arith.constant 0 : i32
        %dma_start3A_121 = tpu.memref_slice %arg8[%add3A_86, %dma_start3A_120] : memref<40x128xi32, #tpu.memory_space<vmem>> -> memref<1x128xi32, #tpu.memory_space<vmem>>
        %dma_start3A_122 = tpu.memref_squeeze %dma_start3A_121 : memref<1x128xi32, #tpu.memory_space<vmem>> -> memref<128xi32, #tpu.memory_space<vmem>>
        %dma_start3A_123 = arith.constant 0 : i32
        %dma_start3A_124 = arith.constant 0 : i32
        %dma_start3A_125 = tpu.memref_slice %arg6[%dma_start3A_123, %dma_start3A_124] : memref<10112x128xf32, #tpu.memory_space<vmem_shared>> -> memref<10112x128xf32, #tpu.memory_space<vmem_shared>>
        tpu.enqueue_indirect_dma source(%arg9 : memref<128x128xf32, #tpu.memory_space<vmem>>) target(%dma_start3A_125 : memref<10112x128xf32, #tpu.memory_space<vmem_shared>>) offsets(%dma_start3A_122 : memref<128xi32, #tpu.memory_space<vmem>>) semaphore(%run_scoped3A_119 : memref<!tpu.dma_semaphore, #tpu.memory_space<semaphore_mem>>) {add = true}
        %dma_wait3A_126 = arith.constant 0 : i32
        %dma_wait3A_127 = tpu.memref_slice %arg8[%add3A_86, %dma_wait3A_126] : memref<40x128xi32, #tpu.memory_space<vmem>> -> memref<1x128xi32, #tpu.memory_space<vmem>>
        %dma_wait3A_128 = tpu.memref_squeeze %dma_wait3A_127 : memref<1x128xi32, #tpu.memory_space<vmem>> -> memref<128xi32, #tpu.memory_space<vmem>>
        %dma_wait3A_129 = arith.constant 0 : i32
        %dma_wait3A_130 = arith.constant 0 : i32
        %dma_wait3A_131 = tpu.memref_slice %arg6[%dma_wait3A_129, %dma_wait3A_130] : memref<10112x128xf32, #tpu.memory_space<vmem_shared>> -> memref<10112x128xf32, #tpu.memory_space<vmem_shared>>
        tpu.wait_indirect_dma semaphore(%run_scoped3A_119 : memref<!tpu.dma_semaphore, #tpu.memory_space<semaphore_mem>>) src(%arg9 : memref<128x128xf32, #tpu.memory_space<vmem>>) dst(%dma_wait3A_131 : memref<10112x128xf32, #tpu.memory_space<vmem_shared>>)
        tpu.yield
      }) : () -> ()
      %add3A_93 = arith.constant 2 : i32
      %add3A_94 = arith.addi %add3A_86, %add3A_93 : i32
      %dma_start3A_95 = arith.constant 0 : i32
      %dma_start3A_96 = tpu.memref_slice %arg7[%add3A_94, %dma_start3A_95] : memref<40x128xi32, #tpu.memory_space<vmem>> -> memref<1x128xi32, #tpu.memory_space<vmem>>
      %dma_start3A_97 = tpu.memref_squeeze %dma_start3A_96 : memref<1x128xi32, #tpu.memory_space<vmem>> -> memref<128xi32, #tpu.memory_space<vmem>>
      %dma_start3A_98 = arith.constant 0 : i32
      %dma_start3A_99 = arith.constant 0 : i32
      %dma_start3A_100 = tpu.memref_slice %arg2[%dma_start3A_98, %dma_start3A_99] : memref<10112x128xf32, #tpu.memory_space<hbm>> -> memref<10112x128xf32, #tpu.memory_space<hbm>>
      tpu.enqueue_indirect_dma source(%dma_start3A_100 : memref<10112x128xf32, #tpu.memory_space<hbm>>) target(%arg9 : memref<128x128xf32, #tpu.memory_space<vmem>>) offsets(%dma_start3A_97 : memref<128xi32, #tpu.memory_space<vmem>>) semaphore(%arg11 : memref<!tpu.dma_semaphore, #tpu.memory_space<semaphore_mem>>)
      %mul3A_101 = arith.constant 2 : i32
      %mul3A_102 = arith.muli %scan3A_82, %mul3A_101 : i32
      %add3A_103 = arith.constant 1 : i32
      %add3A_104 = arith.addi %mul3A_102, %add3A_103 : i32
      %dma_wait3A_105 = arith.constant 0 : i32
      %dma_wait3A_106 = tpu.memref_slice %arg7[%add3A_104, %dma_wait3A_105] : memref<40x128xi32, #tpu.memory_space<vmem>> -> memref<1x128xi32, #tpu.memory_space<vmem>>
      %dma_wait3A_107 = tpu.memref_squeeze %dma_wait3A_106 : memref<1x128xi32, #tpu.memory_space<vmem>> -> memref<128xi32, #tpu.memory_space<vmem>>
      %dma_wait3A_108 = arith.constant 0 : i32
      %dma_wait3A_109 = arith.constant 0 : i32
      %dma_wait3A_110 = tpu.memref_slice %arg2[%dma_wait3A_108, %dma_wait3A_109] : memref<10112x128xf32, #tpu.memory_space<hbm>> -> memref<10112x128xf32, #tpu.memory_space<hbm>>
      tpu.wait_indirect_dma semaphore(%arg12 : memref<!tpu.dma_semaphore, #tpu.memory_space<semaphore_mem>>) src(%dma_wait3A_110 : memref<10112x128xf32, #tpu.memory_space<hbm>>) dst(%arg10 : memref<128x128xf32, #tpu.memory_space<vmem>>)
      "tpu.region"() ({
        %run_scoped3A_119 = tpu.sem_alloc : memref<!tpu.dma_semaphore, #tpu.memory_space<semaphore_mem>>
        %dma_start3A_120 = arith.constant 0 : i32
        %dma_start3A_121 = tpu.memref_slice %arg8[%add3A_104, %dma_start3A_120] : memref<40x128xi32, #tpu.memory_space<vmem>> -> memref<1x128xi32, #tpu.memory_space<vmem>>
        %dma_start3A_122 = tpu.memref_squeeze %dma_start3A_121 : memref<1x128xi32, #tpu.memory_space<vmem>> -> memref<128xi32, #tpu.memory_space<vmem>>
        %dma_start3A_123 = arith.constant 0 : i32
        %dma_start3A_124 = arith.constant 0 : i32
        %dma_start3A_125 = tpu.memref_slice %arg6[%dma_start3A_123, %dma_start3A_124] : memref<10112x128xf32, #tpu.memory_space<vmem_shared>> -> memref<10112x128xf32, #tpu.memory_space<vmem_shared>>
        tpu.enqueue_indirect_dma source(%arg10 : memref<128x128xf32, #tpu.memory_space<vmem>>) target(%dma_start3A_125 : memref<10112x128xf32, #tpu.memory_space<vmem_shared>>) offsets(%dma_start3A_122 : memref<128xi32, #tpu.memory_space<vmem>>) semaphore(%run_scoped3A_119 : memref<!tpu.dma_semaphore, #tpu.memory_space<semaphore_mem>>) {add = true}
        %dma_wait3A_126 = arith.constant 0 : i32
        %dma_wait3A_127 = tpu.memref_slice %arg8[%add3A_104, %dma_wait3A_126] : memref<40x128xi32, #tpu.memory_space<vmem>> -> memref<1x128xi32, #tpu.memory_space<vmem>>
        %dma_wait3A_128 = tpu.memref_squeeze %dma_wait3A_127 : memref<1x128xi32, #tpu.memory_space<vmem>> -> memref<128xi32, #tpu.memory_space<vmem>>
        %dma_wait3A_129 = arith.constant 0 : i32
        %dma_wait3A_130 = arith.constant 0 : i32
        %dma_wait3A_131 = tpu.memref_slice %arg6[%dma_wait3A_129, %dma_wait3A_130] : memref<10112x128xf32, #tpu.memory_space<vmem_shared>> -> memref<10112x128xf32, #tpu.memory_space<vmem_shared>>
        tpu.wait_indirect_dma semaphore(%run_scoped3A_119 : memref<!tpu.dma_semaphore, #tpu.memory_space<semaphore_mem>>) src(%arg10 : memref<128x128xf32, #tpu.memory_space<vmem>>) dst(%dma_wait3A_131 : memref<10112x128xf32, #tpu.memory_space<vmem_shared>>)
        tpu.yield
      }) : () -> ()
      %add3A_111 = arith.constant 2 : i32
      %add3A_112 = arith.addi %add3A_104, %add3A_111 : i32
      %dma_start3A_113 = arith.constant 0 : i32
      %dma_start3A_114 = tpu.memref_slice %arg7[%add3A_112, %dma_start3A_113] : memref<40x128xi32, #tpu.memory_space<vmem>> -> memref<1x128xi32, #tpu.memory_space<vmem>>
      %dma_start3A_115 = tpu.memref_squeeze %dma_start3A_114 : memref<1x128xi32, #tpu.memory_space<vmem>> -> memref<128xi32, #tpu.memory_space<vmem>>
      %dma_start3A_116 = arith.constant 0 : i32
      %dma_start3A_117 = arith.constant 0 : i32
      %dma_start3A_118 = tpu.memref_slice %arg2[%dma_start3A_116, %dma_start3A_117] : memref<10112x128xf32, #tpu.memory_space<hbm>> -> memref<10112x128xf32, #tpu.memory_space<hbm>>
      tpu.enqueue_indirect_dma source(%dma_start3A_118 : memref<10112x128xf32, #tpu.memory_space<hbm>>) target(%arg10 : memref<128x128xf32, #tpu.memory_space<vmem>>) offsets(%dma_start3A_115 : memref<128xi32, #tpu.memory_space<vmem>>) semaphore(%arg12 : memref<!tpu.dma_semaphore, #tpu.memory_space<semaphore_mem>>)
    }
    %scan3A_60 = arith.constant 19 : i32
    %dma_wait3A_61 = arith.constant 38 : i32
    %dma_wait3A_62 = arith.constant 0 : i32
    %dma_wait3A_63 = tpu.memref_slice %arg7[%dma_wait3A_61, %dma_wait3A_62] : memref<40x128xi32, #tpu.memory_space<vmem>> -> memref<1x128xi32, #tpu.memory_space<vmem>>
    %dma_wait3A_64 = tpu.memref_squeeze %dma_wait3A_63 : memref<1x128xi32, #tpu.memory_space<vmem>> -> memref<128xi32, #tpu.memory_space<vmem>>
    %dma_wait3A_65 = arith.constant 0 : i32
    %dma_wait3A_66 = arith.constant 0 : i32
    %dma_wait3A_67 = tpu.memref_slice %arg2[%dma_wait3A_65, %dma_wait3A_66] : memref<10112x128xf32, #tpu.memory_space<hbm>> -> memref<10112x128xf32, #tpu.memory_space<hbm>>
    tpu.wait_indirect_dma semaphore(%arg11 : memref<!tpu.dma_semaphore, #tpu.memory_space<semaphore_mem>>) src(%dma_wait3A_67 : memref<10112x128xf32, #tpu.memory_space<hbm>>) dst(%arg9 : memref<128x128xf32, #tpu.memory_space<vmem>>)
    %run_scoped3A_68 = arith.constant 38 : i32
    "tpu.region"() ({
      %run_scoped3A_82 = tpu.sem_alloc : memref<!tpu.dma_semaphore, #tpu.memory_space<semaphore_mem>>
      %dma_start3A_83 = arith.constant 0 : i32
      %dma_start3A_84 = tpu.memref_slice %arg8[%run_scoped3A_68, %dma_start3A_83] : memref<40x128xi32, #tpu.memory_space<vmem>> -> memref<1x128xi32, #tpu.memory_space<vmem>>
      %dma_start3A_85 = tpu.memref_squeeze %dma_start3A_84 : memref<1x128xi32, #tpu.memory_space<vmem>> -> memref<128xi32, #tpu.memory_space<vmem>>
      %dma_start3A_86 = arith.constant 0 : i32
      %dma_start3A_87 = arith.constant 0 : i32
      %dma_start3A_88 = tpu.memref_slice %arg6[%dma_start3A_86, %dma_start3A_87] : memref<10112x128xf32, #tpu.memory_space<vmem_shared>> -> memref<10112x128xf32, #tpu.memory_space<vmem_shared>>
      tpu.enqueue_indirect_dma source(%arg9 : memref<128x128xf32, #tpu.memory_space<vmem>>) target(%dma_start3A_88 : memref<10112x128xf32, #tpu.memory_space<vmem_shared>>) offsets(%dma_start3A_85 : memref<128xi32, #tpu.memory_space<vmem>>) semaphore(%run_scoped3A_82 : memref<!tpu.dma_semaphore, #tpu.memory_space<semaphore_mem>>) {add = true}
      %dma_wait3A_89 = arith.constant 0 : i32
      %dma_wait3A_90 = tpu.memref_slice %arg8[%run_scoped3A_68, %dma_wait3A_89] : memref<40x128xi32, #tpu.memory_space<vmem>> -> memref<1x128xi32, #tpu.memory_space<vmem>>
      %dma_wait3A_91 = tpu.memref_squeeze %dma_wait3A_90 : memref<1x128xi32, #tpu.memory_space<vmem>> -> memref<128xi32, #tpu.memory_space<vmem>>
      %dma_wait3A_92 = arith.constant 0 : i32
      %dma_wait3A_93 = arith.constant 0 : i32
      %dma_wait3A_94 = tpu.memref_slice %arg6[%dma_wait3A_92, %dma_wait3A_93] : memref<10112x128xf32, #tpu.memory_space<vmem_shared>> -> memref<10112x128xf32, #tpu.memory_space<vmem_shared>>
      tpu.wait_indirect_dma semaphore(%run_scoped3A_82 : memref<!tpu.dma_semaphore, #tpu.memory_space<semaphore_mem>>) src(%arg9 : memref<128x128xf32, #tpu.memory_space<vmem>>) dst(%dma_wait3A_94 : memref<10112x128xf32, #tpu.memory_space<vmem_shared>>)
      tpu.yield
    }) : () -> ()
    %dma_wait3A_69 = arith.constant 39 : i32
    %dma_wait3A_70 = arith.constant 0 : i32
    %dma_wait3A_71 = tpu.memref_slice %arg7[%dma_wait3A_69, %dma_wait3A_70] : memref<40x128xi32, #tpu.memory_space<vmem>> -> memref<1x128xi32, #tpu.memory_space<vmem>>
    %dma_wait3A_72 = tpu.memref_squeeze %dma_wait3A_71 : memref<1x128xi32, #tpu.memory_space<vmem>> -> memref<128xi32, #tpu.memory_space<vmem>>
    %dma_wait3A_73 = arith.constant 0 : i32
    %dma_wait3A_74 = arith.constant 0 : i32
    %dma_wait3A_75 = tpu.memref_slice %arg2[%dma_wait3A_73, %dma_wait3A_74] : memref<10112x128xf32, #tpu.memory_space<hbm>> -> memref<10112x128xf32, #tpu.memory_space<hbm>>
    tpu.wait_indirect_dma semaphore(%arg12 : memref<!tpu.dma_semaphore, #tpu.memory_space<semaphore_mem>>) src(%dma_wait3A_75 : memref<10112x128xf32, #tpu.memory_space<hbm>>) dst(%arg10 : memref<128x128xf32, #tpu.memory_space<vmem>>)
    %run_scoped3A_76 = arith.constant 39 : i32
    "tpu.region"() ({
      %run_scoped3A_82 = tpu.sem_alloc : memref<!tpu.dma_semaphore, #tpu.memory_space<semaphore_mem>>
      %dma_start3A_83 = arith.constant 0 : i32
      %dma_start3A_84 = tpu.memref_slice %arg8[%run_scoped3A_76, %dma_start3A_83] : memref<40x128xi32, #tpu.memory_space<vmem>> -> memref<1x128xi32, #tpu.memory_space<vmem>>
      %dma_start3A_85 = tpu.memref_squeeze %dma_start3A_84 : memref<1x128xi32, #tpu.memory_space<vmem>> -> memref<128xi32, #tpu.memory_space<vmem>>
      %dma_start3A_86 = arith.constant 0 : i32
      %dma_start3A_87 = arith.constant 0 : i32
      %dma_start3A_88 = tpu.memref_slice %arg6[%dma_start3A_86, %dma_start3A_87] : memref<10112x128xf32, #tpu.memory_space<vmem_shared>> -> memref<10112x128xf32, #tpu.memory_space<vmem_shared>>
      tpu.enqueue_indirect_dma source(%arg10 : memref<128x128xf32, #tpu.memory_space<vmem>>) target(%dma_start3A_88 : memref<10112x128xf32, #tpu.memory_space<vmem_shared>>) offsets(%dma_start3A_85 : memref<128xi32, #tpu.memory_space<vmem>>) semaphore(%run_scoped3A_82 : memref<!tpu.dma_semaphore, #tpu.memory_space<semaphore_mem>>) {add = true}
      %dma_wait3A_89 = arith.constant 0 : i32
      %dma_wait3A_90 = tpu.memref_slice %arg8[%run_scoped3A_76, %dma_wait3A_89] : memref<40x128xi32, #tpu.memory_space<vmem>> -> memref<1x128xi32, #tpu.memory_space<vmem>>
      %dma_wait3A_91 = tpu.memref_squeeze %dma_wait3A_90 : memref<1x128xi32, #tpu.memory_space<vmem>> -> memref<128xi32, #tpu.memory_space<vmem>>
      %dma_wait3A_92 = arith.constant 0 : i32
      %dma_wait3A_93 = arith.constant 0 : i32
      %dma_wait3A_94 = tpu.memref_slice %arg6[%dma_wait3A_92, %dma_wait3A_93] : memref<10112x128xf32, #tpu.memory_space<vmem_shared>> -> memref<10112x128xf32, #tpu.memory_space<vmem_shared>>
      tpu.wait_indirect_dma semaphore(%run_scoped3A_82 : memref<!tpu.dma_semaphore, #tpu.memory_space<semaphore_mem>>) src(%arg10 : memref<128x128xf32, #tpu.memory_space<vmem>>) dst(%dma_wait3A_94 : memref<10112x128xf32, #tpu.memory_space<vmem_shared>>)
      tpu.yield
    }) : () -> ()
    %barrier3A_77 = arith.constant 0 : index
    tpu.barrier barrier_id(%barrier3A_77)
    %mul3A_78 = arith.constant 632 : i32
    %mul3A_79 = arith.muli %arg1, %mul3A_78 : i32
    %mul3A_80 = arith.constant 632 : i32
    %mul3A_81 = arith.muli %arg1, %mul3A_80 : i32
    "tpu.region"() ({
      %run_scoped3A_82 = tpu.sem_alloc : memref<!tpu.dma_semaphore, #tpu.memory_space<semaphore_mem>>
      %dma_start3A_83 = arith.constant 0 : i32
      %dma_start3A_84 = tpu.memref_slice %arg5[%arg0, %mul3A_81, %dma_start3A_83] : memref<2x10112x128xf32, #tpu.memory_space<hbm>> -> memref<1x632x128xf32, #tpu.memory_space<hbm>>
      %dma_start3A_85 = tpu.memref_squeeze %dma_start3A_84 : memref<1x632x128xf32, #tpu.memory_space<hbm>> -> memref<632x128xf32, #tpu.memory_space<hbm>>
      %dma_start3A_86 = arith.constant 0 : i32
      %dma_start3A_87 = tpu.memref_slice %arg6[%mul3A_79, %dma_start3A_86] : memref<10112x128xf32, #tpu.memory_space<vmem_shared>> -> memref<632x128xf32, #tpu.memory_space<vmem_shared>>
      tpu.enqueue_dma source(%dma_start3A_87 : memref<632x128xf32, #tpu.memory_space<vmem_shared>>) target(%dma_start3A_85 : memref<632x128xf32, #tpu.memory_space<hbm>>) target_semaphore(%run_scoped3A_82 : memref<!tpu.dma_semaphore, #tpu.memory_space<semaphore_mem>>)
      %dma_wait3A_88 = arith.constant 0 : i32
      %dma_wait3A_89 = tpu.memref_slice %arg5[%arg0, %mul3A_81, %dma_wait3A_88] : memref<2x10112x128xf32, #tpu.memory_space<hbm>> -> memref<1x632x128xf32, #tpu.memory_space<hbm>>
      %dma_wait3A_90 = tpu.memref_squeeze %dma_wait3A_89 : memref<1x632x128xf32, #tpu.memory_space<hbm>> -> memref<632x128xf32, #tpu.memory_space<hbm>>
      %dma_wait3A_91 = arith.constant 0 : i32
      %dma_wait3A_92 = tpu.memref_slice %arg6[%mul3A_79, %dma_wait3A_91] : memref<10112x128xf32, #tpu.memory_space<vmem_shared>> -> memref<632x128xf32, #tpu.memory_space<vmem_shared>>
      tpu.wait_dma2 semaphore(%run_scoped3A_82 : memref<!tpu.dma_semaphore, #tpu.memory_space<semaphore_mem>>) src(%dma_wait3A_92 : memref<632x128xf32, #tpu.memory_space<vmem_shared>>) dst(%dma_wait3A_90 : memref<632x128xf32, #tpu.memory_space<hbm>>)
      tpu.yield
    }) : () -> ()
    return
  }
}

#map = affine_map<(d0, d1) -> (0, 0)>
#map1 = affine_map<(d0, d1) -> (0, 0, 0, 0)>
#map2 = affine_map<(d0, d1) -> (0, 0, 0)>
module attributes {stable_mosaic.version = 14 : i64} {
  func.func @_sc_spmm(%arg0: i32, %arg1: i32, %arg2: memref<10112x128xf32, #tpu.memory_space<hbm>>, %arg3: memref<2x32x80x128xi32, #tpu.memory_space<hbm>>, %arg4: memref<10112x128xf32, #tpu.memory_space<hbm>>, %arg5: memref<2x10112x128xf32, #tpu.memory_space<hbm>>, %arg6: memref<10112x128xf32, #tpu.memory_space<vmem_shared>>, %arg7: memref<40x128xi32, #tpu.memory_space<vmem>>, %arg8: memref<40x128xi32, #tpu.memory_space<vmem>>, %arg9: memref<128x128xf32, #tpu.memory_space<vmem>>, %arg10: memref<128x128xf32, #tpu.memory_space<vmem>>, %arg11: memref<!tpu.dma_semaphore, #tpu.memory_space<semaphore_mem>>, %arg12: memref<!tpu.dma_semaphore, #tpu.memory_space<semaphore_mem>>) attributes {dimension_semantics = [#tpu.dimension_semantics<core_parallel>, #tpu.dimension_semantics<subcore_parallel>], iteration_bounds = array<i64: 2, 16>, scalar_prefetch = 0 : i64, scratch_operands = 7 : i64, tpu.core_type = #tpu.core_type<sc_vector_subcore>, window_params = [{transform_indices = #map}, {transform_indices = #map1}, {transform_indices = #map}, {transform_indices = #map2}]} {
    %mul3A = arith.constant 16 : i32
    %mul3A_0 = arith.muli %arg0, %mul3A : i32
    %add3A = arith.addi %mul3A_0, %arg1 : i32
    %mul3A_1 = arith.constant 632 : i32
    %mul3A_2 = arith.muli %arg1, %mul3A_1 : i32
    %mul3A_3 = arith.constant 632 : i32
    %mul3A_4 = arith.muli %arg1, %mul3A_3 : i32
    "tpu.region"() ({
      %run_scoped3A_82 = tpu.sem_alloc : memref<!tpu.dma_semaphore, #tpu.memory_space<semaphore_mem>>
      %dma_start3A_83 = arith.constant 0 : i32
      %dma_start3A_84 = tpu.memref_slice %arg6[%mul3A_4, %dma_start3A_83] : memref<10112x128xf32, #tpu.memory_space<vmem_shared>> -> memref<632x128xf32, #tpu.memory_space<vmem_shared>>
      %dma_start3A_85 = arith.constant 0 : i32
      %dma_start3A_86 = tpu.memref_slice %arg4[%mul3A_2, %dma_start3A_85] : memref<10112x128xf32, #tpu.memory_space<hbm>> -> memref<632x128xf32, #tpu.memory_space<hbm>>
      tpu.enqueue_dma source(%dma_start3A_86 : memref<632x128xf32, #tpu.memory_space<hbm>>) target(%dma_start3A_84 : memref<632x128xf32, #tpu.memory_space<vmem_shared>>) target_semaphore(%run_scoped3A_82 : memref<!tpu.dma_semaphore, #tpu.memory_space<semaphore_mem>>)
      %dma_wait3A_87 = arith.constant 0 : i32
      %dma_wait3A_88 = tpu.memref_slice %arg6[%mul3A_4, %dma_wait3A_87] : memref<10112x128xf32, #tpu.memory_space<vmem_shared>> -> memref<632x128xf32, #tpu.memory_space<vmem_shared>>
      %dma_wait3A_89 = arith.constant 0 : i32
      %dma_wait3A_90 = tpu.memref_slice %arg4[%mul3A_2, %dma_wait3A_89] : memref<10112x128xf32, #tpu.memory_space<hbm>> -> memref<632x128xf32, #tpu.memory_space<hbm>>
      tpu.wait_dma2 semaphore(%run_scoped3A_82 : memref<!tpu.dma_semaphore, #tpu.memory_space<semaphore_mem>>) src(%dma_wait3A_90 : memref<632x128xf32, #tpu.memory_space<hbm>>) dst(%dma_wait3A_88 : memref<632x128xf32, #tpu.memory_space<vmem_shared>>)
      tpu.yield
    }) : () -> ()
    %barrier3A = arith.constant 0 : index
    tpu.barrier barrier_id(%barrier3A)
    %run_scoped3A = arith.constant 0 : i32
    "tpu.region"() ({
      %run_scoped3A_82 = tpu.sem_alloc : memref<!tpu.dma_semaphore, #tpu.memory_space<semaphore_mem>>
      %dma_start3A_83 = arith.constant 0 : i32
      %dma_start3A_84 = arith.constant 0 : i32
      %dma_start3A_85 = tpu.memref_slice %arg3[%run_scoped3A, %add3A, %dma_start3A_83, %dma_start3A_84] : memref<2x32x80x128xi32, #tpu.memory_space<hbm>> -> memref<1x1x40x128xi32, #tpu.memory_space<hbm>>
      %dma_start3A_86 = tpu.memref_squeeze %dma_start3A_85 : memref<1x1x40x128xi32, #tpu.memory_space<hbm>> -> memref<40x128xi32, #tpu.memory_space<hbm>>
      %dma_start3A_87 = arith.constant 0 : i32
      %dma_start3A_88 = arith.constant 0 : i32
      %dma_start3A_89 = tpu.memref_slice %arg3[%run_scoped3A, %add3A, %dma_start3A_87, %dma_start3A_88] : memref<2x32x80x128xi32, #tpu.memory_space<hbm>> -> memref<1x1x40x128xi32, #tpu.memory_space<hbm>>
      %dma_start3A_90 = tpu.memref_squeeze %dma_start3A_89 : memref<1x1x40x128xi32, #tpu.memory_space<hbm>> -> memref<40x128xi32, #tpu.memory_space<hbm>>
      tpu.enqueue_dma source(%dma_start3A_90 : memref<40x128xi32, #tpu.memory_space<hbm>>) target(%arg7 : memref<40x128xi32, #tpu.memory_space<vmem>>) target_semaphore(%run_scoped3A_82 : memref<!tpu.dma_semaphore, #tpu.memory_space<semaphore_mem>>)
      %dma_wait3A_91 = arith.constant 0 : i32
      %dma_wait3A_92 = arith.constant 0 : i32
      %dma_wait3A_93 = tpu.memref_slice %arg3[%run_scoped3A, %add3A, %dma_wait3A_91, %dma_wait3A_92] : memref<2x32x80x128xi32, #tpu.memory_space<hbm>> -> memref<1x1x40x128xi32, #tpu.memory_space<hbm>>
      %dma_wait3A_94 = tpu.memref_squeeze %dma_wait3A_93 : memref<1x1x40x128xi32, #tpu.memory_space<hbm>> -> memref<40x128xi32, #tpu.memory_space<hbm>>
      %dma_wait3A_95 = arith.constant 0 : i32
      %dma_wait3A_96 = arith.constant 0 : i32
      %dma_wait3A_97 = tpu.memref_slice %arg3[%run_scoped3A, %add3A, %dma_wait3A_95, %dma_wait3A_96] : memref<2x32x80x128xi32, #tpu.memory_space<hbm>> -> memref<1x1x40x128xi32, #tpu.memory_space<hbm>>
      %dma_wait3A_98 = tpu.memref_squeeze %dma_wait3A_97 : memref<1x1x40x128xi32, #tpu.memory_space<hbm>> -> memref<40x128xi32, #tpu.memory_space<hbm>>
      tpu.wait_dma2 semaphore(%run_scoped3A_82 : memref<!tpu.dma_semaphore, #tpu.memory_space<semaphore_mem>>) src(%dma_wait3A_98 : memref<40x128xi32, #tpu.memory_space<hbm>>) dst(%arg7 : memref<40x128xi32, #tpu.memory_space<vmem>>)
      tpu.yield
    }) : () -> ()
    %run_scoped3A_5 = arith.constant 1 : i32
    "tpu.region"() ({
      %run_scoped3A_82 = tpu.sem_alloc : memref<!tpu.dma_semaphore, #tpu.memory_space<semaphore_mem>>
      %dma_start3A_83 = arith.constant 0 : i32
      %dma_start3A_84 = arith.constant 0 : i32
      %dma_start3A_85 = tpu.memref_slice %arg3[%run_scoped3A_5, %add3A, %dma_start3A_83, %dma_start3A_84] : memref<2x32x80x128xi32, #tpu.memory_space<hbm>> -> memref<1x1x40x128xi32, #tpu.memory_space<hbm>>
      %dma_start3A_86 = tpu.memref_squeeze %dma_start3A_85 : memref<1x1x40x128xi32, #tpu.memory_space<hbm>> -> memref<40x128xi32, #tpu.memory_space<hbm>>
      %dma_start3A_87 = arith.constant 0 : i32
      %dma_start3A_88 = arith.constant 0 : i32
      %dma_start3A_89 = tpu.memref_slice %arg3[%run_scoped3A_5, %add3A, %dma_start3A_87, %dma_start3A_88] : memref<2x32x80x128xi32, #tpu.memory_space<hbm>> -> memref<1x1x40x128xi32, #tpu.memory_space<hbm>>
      %dma_start3A_90 = tpu.memref_squeeze %dma_start3A_89 : memref<1x1x40x128xi32, #tpu.memory_space<hbm>> -> memref<40x128xi32, #tpu.memory_space<hbm>>
      tpu.enqueue_dma source(%dma_start3A_90 : memref<40x128xi32, #tpu.memory_space<hbm>>) target(%arg8 : memref<40x128xi32, #tpu.memory_space<vmem>>) target_semaphore(%run_scoped3A_82 : memref<!tpu.dma_semaphore, #tpu.memory_space<semaphore_mem>>)
      %dma_wait3A_91 = arith.constant 0 : i32
      %dma_wait3A_92 = arith.constant 0 : i32
      %dma_wait3A_93 = tpu.memref_slice %arg3[%run_scoped3A_5, %add3A, %dma_wait3A_91, %dma_wait3A_92] : memref<2x32x80x128xi32, #tpu.memory_space<hbm>> -> memref<1x1x40x128xi32, #tpu.memory_space<hbm>>
      %dma_wait3A_94 = tpu.memref_squeeze %dma_wait3A_93 : memref<1x1x40x128xi32, #tpu.memory_space<hbm>> -> memref<40x128xi32, #tpu.memory_space<hbm>>
      %dma_wait3A_95 = arith.constant 0 : i32
      %dma_wait3A_96 = arith.constant 0 : i32
      %dma_wait3A_97 = tpu.memref_slice %arg3[%run_scoped3A_5, %add3A, %dma_wait3A_95, %dma_wait3A_96] : memref<2x32x80x128xi32, #tpu.memory_space<hbm>> -> memref<1x1x40x128xi32, #tpu.memory_space<hbm>>
      %dma_wait3A_98 = tpu.memref_squeeze %dma_wait3A_97 : memref<1x1x40x128xi32, #tpu.memory_space<hbm>> -> memref<40x128xi32, #tpu.memory_space<hbm>>
      tpu.wait_dma2 semaphore(%run_scoped3A_82 : memref<!tpu.dma_semaphore, #tpu.memory_space<semaphore_mem>>) src(%dma_wait3A_98 : memref<40x128xi32, #tpu.memory_space<hbm>>) dst(%arg8 : memref<40x128xi32, #tpu.memory_space<vmem>>)
      tpu.yield
    }) : () -> ()
    %dma_start3A = arith.constant 0 : i32
    %dma_start3A_6 = arith.constant 0 : i32
    %dma_start3A_7 = tpu.memref_slice %arg7[%dma_start3A, %dma_start3A_6] : memref<40x128xi32, #tpu.memory_space<vmem>> -> memref<1x128xi32, #tpu.memory_space<vmem>>
    %dma_start3A_8 = tpu.memref_squeeze %dma_start3A_7 : memref<1x128xi32, #tpu.memory_space<vmem>> -> memref<128xi32, #tpu.memory_space<vmem>>
    %dma_start3A_9 = arith.constant 0 : i32
    %dma_start3A_10 = arith.constant 0 : i32
    %dma_start3A_11 = tpu.memref_slice %arg2[%dma_start3A_9, %dma_start3A_10] : memref<10112x128xf32, #tpu.memory_space<hbm>> -> memref<10112x128xf32, #tpu.memory_space<hbm>>
    tpu.enqueue_indirect_dma source(%dma_start3A_11 : memref<10112x128xf32, #tpu.memory_space<hbm>>) target(%arg9 : memref<128x128xf32, #tpu.memory_space<vmem>>) offsets(%dma_start3A_8 : memref<128xi32, #tpu.memory_space<vmem>>) semaphore(%arg11 : memref<!tpu.dma_semaphore, #tpu.memory_space<semaphore_mem>>)
    %dma_start3A_12 = arith.constant 1 : i32
    %dma_start3A_13 = arith.constant 0 : i32
    %dma_start3A_14 = tpu.memref_slice %arg7[%dma_start3A_12, %dma_start3A_13] : memref<40x128xi32, #tpu.memory_space<vmem>> -> memref<1x128xi32, #tpu.memory_space<vmem>>
    %dma_start3A_15 = tpu.memref_squeeze %dma_start3A_14 : memref<1x128xi32, #tpu.memory_space<vmem>> -> memref<128xi32, #tpu.memory_space<vmem>>
    %dma_start3A_16 = arith.constant 0 : i32
    %dma_start3A_17 = arith.constant 0 : i32
    %dma_start3A_18 = tpu.memref_slice %arg2[%dma_start3A_16, %dma_start3A_17] : memref<10112x128xf32, #tpu.memory_space<hbm>> -> memref<10112x128xf32, #tpu.memory_space<hbm>>
    tpu.enqueue_indirect_dma source(%dma_start3A_18 : memref<10112x128xf32, #tpu.memory_space<hbm>>) target(%arg10 : memref<128x128xf32, #tpu.memory_space<vmem>>) offsets(%dma_start3A_15 : memref<128xi32, #tpu.memory_space<vmem>>) semaphore(%arg12 : memref<!tpu.dma_semaphore, #tpu.memory_space<semaphore_mem>>)
    %scan3A = arith.constant 0 : i32
    %scan3A_19 = arith.constant 0 : i32
    %scan3A_20 = arith.constant 19 : i32
    %scan3A_21 = arith.addi %scan3A_19, %scan3A_20 : i32
    %scan3A_22 = arith.constant 1 : i32
    scf.for %scan3A_82 = %scan3A_19 to %scan3A_21 step %scan3A_22  : i32 {
      %mul3A_83 = arith.constant 2 : i32
      %mul3A_84 = arith.muli %scan3A_82, %mul3A_83 : i32
      %add3A_85 = arith.constant 0 : i32
      %add3A_86 = arith.addi %mul3A_84, %add3A_85 : i32
      %dma_wait3A_87 = arith.constant 0 : i32
      %dma_wait3A_88 = tpu.memref_slice %arg7[%add3A_86, %dma_wait3A_87] : memref<40x128xi32, #tpu.memory_space<vmem>> -> memref<1x128xi32, #tpu.memory_space<vmem>>
      %dma_wait3A_89 = tpu.memref_squeeze %dma_wait3A_88 : memref<1x128xi32, #tpu.memory_space<vmem>> -> memref<128xi32, #tpu.memory_space<vmem>>
      %dma_wait3A_90 = arith.constant 0 : i32
      %dma_wait3A_91 = arith.constant 0 : i32
      %dma_wait3A_92 = tpu.memref_slice %arg2[%dma_wait3A_90, %dma_wait3A_91] : memref<10112x128xf32, #tpu.memory_space<hbm>> -> memref<10112x128xf32, #tpu.memory_space<hbm>>
      tpu.wait_indirect_dma semaphore(%arg11 : memref<!tpu.dma_semaphore, #tpu.memory_space<semaphore_mem>>) src(%dma_wait3A_92 : memref<10112x128xf32, #tpu.memory_space<hbm>>) dst(%arg9 : memref<128x128xf32, #tpu.memory_space<vmem>>)
      "tpu.region"() ({
        %run_scoped3A_119 = tpu.sem_alloc : memref<!tpu.dma_semaphore, #tpu.memory_space<semaphore_mem>>
        %dma_start3A_120 = arith.constant 0 : i32
        %dma_start3A_121 = tpu.memref_slice %arg8[%add3A_86, %dma_start3A_120] : memref<40x128xi32, #tpu.memory_space<vmem>> -> memref<1x128xi32, #tpu.memory_space<vmem>>
        %dma_start3A_122 = tpu.memref_squeeze %dma_start3A_121 : memref<1x128xi32, #tpu.memory_space<vmem>> -> memref<128xi32, #tpu.memory_space<vmem>>
        %dma_start3A_123 = arith.constant 0 : i32
        %dma_start3A_124 = arith.constant 0 : i32
        %dma_start3A_125 = tpu.memref_slice %arg6[%dma_start3A_123, %dma_start3A_124] : memref<10112x128xf32, #tpu.memory_space<vmem_shared>> -> memref<10112x128xf32, #tpu.memory_space<vmem_shared>>
        tpu.enqueue_indirect_dma source(%arg9 : memref<128x128xf32, #tpu.memory_space<vmem>>) target(%dma_start3A_125 : memref<10112x128xf32, #tpu.memory_space<vmem_shared>>) offsets(%dma_start3A_122 : memref<128xi32, #tpu.memory_space<vmem>>) semaphore(%run_scoped3A_119 : memref<!tpu.dma_semaphore, #tpu.memory_space<semaphore_mem>>) {add = true}
        %dma_wait3A_126 = arith.constant 0 : i32
        %dma_wait3A_127 = tpu.memref_slice %arg8[%add3A_86, %dma_wait3A_126] : memref<40x128xi32, #tpu.memory_space<vmem>> -> memref<1x128xi32, #tpu.memory_space<vmem>>
        %dma_wait3A_128 = tpu.memref_squeeze %dma_wait3A_127 : memref<1x128xi32, #tpu.memory_space<vmem>> -> memref<128xi32, #tpu.memory_space<vmem>>
        %dma_wait3A_129 = arith.constant 0 : i32
        %dma_wait3A_130 = arith.constant 0 : i32
        %dma_wait3A_131 = tpu.memref_slice %arg6[%dma_wait3A_129, %dma_wait3A_130] : memref<10112x128xf32, #tpu.memory_space<vmem_shared>> -> memref<10112x128xf32, #tpu.memory_space<vmem_shared>>
        tpu.wait_indirect_dma semaphore(%run_scoped3A_119 : memref<!tpu.dma_semaphore, #tpu.memory_space<semaphore_mem>>) src(%arg9 : memref<128x128xf32, #tpu.memory_space<vmem>>) dst(%dma_wait3A_131 : memref<10112x128xf32, #tpu.memory_space<vmem_shared>>)
        tpu.yield
      }) : () -> ()
      %add3A_93 = arith.constant 2 : i32
      %add3A_94 = arith.addi %add3A_86, %add3A_93 : i32
      %dma_start3A_95 = arith.constant 0 : i32
      %dma_start3A_96 = tpu.memref_slice %arg7[%add3A_94, %dma_start3A_95] : memref<40x128xi32, #tpu.memory_space<vmem>> -> memref<1x128xi32, #tpu.memory_space<vmem>>
      %dma_start3A_97 = tpu.memref_squeeze %dma_start3A_96 : memref<1x128xi32, #tpu.memory_space<vmem>> -> memref<128xi32, #tpu.memory_space<vmem>>
      %dma_start3A_98 = arith.constant 0 : i32
      %dma_start3A_99 = arith.constant 0 : i32
      %dma_start3A_100 = tpu.memref_slice %arg2[%dma_start3A_98, %dma_start3A_99] : memref<10112x128xf32, #tpu.memory_space<hbm>> -> memref<10112x128xf32, #tpu.memory_space<hbm>>
      tpu.enqueue_indirect_dma source(%dma_start3A_100 : memref<10112x128xf32, #tpu.memory_space<hbm>>) target(%arg9 : memref<128x128xf32, #tpu.memory_space<vmem>>) offsets(%dma_start3A_97 : memref<128xi32, #tpu.memory_space<vmem>>) semaphore(%arg11 : memref<!tpu.dma_semaphore, #tpu.memory_space<semaphore_mem>>)
      %mul3A_101 = arith.constant 2 : i32
      %mul3A_102 = arith.muli %scan3A_82, %mul3A_101 : i32
      %add3A_103 = arith.constant 1 : i32
      %add3A_104 = arith.addi %mul3A_102, %add3A_103 : i32
      %dma_wait3A_105 = arith.constant 0 : i32
      %dma_wait3A_106 = tpu.memref_slice %arg7[%add3A_104, %dma_wait3A_105] : memref<40x128xi32, #tpu.memory_space<vmem>> -> memref<1x128xi32, #tpu.memory_space<vmem>>
      %dma_wait3A_107 = tpu.memref_squeeze %dma_wait3A_106 : memref<1x128xi32, #tpu.memory_space<vmem>> -> memref<128xi32, #tpu.memory_space<vmem>>
      %dma_wait3A_108 = arith.constant 0 : i32
      %dma_wait3A_109 = arith.constant 0 : i32
      %dma_wait3A_110 = tpu.memref_slice %arg2[%dma_wait3A_108, %dma_wait3A_109] : memref<10112x128xf32, #tpu.memory_space<hbm>> -> memref<10112x128xf32, #tpu.memory_space<hbm>>
      tpu.wait_indirect_dma semaphore(%arg12 : memref<!tpu.dma_semaphore, #tpu.memory_space<semaphore_mem>>) src(%dma_wait3A_110 : memref<10112x128xf32, #tpu.memory_space<hbm>>) dst(%arg10 : memref<128x128xf32, #tpu.memory_space<vmem>>)
      "tpu.region"() ({
        %run_scoped3A_119 = tpu.sem_alloc : memref<!tpu.dma_semaphore, #tpu.memory_space<semaphore_mem>>
        %dma_start3A_120 = arith.constant 0 : i32
        %dma_start3A_121 = tpu.memref_slice %arg8[%add3A_104, %dma_start3A_120] : memref<40x128xi32, #tpu.memory_space<vmem>> -> memref<1x128xi32, #tpu.memory_space<vmem>>
        %dma_start3A_122 = tpu.memref_squeeze %dma_start3A_121 : memref<1x128xi32, #tpu.memory_space<vmem>> -> memref<128xi32, #tpu.memory_space<vmem>>
        %dma_start3A_123 = arith.constant 0 : i32
        %dma_start3A_124 = arith.constant 0 : i32
        %dma_start3A_125 = tpu.memref_slice %arg6[%dma_start3A_123, %dma_start3A_124] : memref<10112x128xf32, #tpu.memory_space<vmem_shared>> -> memref<10112x128xf32, #tpu.memory_space<vmem_shared>>
        tpu.enqueue_indirect_dma source(%arg10 : memref<128x128xf32, #tpu.memory_space<vmem>>) target(%dma_start3A_125 : memref<10112x128xf32, #tpu.memory_space<vmem_shared>>) offsets(%dma_start3A_122 : memref<128xi32, #tpu.memory_space<vmem>>) semaphore(%run_scoped3A_119 : memref<!tpu.dma_semaphore, #tpu.memory_space<semaphore_mem>>) {add = true}
        %dma_wait3A_126 = arith.constant 0 : i32
        %dma_wait3A_127 = tpu.memref_slice %arg8[%add3A_104, %dma_wait3A_126] : memref<40x128xi32, #tpu.memory_space<vmem>> -> memref<1x128xi32, #tpu.memory_space<vmem>>
        %dma_wait3A_128 = tpu.memref_squeeze %dma_wait3A_127 : memref<1x128xi32, #tpu.memory_space<vmem>> -> memref<128xi32, #tpu.memory_space<vmem>>
        %dma_wait3A_129 = arith.constant 0 : i32
        %dma_wait3A_130 = arith.constant 0 : i32
        %dma_wait3A_131 = tpu.memref_slice %arg6[%dma_wait3A_129, %dma_wait3A_130] : memref<10112x128xf32, #tpu.memory_space<vmem_shared>> -> memref<10112x128xf32, #tpu.memory_space<vmem_shared>>
        tpu.wait_indirect_dma semaphore(%run_scoped3A_119 : memref<!tpu.dma_semaphore, #tpu.memory_space<semaphore_mem>>) src(%arg10 : memref<128x128xf32, #tpu.memory_space<vmem>>) dst(%dma_wait3A_131 : memref<10112x128xf32, #tpu.memory_space<vmem_shared>>)
        tpu.yield
      }) : () -> ()
      %add3A_111 = arith.constant 2 : i32
      %add3A_112 = arith.addi %add3A_104, %add3A_111 : i32
      %dma_start3A_113 = arith.constant 0 : i32
      %dma_start3A_114 = tpu.memref_slice %arg7[%add3A_112, %dma_start3A_113] : memref<40x128xi32, #tpu.memory_space<vmem>> -> memref<1x128xi32, #tpu.memory_space<vmem>>
      %dma_start3A_115 = tpu.memref_squeeze %dma_start3A_114 : memref<1x128xi32, #tpu.memory_space<vmem>> -> memref<128xi32, #tpu.memory_space<vmem>>
      %dma_start3A_116 = arith.constant 0 : i32
      %dma_start3A_117 = arith.constant 0 : i32
      %dma_start3A_118 = tpu.memref_slice %arg2[%dma_start3A_116, %dma_start3A_117] : memref<10112x128xf32, #tpu.memory_space<hbm>> -> memref<10112x128xf32, #tpu.memory_space<hbm>>
      tpu.enqueue_indirect_dma source(%dma_start3A_118 : memref<10112x128xf32, #tpu.memory_space<hbm>>) target(%arg10 : memref<128x128xf32, #tpu.memory_space<vmem>>) offsets(%dma_start3A_115 : memref<128xi32, #tpu.memory_space<vmem>>) semaphore(%arg12 : memref<!tpu.dma_semaphore, #tpu.memory_space<semaphore_mem>>)
    }
    %scan3A_23 = arith.constant 19 : i32
    %dma_wait3A = arith.constant 38 : i32
    %dma_wait3A_24 = arith.constant 0 : i32
    %dma_wait3A_25 = tpu.memref_slice %arg7[%dma_wait3A, %dma_wait3A_24] : memref<40x128xi32, #tpu.memory_space<vmem>> -> memref<1x128xi32, #tpu.memory_space<vmem>>
    %dma_wait3A_26 = tpu.memref_squeeze %dma_wait3A_25 : memref<1x128xi32, #tpu.memory_space<vmem>> -> memref<128xi32, #tpu.memory_space<vmem>>
    %dma_wait3A_27 = arith.constant 0 : i32
    %dma_wait3A_28 = arith.constant 0 : i32
    %dma_wait3A_29 = tpu.memref_slice %arg2[%dma_wait3A_27, %dma_wait3A_28] : memref<10112x128xf32, #tpu.memory_space<hbm>> -> memref<10112x128xf32, #tpu.memory_space<hbm>>
    tpu.wait_indirect_dma semaphore(%arg11 : memref<!tpu.dma_semaphore, #tpu.memory_space<semaphore_mem>>) src(%dma_wait3A_29 : memref<10112x128xf32, #tpu.memory_space<hbm>>) dst(%arg9 : memref<128x128xf32, #tpu.memory_space<vmem>>)
    %run_scoped3A_30 = arith.constant 38 : i32
    "tpu.region"() ({
      %run_scoped3A_82 = tpu.sem_alloc : memref<!tpu.dma_semaphore, #tpu.memory_space<semaphore_mem>>
      %dma_start3A_83 = arith.constant 0 : i32
      %dma_start3A_84 = tpu.memref_slice %arg8[%run_scoped3A_30, %dma_start3A_83] : memref<40x128xi32, #tpu.memory_space<vmem>> -> memref<1x128xi32, #tpu.memory_space<vmem>>
      %dma_start3A_85 = tpu.memref_squeeze %dma_start3A_84 : memref<1x128xi32, #tpu.memory_space<vmem>> -> memref<128xi32, #tpu.memory_space<vmem>>
      %dma_start3A_86 = arith.constant 0 : i32
      %dma_start3A_87 = arith.constant 0 : i32
      %dma_start3A_88 = tpu.memref_slice %arg6[%dma_start3A_86, %dma_start3A_87] : memref<10112x128xf32, #tpu.memory_space<vmem_shared>> -> memref<10112x128xf32, #tpu.memory_space<vmem_shared>>
      tpu.enqueue_indirect_dma source(%arg9 : memref<128x128xf32, #tpu.memory_space<vmem>>) target(%dma_start3A_88 : memref<10112x128xf32, #tpu.memory_space<vmem_shared>>) offsets(%dma_start3A_85 : memref<128xi32, #tpu.memory_space<vmem>>) semaphore(%run_scoped3A_82 : memref<!tpu.dma_semaphore, #tpu.memory_space<semaphore_mem>>) {add = true}
      %dma_wait3A_89 = arith.constant 0 : i32
      %dma_wait3A_90 = tpu.memref_slice %arg8[%run_scoped3A_30, %dma_wait3A_89] : memref<40x128xi32, #tpu.memory_space<vmem>> -> memref<1x128xi32, #tpu.memory_space<vmem>>
      %dma_wait3A_91 = tpu.memref_squeeze %dma_wait3A_90 : memref<1x128xi32, #tpu.memory_space<vmem>> -> memref<128xi32, #tpu.memory_space<vmem>>
      %dma_wait3A_92 = arith.constant 0 : i32
      %dma_wait3A_93 = arith.constant 0 : i32
      %dma_wait3A_94 = tpu.memref_slice %arg6[%dma_wait3A_92, %dma_wait3A_93] : memref<10112x128xf32, #tpu.memory_space<vmem_shared>> -> memref<10112x128xf32, #tpu.memory_space<vmem_shared>>
      tpu.wait_indirect_dma semaphore(%run_scoped3A_82 : memref<!tpu.dma_semaphore, #tpu.memory_space<semaphore_mem>>) src(%arg9 : memref<128x128xf32, #tpu.memory_space<vmem>>) dst(%dma_wait3A_94 : memref<10112x128xf32, #tpu.memory_space<vmem_shared>>)
      tpu.yield
    }) : () -> ()
    %dma_wait3A_31 = arith.constant 39 : i32
    %dma_wait3A_32 = arith.constant 0 : i32
    %dma_wait3A_33 = tpu.memref_slice %arg7[%dma_wait3A_31, %dma_wait3A_32] : memref<40x128xi32, #tpu.memory_space<vmem>> -> memref<1x128xi32, #tpu.memory_space<vmem>>
    %dma_wait3A_34 = tpu.memref_squeeze %dma_wait3A_33 : memref<1x128xi32, #tpu.memory_space<vmem>> -> memref<128xi32, #tpu.memory_space<vmem>>
    %dma_wait3A_35 = arith.constant 0 : i32
    %dma_wait3A_36 = arith.constant 0 : i32
    %dma_wait3A_37 = tpu.memref_slice %arg2[%dma_wait3A_35, %dma_wait3A_36] : memref<10112x128xf32, #tpu.memory_space<hbm>> -> memref<10112x128xf32, #tpu.memory_space<hbm>>
    tpu.wait_indirect_dma semaphore(%arg12 : memref<!tpu.dma_semaphore, #tpu.memory_space<semaphore_mem>>) src(%dma_wait3A_37 : memref<10112x128xf32, #tpu.memory_space<hbm>>) dst(%arg10 : memref<128x128xf32, #tpu.memory_space<vmem>>)
    %run_scoped3A_38 = arith.constant 39 : i32
    "tpu.region"() ({
      %run_scoped3A_82 = tpu.sem_alloc : memref<!tpu.dma_semaphore, #tpu.memory_space<semaphore_mem>>
      %dma_start3A_83 = arith.constant 0 : i32
      %dma_start3A_84 = tpu.memref_slice %arg8[%run_scoped3A_38, %dma_start3A_83] : memref<40x128xi32, #tpu.memory_space<vmem>> -> memref<1x128xi32, #tpu.memory_space<vmem>>
      %dma_start3A_85 = tpu.memref_squeeze %dma_start3A_84 : memref<1x128xi32, #tpu.memory_space<vmem>> -> memref<128xi32, #tpu.memory_space<vmem>>
      %dma_start3A_86 = arith.constant 0 : i32
      %dma_start3A_87 = arith.constant 0 : i32
      %dma_start3A_88 = tpu.memref_slice %arg6[%dma_start3A_86, %dma_start3A_87] : memref<10112x128xf32, #tpu.memory_space<vmem_shared>> -> memref<10112x128xf32, #tpu.memory_space<vmem_shared>>
      tpu.enqueue_indirect_dma source(%arg10 : memref<128x128xf32, #tpu.memory_space<vmem>>) target(%dma_start3A_88 : memref<10112x128xf32, #tpu.memory_space<vmem_shared>>) offsets(%dma_start3A_85 : memref<128xi32, #tpu.memory_space<vmem>>) semaphore(%run_scoped3A_82 : memref<!tpu.dma_semaphore, #tpu.memory_space<semaphore_mem>>) {add = true}
      %dma_wait3A_89 = arith.constant 0 : i32
      %dma_wait3A_90 = tpu.memref_slice %arg8[%run_scoped3A_38, %dma_wait3A_89] : memref<40x128xi32, #tpu.memory_space<vmem>> -> memref<1x128xi32, #tpu.memory_space<vmem>>
      %dma_wait3A_91 = tpu.memref_squeeze %dma_wait3A_90 : memref<1x128xi32, #tpu.memory_space<vmem>> -> memref<128xi32, #tpu.memory_space<vmem>>
      %dma_wait3A_92 = arith.constant 0 : i32
      %dma_wait3A_93 = arith.constant 0 : i32
      %dma_wait3A_94 = tpu.memref_slice %arg6[%dma_wait3A_92, %dma_wait3A_93] : memref<10112x128xf32, #tpu.memory_space<vmem_shared>> -> memref<10112x128xf32, #tpu.memory_space<vmem_shared>>
      tpu.wait_indirect_dma semaphore(%run_scoped3A_82 : memref<!tpu.dma_semaphore, #tpu.memory_space<semaphore_mem>>) src(%arg10 : memref<128x128xf32, #tpu.memory_space<vmem>>) dst(%dma_wait3A_94 : memref<10112x128xf32, #tpu.memory_space<vmem_shared>>)
      tpu.yield
    }) : () -> ()
    %run_scoped3A_39 = arith.constant 0 : i32
    "tpu.region"() ({
      %run_scoped3A_82 = tpu.sem_alloc : memref<!tpu.dma_semaphore, #tpu.memory_space<semaphore_mem>>
      %dma_start3A_83 = arith.constant 40 : i32
      %dma_start3A_84 = arith.constant 0 : i32
      %dma_start3A_85 = tpu.memref_slice %arg3[%run_scoped3A_39, %add3A, %dma_start3A_83, %dma_start3A_84] : memref<2x32x80x128xi32, #tpu.memory_space<hbm>> -> memref<1x1x40x128xi32, #tpu.memory_space<hbm>>
      %dma_start3A_86 = tpu.memref_squeeze %dma_start3A_85 : memref<1x1x40x128xi32, #tpu.memory_space<hbm>> -> memref<40x128xi32, #tpu.memory_space<hbm>>
      %dma_start3A_87 = arith.constant 40 : i32
      %dma_start3A_88 = arith.constant 0 : i32
      %dma_start3A_89 = tpu.memref_slice %arg3[%run_scoped3A_39, %add3A, %dma_start3A_87, %dma_start3A_88] : memref<2x32x80x128xi32, #tpu.memory_space<hbm>> -> memref<1x1x40x128xi32, #tpu.memory_space<hbm>>
      %dma_start3A_90 = tpu.memref_squeeze %dma_start3A_89 : memref<1x1x40x128xi32, #tpu.memory_space<hbm>> -> memref<40x128xi32, #tpu.memory_space<hbm>>
      tpu.enqueue_dma source(%dma_start3A_90 : memref<40x128xi32, #tpu.memory_space<hbm>>) target(%arg7 : memref<40x128xi32, #tpu.memory_space<vmem>>) target_semaphore(%run_scoped3A_82 : memref<!tpu.dma_semaphore, #tpu.memory_space<semaphore_mem>>)
      %dma_wait3A_91 = arith.constant 40 : i32
      %dma_wait3A_92 = arith.constant 0 : i32
      %dma_wait3A_93 = tpu.memref_slice %arg3[%run_scoped3A_39, %add3A, %dma_wait3A_91, %dma_wait3A_92] : memref<2x32x80x128xi32, #tpu.memory_space<hbm>> -> memref<1x1x40x128xi32, #tpu.memory_space<hbm>>
      %dma_wait3A_94 = tpu.memref_squeeze %dma_wait3A_93 : memref<1x1x40x128xi32, #tpu.memory_space<hbm>> -> memref<40x128xi32, #tpu.memory_space<hbm>>
      %dma_wait3A_95 = arith.constant 40 : i32
      %dma_wait3A_96 = arith.constant 0 : i32
      %dma_wait3A_97 = tpu.memref_slice %arg3[%run_scoped3A_39, %add3A, %dma_wait3A_95, %dma_wait3A_96] : memref<2x32x80x128xi32, #tpu.memory_space<hbm>> -> memref<1x1x40x128xi32, #tpu.memory_space<hbm>>
      %dma_wait3A_98 = tpu.memref_squeeze %dma_wait3A_97 : memref<1x1x40x128xi32, #tpu.memory_space<hbm>> -> memref<40x128xi32, #tpu.memory_space<hbm>>
      tpu.wait_dma2 semaphore(%run_scoped3A_82 : memref<!tpu.dma_semaphore, #tpu.memory_space<semaphore_mem>>) src(%dma_wait3A_98 : memref<40x128xi32, #tpu.memory_space<hbm>>) dst(%arg7 : memref<40x128xi32, #tpu.memory_space<vmem>>)
      tpu.yield
    }) : () -> ()
    %run_scoped3A_40 = arith.constant 1 : i32
    "tpu.region"() ({
      %run_scoped3A_82 = tpu.sem_alloc : memref<!tpu.dma_semaphore, #tpu.memory_space<semaphore_mem>>
      %dma_start3A_83 = arith.constant 40 : i32
      %dma_start3A_84 = arith.constant 0 : i32
      %dma_start3A_85 = tpu.memref_slice %arg3[%run_scoped3A_40, %add3A, %dma_start3A_83, %dma_start3A_84] : memref<2x32x80x128xi32, #tpu.memory_space<hbm>> -> memref<1x1x40x128xi32, #tpu.memory_space<hbm>>
      %dma_start3A_86 = tpu.memref_squeeze %dma_start3A_85 : memref<1x1x40x128xi32, #tpu.memory_space<hbm>> -> memref<40x128xi32, #tpu.memory_space<hbm>>
      %dma_start3A_87 = arith.constant 40 : i32
      %dma_start3A_88 = arith.constant 0 : i32
      %dma_start3A_89 = tpu.memref_slice %arg3[%run_scoped3A_40, %add3A, %dma_start3A_87, %dma_start3A_88] : memref<2x32x80x128xi32, #tpu.memory_space<hbm>> -> memref<1x1x40x128xi32, #tpu.memory_space<hbm>>
      %dma_start3A_90 = tpu.memref_squeeze %dma_start3A_89 : memref<1x1x40x128xi32, #tpu.memory_space<hbm>> -> memref<40x128xi32, #tpu.memory_space<hbm>>
      tpu.enqueue_dma source(%dma_start3A_90 : memref<40x128xi32, #tpu.memory_space<hbm>>) target(%arg8 : memref<40x128xi32, #tpu.memory_space<vmem>>) target_semaphore(%run_scoped3A_82 : memref<!tpu.dma_semaphore, #tpu.memory_space<semaphore_mem>>)
      %dma_wait3A_91 = arith.constant 40 : i32
      %dma_wait3A_92 = arith.constant 0 : i32
      %dma_wait3A_93 = tpu.memref_slice %arg3[%run_scoped3A_40, %add3A, %dma_wait3A_91, %dma_wait3A_92] : memref<2x32x80x128xi32, #tpu.memory_space<hbm>> -> memref<1x1x40x128xi32, #tpu.memory_space<hbm>>
      %dma_wait3A_94 = tpu.memref_squeeze %dma_wait3A_93 : memref<1x1x40x128xi32, #tpu.memory_space<hbm>> -> memref<40x128xi32, #tpu.memory_space<hbm>>
      %dma_wait3A_95 = arith.constant 40 : i32
      %dma_wait3A_96 = arith.constant 0 : i32
      %dma_wait3A_97 = tpu.memref_slice %arg3[%run_scoped3A_40, %add3A, %dma_wait3A_95, %dma_wait3A_96] : memref<2x32x80x128xi32, #tpu.memory_space<hbm>> -> memref<1x1x40x128xi32, #tpu.memory_space<hbm>>
      %dma_wait3A_98 = tpu.memref_squeeze %dma_wait3A_97 : memref<1x1x40x128xi32, #tpu.memory_space<hbm>> -> memref<40x128xi32, #tpu.memory_space<hbm>>
      tpu.wait_dma2 semaphore(%run_scoped3A_82 : memref<!tpu.dma_semaphore, #tpu.memory_space<semaphore_mem>>) src(%dma_wait3A_98 : memref<40x128xi32, #tpu.memory_space<hbm>>) dst(%arg8 : memref<40x128xi32, #tpu.memory_space<vmem>>)
      tpu.yield
    }) : () -> ()
    %dma_start3A_41 = arith.constant 0 : i32
    %dma_start3A_42 = arith.constant 0 : i32
    %dma_start3A_43 = tpu.memref_slice %arg7[%dma_start3A_41, %dma_start3A_42] : memref<40x128xi32, #tpu.memory_space<vmem>> -> memref<1x128xi32, #tpu.memory_space<vmem>>
    %dma_start3A_44 = tpu.memref_squeeze %dma_start3A_43 : memref<1x128xi32, #tpu.memory_space<vmem>> -> memref<128xi32, #tpu.memory_space<vmem>>
    %dma_start3A_45 = arith.constant 0 : i32
    %dma_start3A_46 = arith.constant 0 : i32
    %dma_start3A_47 = tpu.memref_slice %arg2[%dma_start3A_45, %dma_start3A_46] : memref<10112x128xf32, #tpu.memory_space<hbm>> -> memref<10112x128xf32, #tpu.memory_space<hbm>>
    tpu.enqueue_indirect_dma source(%dma_start3A_47 : memref<10112x128xf32, #tpu.memory_space<hbm>>) target(%arg9 : memref<128x128xf32, #tpu.memory_space<vmem>>) offsets(%dma_start3A_44 : memref<128xi32, #tpu.memory_space<vmem>>) semaphore(%arg11 : memref<!tpu.dma_semaphore, #tpu.memory_space<semaphore_mem>>)
    %dma_start3A_48 = arith.constant 1 : i32
    %dma_start3A_49 = arith.constant 0 : i32
    %dma_start3A_50 = tpu.memref_slice %arg7[%dma_start3A_48, %dma_start3A_49] : memref<40x128xi32, #tpu.memory_space<vmem>> -> memref<1x128xi32, #tpu.memory_space<vmem>>
    %dma_start3A_51 = tpu.memref_squeeze %dma_start3A_50 : memref<1x128xi32, #tpu.memory_space<vmem>> -> memref<128xi32, #tpu.memory_space<vmem>>
    %dma_start3A_52 = arith.constant 0 : i32
    %dma_start3A_53 = arith.constant 0 : i32
    %dma_start3A_54 = tpu.memref_slice %arg2[%dma_start3A_52, %dma_start3A_53] : memref<10112x128xf32, #tpu.memory_space<hbm>> -> memref<10112x128xf32, #tpu.memory_space<hbm>>
    tpu.enqueue_indirect_dma source(%dma_start3A_54 : memref<10112x128xf32, #tpu.memory_space<hbm>>) target(%arg10 : memref<128x128xf32, #tpu.memory_space<vmem>>) offsets(%dma_start3A_51 : memref<128xi32, #tpu.memory_space<vmem>>) semaphore(%arg12 : memref<!tpu.dma_semaphore, #tpu.memory_space<semaphore_mem>>)
    %scan3A_55 = arith.constant 0 : i32
    %scan3A_56 = arith.constant 0 : i32
    %scan3A_57 = arith.constant 19 : i32
    %scan3A_58 = arith.addi %scan3A_56, %scan3A_57 : i32
    %scan3A_59 = arith.constant 1 : i32
    scf.for %scan3A_82 = %scan3A_56 to %scan3A_58 step %scan3A_59  : i32 {
      %mul3A_83 = arith.constant 2 : i32
      %mul3A_84 = arith.muli %scan3A_82, %mul3A_83 : i32
      %add3A_85 = arith.constant 0 : i32
      %add3A_86 = arith.addi %mul3A_84, %add3A_85 : i32
      %dma_wait3A_87 = arith.constant 0 : i32
      %dma_wait3A_88 = tpu.memref_slice %arg7[%add3A_86, %dma_wait3A_87] : memref<40x128xi32, #tpu.memory_space<vmem>> -> memref<1x128xi32, #tpu.memory_space<vmem>>
      %dma_wait3A_89 = tpu.memref_squeeze %dma_wait3A_88 : memref<1x128xi32, #tpu.memory_space<vmem>> -> memref<128xi32, #tpu.memory_space<vmem>>
      %dma_wait3A_90 = arith.constant 0 : i32
      %dma_wait3A_91 = arith.constant 0 : i32
      %dma_wait3A_92 = tpu.memref_slice %arg2[%dma_wait3A_90, %dma_wait3A_91] : memref<10112x128xf32, #tpu.memory_space<hbm>> -> memref<10112x128xf32, #tpu.memory_space<hbm>>
      tpu.wait_indirect_dma semaphore(%arg11 : memref<!tpu.dma_semaphore, #tpu.memory_space<semaphore_mem>>) src(%dma_wait3A_92 : memref<10112x128xf32, #tpu.memory_space<hbm>>) dst(%arg9 : memref<128x128xf32, #tpu.memory_space<vmem>>)
      "tpu.region"() ({
        %run_scoped3A_119 = tpu.sem_alloc : memref<!tpu.dma_semaphore, #tpu.memory_space<semaphore_mem>>
        %dma_start3A_120 = arith.constant 0 : i32
        %dma_start3A_121 = tpu.memref_slice %arg8[%add3A_86, %dma_start3A_120] : memref<40x128xi32, #tpu.memory_space<vmem>> -> memref<1x128xi32, #tpu.memory_space<vmem>>
        %dma_start3A_122 = tpu.memref_squeeze %dma_start3A_121 : memref<1x128xi32, #tpu.memory_space<vmem>> -> memref<128xi32, #tpu.memory_space<vmem>>
        %dma_start3A_123 = arith.constant 0 : i32
        %dma_start3A_124 = arith.constant 0 : i32
        %dma_start3A_125 = tpu.memref_slice %arg6[%dma_start3A_123, %dma_start3A_124] : memref<10112x128xf32, #tpu.memory_space<vmem_shared>> -> memref<10112x128xf32, #tpu.memory_space<vmem_shared>>
        tpu.enqueue_indirect_dma source(%arg9 : memref<128x128xf32, #tpu.memory_space<vmem>>) target(%dma_start3A_125 : memref<10112x128xf32, #tpu.memory_space<vmem_shared>>) offsets(%dma_start3A_122 : memref<128xi32, #tpu.memory_space<vmem>>) semaphore(%run_scoped3A_119 : memref<!tpu.dma_semaphore, #tpu.memory_space<semaphore_mem>>) {add = true}
        %dma_wait3A_126 = arith.constant 0 : i32
        %dma_wait3A_127 = tpu.memref_slice %arg8[%add3A_86, %dma_wait3A_126] : memref<40x128xi32, #tpu.memory_space<vmem>> -> memref<1x128xi32, #tpu.memory_space<vmem>>
        %dma_wait3A_128 = tpu.memref_squeeze %dma_wait3A_127 : memref<1x128xi32, #tpu.memory_space<vmem>> -> memref<128xi32, #tpu.memory_space<vmem>>
        %dma_wait3A_129 = arith.constant 0 : i32
        %dma_wait3A_130 = arith.constant 0 : i32
        %dma_wait3A_131 = tpu.memref_slice %arg6[%dma_wait3A_129, %dma_wait3A_130] : memref<10112x128xf32, #tpu.memory_space<vmem_shared>> -> memref<10112x128xf32, #tpu.memory_space<vmem_shared>>
        tpu.wait_indirect_dma semaphore(%run_scoped3A_119 : memref<!tpu.dma_semaphore, #tpu.memory_space<semaphore_mem>>) src(%arg9 : memref<128x128xf32, #tpu.memory_space<vmem>>) dst(%dma_wait3A_131 : memref<10112x128xf32, #tpu.memory_space<vmem_shared>>)
        tpu.yield
      }) : () -> ()
      %add3A_93 = arith.constant 2 : i32
      %add3A_94 = arith.addi %add3A_86, %add3A_93 : i32
      %dma_start3A_95 = arith.constant 0 : i32
      %dma_start3A_96 = tpu.memref_slice %arg7[%add3A_94, %dma_start3A_95] : memref<40x128xi32, #tpu.memory_space<vmem>> -> memref<1x128xi32, #tpu.memory_space<vmem>>
      %dma_start3A_97 = tpu.memref_squeeze %dma_start3A_96 : memref<1x128xi32, #tpu.memory_space<vmem>> -> memref<128xi32, #tpu.memory_space<vmem>>
      %dma_start3A_98 = arith.constant 0 : i32
      %dma_start3A_99 = arith.constant 0 : i32
      %dma_start3A_100 = tpu.memref_slice %arg2[%dma_start3A_98, %dma_start3A_99] : memref<10112x128xf32, #tpu.memory_space<hbm>> -> memref<10112x128xf32, #tpu.memory_space<hbm>>
      tpu.enqueue_indirect_dma source(%dma_start3A_100 : memref<10112x128xf32, #tpu.memory_space<hbm>>) target(%arg9 : memref<128x128xf32, #tpu.memory_space<vmem>>) offsets(%dma_start3A_97 : memref<128xi32, #tpu.memory_space<vmem>>) semaphore(%arg11 : memref<!tpu.dma_semaphore, #tpu.memory_space<semaphore_mem>>)
      %mul3A_101 = arith.constant 2 : i32
      %mul3A_102 = arith.muli %scan3A_82, %mul3A_101 : i32
      %add3A_103 = arith.constant 1 : i32
      %add3A_104 = arith.addi %mul3A_102, %add3A_103 : i32
      %dma_wait3A_105 = arith.constant 0 : i32
      %dma_wait3A_106 = tpu.memref_slice %arg7[%add3A_104, %dma_wait3A_105] : memref<40x128xi32, #tpu.memory_space<vmem>> -> memref<1x128xi32, #tpu.memory_space<vmem>>
      %dma_wait3A_107 = tpu.memref_squeeze %dma_wait3A_106 : memref<1x128xi32, #tpu.memory_space<vmem>> -> memref<128xi32, #tpu.memory_space<vmem>>
      %dma_wait3A_108 = arith.constant 0 : i32
      %dma_wait3A_109 = arith.constant 0 : i32
      %dma_wait3A_110 = tpu.memref_slice %arg2[%dma_wait3A_108, %dma_wait3A_109] : memref<10112x128xf32, #tpu.memory_space<hbm>> -> memref<10112x128xf32, #tpu.memory_space<hbm>>
      tpu.wait_indirect_dma semaphore(%arg12 : memref<!tpu.dma_semaphore, #tpu.memory_space<semaphore_mem>>) src(%dma_wait3A_110 : memref<10112x128xf32, #tpu.memory_space<hbm>>) dst(%arg10 : memref<128x128xf32, #tpu.memory_space<vmem>>)
      "tpu.region"() ({
        %run_scoped3A_119 = tpu.sem_alloc : memref<!tpu.dma_semaphore, #tpu.memory_space<semaphore_mem>>
        %dma_start3A_120 = arith.constant 0 : i32
        %dma_start3A_121 = tpu.memref_slice %arg8[%add3A_104, %dma_start3A_120] : memref<40x128xi32, #tpu.memory_space<vmem>> -> memref<1x128xi32, #tpu.memory_space<vmem>>
        %dma_start3A_122 = tpu.memref_squeeze %dma_start3A_121 : memref<1x128xi32, #tpu.memory_space<vmem>> -> memref<128xi32, #tpu.memory_space<vmem>>
        %dma_start3A_123 = arith.constant 0 : i32
        %dma_start3A_124 = arith.constant 0 : i32
        %dma_start3A_125 = tpu.memref_slice %arg6[%dma_start3A_123, %dma_start3A_124] : memref<10112x128xf32, #tpu.memory_space<vmem_shared>> -> memref<10112x128xf32, #tpu.memory_space<vmem_shared>>
        tpu.enqueue_indirect_dma source(%arg10 : memref<128x128xf32, #tpu.memory_space<vmem>>) target(%dma_start3A_125 : memref<10112x128xf32, #tpu.memory_space<vmem_shared>>) offsets(%dma_start3A_122 : memref<128xi32, #tpu.memory_space<vmem>>) semaphore(%run_scoped3A_119 : memref<!tpu.dma_semaphore, #tpu.memory_space<semaphore_mem>>) {add = true}
        %dma_wait3A_126 = arith.constant 0 : i32
        %dma_wait3A_127 = tpu.memref_slice %arg8[%add3A_104, %dma_wait3A_126] : memref<40x128xi32, #tpu.memory_space<vmem>> -> memref<1x128xi32, #tpu.memory_space<vmem>>
        %dma_wait3A_128 = tpu.memref_squeeze %dma_wait3A_127 : memref<1x128xi32, #tpu.memory_space<vmem>> -> memref<128xi32, #tpu.memory_space<vmem>>
        %dma_wait3A_129 = arith.constant 0 : i32
        %dma_wait3A_130 = arith.constant 0 : i32
        %dma_wait3A_131 = tpu.memref_slice %arg6[%dma_wait3A_129, %dma_wait3A_130] : memref<10112x128xf32, #tpu.memory_space<vmem_shared>> -> memref<10112x128xf32, #tpu.memory_space<vmem_shared>>
        tpu.wait_indirect_dma semaphore(%run_scoped3A_119 : memref<!tpu.dma_semaphore, #tpu.memory_space<semaphore_mem>>) src(%arg10 : memref<128x128xf32, #tpu.memory_space<vmem>>) dst(%dma_wait3A_131 : memref<10112x128xf32, #tpu.memory_space<vmem_shared>>)
        tpu.yield
      }) : () -> ()
      %add3A_111 = arith.constant 2 : i32
      %add3A_112 = arith.addi %add3A_104, %add3A_111 : i32
      %dma_start3A_113 = arith.constant 0 : i32
      %dma_start3A_114 = tpu.memref_slice %arg7[%add3A_112, %dma_start3A_113] : memref<40x128xi32, #tpu.memory_space<vmem>> -> memref<1x128xi32, #tpu.memory_space<vmem>>
      %dma_start3A_115 = tpu.memref_squeeze %dma_start3A_114 : memref<1x128xi32, #tpu.memory_space<vmem>> -> memref<128xi32, #tpu.memory_space<vmem>>
      %dma_start3A_116 = arith.constant 0 : i32
      %dma_start3A_117 = arith.constant 0 : i32
      %dma_start3A_118 = tpu.memref_slice %arg2[%dma_start3A_116, %dma_start3A_117] : memref<10112x128xf32, #tpu.memory_space<hbm>> -> memref<10112x128xf32, #tpu.memory_space<hbm>>
      tpu.enqueue_indirect_dma source(%dma_start3A_118 : memref<10112x128xf32, #tpu.memory_space<hbm>>) target(%arg10 : memref<128x128xf32, #tpu.memory_space<vmem>>) offsets(%dma_start3A_115 : memref<128xi32, #tpu.memory_space<vmem>>) semaphore(%arg12 : memref<!tpu.dma_semaphore, #tpu.memory_space<semaphore_mem>>)
    }
    %scan3A_60 = arith.constant 19 : i32
    %dma_wait3A_61 = arith.constant 38 : i32
    %dma_wait3A_62 = arith.constant 0 : i32
    %dma_wait3A_63 = tpu.memref_slice %arg7[%dma_wait3A_61, %dma_wait3A_62] : memref<40x128xi32, #tpu.memory_space<vmem>> -> memref<1x128xi32, #tpu.memory_space<vmem>>
    %dma_wait3A_64 = tpu.memref_squeeze %dma_wait3A_63 : memref<1x128xi32, #tpu.memory_space<vmem>> -> memref<128xi32, #tpu.memory_space<vmem>>
    %dma_wait3A_65 = arith.constant 0 : i32
    %dma_wait3A_66 = arith.constant 0 : i32
    %dma_wait3A_67 = tpu.memref_slice %arg2[%dma_wait3A_65, %dma_wait3A_66] : memref<10112x128xf32, #tpu.memory_space<hbm>> -> memref<10112x128xf32, #tpu.memory_space<hbm>>
    tpu.wait_indirect_dma semaphore(%arg11 : memref<!tpu.dma_semaphore, #tpu.memory_space<semaphore_mem>>) src(%dma_wait3A_67 : memref<10112x128xf32, #tpu.memory_space<hbm>>) dst(%arg9 : memref<128x128xf32, #tpu.memory_space<vmem>>)
    %run_scoped3A_68 = arith.constant 38 : i32
    "tpu.region"() ({
      %run_scoped3A_82 = tpu.sem_alloc : memref<!tpu.dma_semaphore, #tpu.memory_space<semaphore_mem>>
      %dma_start3A_83 = arith.constant 0 : i32
      %dma_start3A_84 = tpu.memref_slice %arg8[%run_scoped3A_68, %dma_start3A_83] : memref<40x128xi32, #tpu.memory_space<vmem>> -> memref<1x128xi32, #tpu.memory_space<vmem>>
      %dma_start3A_85 = tpu.memref_squeeze %dma_start3A_84 : memref<1x128xi32, #tpu.memory_space<vmem>> -> memref<128xi32, #tpu.memory_space<vmem>>
      %dma_start3A_86 = arith.constant 0 : i32
      %dma_start3A_87 = arith.constant 0 : i32
      %dma_start3A_88 = tpu.memref_slice %arg6[%dma_start3A_86, %dma_start3A_87] : memref<10112x128xf32, #tpu.memory_space<vmem_shared>> -> memref<10112x128xf32, #tpu.memory_space<vmem_shared>>
      tpu.enqueue_indirect_dma source(%arg9 : memref<128x128xf32, #tpu.memory_space<vmem>>) target(%dma_start3A_88 : memref<10112x128xf32, #tpu.memory_space<vmem_shared>>) offsets(%dma_start3A_85 : memref<128xi32, #tpu.memory_space<vmem>>) semaphore(%run_scoped3A_82 : memref<!tpu.dma_semaphore, #tpu.memory_space<semaphore_mem>>) {add = true}
      %dma_wait3A_89 = arith.constant 0 : i32
      %dma_wait3A_90 = tpu.memref_slice %arg8[%run_scoped3A_68, %dma_wait3A_89] : memref<40x128xi32, #tpu.memory_space<vmem>> -> memref<1x128xi32, #tpu.memory_space<vmem>>
      %dma_wait3A_91 = tpu.memref_squeeze %dma_wait3A_90 : memref<1x128xi32, #tpu.memory_space<vmem>> -> memref<128xi32, #tpu.memory_space<vmem>>
      %dma_wait3A_92 = arith.constant 0 : i32
      %dma_wait3A_93 = arith.constant 0 : i32
      %dma_wait3A_94 = tpu.memref_slice %arg6[%dma_wait3A_92, %dma_wait3A_93] : memref<10112x128xf32, #tpu.memory_space<vmem_shared>> -> memref<10112x128xf32, #tpu.memory_space<vmem_shared>>
      tpu.wait_indirect_dma semaphore(%run_scoped3A_82 : memref<!tpu.dma_semaphore, #tpu.memory_space<semaphore_mem>>) src(%arg9 : memref<128x128xf32, #tpu.memory_space<vmem>>) dst(%dma_wait3A_94 : memref<10112x128xf32, #tpu.memory_space<vmem_shared>>)
      tpu.yield
    }) : () -> ()
    %dma_wait3A_69 = arith.constant 39 : i32
    %dma_wait3A_70 = arith.constant 0 : i32
    %dma_wait3A_71 = tpu.memref_slice %arg7[%dma_wait3A_69, %dma_wait3A_70] : memref<40x128xi32, #tpu.memory_space<vmem>> -> memref<1x128xi32, #tpu.memory_space<vmem>>
    %dma_wait3A_72 = tpu.memref_squeeze %dma_wait3A_71 : memref<1x128xi32, #tpu.memory_space<vmem>> -> memref<128xi32, #tpu.memory_space<vmem>>
    %dma_wait3A_73 = arith.constant 0 : i32
    %dma_wait3A_74 = arith.constant 0 : i32
    %dma_wait3A_75 = tpu.memref_slice %arg2[%dma_wait3A_73, %dma_wait3A_74] : memref<10112x128xf32, #tpu.memory_space<hbm>> -> memref<10112x128xf32, #tpu.memory_space<hbm>>
    tpu.wait_indirect_dma semaphore(%arg12 : memref<!tpu.dma_semaphore, #tpu.memory_space<semaphore_mem>>) src(%dma_wait3A_75 : memref<10112x128xf32, #tpu.memory_space<hbm>>) dst(%arg10 : memref<128x128xf32, #tpu.memory_space<vmem>>)
    %run_scoped3A_76 = arith.constant 39 : i32
    "tpu.region"() ({
      %run_scoped3A_82 = tpu.sem_alloc : memref<!tpu.dma_semaphore, #tpu.memory_space<semaphore_mem>>
      %dma_start3A_83 = arith.constant 0 : i32
      %dma_start3A_84 = tpu.memref_slice %arg8[%run_scoped3A_76, %dma_start3A_83] : memref<40x128xi32, #tpu.memory_space<vmem>> -> memref<1x128xi32, #tpu.memory_space<vmem>>
      %dma_start3A_85 = tpu.memref_squeeze %dma_start3A_84 : memref<1x128xi32, #tpu.memory_space<vmem>> -> memref<128xi32, #tpu.memory_space<vmem>>
      %dma_start3A_86 = arith.constant 0 : i32
      %dma_start3A_87 = arith.constant 0 : i32
      %dma_start3A_88 = tpu.memref_slice %arg6[%dma_start3A_86, %dma_start3A_87] : memref<10112x128xf32, #tpu.memory_space<vmem_shared>> -> memref<10112x128xf32, #tpu.memory_space<vmem_shared>>
      tpu.enqueue_indirect_dma source(%arg10 : memref<128x128xf32, #tpu.memory_space<vmem>>) target(%dma_start3A_88 : memref<10112x128xf32, #tpu.memory_space<vmem_shared>>) offsets(%dma_start3A_85 : memref<128xi32, #tpu.memory_space<vmem>>) semaphore(%run_scoped3A_82 : memref<!tpu.dma_semaphore, #tpu.memory_space<semaphore_mem>>) {add = true}
      %dma_wait3A_89 = arith.constant 0 : i32
      %dma_wait3A_90 = tpu.memref_slice %arg8[%run_scoped3A_76, %dma_wait3A_89] : memref<40x128xi32, #tpu.memory_space<vmem>> -> memref<1x128xi32, #tpu.memory_space<vmem>>
      %dma_wait3A_91 = tpu.memref_squeeze %dma_wait3A_90 : memref<1x128xi32, #tpu.memory_space<vmem>> -> memref<128xi32, #tpu.memory_space<vmem>>
      %dma_wait3A_92 = arith.constant 0 : i32
      %dma_wait3A_93 = arith.constant 0 : i32
      %dma_wait3A_94 = tpu.memref_slice %arg6[%dma_wait3A_92, %dma_wait3A_93] : memref<10112x128xf32, #tpu.memory_space<vmem_shared>> -> memref<10112x128xf32, #tpu.memory_space<vmem_shared>>
      tpu.wait_indirect_dma semaphore(%run_scoped3A_82 : memref<!tpu.dma_semaphore, #tpu.memory_space<semaphore_mem>>) src(%arg10 : memref<128x128xf32, #tpu.memory_space<vmem>>) dst(%dma_wait3A_94 : memref<10112x128xf32, #tpu.memory_space<vmem_shared>>)
      tpu.yield
    }) : () -> ()
    %barrier3A_77 = arith.constant 0 : index
    tpu.barrier barrier_id(%barrier3A_77)
    %mul3A_78 = arith.constant 632 : i32
    %mul3A_79 = arith.muli %arg1, %mul3A_78 : i32
    %mul3A_80 = arith.constant 632 : i32
    %mul3A_81 = arith.muli %arg1, %mul3A_80 : i32
    "tpu.region"() ({
      %run_scoped3A_82 = tpu.sem_alloc : memref<!tpu.dma_semaphore, #tpu.memory_space<semaphore_mem>>
      %dma_start3A_83 = arith.constant 0 : i32
      %dma_start3A_84 = tpu.memref_slice %arg5[%arg0, %mul3A_81, %dma_start3A_83] : memref<2x10112x128xf32, #tpu.memory_space<hbm>> -> memref<1x632x128xf32, #tpu.memory_space<hbm>>
      %dma_start3A_85 = tpu.memref_squeeze %dma_start3A_84 : memref<1x632x128xf32, #tpu.memory_space<hbm>> -> memref<632x128xf32, #tpu.memory_space<hbm>>
      %dma_start3A_86 = arith.constant 0 : i32
      %dma_start3A_87 = tpu.memref_slice %arg6[%mul3A_79, %dma_start3A_86] : memref<10112x128xf32, #tpu.memory_space<vmem_shared>> -> memref<632x128xf32, #tpu.memory_space<vmem_shared>>
      tpu.enqueue_dma source(%dma_start3A_87 : memref<632x128xf32, #tpu.memory_space<vmem_shared>>) target(%dma_start3A_85 : memref<632x128xf32, #tpu.memory_space<hbm>>) target_semaphore(%run_scoped3A_82 : memref<!tpu.dma_semaphore, #tpu.memory_space<semaphore_mem>>)
      %dma_wait3A_88 = arith.constant 0 : i32
      %dma_wait3A_89 = tpu.memref_slice %arg5[%arg0, %mul3A_81, %dma_wait3A_88] : memref<2x10112x128xf32, #tpu.memory_space<hbm>> -> memref<1x632x128xf32, #tpu.memory_space<hbm>>
      %dma_wait3A_90 = tpu.memref_squeeze %dma_wait3A_89 : memref<1x632x128xf32, #tpu.memory_space<hbm>> -> memref<632x128xf32, #tpu.memory_space<hbm>>
      %dma_wait3A_91 = arith.constant 0 : i32
      %dma_wait3A_92 = tpu.memref_slice %arg6[%mul3A_79, %dma_wait3A_91] : memref<10112x128xf32, #tpu.memory_space<vmem_shared>> -> memref<632x128xf32, #tpu.memory_space<vmem_shared>>
      tpu.wait_dma2 semaphore(%run_scoped3A_82 : memref<!tpu.dma_semaphore, #tpu.memory_space<semaphore_mem>>) src(%dma_wait3A_92 : memref<632x128xf32, #tpu.memory_space<vmem_shared>>) dst(%dma_wait3A_90 : memref<632x128xf32, #tpu.memory_space<hbm>>)
      tpu.yield
    }) : () -> ()
    return
  }
}

#map = affine_map<(d0, d1) -> (0, 0, 0, 0)>
#map1 = affine_map<(d0, d1) -> (0)>
module attributes {stable_mosaic.version = 14 : i64} {
  func.func @_sc_degree(%arg0: i32, %arg1: i32, %arg2: memref<2x32x80x128xi32, #tpu.memory_space<hbm>>, %arg3: memref<128xf32, #tpu.memory_space<hbm>>, %arg4: memref<128xf32, #tpu.memory_space<hbm>>, %arg5: memref<20224xf32, #tpu.memory_space<hbm>>, %arg6: memref<10112xf32, #tpu.memory_space<vmem_shared>>, %arg7: memref<80x128xi32, #tpu.memory_space<vmem>>, %arg8: memref<128xf32, #tpu.memory_space<vmem>>, %arg9: memref<128xf32, #tpu.memory_space<vmem>>, %arg10: memref<!tpu.dma_semaphore, #tpu.memory_space<semaphore_mem>>) attributes {dimension_semantics = [#tpu.dimension_semantics<core_parallel>, #tpu.dimension_semantics<subcore_parallel>], iteration_bounds = array<i64: 2, 16>, scalar_prefetch = 0 : i64, scratch_operands = 5 : i64, tpu.core_type = #tpu.core_type<sc_vector_subcore>, window_params = [{transform_indices = #map}, {transform_indices = #map1}, {transform_indices = #map1}, {transform_indices = #map1}]} {
    %mul3A = arith.constant 16 : i32
    %mul3A_0 = arith.muli %arg0, %mul3A : i32
    %add3A = arith.addi %mul3A_0, %arg1 : i32
    "tpu.region"() ({
      %run_scoped3A_74 = tpu.sem_alloc : memref<!tpu.dma_semaphore, #tpu.memory_space<semaphore_mem>>
      tpu.enqueue_dma source(%arg4 : memref<128xf32, #tpu.memory_space<hbm>>) target(%arg9 : memref<128xf32, #tpu.memory_space<vmem>>) target_semaphore(%run_scoped3A_74 : memref<!tpu.dma_semaphore, #tpu.memory_space<semaphore_mem>>)
      tpu.wait_dma2 semaphore(%run_scoped3A_74 : memref<!tpu.dma_semaphore, #tpu.memory_space<semaphore_mem>>) src(%arg4 : memref<128xf32, #tpu.memory_space<hbm>>) dst(%arg9 : memref<128xf32, #tpu.memory_space<vmem>>)
      tpu.yield
    }) : () -> ()
    %run_scoped3A = arith.constant 1 : i32
    "tpu.region"() ({
      %run_scoped3A_74 = tpu.sem_alloc : memref<!tpu.dma_semaphore, #tpu.memory_space<semaphore_mem>>
      %dma_start3A = arith.constant 0 : i32
      %dma_start3A_75 = arith.constant 0 : i32
      %dma_start3A_76 = tpu.memref_slice %arg2[%run_scoped3A, %add3A, %dma_start3A, %dma_start3A_75] : memref<2x32x80x128xi32, #tpu.memory_space<hbm>> -> memref<1x1x80x128xi32, #tpu.memory_space<hbm>>
      %dma_start3A_77 = tpu.memref_squeeze %dma_start3A_76 : memref<1x1x80x128xi32, #tpu.memory_space<hbm>> -> memref<80x128xi32, #tpu.memory_space<hbm>>
      %dma_start3A_78 = arith.constant 0 : i32
      %dma_start3A_79 = arith.constant 0 : i32
      %dma_start3A_80 = tpu.memref_slice %arg2[%run_scoped3A, %add3A, %dma_start3A_78, %dma_start3A_79] : memref<2x32x80x128xi32, #tpu.memory_space<hbm>> -> memref<1x1x80x128xi32, #tpu.memory_space<hbm>>
      %dma_start3A_81 = tpu.memref_squeeze %dma_start3A_80 : memref<1x1x80x128xi32, #tpu.memory_space<hbm>> -> memref<80x128xi32, #tpu.memory_space<hbm>>
      tpu.enqueue_dma source(%dma_start3A_81 : memref<80x128xi32, #tpu.memory_space<hbm>>) target(%arg7 : memref<80x128xi32, #tpu.memory_space<vmem>>) target_semaphore(%run_scoped3A_74 : memref<!tpu.dma_semaphore, #tpu.memory_space<semaphore_mem>>)
      %dma_wait3A = arith.constant 0 : i32
      %dma_wait3A_82 = arith.constant 0 : i32
      %dma_wait3A_83 = tpu.memref_slice %arg2[%run_scoped3A, %add3A, %dma_wait3A, %dma_wait3A_82] : memref<2x32x80x128xi32, #tpu.memory_space<hbm>> -> memref<1x1x80x128xi32, #tpu.memory_space<hbm>>
      %dma_wait3A_84 = tpu.memref_squeeze %dma_wait3A_83 : memref<1x1x80x128xi32, #tpu.memory_space<hbm>> -> memref<80x128xi32, #tpu.memory_space<hbm>>
      %dma_wait3A_85 = arith.constant 0 : i32
      %dma_wait3A_86 = arith.constant 0 : i32
      %dma_wait3A_87 = tpu.memref_slice %arg2[%run_scoped3A, %add3A, %dma_wait3A_85, %dma_wait3A_86] : memref<2x32x80x128xi32, #tpu.memory_space<hbm>> -> memref<1x1x80x128xi32, #tpu.memory_space<hbm>>
      %dma_wait3A_88 = tpu.memref_squeeze %dma_wait3A_87 : memref<1x1x80x128xi32, #tpu.memory_space<hbm>> -> memref<80x128xi32, #tpu.memory_space<hbm>>
      tpu.wait_dma2 semaphore(%run_scoped3A_74 : memref<!tpu.dma_semaphore, #tpu.memory_space<semaphore_mem>>) src(%dma_wait3A_88 : memref<80x128xi32, #tpu.memory_space<hbm>>) dst(%arg7 : memref<80x128xi32, #tpu.memory_space<vmem>>)
      tpu.yield
    }) : () -> ()
    "tpu.region"() ({
      %run_scoped3A_74 = tpu.sem_alloc : memref<!tpu.dma_semaphore, #tpu.memory_space<semaphore_mem>>
      tpu.enqueue_dma source(%arg3 : memref<128xf32, #tpu.memory_space<hbm>>) target(%arg8 : memref<128xf32, #tpu.memory_space<vmem>>) target_semaphore(%run_scoped3A_74 : memref<!tpu.dma_semaphore, #tpu.memory_space<semaphore_mem>>)
      tpu.wait_dma2 semaphore(%run_scoped3A_74 : memref<!tpu.dma_semaphore, #tpu.memory_space<semaphore_mem>>) src(%arg3 : memref<128xf32, #tpu.memory_space<hbm>>) dst(%arg8 : memref<128xf32, #tpu.memory_space<vmem>>)
      tpu.yield
    }) : () -> ()
    %add3A_1 = arith.constant 0 : i32
    %add3A_2 = arith.addi %arg1, %add3A_1 : i32
    %lt3A = arith.constant 79 : i32
    %lt3A_3 = arith.cmpi slt, %add3A_2, %lt3A : i32
    %convert_element_type3A = arith.extui %lt3A_3 : i1 to i32
    %cond3A = arith.constant 0 : i32
    %cond3A_4 = arith.cmpi ne, %convert_element_type3A, %cond3A : i32
    scf.if %cond3A_4 {
      %mul3A_74 = arith.constant 128 : i32
      %mul3A_75 = arith.muli %add3A_2, %mul3A_74 : i32
      "tpu.region"() ({
        %run_scoped3A_76 = tpu.sem_alloc : memref<!tpu.dma_semaphore, #tpu.memory_space<semaphore_mem>>
        %dma_start3A = tpu.memref_slice %arg6[%mul3A_75] : memref<10112xf32, #tpu.memory_space<vmem_shared>> -> memref<128xf32, #tpu.memory_space<vmem_shared>>
        %dma_start3A_77 = tpu.memref_slice %arg6[%mul3A_75] : memref<10112xf32, #tpu.memory_space<vmem_shared>> -> memref<128xf32, #tpu.memory_space<vmem_shared>>
        tpu.enqueue_dma source(%arg9 : memref<128xf32, #tpu.memory_space<vmem>>) target(%dma_start3A_77 : memref<128xf32, #tpu.memory_space<vmem_shared>>) target_semaphore(%run_scoped3A_76 : memref<!tpu.dma_semaphore, #tpu.memory_space<semaphore_mem>>)
        %dma_wait3A = tpu.memref_slice %arg6[%mul3A_75] : memref<10112xf32, #tpu.memory_space<vmem_shared>> -> memref<128xf32, #tpu.memory_space<vmem_shared>>
        %dma_wait3A_78 = tpu.memref_slice %arg6[%mul3A_75] : memref<10112xf32, #tpu.memory_space<vmem_shared>> -> memref<128xf32, #tpu.memory_space<vmem_shared>>
        tpu.wait_dma2 semaphore(%run_scoped3A_76 : memref<!tpu.dma_semaphore, #tpu.memory_space<semaphore_mem>>) src(%arg9 : memref<128xf32, #tpu.memory_space<vmem>>) dst(%dma_wait3A_78 : memref<128xf32, #tpu.memory_space<vmem_shared>>)
        tpu.yield
      }) : () -> ()
    } else {
    }
    %add3A_5 = arith.constant 16 : i32
    %add3A_6 = arith.addi %arg1, %add3A_5 : i32
    %lt3A_7 = arith.constant 79 : i32
    %lt3A_8 = arith.cmpi slt, %add3A_6, %lt3A_7 : i32
    %convert_element_type3A_9 = arith.extui %lt3A_8 : i1 to i32
    %cond3A_10 = arith.constant 0 : i32
    %cond3A_11 = arith.cmpi ne, %convert_element_type3A_9, %cond3A_10 : i32
    scf.if %cond3A_11 {
      %mul3A_74 = arith.constant 128 : i32
      %mul3A_75 = arith.muli %add3A_6, %mul3A_74 : i32
      "tpu.region"() ({
        %run_scoped3A_76 = tpu.sem_alloc : memref<!tpu.dma_semaphore, #tpu.memory_space<semaphore_mem>>
        %dma_start3A = tpu.memref_slice %arg6[%mul3A_75] : memref<10112xf32, #tpu.memory_space<vmem_shared>> -> memref<128xf32, #tpu.memory_space<vmem_shared>>
        %dma_start3A_77 = tpu.memref_slice %arg6[%mul3A_75] : memref<10112xf32, #tpu.memory_space<vmem_shared>> -> memref<128xf32, #tpu.memory_space<vmem_shared>>
        tpu.enqueue_dma source(%arg9 : memref<128xf32, #tpu.memory_space<vmem>>) target(%dma_start3A_77 : memref<128xf32, #tpu.memory_space<vmem_shared>>) target_semaphore(%run_scoped3A_76 : memref<!tpu.dma_semaphore, #tpu.memory_space<semaphore_mem>>)
        %dma_wait3A = tpu.memref_slice %arg6[%mul3A_75] : memref<10112xf32, #tpu.memory_space<vmem_shared>> -> memref<128xf32, #tpu.memory_space<vmem_shared>>
        %dma_wait3A_78 = tpu.memref_slice %arg6[%mul3A_75] : memref<10112xf32, #tpu.memory_space<vmem_shared>> -> memref<128xf32, #tpu.memory_space<vmem_shared>>
        tpu.wait_dma2 semaphore(%run_scoped3A_76 : memref<!tpu.dma_semaphore, #tpu.memory_space<semaphore_mem>>) src(%arg9 : memref<128xf32, #tpu.memory_space<vmem>>) dst(%dma_wait3A_78 : memref<128xf32, #tpu.memory_space<vmem_shared>>)
        tpu.yield
      }) : () -> ()
    } else {
    }
    %add3A_12 = arith.constant 32 : i32
    %add3A_13 = arith.addi %arg1, %add3A_12 : i32
    %lt3A_14 = arith.constant 79 : i32
    %lt3A_15 = arith.cmpi slt, %add3A_13, %lt3A_14 : i32
    %convert_element_type3A_16 = arith.extui %lt3A_15 : i1 to i32
    %cond3A_17 = arith.constant 0 : i32
    %cond3A_18 = arith.cmpi ne, %convert_element_type3A_16, %cond3A_17 : i32
    scf.if %cond3A_18 {
      %mul3A_74 = arith.constant 128 : i32
      %mul3A_75 = arith.muli %add3A_13, %mul3A_74 : i32
      "tpu.region"() ({
        %run_scoped3A_76 = tpu.sem_alloc : memref<!tpu.dma_semaphore, #tpu.memory_space<semaphore_mem>>
        %dma_start3A = tpu.memref_slice %arg6[%mul3A_75] : memref<10112xf32, #tpu.memory_space<vmem_shared>> -> memref<128xf32, #tpu.memory_space<vmem_shared>>
        %dma_start3A_77 = tpu.memref_slice %arg6[%mul3A_75] : memref<10112xf32, #tpu.memory_space<vmem_shared>> -> memref<128xf32, #tpu.memory_space<vmem_shared>>
        tpu.enqueue_dma source(%arg9 : memref<128xf32, #tpu.memory_space<vmem>>) target(%dma_start3A_77 : memref<128xf32, #tpu.memory_space<vmem_shared>>) target_semaphore(%run_scoped3A_76 : memref<!tpu.dma_semaphore, #tpu.memory_space<semaphore_mem>>)
        %dma_wait3A = tpu.memref_slice %arg6[%mul3A_75] : memref<10112xf32, #tpu.memory_space<vmem_shared>> -> memref<128xf32, #tpu.memory_space<vmem_shared>>
        %dma_wait3A_78 = tpu.memref_slice %arg6[%mul3A_75] : memref<10112xf32, #tpu.memory_space<vmem_shared>> -> memref<128xf32, #tpu.memory_space<vmem_shared>>
        tpu.wait_dma2 semaphore(%run_scoped3A_76 : memref<!tpu.dma_semaphore, #tpu.memory_space<semaphore_mem>>) src(%arg9 : memref<128xf32, #tpu.memory_space<vmem>>) dst(%dma_wait3A_78 : memref<128xf32, #tpu.memory_space<vmem_shared>>)
        tpu.yield
      }) : () -> ()
    } else {
    }
    %add3A_19 = arith.constant 48 : i32
    %add3A_20 = arith.addi %arg1, %add3A_19 : i32
    %lt3A_21 = arith.constant 79 : i32
    %lt3A_22 = arith.cmpi slt, %add3A_20, %lt3A_21 : i32
    %convert_element_type3A_23 = arith.extui %lt3A_22 : i1 to i32
    %cond3A_24 = arith.constant 0 : i32
    %cond3A_25 = arith.cmpi ne, %convert_element_type3A_23, %cond3A_24 : i32
    scf.if %cond3A_25 {
      %mul3A_74 = arith.constant 128 : i32
      %mul3A_75 = arith.muli %add3A_20, %mul3A_74 : i32
      "tpu.region"() ({
        %run_scoped3A_76 = tpu.sem_alloc : memref<!tpu.dma_semaphore, #tpu.memory_space<semaphore_mem>>
        %dma_start3A = tpu.memref_slice %arg6[%mul3A_75] : memref<10112xf32, #tpu.memory_space<vmem_shared>> -> memref<128xf32, #tpu.memory_space<vmem_shared>>
        %dma_start3A_77 = tpu.memref_slice %arg6[%mul3A_75] : memref<10112xf32, #tpu.memory_space<vmem_shared>> -> memref<128xf32, #tpu.memory_space<vmem_shared>>
        tpu.enqueue_dma source(%arg9 : memref<128xf32, #tpu.memory_space<vmem>>) target(%dma_start3A_77 : memref<128xf32, #tpu.memory_space<vmem_shared>>) target_semaphore(%run_scoped3A_76 : memref<!tpu.dma_semaphore, #tpu.memory_space<semaphore_mem>>)
        %dma_wait3A = tpu.memref_slice %arg6[%mul3A_75] : memref<10112xf32, #tpu.memory_space<vmem_shared>> -> memref<128xf32, #tpu.memory_space<vmem_shared>>
        %dma_wait3A_78 = tpu.memref_slice %arg6[%mul3A_75] : memref<10112xf32, #tpu.memory_space<vmem_shared>> -> memref<128xf32, #tpu.memory_space<vmem_shared>>
        tpu.wait_dma2 semaphore(%run_scoped3A_76 : memref<!tpu.dma_semaphore, #tpu.memory_space<semaphore_mem>>) src(%arg9 : memref<128xf32, #tpu.memory_space<vmem>>) dst(%dma_wait3A_78 : memref<128xf32, #tpu.memory_space<vmem_shared>>)
        tpu.yield
      }) : () -> ()
    } else {
    }
    %add3A_26 = arith.constant 64 : i32
    %add3A_27 = arith.addi %arg1, %add3A_26 : i32
    %lt3A_28 = arith.constant 79 : i32
    %lt3A_29 = arith.cmpi slt, %add3A_27, %lt3A_28 : i32
    %convert_element_type3A_30 = arith.extui %lt3A_29 : i1 to i32
    %cond3A_31 = arith.constant 0 : i32
    %cond3A_32 = arith.cmpi ne, %convert_element_type3A_30, %cond3A_31 : i32
    scf.if %cond3A_32 {
      %mul3A_74 = arith.constant 128 : i32
      %mul3A_75 = arith.muli %add3A_27, %mul3A_74 : i32
      "tpu.region"() ({
        %run_scoped3A_76 = tpu.sem_alloc : memref<!tpu.dma_semaphore, #tpu.memory_space<semaphore_mem>>
        %dma_start3A = tpu.memref_slice %arg6[%mul3A_75] : memref<10112xf32, #tpu.memory_space<vmem_shared>> -> memref<128xf32, #tpu.memory_space<vmem_shared>>
        %dma_start3A_77 = tpu.memref_slice %arg6[%mul3A_75] : memref<10112xf32, #tpu.memory_space<vmem_shared>> -> memref<128xf32, #tpu.memory_space<vmem_shared>>
        tpu.enqueue_dma source(%arg9 : memref<128xf32, #tpu.memory_space<vmem>>) target(%dma_start3A_77 : memref<128xf32, #tpu.memory_space<vmem_shared>>) target_semaphore(%run_scoped3A_76 : memref<!tpu.dma_semaphore, #tpu.memory_space<semaphore_mem>>)
        %dma_wait3A = tpu.memref_slice %arg6[%mul3A_75] : memref<10112xf32, #tpu.memory_space<vmem_shared>> -> memref<128xf32, #tpu.memory_space<vmem_shared>>
        %dma_wait3A_78 = tpu.memref_slice %arg6[%mul3A_75] : memref<10112xf32, #tpu.memory_space<vmem_shared>> -> memref<128xf32, #tpu.memory_space<vmem_shared>>
        tpu.wait_dma2 semaphore(%run_scoped3A_76 : memref<!tpu.dma_semaphore, #tpu.memory_space<semaphore_mem>>) src(%arg9 : memref<128xf32, #tpu.memory_space<vmem>>) dst(%dma_wait3A_78 : memref<128xf32, #tpu.memory_space<vmem_shared>>)
        tpu.yield
      }) : () -> ()
    } else {
    }
    %barrier3A = arith.constant 0 : index
    tpu.barrier barrier_id(%barrier3A)
    %scan3A = arith.constant 0 : i32
    %scan3A_33 = arith.constant 0 : i32
    %scan3A_34 = arith.constant 80 : i32
    %scan3A_35 = arith.addi %scan3A_33, %scan3A_34 : i32
    %scan3A_36 = arith.constant 1 : i32
    scf.for %scan3A_74 = %scan3A_33 to %scan3A_35 step %scan3A_36  : i32 {
      "tpu.region"() ({
        %run_scoped3A_75 = tpu.sem_alloc : memref<!tpu.dma_semaphore, #tpu.memory_space<semaphore_mem>>
        %dma_start3A = arith.constant 0 : i32
        %dma_start3A_76 = tpu.memref_slice %arg7[%scan3A_74, %dma_start3A] : memref<80x128xi32, #tpu.memory_space<vmem>> -> memref<1x128xi32, #tpu.memory_space<vmem>>
        %dma_start3A_77 = tpu.memref_squeeze %dma_start3A_76 : memref<1x128xi32, #tpu.memory_space<vmem>> -> memref<128xi32, #tpu.memory_space<vmem>>
        %dma_start3A_78 = arith.constant 0 : i32
        %dma_start3A_79 = tpu.memref_slice %arg6[%dma_start3A_78] : memref<10112xf32, #tpu.memory_space<vmem_shared>> -> memref<10112xf32, #tpu.memory_space<vmem_shared>>
        tpu.enqueue_indirect_dma source(%arg8 : memref<128xf32, #tpu.memory_space<vmem>>) target(%dma_start3A_79 : memref<10112xf32, #tpu.memory_space<vmem_shared>>) offsets(%dma_start3A_77 : memref<128xi32, #tpu.memory_space<vmem>>) semaphore(%run_scoped3A_75 : memref<!tpu.dma_semaphore, #tpu.memory_space<semaphore_mem>>) {add = true}
        %dma_wait3A = arith.constant 0 : i32
        %dma_wait3A_80 = tpu.memref_slice %arg7[%scan3A_74, %dma_wait3A] : memref<80x128xi32, #tpu.memory_space<vmem>> -> memref<1x128xi32, #tpu.memory_space<vmem>>
        %dma_wait3A_81 = tpu.memref_squeeze %dma_wait3A_80 : memref<1x128xi32, #tpu.memory_space<vmem>> -> memref<128xi32, #tpu.memory_space<vmem>>
        %dma_wait3A_82 = arith.constant 0 : i32
        %dma_wait3A_83 = tpu.memref_slice %arg6[%dma_wait3A_82] : memref<10112xf32, #tpu.memory_space<vmem_shared>> -> memref<10112xf32, #tpu.memory_space<vmem_shared>>
        tpu.wait_indirect_dma semaphore(%run_scoped3A_75 : memref<!tpu.dma_semaphore, #tpu.memory_space<semaphore_mem>>) src(%arg8 : memref<128xf32, #tpu.memory_space<vmem>>) dst(%dma_wait3A_83 : memref<10112xf32, #tpu.memory_space<vmem_shared>>)
        tpu.yield
      }) : () -> ()
    }
    %scan3A_37 = arith.constant 80 : i32
    %barrier3A_38 = arith.constant 0 : index
    tpu.barrier barrier_id(%barrier3A_38)
    %add3A_39 = arith.constant 0 : i32
    %add3A_40 = arith.addi %arg1, %add3A_39 : i32
    %lt3A_41 = arith.constant 79 : i32
    %lt3A_42 = arith.cmpi slt, %add3A_40, %lt3A_41 : i32
    %convert_element_type3A_43 = arith.extui %lt3A_42 : i1 to i32
    %cond3A_44 = arith.constant 0 : i32
    %cond3A_45 = arith.cmpi ne, %convert_element_type3A_43, %cond3A_44 : i32
    scf.if %cond3A_45 {
      %mul3A_74 = arith.constant 128 : i32
      %mul3A_75 = arith.muli %add3A_40, %mul3A_74 : i32
      "tpu.region"() ({
        %run_scoped3A_81 = tpu.sem_alloc : memref<!tpu.dma_semaphore, #tpu.memory_space<semaphore_mem>>
        %dma_start3A = tpu.memref_slice %arg6[%mul3A_75] : memref<10112xf32, #tpu.memory_space<vmem_shared>> -> memref<128xf32, #tpu.memory_space<vmem_shared>>
        %dma_start3A_82 = tpu.memref_slice %arg6[%mul3A_75] : memref<10112xf32, #tpu.memory_space<vmem_shared>> -> memref<128xf32, #tpu.memory_space<vmem_shared>>
        tpu.enqueue_dma source(%dma_start3A_82 : memref<128xf32, #tpu.memory_space<vmem_shared>>) target(%arg9 : memref<128xf32, #tpu.memory_space<vmem>>) target_semaphore(%run_scoped3A_81 : memref<!tpu.dma_semaphore, #tpu.memory_space<semaphore_mem>>)
        %dma_wait3A = tpu.memref_slice %arg6[%mul3A_75] : memref<10112xf32, #tpu.memory_space<vmem_shared>> -> memref<128xf32, #tpu.memory_space<vmem_shared>>
        %dma_wait3A_83 = tpu.memref_slice %arg6[%mul3A_75] : memref<10112xf32, #tpu.memory_space<vmem_shared>> -> memref<128xf32, #tpu.memory_space<vmem_shared>>
        tpu.wait_dma2 semaphore(%run_scoped3A_81 : memref<!tpu.dma_semaphore, #tpu.memory_space<semaphore_mem>>) src(%dma_wait3A_83 : memref<128xf32, #tpu.memory_space<vmem_shared>>) dst(%arg9 : memref<128xf32, #tpu.memory_space<vmem>>)
        tpu.yield
      }) : () -> ()
      %mul3A_76 = arith.constant 10112 : i32
      %mul3A_77 = arith.muli %arg0, %mul3A_76 : i32
      %mul3A_78 = arith.constant 128 : i32
      %mul3A_79 = arith.muli %add3A_40, %mul3A_78 : i32
      %add3A_80 = arith.addi %mul3A_77, %mul3A_79 : i32
      "tpu.region"() ({
        %run_scoped3A_81 = tpu.sem_alloc : memref<!tpu.dma_semaphore, #tpu.memory_space<semaphore_mem>>
        %dma_start3A = tpu.memref_slice %arg5[%add3A_80] : memref<20224xf32, #tpu.memory_space<hbm>> -> memref<128xf32, #tpu.memory_space<hbm>>
        %dma_start3A_82 = tpu.memref_slice %arg5[%add3A_80] : memref<20224xf32, #tpu.memory_space<hbm>> -> memref<128xf32, #tpu.memory_space<hbm>>
        tpu.enqueue_dma source(%arg9 : memref<128xf32, #tpu.memory_space<vmem>>) target(%dma_start3A_82 : memref<128xf32, #tpu.memory_space<hbm>>) target_semaphore(%run_scoped3A_81 : memref<!tpu.dma_semaphore, #tpu.memory_space<semaphore_mem>>)
        %dma_wait3A = tpu.memref_slice %arg5[%add3A_80] : memref<20224xf32, #tpu.memory_space<hbm>> -> memref<128xf32, #tpu.memory_space<hbm>>
        %dma_wait3A_83 = tpu.memref_slice %arg5[%add3A_80] : memref<20224xf32, #tpu.memory_space<hbm>> -> memref<128xf32, #tpu.memory_space<hbm>>
        tpu.wait_dma2 semaphore(%run_scoped3A_81 : memref<!tpu.dma_semaphore, #tpu.memory_space<semaphore_mem>>) src(%arg9 : memref<128xf32, #tpu.memory_space<vmem>>) dst(%dma_wait3A_83 : memref<128xf32, #tpu.memory_space<hbm>>)
        tpu.yield
      }) : () -> ()
    } else {
    }
    %add3A_46 = arith.constant 16 : i32
    %add3A_47 = arith.addi %arg1, %add3A_46 : i32
    %lt3A_48 = arith.constant 79 : i32
    %lt3A_49 = arith.cmpi slt, %add3A_47, %lt3A_48 : i32
    %convert_element_type3A_50 = arith.extui %lt3A_49 : i1 to i32
    %cond3A_51 = arith.constant 0 : i32
    %cond3A_52 = arith.cmpi ne, %convert_element_type3A_50, %cond3A_51 : i32
    scf.if %cond3A_52 {
      %mul3A_74 = arith.constant 128 : i32
      %mul3A_75 = arith.muli %add3A_47, %mul3A_74 : i32
      "tpu.region"() ({
        %run_scoped3A_81 = tpu.sem_alloc : memref<!tpu.dma_semaphore, #tpu.memory_space<semaphore_mem>>
        %dma_start3A = tpu.memref_slice %arg6[%mul3A_75] : memref<10112xf32, #tpu.memory_space<vmem_shared>> -> memref<128xf32, #tpu.memory_space<vmem_shared>>
        %dma_start3A_82 = tpu.memref_slice %arg6[%mul3A_75] : memref<10112xf32, #tpu.memory_space<vmem_shared>> -> memref<128xf32, #tpu.memory_space<vmem_shared>>
        tpu.enqueue_dma source(%dma_start3A_82 : memref<128xf32, #tpu.memory_space<vmem_shared>>) target(%arg9 : memref<128xf32, #tpu.memory_space<vmem>>) target_semaphore(%run_scoped3A_81 : memref<!tpu.dma_semaphore, #tpu.memory_space<semaphore_mem>>)
        %dma_wait3A = tpu.memref_slice %arg6[%mul3A_75] : memref<10112xf32, #tpu.memory_space<vmem_shared>> -> memref<128xf32, #tpu.memory_space<vmem_shared>>
        %dma_wait3A_83 = tpu.memref_slice %arg6[%mul3A_75] : memref<10112xf32, #tpu.memory_space<vmem_shared>> -> memref<128xf32, #tpu.memory_space<vmem_shared>>
        tpu.wait_dma2 semaphore(%run_scoped3A_81 : memref<!tpu.dma_semaphore, #tpu.memory_space<semaphore_mem>>) src(%dma_wait3A_83 : memref<128xf32, #tpu.memory_space<vmem_shared>>) dst(%arg9 : memref<128xf32, #tpu.memory_space<vmem>>)
        tpu.yield
      }) : () -> ()
      %mul3A_76 = arith.constant 10112 : i32
      %mul3A_77 = arith.muli %arg0, %mul3A_76 : i32
      %mul3A_78 = arith.constant 128 : i32
      %mul3A_79 = arith.muli %add3A_47, %mul3A_78 : i32
      %add3A_80 = arith.addi %mul3A_77, %mul3A_79 : i32
      "tpu.region"() ({
        %run_scoped3A_81 = tpu.sem_alloc : memref<!tpu.dma_semaphore, #tpu.memory_space<semaphore_mem>>
        %dma_start3A = tpu.memref_slice %arg5[%add3A_80] : memref<20224xf32, #tpu.memory_space<hbm>> -> memref<128xf32, #tpu.memory_space<hbm>>
        %dma_start3A_82 = tpu.memref_slice %arg5[%add3A_80] : memref<20224xf32, #tpu.memory_space<hbm>> -> memref<128xf32, #tpu.memory_space<hbm>>
        tpu.enqueue_dma source(%arg9 : memref<128xf32, #tpu.memory_space<vmem>>) target(%dma_start3A_82 : memref<128xf32, #tpu.memory_space<hbm>>) target_semaphore(%run_scoped3A_81 : memref<!tpu.dma_semaphore, #tpu.memory_space<semaphore_mem>>)
        %dma_wait3A = tpu.memref_slice %arg5[%add3A_80] : memref<20224xf32, #tpu.memory_space<hbm>> -> memref<128xf32, #tpu.memory_space<hbm>>
        %dma_wait3A_83 = tpu.memref_slice %arg5[%add3A_80] : memref<20224xf32, #tpu.memory_space<hbm>> -> memref<128xf32, #tpu.memory_space<hbm>>
        tpu.wait_dma2 semaphore(%run_scoped3A_81 : memref<!tpu.dma_semaphore, #tpu.memory_space<semaphore_mem>>) src(%arg9 : memref<128xf32, #tpu.memory_space<vmem>>) dst(%dma_wait3A_83 : memref<128xf32, #tpu.memory_space<hbm>>)
        tpu.yield
      }) : () -> ()
    } else {
    }
    %add3A_53 = arith.constant 32 : i32
    %add3A_54 = arith.addi %arg1, %add3A_53 : i32
    %lt3A_55 = arith.constant 79 : i32
    %lt3A_56 = arith.cmpi slt, %add3A_54, %lt3A_55 : i32
    %convert_element_type3A_57 = arith.extui %lt3A_56 : i1 to i32
    %cond3A_58 = arith.constant 0 : i32
    %cond3A_59 = arith.cmpi ne, %convert_element_type3A_57, %cond3A_58 : i32
    scf.if %cond3A_59 {
      %mul3A_74 = arith.constant 128 : i32
      %mul3A_75 = arith.muli %add3A_54, %mul3A_74 : i32
      "tpu.region"() ({
        %run_scoped3A_81 = tpu.sem_alloc : memref<!tpu.dma_semaphore, #tpu.memory_space<semaphore_mem>>
        %dma_start3A = tpu.memref_slice %arg6[%mul3A_75] : memref<10112xf32, #tpu.memory_space<vmem_shared>> -> memref<128xf32, #tpu.memory_space<vmem_shared>>
        %dma_start3A_82 = tpu.memref_slice %arg6[%mul3A_75] : memref<10112xf32, #tpu.memory_space<vmem_shared>> -> memref<128xf32, #tpu.memory_space<vmem_shared>>
        tpu.enqueue_dma source(%dma_start3A_82 : memref<128xf32, #tpu.memory_space<vmem_shared>>) target(%arg9 : memref<128xf32, #tpu.memory_space<vmem>>) target_semaphore(%run_scoped3A_81 : memref<!tpu.dma_semaphore, #tpu.memory_space<semaphore_mem>>)
        %dma_wait3A = tpu.memref_slice %arg6[%mul3A_75] : memref<10112xf32, #tpu.memory_space<vmem_shared>> -> memref<128xf32, #tpu.memory_space<vmem_shared>>
        %dma_wait3A_83 = tpu.memref_slice %arg6[%mul3A_75] : memref<10112xf32, #tpu.memory_space<vmem_shared>> -> memref<128xf32, #tpu.memory_space<vmem_shared>>
        tpu.wait_dma2 semaphore(%run_scoped3A_81 : memref<!tpu.dma_semaphore, #tpu.memory_space<semaphore_mem>>) src(%dma_wait3A_83 : memref<128xf32, #tpu.memory_space<vmem_shared>>) dst(%arg9 : memref<128xf32, #tpu.memory_space<vmem>>)
        tpu.yield
      }) : () -> ()
      %mul3A_76 = arith.constant 10112 : i32
      %mul3A_77 = arith.muli %arg0, %mul3A_76 : i32
      %mul3A_78 = arith.constant 128 : i32
      %mul3A_79 = arith.muli %add3A_54, %mul3A_78 : i32
      %add3A_80 = arith.addi %mul3A_77, %mul3A_79 : i32
      "tpu.region"() ({
        %run_scoped3A_81 = tpu.sem_alloc : memref<!tpu.dma_semaphore, #tpu.memory_space<semaphore_mem>>
        %dma_start3A = tpu.memref_slice %arg5[%add3A_80] : memref<20224xf32, #tpu.memory_space<hbm>> -> memref<128xf32, #tpu.memory_space<hbm>>
        %dma_start3A_82 = tpu.memref_slice %arg5[%add3A_80] : memref<20224xf32, #tpu.memory_space<hbm>> -> memref<128xf32, #tpu.memory_space<hbm>>
        tpu.enqueue_dma source(%arg9 : memref<128xf32, #tpu.memory_space<vmem>>) target(%dma_start3A_82 : memref<128xf32, #tpu.memory_space<hbm>>) target_semaphore(%run_scoped3A_81 : memref<!tpu.dma_semaphore, #tpu.memory_space<semaphore_mem>>)
        %dma_wait3A = tpu.memref_slice %arg5[%add3A_80] : memref<20224xf32, #tpu.memory_space<hbm>> -> memref<128xf32, #tpu.memory_space<hbm>>
        %dma_wait3A_83 = tpu.memref_slice %arg5[%add3A_80] : memref<20224xf32, #tpu.memory_space<hbm>> -> memref<128xf32, #tpu.memory_space<hbm>>
        tpu.wait_dma2 semaphore(%run_scoped3A_81 : memref<!tpu.dma_semaphore, #tpu.memory_space<semaphore_mem>>) src(%arg9 : memref<128xf32, #tpu.memory_space<vmem>>) dst(%dma_wait3A_83 : memref<128xf32, #tpu.memory_space<hbm>>)
        tpu.yield
      }) : () -> ()
    } else {
    }
    %add3A_60 = arith.constant 48 : i32
    %add3A_61 = arith.addi %arg1, %add3A_60 : i32
    %lt3A_62 = arith.constant 79 : i32
    %lt3A_63 = arith.cmpi slt, %add3A_61, %lt3A_62 : i32
    %convert_element_type3A_64 = arith.extui %lt3A_63 : i1 to i32
    %cond3A_65 = arith.constant 0 : i32
    %cond3A_66 = arith.cmpi ne, %convert_element_type3A_64, %cond3A_65 : i32
    scf.if %cond3A_66 {
      %mul3A_74 = arith.constant 128 : i32
      %mul3A_75 = arith.muli %add3A_61, %mul3A_74 : i32
      "tpu.region"() ({
        %run_scoped3A_81 = tpu.sem_alloc : memref<!tpu.dma_semaphore, #tpu.memory_space<semaphore_mem>>
        %dma_start3A = tpu.memref_slice %arg6[%mul3A_75] : memref<10112xf32, #tpu.memory_space<vmem_shared>> -> memref<128xf32, #tpu.memory_space<vmem_shared>>
        %dma_start3A_82 = tpu.memref_slice %arg6[%mul3A_75] : memref<10112xf32, #tpu.memory_space<vmem_shared>> -> memref<128xf32, #tpu.memory_space<vmem_shared>>
        tpu.enqueue_dma source(%dma_start3A_82 : memref<128xf32, #tpu.memory_space<vmem_shared>>) target(%arg9 : memref<128xf32, #tpu.memory_space<vmem>>) target_semaphore(%run_scoped3A_81 : memref<!tpu.dma_semaphore, #tpu.memory_space<semaphore_mem>>)
        %dma_wait3A = tpu.memref_slice %arg6[%mul3A_75] : memref<10112xf32, #tpu.memory_space<vmem_shared>> -> memref<128xf32, #tpu.memory_space<vmem_shared>>
        %dma_wait3A_83 = tpu.memref_slice %arg6[%mul3A_75] : memref<10112xf32, #tpu.memory_space<vmem_shared>> -> memref<128xf32, #tpu.memory_space<vmem_shared>>
        tpu.wait_dma2 semaphore(%run_scoped3A_81 : memref<!tpu.dma_semaphore, #tpu.memory_space<semaphore_mem>>) src(%dma_wait3A_83 : memref<128xf32, #tpu.memory_space<vmem_shared>>) dst(%arg9 : memref<128xf32, #tpu.memory_space<vmem>>)
        tpu.yield
      }) : () -> ()
      %mul3A_76 = arith.constant 10112 : i32
      %mul3A_77 = arith.muli %arg0, %mul3A_76 : i32
      %mul3A_78 = arith.constant 128 : i32
      %mul3A_79 = arith.muli %add3A_61, %mul3A_78 : i32
      %add3A_80 = arith.addi %mul3A_77, %mul3A_79 : i32
      "tpu.region"() ({
        %run_scoped3A_81 = tpu.sem_alloc : memref<!tpu.dma_semaphore, #tpu.memory_space<semaphore_mem>>
        %dma_start3A = tpu.memref_slice %arg5[%add3A_80] : memref<20224xf32, #tpu.memory_space<hbm>> -> memref<128xf32, #tpu.memory_space<hbm>>
        %dma_start3A_82 = tpu.memref_slice %arg5[%add3A_80] : memref<20224xf32, #tpu.memory_space<hbm>> -> memref<128xf32, #tpu.memory_space<hbm>>
        tpu.enqueue_dma source(%arg9 : memref<128xf32, #tpu.memory_space<vmem>>) target(%dma_start3A_82 : memref<128xf32, #tpu.memory_space<hbm>>) target_semaphore(%run_scoped3A_81 : memref<!tpu.dma_semaphore, #tpu.memory_space<semaphore_mem>>)
        %dma_wait3A = tpu.memref_slice %arg5[%add3A_80] : memref<20224xf32, #tpu.memory_space<hbm>> -> memref<128xf32, #tpu.memory_space<hbm>>
        %dma_wait3A_83 = tpu.memref_slice %arg5[%add3A_80] : memref<20224xf32, #tpu.memory_space<hbm>> -> memref<128xf32, #tpu.memory_space<hbm>>
        tpu.wait_dma2 semaphore(%run_scoped3A_81 : memref<!tpu.dma_semaphore, #tpu.memory_space<semaphore_mem>>) src(%arg9 : memref<128xf32, #tpu.memory_space<vmem>>) dst(%dma_wait3A_83 : memref<128xf32, #tpu.memory_space<hbm>>)
        tpu.yield
      }) : () -> ()
    } else {
    }
    %add3A_67 = arith.constant 64 : i32
    %add3A_68 = arith.addi %arg1, %add3A_67 : i32
    %lt3A_69 = arith.constant 79 : i32
    %lt3A_70 = arith.cmpi slt, %add3A_68, %lt3A_69 : i32
    %convert_element_type3A_71 = arith.extui %lt3A_70 : i1 to i32
    %cond3A_72 = arith.constant 0 : i32
    %cond3A_73 = arith.cmpi ne, %convert_element_type3A_71, %cond3A_72 : i32
    scf.if %cond3A_73 {
      %mul3A_74 = arith.constant 128 : i32
      %mul3A_75 = arith.muli %add3A_68, %mul3A_74 : i32
      "tpu.region"() ({
        %run_scoped3A_81 = tpu.sem_alloc : memref<!tpu.dma_semaphore, #tpu.memory_space<semaphore_mem>>
        %dma_start3A = tpu.memref_slice %arg6[%mul3A_75] : memref<10112xf32, #tpu.memory_space<vmem_shared>> -> memref<128xf32, #tpu.memory_space<vmem_shared>>
        %dma_start3A_82 = tpu.memref_slice %arg6[%mul3A_75] : memref<10112xf32, #tpu.memory_space<vmem_shared>> -> memref<128xf32, #tpu.memory_space<vmem_shared>>
        tpu.enqueue_dma source(%dma_start3A_82 : memref<128xf32, #tpu.memory_space<vmem_shared>>) target(%arg9 : memref<128xf32, #tpu.memory_space<vmem>>) target_semaphore(%run_scoped3A_81 : memref<!tpu.dma_semaphore, #tpu.memory_space<semaphore_mem>>)
        %dma_wait3A = tpu.memref_slice %arg6[%mul3A_75] : memref<10112xf32, #tpu.memory_space<vmem_shared>> -> memref<128xf32, #tpu.memory_space<vmem_shared>>
        %dma_wait3A_83 = tpu.memref_slice %arg6[%mul3A_75] : memref<10112xf32, #tpu.memory_space<vmem_shared>> -> memref<128xf32, #tpu.memory_space<vmem_shared>>
        tpu.wait_dma2 semaphore(%run_scoped3A_81 : memref<!tpu.dma_semaphore, #tpu.memory_space<semaphore_mem>>) src(%dma_wait3A_83 : memref<128xf32, #tpu.memory_space<vmem_shared>>) dst(%arg9 : memref<128xf32, #tpu.memory_space<vmem>>)
        tpu.yield
      }) : () -> ()
      %mul3A_76 = arith.constant 10112 : i32
      %mul3A_77 = arith.muli %arg0, %mul3A_76 : i32
      %mul3A_78 = arith.constant 128 : i32
      %mul3A_79 = arith.muli %add3A_68, %mul3A_78 : i32
      %add3A_80 = arith.addi %mul3A_77, %mul3A_79 : i32
      "tpu.region"() ({
        %run_scoped3A_81 = tpu.sem_alloc : memref<!tpu.dma_semaphore, #tpu.memory_space<semaphore_mem>>
        %dma_start3A = tpu.memref_slice %arg5[%add3A_80] : memref<20224xf32, #tpu.memory_space<hbm>> -> memref<128xf32, #tpu.memory_space<hbm>>
        %dma_start3A_82 = tpu.memref_slice %arg5[%add3A_80] : memref<20224xf32, #tpu.memory_space<hbm>> -> memref<128xf32, #tpu.memory_space<hbm>>
        tpu.enqueue_dma source(%arg9 : memref<128xf32, #tpu.memory_space<vmem>>) target(%dma_start3A_82 : memref<128xf32, #tpu.memory_space<hbm>>) target_semaphore(%run_scoped3A_81 : memref<!tpu.dma_semaphore, #tpu.memory_space<semaphore_mem>>)
        %dma_wait3A = tpu.memref_slice %arg5[%add3A_80] : memref<20224xf32, #tpu.memory_space<hbm>> -> memref<128xf32, #tpu.memory_space<hbm>>
        %dma_wait3A_83 = tpu.memref_slice %arg5[%add3A_80] : memref<20224xf32, #tpu.memory_space<hbm>> -> memref<128xf32, #tpu.memory_space<hbm>>
        tpu.wait_dma2 semaphore(%run_scoped3A_81 : memref<!tpu.dma_semaphore, #tpu.memory_space<semaphore_mem>>) src(%arg9 : memref<128xf32, #tpu.memory_space<vmem>>) dst(%dma_wait3A_83 : memref<128xf32, #tpu.memory_space<hbm>>)
        tpu.yield
      }) : () -> ()
    } else {
    }
    return
  }
}

#map = affine_map<(d0, d1) -> (0, 0)>
#map1 = affine_map<(d0, d1) -> (0, 0, 0, 0)>
#map2 = affine_map<(d0, d1) -> (0, 0, 0)>
module attributes {stable_mosaic.version = 14 : i64} {
  func.func @_sc_spmm(%arg0: i32, %arg1: i32, %arg2: memref<10112x128xf32, #tpu.memory_space<hbm>>, %arg3: memref<2x32x80x128xi32, #tpu.memory_space<hbm>>, %arg4: memref<10112x128xf32, #tpu.memory_space<hbm>>, %arg5: memref<2x10112x128xf32, #tpu.memory_space<hbm>>, %arg6: memref<10112x128xf32, #tpu.memory_space<vmem_shared>>, %arg7: memref<40x128xi32, #tpu.memory_space<vmem>>, %arg8: memref<40x128xi32, #tpu.memory_space<vmem>>, %arg9: memref<128x128xf32, #tpu.memory_space<vmem>>, %arg10: memref<128x128xf32, #tpu.memory_space<vmem>>, %arg11: memref<!tpu.dma_semaphore, #tpu.memory_space<semaphore_mem>>, %arg12: memref<!tpu.dma_semaphore, #tpu.memory_space<semaphore_mem>>) attributes {dimension_semantics = [#tpu.dimension_semantics<core_parallel>, #tpu.dimension_semantics<subcore_parallel>], iteration_bounds = array<i64: 2, 16>, scalar_prefetch = 0 : i64, scratch_operands = 7 : i64, tpu.core_type = #tpu.core_type<sc_vector_subcore>, window_params = [{transform_indices = #map}, {transform_indices = #map1}, {transform_indices = #map}, {transform_indices = #map2}]} {
    %mul3A = arith.constant 16 : i32
    %mul3A_0 = arith.muli %arg0, %mul3A : i32
    %add3A = arith.addi %mul3A_0, %arg1 : i32
    %mul3A_1 = arith.constant 632 : i32
    %mul3A_2 = arith.muli %arg1, %mul3A_1 : i32
    %mul3A_3 = arith.constant 632 : i32
    %mul3A_4 = arith.muli %arg1, %mul3A_3 : i32
    "tpu.region"() ({
      %run_scoped3A_82 = tpu.sem_alloc : memref<!tpu.dma_semaphore, #tpu.memory_space<semaphore_mem>>
      %dma_start3A_83 = arith.constant 0 : i32
      %dma_start3A_84 = tpu.memref_slice %arg6[%mul3A_4, %dma_start3A_83] : memref<10112x128xf32, #tpu.memory_space<vmem_shared>> -> memref<632x128xf32, #tpu.memory_space<vmem_shared>>
      %dma_start3A_85 = arith.constant 0 : i32
      %dma_start3A_86 = tpu.memref_slice %arg4[%mul3A_2, %dma_start3A_85] : memref<10112x128xf32, #tpu.memory_space<hbm>> -> memref<632x128xf32, #tpu.memory_space<hbm>>
      tpu.enqueue_dma source(%dma_start3A_86 : memref<632x128xf32, #tpu.memory_space<hbm>>) target(%dma_start3A_84 : memref<632x128xf32, #tpu.memory_space<vmem_shared>>) target_semaphore(%run_scoped3A_82 : memref<!tpu.dma_semaphore, #tpu.memory_space<semaphore_mem>>)
      %dma_wait3A_87 = arith.constant 0 : i32
      %dma_wait3A_88 = tpu.memref_slice %arg6[%mul3A_4, %dma_wait3A_87] : memref<10112x128xf32, #tpu.memory_space<vmem_shared>> -> memref<632x128xf32, #tpu.memory_space<vmem_shared>>
      %dma_wait3A_89 = arith.constant 0 : i32
      %dma_wait3A_90 = tpu.memref_slice %arg4[%mul3A_2, %dma_wait3A_89] : memref<10112x128xf32, #tpu.memory_space<hbm>> -> memref<632x128xf32, #tpu.memory_space<hbm>>
      tpu.wait_dma2 semaphore(%run_scoped3A_82 : memref<!tpu.dma_semaphore, #tpu.memory_space<semaphore_mem>>) src(%dma_wait3A_90 : memref<632x128xf32, #tpu.memory_space<hbm>>) dst(%dma_wait3A_88 : memref<632x128xf32, #tpu.memory_space<vmem_shared>>)
      tpu.yield
    }) : () -> ()
    %barrier3A = arith.constant 0 : index
    tpu.barrier barrier_id(%barrier3A)
    %run_scoped3A = arith.constant 0 : i32
    "tpu.region"() ({
      %run_scoped3A_82 = tpu.sem_alloc : memref<!tpu.dma_semaphore, #tpu.memory_space<semaphore_mem>>
      %dma_start3A_83 = arith.constant 0 : i32
      %dma_start3A_84 = arith.constant 0 : i32
      %dma_start3A_85 = tpu.memref_slice %arg3[%run_scoped3A, %add3A, %dma_start3A_83, %dma_start3A_84] : memref<2x32x80x128xi32, #tpu.memory_space<hbm>> -> memref<1x1x40x128xi32, #tpu.memory_space<hbm>>
      %dma_start3A_86 = tpu.memref_squeeze %dma_start3A_85 : memref<1x1x40x128xi32, #tpu.memory_space<hbm>> -> memref<40x128xi32, #tpu.memory_space<hbm>>
      %dma_start3A_87 = arith.constant 0 : i32
      %dma_start3A_88 = arith.constant 0 : i32
      %dma_start3A_89 = tpu.memref_slice %arg3[%run_scoped3A, %add3A, %dma_start3A_87, %dma_start3A_88] : memref<2x32x80x128xi32, #tpu.memory_space<hbm>> -> memref<1x1x40x128xi32, #tpu.memory_space<hbm>>
      %dma_start3A_90 = tpu.memref_squeeze %dma_start3A_89 : memref<1x1x40x128xi32, #tpu.memory_space<hbm>> -> memref<40x128xi32, #tpu.memory_space<hbm>>
      tpu.enqueue_dma source(%dma_start3A_90 : memref<40x128xi32, #tpu.memory_space<hbm>>) target(%arg7 : memref<40x128xi32, #tpu.memory_space<vmem>>) target_semaphore(%run_scoped3A_82 : memref<!tpu.dma_semaphore, #tpu.memory_space<semaphore_mem>>)
      %dma_wait3A_91 = arith.constant 0 : i32
      %dma_wait3A_92 = arith.constant 0 : i32
      %dma_wait3A_93 = tpu.memref_slice %arg3[%run_scoped3A, %add3A, %dma_wait3A_91, %dma_wait3A_92] : memref<2x32x80x128xi32, #tpu.memory_space<hbm>> -> memref<1x1x40x128xi32, #tpu.memory_space<hbm>>
      %dma_wait3A_94 = tpu.memref_squeeze %dma_wait3A_93 : memref<1x1x40x128xi32, #tpu.memory_space<hbm>> -> memref<40x128xi32, #tpu.memory_space<hbm>>
      %dma_wait3A_95 = arith.constant 0 : i32
      %dma_wait3A_96 = arith.constant 0 : i32
      %dma_wait3A_97 = tpu.memref_slice %arg3[%run_scoped3A, %add3A, %dma_wait3A_95, %dma_wait3A_96] : memref<2x32x80x128xi32, #tpu.memory_space<hbm>> -> memref<1x1x40x128xi32, #tpu.memory_space<hbm>>
      %dma_wait3A_98 = tpu.memref_squeeze %dma_wait3A_97 : memref<1x1x40x128xi32, #tpu.memory_space<hbm>> -> memref<40x128xi32, #tpu.memory_space<hbm>>
      tpu.wait_dma2 semaphore(%run_scoped3A_82 : memref<!tpu.dma_semaphore, #tpu.memory_space<semaphore_mem>>) src(%dma_wait3A_98 : memref<40x128xi32, #tpu.memory_space<hbm>>) dst(%arg7 : memref<40x128xi32, #tpu.memory_space<vmem>>)
      tpu.yield
    }) : () -> ()
    %run_scoped3A_5 = arith.constant 1 : i32
    "tpu.region"() ({
      %run_scoped3A_82 = tpu.sem_alloc : memref<!tpu.dma_semaphore, #tpu.memory_space<semaphore_mem>>
      %dma_start3A_83 = arith.constant 0 : i32
      %dma_start3A_84 = arith.constant 0 : i32
      %dma_start3A_85 = tpu.memref_slice %arg3[%run_scoped3A_5, %add3A, %dma_start3A_83, %dma_start3A_84] : memref<2x32x80x128xi32, #tpu.memory_space<hbm>> -> memref<1x1x40x128xi32, #tpu.memory_space<hbm>>
      %dma_start3A_86 = tpu.memref_squeeze %dma_start3A_85 : memref<1x1x40x128xi32, #tpu.memory_space<hbm>> -> memref<40x128xi32, #tpu.memory_space<hbm>>
      %dma_start3A_87 = arith.constant 0 : i32
      %dma_start3A_88 = arith.constant 0 : i32
      %dma_start3A_89 = tpu.memref_slice %arg3[%run_scoped3A_5, %add3A, %dma_start3A_87, %dma_start3A_88] : memref<2x32x80x128xi32, #tpu.memory_space<hbm>> -> memref<1x1x40x128xi32, #tpu.memory_space<hbm>>
      %dma_start3A_90 = tpu.memref_squeeze %dma_start3A_89 : memref<1x1x40x128xi32, #tpu.memory_space<hbm>> -> memref<40x128xi32, #tpu.memory_space<hbm>>
      tpu.enqueue_dma source(%dma_start3A_90 : memref<40x128xi32, #tpu.memory_space<hbm>>) target(%arg8 : memref<40x128xi32, #tpu.memory_space<vmem>>) target_semaphore(%run_scoped3A_82 : memref<!tpu.dma_semaphore, #tpu.memory_space<semaphore_mem>>)
      %dma_wait3A_91 = arith.constant 0 : i32
      %dma_wait3A_92 = arith.constant 0 : i32
      %dma_wait3A_93 = tpu.memref_slice %arg3[%run_scoped3A_5, %add3A, %dma_wait3A_91, %dma_wait3A_92] : memref<2x32x80x128xi32, #tpu.memory_space<hbm>> -> memref<1x1x40x128xi32, #tpu.memory_space<hbm>>
      %dma_wait3A_94 = tpu.memref_squeeze %dma_wait3A_93 : memref<1x1x40x128xi32, #tpu.memory_space<hbm>> -> memref<40x128xi32, #tpu.memory_space<hbm>>
      %dma_wait3A_95 = arith.constant 0 : i32
      %dma_wait3A_96 = arith.constant 0 : i32
      %dma_wait3A_97 = tpu.memref_slice %arg3[%run_scoped3A_5, %add3A, %dma_wait3A_95, %dma_wait3A_96] : memref<2x32x80x128xi32, #tpu.memory_space<hbm>> -> memref<1x1x40x128xi32, #tpu.memory_space<hbm>>
      %dma_wait3A_98 = tpu.memref_squeeze %dma_wait3A_97 : memref<1x1x40x128xi32, #tpu.memory_space<hbm>> -> memref<40x128xi32, #tpu.memory_space<hbm>>
      tpu.wait_dma2 semaphore(%run_scoped3A_82 : memref<!tpu.dma_semaphore, #tpu.memory_space<semaphore_mem>>) src(%dma_wait3A_98 : memref<40x128xi32, #tpu.memory_space<hbm>>) dst(%arg8 : memref<40x128xi32, #tpu.memory_space<vmem>>)
      tpu.yield
    }) : () -> ()
    %dma_start3A = arith.constant 0 : i32
    %dma_start3A_6 = arith.constant 0 : i32
    %dma_start3A_7 = tpu.memref_slice %arg7[%dma_start3A, %dma_start3A_6] : memref<40x128xi32, #tpu.memory_space<vmem>> -> memref<1x128xi32, #tpu.memory_space<vmem>>
    %dma_start3A_8 = tpu.memref_squeeze %dma_start3A_7 : memref<1x128xi32, #tpu.memory_space<vmem>> -> memref<128xi32, #tpu.memory_space<vmem>>
    %dma_start3A_9 = arith.constant 0 : i32
    %dma_start3A_10 = arith.constant 0 : i32
    %dma_start3A_11 = tpu.memref_slice %arg2[%dma_start3A_9, %dma_start3A_10] : memref<10112x128xf32, #tpu.memory_space<hbm>> -> memref<10112x128xf32, #tpu.memory_space<hbm>>
    tpu.enqueue_indirect_dma source(%dma_start3A_11 : memref<10112x128xf32, #tpu.memory_space<hbm>>) target(%arg9 : memref<128x128xf32, #tpu.memory_space<vmem>>) offsets(%dma_start3A_8 : memref<128xi32, #tpu.memory_space<vmem>>) semaphore(%arg11 : memref<!tpu.dma_semaphore, #tpu.memory_space<semaphore_mem>>)
    %dma_start3A_12 = arith.constant 1 : i32
    %dma_start3A_13 = arith.constant 0 : i32
    %dma_start3A_14 = tpu.memref_slice %arg7[%dma_start3A_12, %dma_start3A_13] : memref<40x128xi32, #tpu.memory_space<vmem>> -> memref<1x128xi32, #tpu.memory_space<vmem>>
    %dma_start3A_15 = tpu.memref_squeeze %dma_start3A_14 : memref<1x128xi32, #tpu.memory_space<vmem>> -> memref<128xi32, #tpu.memory_space<vmem>>
    %dma_start3A_16 = arith.constant 0 : i32
    %dma_start3A_17 = arith.constant 0 : i32
    %dma_start3A_18 = tpu.memref_slice %arg2[%dma_start3A_16, %dma_start3A_17] : memref<10112x128xf32, #tpu.memory_space<hbm>> -> memref<10112x128xf32, #tpu.memory_space<hbm>>
    tpu.enqueue_indirect_dma source(%dma_start3A_18 : memref<10112x128xf32, #tpu.memory_space<hbm>>) target(%arg10 : memref<128x128xf32, #tpu.memory_space<vmem>>) offsets(%dma_start3A_15 : memref<128xi32, #tpu.memory_space<vmem>>) semaphore(%arg12 : memref<!tpu.dma_semaphore, #tpu.memory_space<semaphore_mem>>)
    %scan3A = arith.constant 0 : i32
    %scan3A_19 = arith.constant 0 : i32
    %scan3A_20 = arith.constant 19 : i32
    %scan3A_21 = arith.addi %scan3A_19, %scan3A_20 : i32
    %scan3A_22 = arith.constant 1 : i32
    scf.for %scan3A_82 = %scan3A_19 to %scan3A_21 step %scan3A_22  : i32 {
      %mul3A_83 = arith.constant 2 : i32
      %mul3A_84 = arith.muli %scan3A_82, %mul3A_83 : i32
      %add3A_85 = arith.constant 0 : i32
      %add3A_86 = arith.addi %mul3A_84, %add3A_85 : i32
      %dma_wait3A_87 = arith.constant 0 : i32
      %dma_wait3A_88 = tpu.memref_slice %arg7[%add3A_86, %dma_wait3A_87] : memref<40x128xi32, #tpu.memory_space<vmem>> -> memref<1x128xi32, #tpu.memory_space<vmem>>
      %dma_wait3A_89 = tpu.memref_squeeze %dma_wait3A_88 : memref<1x128xi32, #tpu.memory_space<vmem>> -> memref<128xi32, #tpu.memory_space<vmem>>
      %dma_wait3A_90 = arith.constant 0 : i32
      %dma_wait3A_91 = arith.constant 0 : i32
      %dma_wait3A_92 = tpu.memref_slice %arg2[%dma_wait3A_90, %dma_wait3A_91] : memref<10112x128xf32, #tpu.memory_space<hbm>> -> memref<10112x128xf32, #tpu.memory_space<hbm>>
      tpu.wait_indirect_dma semaphore(%arg11 : memref<!tpu.dma_semaphore, #tpu.memory_space<semaphore_mem>>) src(%dma_wait3A_92 : memref<10112x128xf32, #tpu.memory_space<hbm>>) dst(%arg9 : memref<128x128xf32, #tpu.memory_space<vmem>>)
      "tpu.region"() ({
        %run_scoped3A_119 = tpu.sem_alloc : memref<!tpu.dma_semaphore, #tpu.memory_space<semaphore_mem>>
        %dma_start3A_120 = arith.constant 0 : i32
        %dma_start3A_121 = tpu.memref_slice %arg8[%add3A_86, %dma_start3A_120] : memref<40x128xi32, #tpu.memory_space<vmem>> -> memref<1x128xi32, #tpu.memory_space<vmem>>
        %dma_start3A_122 = tpu.memref_squeeze %dma_start3A_121 : memref<1x128xi32, #tpu.memory_space<vmem>> -> memref<128xi32, #tpu.memory_space<vmem>>
        %dma_start3A_123 = arith.constant 0 : i32
        %dma_start3A_124 = arith.constant 0 : i32
        %dma_start3A_125 = tpu.memref_slice %arg6[%dma_start3A_123, %dma_start3A_124] : memref<10112x128xf32, #tpu.memory_space<vmem_shared>> -> memref<10112x128xf32, #tpu.memory_space<vmem_shared>>
        tpu.enqueue_indirect_dma source(%arg9 : memref<128x128xf32, #tpu.memory_space<vmem>>) target(%dma_start3A_125 : memref<10112x128xf32, #tpu.memory_space<vmem_shared>>) offsets(%dma_start3A_122 : memref<128xi32, #tpu.memory_space<vmem>>) semaphore(%run_scoped3A_119 : memref<!tpu.dma_semaphore, #tpu.memory_space<semaphore_mem>>) {add = true}
        %dma_wait3A_126 = arith.constant 0 : i32
        %dma_wait3A_127 = tpu.memref_slice %arg8[%add3A_86, %dma_wait3A_126] : memref<40x128xi32, #tpu.memory_space<vmem>> -> memref<1x128xi32, #tpu.memory_space<vmem>>
        %dma_wait3A_128 = tpu.memref_squeeze %dma_wait3A_127 : memref<1x128xi32, #tpu.memory_space<vmem>> -> memref<128xi32, #tpu.memory_space<vmem>>
        %dma_wait3A_129 = arith.constant 0 : i32
        %dma_wait3A_130 = arith.constant 0 : i32
        %dma_wait3A_131 = tpu.memref_slice %arg6[%dma_wait3A_129, %dma_wait3A_130] : memref<10112x128xf32, #tpu.memory_space<vmem_shared>> -> memref<10112x128xf32, #tpu.memory_space<vmem_shared>>
        tpu.wait_indirect_dma semaphore(%run_scoped3A_119 : memref<!tpu.dma_semaphore, #tpu.memory_space<semaphore_mem>>) src(%arg9 : memref<128x128xf32, #tpu.memory_space<vmem>>) dst(%dma_wait3A_131 : memref<10112x128xf32, #tpu.memory_space<vmem_shared>>)
        tpu.yield
      }) : () -> ()
      %add3A_93 = arith.constant 2 : i32
      %add3A_94 = arith.addi %add3A_86, %add3A_93 : i32
      %dma_start3A_95 = arith.constant 0 : i32
      %dma_start3A_96 = tpu.memref_slice %arg7[%add3A_94, %dma_start3A_95] : memref<40x128xi32, #tpu.memory_space<vmem>> -> memref<1x128xi32, #tpu.memory_space<vmem>>
      %dma_start3A_97 = tpu.memref_squeeze %dma_start3A_96 : memref<1x128xi32, #tpu.memory_space<vmem>> -> memref<128xi32, #tpu.memory_space<vmem>>
      %dma_start3A_98 = arith.constant 0 : i32
      %dma_start3A_99 = arith.constant 0 : i32
      %dma_start3A_100 = tpu.memref_slice %arg2[%dma_start3A_98, %dma_start3A_99] : memref<10112x128xf32, #tpu.memory_space<hbm>> -> memref<10112x128xf32, #tpu.memory_space<hbm>>
      tpu.enqueue_indirect_dma source(%dma_start3A_100 : memref<10112x128xf32, #tpu.memory_space<hbm>>) target(%arg9 : memref<128x128xf32, #tpu.memory_space<vmem>>) offsets(%dma_start3A_97 : memref<128xi32, #tpu.memory_space<vmem>>) semaphore(%arg11 : memref<!tpu.dma_semaphore, #tpu.memory_space<semaphore_mem>>)
      %mul3A_101 = arith.constant 2 : i32
      %mul3A_102 = arith.muli %scan3A_82, %mul3A_101 : i32
      %add3A_103 = arith.constant 1 : i32
      %add3A_104 = arith.addi %mul3A_102, %add3A_103 : i32
      %dma_wait3A_105 = arith.constant 0 : i32
      %dma_wait3A_106 = tpu.memref_slice %arg7[%add3A_104, %dma_wait3A_105] : memref<40x128xi32, #tpu.memory_space<vmem>> -> memref<1x128xi32, #tpu.memory_space<vmem>>
      %dma_wait3A_107 = tpu.memref_squeeze %dma_wait3A_106 : memref<1x128xi32, #tpu.memory_space<vmem>> -> memref<128xi32, #tpu.memory_space<vmem>>
      %dma_wait3A_108 = arith.constant 0 : i32
      %dma_wait3A_109 = arith.constant 0 : i32
      %dma_wait3A_110 = tpu.memref_slice %arg2[%dma_wait3A_108, %dma_wait3A_109] : memref<10112x128xf32, #tpu.memory_space<hbm>> -> memref<10112x128xf32, #tpu.memory_space<hbm>>
      tpu.wait_indirect_dma semaphore(%arg12 : memref<!tpu.dma_semaphore, #tpu.memory_space<semaphore_mem>>) src(%dma_wait3A_110 : memref<10112x128xf32, #tpu.memory_space<hbm>>) dst(%arg10 : memref<128x128xf32, #tpu.memory_space<vmem>>)
      "tpu.region"() ({
        %run_scoped3A_119 = tpu.sem_alloc : memref<!tpu.dma_semaphore, #tpu.memory_space<semaphore_mem>>
        %dma_start3A_120 = arith.constant 0 : i32
        %dma_start3A_121 = tpu.memref_slice %arg8[%add3A_104, %dma_start3A_120] : memref<40x128xi32, #tpu.memory_space<vmem>> -> memref<1x128xi32, #tpu.memory_space<vmem>>
        %dma_start3A_122 = tpu.memref_squeeze %dma_start3A_121 : memref<1x128xi32, #tpu.memory_space<vmem>> -> memref<128xi32, #tpu.memory_space<vmem>>
        %dma_start3A_123 = arith.constant 0 : i32
        %dma_start3A_124 = arith.constant 0 : i32
        %dma_start3A_125 = tpu.memref_slice %arg6[%dma_start3A_123, %dma_start3A_124] : memref<10112x128xf32, #tpu.memory_space<vmem_shared>> -> memref<10112x128xf32, #tpu.memory_space<vmem_shared>>
        tpu.enqueue_indirect_dma source(%arg10 : memref<128x128xf32, #tpu.memory_space<vmem>>) target(%dma_start3A_125 : memref<10112x128xf32, #tpu.memory_space<vmem_shared>>) offsets(%dma_start3A_122 : memref<128xi32, #tpu.memory_space<vmem>>) semaphore(%run_scoped3A_119 : memref<!tpu.dma_semaphore, #tpu.memory_space<semaphore_mem>>) {add = true}
        %dma_wait3A_126 = arith.constant 0 : i32
        %dma_wait3A_127 = tpu.memref_slice %arg8[%add3A_104, %dma_wait3A_126] : memref<40x128xi32, #tpu.memory_space<vmem>> -> memref<1x128xi32, #tpu.memory_space<vmem>>
        %dma_wait3A_128 = tpu.memref_squeeze %dma_wait3A_127 : memref<1x128xi32, #tpu.memory_space<vmem>> -> memref<128xi32, #tpu.memory_space<vmem>>
        %dma_wait3A_129 = arith.constant 0 : i32
        %dma_wait3A_130 = arith.constant 0 : i32
        %dma_wait3A_131 = tpu.memref_slice %arg6[%dma_wait3A_129, %dma_wait3A_130] : memref<10112x128xf32, #tpu.memory_space<vmem_shared>> -> memref<10112x128xf32, #tpu.memory_space<vmem_shared>>
        tpu.wait_indirect_dma semaphore(%run_scoped3A_119 : memref<!tpu.dma_semaphore, #tpu.memory_space<semaphore_mem>>) src(%arg10 : memref<128x128xf32, #tpu.memory_space<vmem>>) dst(%dma_wait3A_131 : memref<10112x128xf32, #tpu.memory_space<vmem_shared>>)
        tpu.yield
      }) : () -> ()
      %add3A_111 = arith.constant 2 : i32
      %add3A_112 = arith.addi %add3A_104, %add3A_111 : i32
      %dma_start3A_113 = arith.constant 0 : i32
      %dma_start3A_114 = tpu.memref_slice %arg7[%add3A_112, %dma_start3A_113] : memref<40x128xi32, #tpu.memory_space<vmem>> -> memref<1x128xi32, #tpu.memory_space<vmem>>
      %dma_start3A_115 = tpu.memref_squeeze %dma_start3A_114 : memref<1x128xi32, #tpu.memory_space<vmem>> -> memref<128xi32, #tpu.memory_space<vmem>>
      %dma_start3A_116 = arith.constant 0 : i32
      %dma_start3A_117 = arith.constant 0 : i32
      %dma_start3A_118 = tpu.memref_slice %arg2[%dma_start3A_116, %dma_start3A_117] : memref<10112x128xf32, #tpu.memory_space<hbm>> -> memref<10112x128xf32, #tpu.memory_space<hbm>>
      tpu.enqueue_indirect_dma source(%dma_start3A_118 : memref<10112x128xf32, #tpu.memory_space<hbm>>) target(%arg10 : memref<128x128xf32, #tpu.memory_space<vmem>>) offsets(%dma_start3A_115 : memref<128xi32, #tpu.memory_space<vmem>>) semaphore(%arg12 : memref<!tpu.dma_semaphore, #tpu.memory_space<semaphore_mem>>)
    }
    %scan3A_23 = arith.constant 19 : i32
    %dma_wait3A = arith.constant 38 : i32
    %dma_wait3A_24 = arith.constant 0 : i32
    %dma_wait3A_25 = tpu.memref_slice %arg7[%dma_wait3A, %dma_wait3A_24] : memref<40x128xi32, #tpu.memory_space<vmem>> -> memref<1x128xi32, #tpu.memory_space<vmem>>
    %dma_wait3A_26 = tpu.memref_squeeze %dma_wait3A_25 : memref<1x128xi32, #tpu.memory_space<vmem>> -> memref<128xi32, #tpu.memory_space<vmem>>
    %dma_wait3A_27 = arith.constant 0 : i32
    %dma_wait3A_28 = arith.constant 0 : i32
    %dma_wait3A_29 = tpu.memref_slice %arg2[%dma_wait3A_27, %dma_wait3A_28] : memref<10112x128xf32, #tpu.memory_space<hbm>> -> memref<10112x128xf32, #tpu.memory_space<hbm>>
    tpu.wait_indirect_dma semaphore(%arg11 : memref<!tpu.dma_semaphore, #tpu.memory_space<semaphore_mem>>) src(%dma_wait3A_29 : memref<10112x128xf32, #tpu.memory_space<hbm>>) dst(%arg9 : memref<128x128xf32, #tpu.memory_space<vmem>>)
    %run_scoped3A_30 = arith.constant 38 : i32
    "tpu.region"() ({
      %run_scoped3A_82 = tpu.sem_alloc : memref<!tpu.dma_semaphore, #tpu.memory_space<semaphore_mem>>
      %dma_start3A_83 = arith.constant 0 : i32
      %dma_start3A_84 = tpu.memref_slice %arg8[%run_scoped3A_30, %dma_start3A_83] : memref<40x128xi32, #tpu.memory_space<vmem>> -> memref<1x128xi32, #tpu.memory_space<vmem>>
      %dma_start3A_85 = tpu.memref_squeeze %dma_start3A_84 : memref<1x128xi32, #tpu.memory_space<vmem>> -> memref<128xi32, #tpu.memory_space<vmem>>
      %dma_start3A_86 = arith.constant 0 : i32
      %dma_start3A_87 = arith.constant 0 : i32
      %dma_start3A_88 = tpu.memref_slice %arg6[%dma_start3A_86, %dma_start3A_87] : memref<10112x128xf32, #tpu.memory_space<vmem_shared>> -> memref<10112x128xf32, #tpu.memory_space<vmem_shared>>
      tpu.enqueue_indirect_dma source(%arg9 : memref<128x128xf32, #tpu.memory_space<vmem>>) target(%dma_start3A_88 : memref<10112x128xf32, #tpu.memory_space<vmem_shared>>) offsets(%dma_start3A_85 : memref<128xi32, #tpu.memory_space<vmem>>) semaphore(%run_scoped3A_82 : memref<!tpu.dma_semaphore, #tpu.memory_space<semaphore_mem>>) {add = true}
      %dma_wait3A_89 = arith.constant 0 : i32
      %dma_wait3A_90 = tpu.memref_slice %arg8[%run_scoped3A_30, %dma_wait3A_89] : memref<40x128xi32, #tpu.memory_space<vmem>> -> memref<1x128xi32, #tpu.memory_space<vmem>>
      %dma_wait3A_91 = tpu.memref_squeeze %dma_wait3A_90 : memref<1x128xi32, #tpu.memory_space<vmem>> -> memref<128xi32, #tpu.memory_space<vmem>>
      %dma_wait3A_92 = arith.constant 0 : i32
      %dma_wait3A_93 = arith.constant 0 : i32
      %dma_wait3A_94 = tpu.memref_slice %arg6[%dma_wait3A_92, %dma_wait3A_93] : memref<10112x128xf32, #tpu.memory_space<vmem_shared>> -> memref<10112x128xf32, #tpu.memory_space<vmem_shared>>
      tpu.wait_indirect_dma semaphore(%run_scoped3A_82 : memref<!tpu.dma_semaphore, #tpu.memory_space<semaphore_mem>>) src(%arg9 : memref<128x128xf32, #tpu.memory_space<vmem>>) dst(%dma_wait3A_94 : memref<10112x128xf32, #tpu.memory_space<vmem_shared>>)
      tpu.yield
    }) : () -> ()
    %dma_wait3A_31 = arith.constant 39 : i32
    %dma_wait3A_32 = arith.constant 0 : i32
    %dma_wait3A_33 = tpu.memref_slice %arg7[%dma_wait3A_31, %dma_wait3A_32] : memref<40x128xi32, #tpu.memory_space<vmem>> -> memref<1x128xi32, #tpu.memory_space<vmem>>
    %dma_wait3A_34 = tpu.memref_squeeze %dma_wait3A_33 : memref<1x128xi32, #tpu.memory_space<vmem>> -> memref<128xi32, #tpu.memory_space<vmem>>
    %dma_wait3A_35 = arith.constant 0 : i32
    %dma_wait3A_36 = arith.constant 0 : i32
    %dma_wait3A_37 = tpu.memref_slice %arg2[%dma_wait3A_35, %dma_wait3A_36] : memref<10112x128xf32, #tpu.memory_space<hbm>> -> memref<10112x128xf32, #tpu.memory_space<hbm>>
    tpu.wait_indirect_dma semaphore(%arg12 : memref<!tpu.dma_semaphore, #tpu.memory_space<semaphore_mem>>) src(%dma_wait3A_37 : memref<10112x128xf32, #tpu.memory_space<hbm>>) dst(%arg10 : memref<128x128xf32, #tpu.memory_space<vmem>>)
    %run_scoped3A_38 = arith.constant 39 : i32
    "tpu.region"() ({
      %run_scoped3A_82 = tpu.sem_alloc : memref<!tpu.dma_semaphore, #tpu.memory_space<semaphore_mem>>
      %dma_start3A_83 = arith.constant 0 : i32
      %dma_start3A_84 = tpu.memref_slice %arg8[%run_scoped3A_38, %dma_start3A_83] : memref<40x128xi32, #tpu.memory_space<vmem>> -> memref<1x128xi32, #tpu.memory_space<vmem>>
      %dma_start3A_85 = tpu.memref_squeeze %dma_start3A_84 : memref<1x128xi32, #tpu.memory_space<vmem>> -> memref<128xi32, #tpu.memory_space<vmem>>
      %dma_start3A_86 = arith.constant 0 : i32
      %dma_start3A_87 = arith.constant 0 : i32
      %dma_start3A_88 = tpu.memref_slice %arg6[%dma_start3A_86, %dma_start3A_87] : memref<10112x128xf32, #tpu.memory_space<vmem_shared>> -> memref<10112x128xf32, #tpu.memory_space<vmem_shared>>
      tpu.enqueue_indirect_dma source(%arg10 : memref<128x128xf32, #tpu.memory_space<vmem>>) target(%dma_start3A_88 : memref<10112x128xf32, #tpu.memory_space<vmem_shared>>) offsets(%dma_start3A_85 : memref<128xi32, #tpu.memory_space<vmem>>) semaphore(%run_scoped3A_82 : memref<!tpu.dma_semaphore, #tpu.memory_space<semaphore_mem>>) {add = true}
      %dma_wait3A_89 = arith.constant 0 : i32
      %dma_wait3A_90 = tpu.memref_slice %arg8[%run_scoped3A_38, %dma_wait3A_89] : memref<40x128xi32, #tpu.memory_space<vmem>> -> memref<1x128xi32, #tpu.memory_space<vmem>>
      %dma_wait3A_91 = tpu.memref_squeeze %dma_wait3A_90 : memref<1x128xi32, #tpu.memory_space<vmem>> -> memref<128xi32, #tpu.memory_space<vmem>>
      %dma_wait3A_92 = arith.constant 0 : i32
      %dma_wait3A_93 = arith.constant 0 : i32
      %dma_wait3A_94 = tpu.memref_slice %arg6[%dma_wait3A_92, %dma_wait3A_93] : memref<10112x128xf32, #tpu.memory_space<vmem_shared>> -> memref<10112x128xf32, #tpu.memory_space<vmem_shared>>
      tpu.wait_indirect_dma semaphore(%run_scoped3A_82 : memref<!tpu.dma_semaphore, #tpu.memory_space<semaphore_mem>>) src(%arg10 : memref<128x128xf32, #tpu.memory_space<vmem>>) dst(%dma_wait3A_94 : memref<10112x128xf32, #tpu.memory_space<vmem_shared>>)
      tpu.yield
    }) : () -> ()
    %run_scoped3A_39 = arith.constant 0 : i32
    "tpu.region"() ({
      %run_scoped3A_82 = tpu.sem_alloc : memref<!tpu.dma_semaphore, #tpu.memory_space<semaphore_mem>>
      %dma_start3A_83 = arith.constant 40 : i32
      %dma_start3A_84 = arith.constant 0 : i32
      %dma_start3A_85 = tpu.memref_slice %arg3[%run_scoped3A_39, %add3A, %dma_start3A_83, %dma_start3A_84] : memref<2x32x80x128xi32, #tpu.memory_space<hbm>> -> memref<1x1x40x128xi32, #tpu.memory_space<hbm>>
      %dma_start3A_86 = tpu.memref_squeeze %dma_start3A_85 : memref<1x1x40x128xi32, #tpu.memory_space<hbm>> -> memref<40x128xi32, #tpu.memory_space<hbm>>
      %dma_start3A_87 = arith.constant 40 : i32
      %dma_start3A_88 = arith.constant 0 : i32
      %dma_start3A_89 = tpu.memref_slice %arg3[%run_scoped3A_39, %add3A, %dma_start3A_87, %dma_start3A_88] : memref<2x32x80x128xi32, #tpu.memory_space<hbm>> -> memref<1x1x40x128xi32, #tpu.memory_space<hbm>>
      %dma_start3A_90 = tpu.memref_squeeze %dma_start3A_89 : memref<1x1x40x128xi32, #tpu.memory_space<hbm>> -> memref<40x128xi32, #tpu.memory_space<hbm>>
      tpu.enqueue_dma source(%dma_start3A_90 : memref<40x128xi32, #tpu.memory_space<hbm>>) target(%arg7 : memref<40x128xi32, #tpu.memory_space<vmem>>) target_semaphore(%run_scoped3A_82 : memref<!tpu.dma_semaphore, #tpu.memory_space<semaphore_mem>>)
      %dma_wait3A_91 = arith.constant 40 : i32
      %dma_wait3A_92 = arith.constant 0 : i32
      %dma_wait3A_93 = tpu.memref_slice %arg3[%run_scoped3A_39, %add3A, %dma_wait3A_91, %dma_wait3A_92] : memref<2x32x80x128xi32, #tpu.memory_space<hbm>> -> memref<1x1x40x128xi32, #tpu.memory_space<hbm>>
      %dma_wait3A_94 = tpu.memref_squeeze %dma_wait3A_93 : memref<1x1x40x128xi32, #tpu.memory_space<hbm>> -> memref<40x128xi32, #tpu.memory_space<hbm>>
      %dma_wait3A_95 = arith.constant 40 : i32
      %dma_wait3A_96 = arith.constant 0 : i32
      %dma_wait3A_97 = tpu.memref_slice %arg3[%run_scoped3A_39, %add3A, %dma_wait3A_95, %dma_wait3A_96] : memref<2x32x80x128xi32, #tpu.memory_space<hbm>> -> memref<1x1x40x128xi32, #tpu.memory_space<hbm>>
      %dma_wait3A_98 = tpu.memref_squeeze %dma_wait3A_97 : memref<1x1x40x128xi32, #tpu.memory_space<hbm>> -> memref<40x128xi32, #tpu.memory_space<hbm>>
      tpu.wait_dma2 semaphore(%run_scoped3A_82 : memref<!tpu.dma_semaphore, #tpu.memory_space<semaphore_mem>>) src(%dma_wait3A_98 : memref<40x128xi32, #tpu.memory_space<hbm>>) dst(%arg7 : memref<40x128xi32, #tpu.memory_space<vmem>>)
      tpu.yield
    }) : () -> ()
    %run_scoped3A_40 = arith.constant 1 : i32
    "tpu.region"() ({
      %run_scoped3A_82 = tpu.sem_alloc : memref<!tpu.dma_semaphore, #tpu.memory_space<semaphore_mem>>
      %dma_start3A_83 = arith.constant 40 : i32
      %dma_start3A_84 = arith.constant 0 : i32
      %dma_start3A_85 = tpu.memref_slice %arg3[%run_scoped3A_40, %add3A, %dma_start3A_83, %dma_start3A_84] : memref<2x32x80x128xi32, #tpu.memory_space<hbm>> -> memref<1x1x40x128xi32, #tpu.memory_space<hbm>>
      %dma_start3A_86 = tpu.memref_squeeze %dma_start3A_85 : memref<1x1x40x128xi32, #tpu.memory_space<hbm>> -> memref<40x128xi32, #tpu.memory_space<hbm>>
      %dma_start3A_87 = arith.constant 40 : i32
      %dma_start3A_88 = arith.constant 0 : i32
      %dma_start3A_89 = tpu.memref_slice %arg3[%run_scoped3A_40, %add3A, %dma_start3A_87, %dma_start3A_88] : memref<2x32x80x128xi32, #tpu.memory_space<hbm>> -> memref<1x1x40x128xi32, #tpu.memory_space<hbm>>
      %dma_start3A_90 = tpu.memref_squeeze %dma_start3A_89 : memref<1x1x40x128xi32, #tpu.memory_space<hbm>> -> memref<40x128xi32, #tpu.memory_space<hbm>>
      tpu.enqueue_dma source(%dma_start3A_90 : memref<40x128xi32, #tpu.memory_space<hbm>>) target(%arg8 : memref<40x128xi32, #tpu.memory_space<vmem>>) target_semaphore(%run_scoped3A_82 : memref<!tpu.dma_semaphore, #tpu.memory_space<semaphore_mem>>)
      %dma_wait3A_91 = arith.constant 40 : i32
      %dma_wait3A_92 = arith.constant 0 : i32
      %dma_wait3A_93 = tpu.memref_slice %arg3[%run_scoped3A_40, %add3A, %dma_wait3A_91, %dma_wait3A_92] : memref<2x32x80x128xi32, #tpu.memory_space<hbm>> -> memref<1x1x40x128xi32, #tpu.memory_space<hbm>>
      %dma_wait3A_94 = tpu.memref_squeeze %dma_wait3A_93 : memref<1x1x40x128xi32, #tpu.memory_space<hbm>> -> memref<40x128xi32, #tpu.memory_space<hbm>>
      %dma_wait3A_95 = arith.constant 40 : i32
      %dma_wait3A_96 = arith.constant 0 : i32
      %dma_wait3A_97 = tpu.memref_slice %arg3[%run_scoped3A_40, %add3A, %dma_wait3A_95, %dma_wait3A_96] : memref<2x32x80x128xi32, #tpu.memory_space<hbm>> -> memref<1x1x40x128xi32, #tpu.memory_space<hbm>>
      %dma_wait3A_98 = tpu.memref_squeeze %dma_wait3A_97 : memref<1x1x40x128xi32, #tpu.memory_space<hbm>> -> memref<40x128xi32, #tpu.memory_space<hbm>>
      tpu.wait_dma2 semaphore(%run_scoped3A_82 : memref<!tpu.dma_semaphore, #tpu.memory_space<semaphore_mem>>) src(%dma_wait3A_98 : memref<40x128xi32, #tpu.memory_space<hbm>>) dst(%arg8 : memref<40x128xi32, #tpu.memory_space<vmem>>)
      tpu.yield
    }) : () -> ()
    %dma_start3A_41 = arith.constant 0 : i32
    %dma_start3A_42 = arith.constant 0 : i32
    %dma_start3A_43 = tpu.memref_slice %arg7[%dma_start3A_41, %dma_start3A_42] : memref<40x128xi32, #tpu.memory_space<vmem>> -> memref<1x128xi32, #tpu.memory_space<vmem>>
    %dma_start3A_44 = tpu.memref_squeeze %dma_start3A_43 : memref<1x128xi32, #tpu.memory_space<vmem>> -> memref<128xi32, #tpu.memory_space<vmem>>
    %dma_start3A_45 = arith.constant 0 : i32
    %dma_start3A_46 = arith.constant 0 : i32
    %dma_start3A_47 = tpu.memref_slice %arg2[%dma_start3A_45, %dma_start3A_46] : memref<10112x128xf32, #tpu.memory_space<hbm>> -> memref<10112x128xf32, #tpu.memory_space<hbm>>
    tpu.enqueue_indirect_dma source(%dma_start3A_47 : memref<10112x128xf32, #tpu.memory_space<hbm>>) target(%arg9 : memref<128x128xf32, #tpu.memory_space<vmem>>) offsets(%dma_start3A_44 : memref<128xi32, #tpu.memory_space<vmem>>) semaphore(%arg11 : memref<!tpu.dma_semaphore, #tpu.memory_space<semaphore_mem>>)
    %dma_start3A_48 = arith.constant 1 : i32
    %dma_start3A_49 = arith.constant 0 : i32
    %dma_start3A_50 = tpu.memref_slice %arg7[%dma_start3A_48, %dma_start3A_49] : memref<40x128xi32, #tpu.memory_space<vmem>> -> memref<1x128xi32, #tpu.memory_space<vmem>>
    %dma_start3A_51 = tpu.memref_squeeze %dma_start3A_50 : memref<1x128xi32, #tpu.memory_space<vmem>> -> memref<128xi32, #tpu.memory_space<vmem>>
    %dma_start3A_52 = arith.constant 0 : i32
    %dma_start3A_53 = arith.constant 0 : i32
    %dma_start3A_54 = tpu.memref_slice %arg2[%dma_start3A_52, %dma_start3A_53] : memref<10112x128xf32, #tpu.memory_space<hbm>> -> memref<10112x128xf32, #tpu.memory_space<hbm>>
    tpu.enqueue_indirect_dma source(%dma_start3A_54 : memref<10112x128xf32, #tpu.memory_space<hbm>>) target(%arg10 : memref<128x128xf32, #tpu.memory_space<vmem>>) offsets(%dma_start3A_51 : memref<128xi32, #tpu.memory_space<vmem>>) semaphore(%arg12 : memref<!tpu.dma_semaphore, #tpu.memory_space<semaphore_mem>>)
    %scan3A_55 = arith.constant 0 : i32
    %scan3A_56 = arith.constant 0 : i32
    %scan3A_57 = arith.constant 19 : i32
    %scan3A_58 = arith.addi %scan3A_56, %scan3A_57 : i32
    %scan3A_59 = arith.constant 1 : i32
    scf.for %scan3A_82 = %scan3A_56 to %scan3A_58 step %scan3A_59  : i32 {
      %mul3A_83 = arith.constant 2 : i32
      %mul3A_84 = arith.muli %scan3A_82, %mul3A_83 : i32
      %add3A_85 = arith.constant 0 : i32
      %add3A_86 = arith.addi %mul3A_84, %add3A_85 : i32
      %dma_wait3A_87 = arith.constant 0 : i32
      %dma_wait3A_88 = tpu.memref_slice %arg7[%add3A_86, %dma_wait3A_87] : memref<40x128xi32, #tpu.memory_space<vmem>> -> memref<1x128xi32, #tpu.memory_space<vmem>>
      %dma_wait3A_89 = tpu.memref_squeeze %dma_wait3A_88 : memref<1x128xi32, #tpu.memory_space<vmem>> -> memref<128xi32, #tpu.memory_space<vmem>>
      %dma_wait3A_90 = arith.constant 0 : i32
      %dma_wait3A_91 = arith.constant 0 : i32
      %dma_wait3A_92 = tpu.memref_slice %arg2[%dma_wait3A_90, %dma_wait3A_91] : memref<10112x128xf32, #tpu.memory_space<hbm>> -> memref<10112x128xf32, #tpu.memory_space<hbm>>
      tpu.wait_indirect_dma semaphore(%arg11 : memref<!tpu.dma_semaphore, #tpu.memory_space<semaphore_mem>>) src(%dma_wait3A_92 : memref<10112x128xf32, #tpu.memory_space<hbm>>) dst(%arg9 : memref<128x128xf32, #tpu.memory_space<vmem>>)
      "tpu.region"() ({
        %run_scoped3A_119 = tpu.sem_alloc : memref<!tpu.dma_semaphore, #tpu.memory_space<semaphore_mem>>
        %dma_start3A_120 = arith.constant 0 : i32
        %dma_start3A_121 = tpu.memref_slice %arg8[%add3A_86, %dma_start3A_120] : memref<40x128xi32, #tpu.memory_space<vmem>> -> memref<1x128xi32, #tpu.memory_space<vmem>>
        %dma_start3A_122 = tpu.memref_squeeze %dma_start3A_121 : memref<1x128xi32, #tpu.memory_space<vmem>> -> memref<128xi32, #tpu.memory_space<vmem>>
        %dma_start3A_123 = arith.constant 0 : i32
        %dma_start3A_124 = arith.constant 0 : i32
        %dma_start3A_125 = tpu.memref_slice %arg6[%dma_start3A_123, %dma_start3A_124] : memref<10112x128xf32, #tpu.memory_space<vmem_shared>> -> memref<10112x128xf32, #tpu.memory_space<vmem_shared>>
        tpu.enqueue_indirect_dma source(%arg9 : memref<128x128xf32, #tpu.memory_space<vmem>>) target(%dma_start3A_125 : memref<10112x128xf32, #tpu.memory_space<vmem_shared>>) offsets(%dma_start3A_122 : memref<128xi32, #tpu.memory_space<vmem>>) semaphore(%run_scoped3A_119 : memref<!tpu.dma_semaphore, #tpu.memory_space<semaphore_mem>>) {add = true}
        %dma_wait3A_126 = arith.constant 0 : i32
        %dma_wait3A_127 = tpu.memref_slice %arg8[%add3A_86, %dma_wait3A_126] : memref<40x128xi32, #tpu.memory_space<vmem>> -> memref<1x128xi32, #tpu.memory_space<vmem>>
        %dma_wait3A_128 = tpu.memref_squeeze %dma_wait3A_127 : memref<1x128xi32, #tpu.memory_space<vmem>> -> memref<128xi32, #tpu.memory_space<vmem>>
        %dma_wait3A_129 = arith.constant 0 : i32
        %dma_wait3A_130 = arith.constant 0 : i32
        %dma_wait3A_131 = tpu.memref_slice %arg6[%dma_wait3A_129, %dma_wait3A_130] : memref<10112x128xf32, #tpu.memory_space<vmem_shared>> -> memref<10112x128xf32, #tpu.memory_space<vmem_shared>>
        tpu.wait_indirect_dma semaphore(%run_scoped3A_119 : memref<!tpu.dma_semaphore, #tpu.memory_space<semaphore_mem>>) src(%arg9 : memref<128x128xf32, #tpu.memory_space<vmem>>) dst(%dma_wait3A_131 : memref<10112x128xf32, #tpu.memory_space<vmem_shared>>)
        tpu.yield
      }) : () -> ()
      %add3A_93 = arith.constant 2 : i32
      %add3A_94 = arith.addi %add3A_86, %add3A_93 : i32
      %dma_start3A_95 = arith.constant 0 : i32
      %dma_start3A_96 = tpu.memref_slice %arg7[%add3A_94, %dma_start3A_95] : memref<40x128xi32, #tpu.memory_space<vmem>> -> memref<1x128xi32, #tpu.memory_space<vmem>>
      %dma_start3A_97 = tpu.memref_squeeze %dma_start3A_96 : memref<1x128xi32, #tpu.memory_space<vmem>> -> memref<128xi32, #tpu.memory_space<vmem>>
      %dma_start3A_98 = arith.constant 0 : i32
      %dma_start3A_99 = arith.constant 0 : i32
      %dma_start3A_100 = tpu.memref_slice %arg2[%dma_start3A_98, %dma_start3A_99] : memref<10112x128xf32, #tpu.memory_space<hbm>> -> memref<10112x128xf32, #tpu.memory_space<hbm>>
      tpu.enqueue_indirect_dma source(%dma_start3A_100 : memref<10112x128xf32, #tpu.memory_space<hbm>>) target(%arg9 : memref<128x128xf32, #tpu.memory_space<vmem>>) offsets(%dma_start3A_97 : memref<128xi32, #tpu.memory_space<vmem>>) semaphore(%arg11 : memref<!tpu.dma_semaphore, #tpu.memory_space<semaphore_mem>>)
      %mul3A_101 = arith.constant 2 : i32
      %mul3A_102 = arith.muli %scan3A_82, %mul3A_101 : i32
      %add3A_103 = arith.constant 1 : i32
      %add3A_104 = arith.addi %mul3A_102, %add3A_103 : i32
      %dma_wait3A_105 = arith.constant 0 : i32
      %dma_wait3A_106 = tpu.memref_slice %arg7[%add3A_104, %dma_wait3A_105] : memref<40x128xi32, #tpu.memory_space<vmem>> -> memref<1x128xi32, #tpu.memory_space<vmem>>
      %dma_wait3A_107 = tpu.memref_squeeze %dma_wait3A_106 : memref<1x128xi32, #tpu.memory_space<vmem>> -> memref<128xi32, #tpu.memory_space<vmem>>
      %dma_wait3A_108 = arith.constant 0 : i32
      %dma_wait3A_109 = arith.constant 0 : i32
      %dma_wait3A_110 = tpu.memref_slice %arg2[%dma_wait3A_108, %dma_wait3A_109] : memref<10112x128xf32, #tpu.memory_space<hbm>> -> memref<10112x128xf32, #tpu.memory_space<hbm>>
      tpu.wait_indirect_dma semaphore(%arg12 : memref<!tpu.dma_semaphore, #tpu.memory_space<semaphore_mem>>) src(%dma_wait3A_110 : memref<10112x128xf32, #tpu.memory_space<hbm>>) dst(%arg10 : memref<128x128xf32, #tpu.memory_space<vmem>>)
      "tpu.region"() ({
        %run_scoped3A_119 = tpu.sem_alloc : memref<!tpu.dma_semaphore, #tpu.memory_space<semaphore_mem>>
        %dma_start3A_120 = arith.constant 0 : i32
        %dma_start3A_121 = tpu.memref_slice %arg8[%add3A_104, %dma_start3A_120] : memref<40x128xi32, #tpu.memory_space<vmem>> -> memref<1x128xi32, #tpu.memory_space<vmem>>
        %dma_start3A_122 = tpu.memref_squeeze %dma_start3A_121 : memref<1x128xi32, #tpu.memory_space<vmem>> -> memref<128xi32, #tpu.memory_space<vmem>>
        %dma_start3A_123 = arith.constant 0 : i32
        %dma_start3A_124 = arith.constant 0 : i32
        %dma_start3A_125 = tpu.memref_slice %arg6[%dma_start3A_123, %dma_start3A_124] : memref<10112x128xf32, #tpu.memory_space<vmem_shared>> -> memref<10112x128xf32, #tpu.memory_space<vmem_shared>>
        tpu.enqueue_indirect_dma source(%arg10 : memref<128x128xf32, #tpu.memory_space<vmem>>) target(%dma_start3A_125 : memref<10112x128xf32, #tpu.memory_space<vmem_shared>>) offsets(%dma_start3A_122 : memref<128xi32, #tpu.memory_space<vmem>>) semaphore(%run_scoped3A_119 : memref<!tpu.dma_semaphore, #tpu.memory_space<semaphore_mem>>) {add = true}
        %dma_wait3A_126 = arith.constant 0 : i32
        %dma_wait3A_127 = tpu.memref_slice %arg8[%add3A_104, %dma_wait3A_126] : memref<40x128xi32, #tpu.memory_space<vmem>> -> memref<1x128xi32, #tpu.memory_space<vmem>>
        %dma_wait3A_128 = tpu.memref_squeeze %dma_wait3A_127 : memref<1x128xi32, #tpu.memory_space<vmem>> -> memref<128xi32, #tpu.memory_space<vmem>>
        %dma_wait3A_129 = arith.constant 0 : i32
        %dma_wait3A_130 = arith.constant 0 : i32
        %dma_wait3A_131 = tpu.memref_slice %arg6[%dma_wait3A_129, %dma_wait3A_130] : memref<10112x128xf32, #tpu.memory_space<vmem_shared>> -> memref<10112x128xf32, #tpu.memory_space<vmem_shared>>
        tpu.wait_indirect_dma semaphore(%run_scoped3A_119 : memref<!tpu.dma_semaphore, #tpu.memory_space<semaphore_mem>>) src(%arg10 : memref<128x128xf32, #tpu.memory_space<vmem>>) dst(%dma_wait3A_131 : memref<10112x128xf32, #tpu.memory_space<vmem_shared>>)
        tpu.yield
      }) : () -> ()
      %add3A_111 = arith.constant 2 : i32
      %add3A_112 = arith.addi %add3A_104, %add3A_111 : i32
      %dma_start3A_113 = arith.constant 0 : i32
      %dma_start3A_114 = tpu.memref_slice %arg7[%add3A_112, %dma_start3A_113] : memref<40x128xi32, #tpu.memory_space<vmem>> -> memref<1x128xi32, #tpu.memory_space<vmem>>
      %dma_start3A_115 = tpu.memref_squeeze %dma_start3A_114 : memref<1x128xi32, #tpu.memory_space<vmem>> -> memref<128xi32, #tpu.memory_space<vmem>>
      %dma_start3A_116 = arith.constant 0 : i32
      %dma_start3A_117 = arith.constant 0 : i32
      %dma_start3A_118 = tpu.memref_slice %arg2[%dma_start3A_116, %dma_start3A_117] : memref<10112x128xf32, #tpu.memory_space<hbm>> -> memref<10112x128xf32, #tpu.memory_space<hbm>>
      tpu.enqueue_indirect_dma source(%dma_start3A_118 : memref<10112x128xf32, #tpu.memory_space<hbm>>) target(%arg10 : memref<128x128xf32, #tpu.memory_space<vmem>>) offsets(%dma_start3A_115 : memref<128xi32, #tpu.memory_space<vmem>>) semaphore(%arg12 : memref<!tpu.dma_semaphore, #tpu.memory_space<semaphore_mem>>)
    }
    %scan3A_60 = arith.constant 19 : i32
    %dma_wait3A_61 = arith.constant 38 : i32
    %dma_wait3A_62 = arith.constant 0 : i32
    %dma_wait3A_63 = tpu.memref_slice %arg7[%dma_wait3A_61, %dma_wait3A_62] : memref<40x128xi32, #tpu.memory_space<vmem>> -> memref<1x128xi32, #tpu.memory_space<vmem>>
    %dma_wait3A_64 = tpu.memref_squeeze %dma_wait3A_63 : memref<1x128xi32, #tpu.memory_space<vmem>> -> memref<128xi32, #tpu.memory_space<vmem>>
    %dma_wait3A_65 = arith.constant 0 : i32
    %dma_wait3A_66 = arith.constant 0 : i32
    %dma_wait3A_67 = tpu.memref_slice %arg2[%dma_wait3A_65, %dma_wait3A_66] : memref<10112x128xf32, #tpu.memory_space<hbm>> -> memref<10112x128xf32, #tpu.memory_space<hbm>>
    tpu.wait_indirect_dma semaphore(%arg11 : memref<!tpu.dma_semaphore, #tpu.memory_space<semaphore_mem>>) src(%dma_wait3A_67 : memref<10112x128xf32, #tpu.memory_space<hbm>>) dst(%arg9 : memref<128x128xf32, #tpu.memory_space<vmem>>)
    %run_scoped3A_68 = arith.constant 38 : i32
    "tpu.region"() ({
      %run_scoped3A_82 = tpu.sem_alloc : memref<!tpu.dma_semaphore, #tpu.memory_space<semaphore_mem>>
      %dma_start3A_83 = arith.constant 0 : i32
      %dma_start3A_84 = tpu.memref_slice %arg8[%run_scoped3A_68, %dma_start3A_83] : memref<40x128xi32, #tpu.memory_space<vmem>> -> memref<1x128xi32, #tpu.memory_space<vmem>>
      %dma_start3A_85 = tpu.memref_squeeze %dma_start3A_84 : memref<1x128xi32, #tpu.memory_space<vmem>> -> memref<128xi32, #tpu.memory_space<vmem>>
      %dma_start3A_86 = arith.constant 0 : i32
      %dma_start3A_87 = arith.constant 0 : i32
      %dma_start3A_88 = tpu.memref_slice %arg6[%dma_start3A_86, %dma_start3A_87] : memref<10112x128xf32, #tpu.memory_space<vmem_shared>> -> memref<10112x128xf32, #tpu.memory_space<vmem_shared>>
      tpu.enqueue_indirect_dma source(%arg9 : memref<128x128xf32, #tpu.memory_space<vmem>>) target(%dma_start3A_88 : memref<10112x128xf32, #tpu.memory_space<vmem_shared>>) offsets(%dma_start3A_85 : memref<128xi32, #tpu.memory_space<vmem>>) semaphore(%run_scoped3A_82 : memref<!tpu.dma_semaphore, #tpu.memory_space<semaphore_mem>>) {add = true}
      %dma_wait3A_89 = arith.constant 0 : i32
      %dma_wait3A_90 = tpu.memref_slice %arg8[%run_scoped3A_68, %dma_wait3A_89] : memref<40x128xi32, #tpu.memory_space<vmem>> -> memref<1x128xi32, #tpu.memory_space<vmem>>
      %dma_wait3A_91 = tpu.memref_squeeze %dma_wait3A_90 : memref<1x128xi32, #tpu.memory_space<vmem>> -> memref<128xi32, #tpu.memory_space<vmem>>
      %dma_wait3A_92 = arith.constant 0 : i32
      %dma_wait3A_93 = arith.constant 0 : i32
      %dma_wait3A_94 = tpu.memref_slice %arg6[%dma_wait3A_92, %dma_wait3A_93] : memref<10112x128xf32, #tpu.memory_space<vmem_shared>> -> memref<10112x128xf32, #tpu.memory_space<vmem_shared>>
      tpu.wait_indirect_dma semaphore(%run_scoped3A_82 : memref<!tpu.dma_semaphore, #tpu.memory_space<semaphore_mem>>) src(%arg9 : memref<128x128xf32, #tpu.memory_space<vmem>>) dst(%dma_wait3A_94 : memref<10112x128xf32, #tpu.memory_space<vmem_shared>>)
      tpu.yield
    }) : () -> ()
    %dma_wait3A_69 = arith.constant 39 : i32
    %dma_wait3A_70 = arith.constant 0 : i32
    %dma_wait3A_71 = tpu.memref_slice %arg7[%dma_wait3A_69, %dma_wait3A_70] : memref<40x128xi32, #tpu.memory_space<vmem>> -> memref<1x128xi32, #tpu.memory_space<vmem>>
    %dma_wait3A_72 = tpu.memref_squeeze %dma_wait3A_71 : memref<1x128xi32, #tpu.memory_space<vmem>> -> memref<128xi32, #tpu.memory_space<vmem>>
    %dma_wait3A_73 = arith.constant 0 : i32
    %dma_wait3A_74 = arith.constant 0 : i32
    %dma_wait3A_75 = tpu.memref_slice %arg2[%dma_wait3A_73, %dma_wait3A_74] : memref<10112x128xf32, #tpu.memory_space<hbm>> -> memref<10112x128xf32, #tpu.memory_space<hbm>>
    tpu.wait_indirect_dma semaphore(%arg12 : memref<!tpu.dma_semaphore, #tpu.memory_space<semaphore_mem>>) src(%dma_wait3A_75 : memref<10112x128xf32, #tpu.memory_space<hbm>>) dst(%arg10 : memref<128x128xf32, #tpu.memory_space<vmem>>)
    %run_scoped3A_76 = arith.constant 39 : i32
    "tpu.region"() ({
      %run_scoped3A_82 = tpu.sem_alloc : memref<!tpu.dma_semaphore, #tpu.memory_space<semaphore_mem>>
      %dma_start3A_83 = arith.constant 0 : i32
      %dma_start3A_84 = tpu.memref_slice %arg8[%run_scoped3A_76, %dma_start3A_83] : memref<40x128xi32, #tpu.memory_space<vmem>> -> memref<1x128xi32, #tpu.memory_space<vmem>>
      %dma_start3A_85 = tpu.memref_squeeze %dma_start3A_84 : memref<1x128xi32, #tpu.memory_space<vmem>> -> memref<128xi32, #tpu.memory_space<vmem>>
      %dma_start3A_86 = arith.constant 0 : i32
      %dma_start3A_87 = arith.constant 0 : i32
      %dma_start3A_88 = tpu.memref_slice %arg6[%dma_start3A_86, %dma_start3A_87] : memref<10112x128xf32, #tpu.memory_space<vmem_shared>> -> memref<10112x128xf32, #tpu.memory_space<vmem_shared>>
      tpu.enqueue_indirect_dma source(%arg10 : memref<128x128xf32, #tpu.memory_space<vmem>>) target(%dma_start3A_88 : memref<10112x128xf32, #tpu.memory_space<vmem_shared>>) offsets(%dma_start3A_85 : memref<128xi32, #tpu.memory_space<vmem>>) semaphore(%run_scoped3A_82 : memref<!tpu.dma_semaphore, #tpu.memory_space<semaphore_mem>>) {add = true}
      %dma_wait3A_89 = arith.constant 0 : i32
      %dma_wait3A_90 = tpu.memref_slice %arg8[%run_scoped3A_76, %dma_wait3A_89] : memref<40x128xi32, #tpu.memory_space<vmem>> -> memref<1x128xi32, #tpu.memory_space<vmem>>
      %dma_wait3A_91 = tpu.memref_squeeze %dma_wait3A_90 : memref<1x128xi32, #tpu.memory_space<vmem>> -> memref<128xi32, #tpu.memory_space<vmem>>
      %dma_wait3A_92 = arith.constant 0 : i32
      %dma_wait3A_93 = arith.constant 0 : i32
      %dma_wait3A_94 = tpu.memref_slice %arg6[%dma_wait3A_92, %dma_wait3A_93] : memref<10112x128xf32, #tpu.memory_space<vmem_shared>> -> memref<10112x128xf32, #tpu.memory_space<vmem_shared>>
      tpu.wait_indirect_dma semaphore(%run_scoped3A_82 : memref<!tpu.dma_semaphore, #tpu.memory_space<semaphore_mem>>) src(%arg10 : memref<128x128xf32, #tpu.memory_space<vmem>>) dst(%dma_wait3A_94 : memref<10112x128xf32, #tpu.memory_space<vmem_shared>>)
      tpu.yield
    }) : () -> ()
    %barrier3A_77 = arith.constant 0 : index
    tpu.barrier barrier_id(%barrier3A_77)
    %mul3A_78 = arith.constant 632 : i32
    %mul3A_79 = arith.muli %arg1, %mul3A_78 : i32
    %mul3A_80 = arith.constant 632 : i32
    %mul3A_81 = arith.muli %arg1, %mul3A_80 : i32
    "tpu.region"() ({
      %run_scoped3A_82 = tpu.sem_alloc : memref<!tpu.dma_semaphore, #tpu.memory_space<semaphore_mem>>
      %dma_start3A_83 = arith.constant 0 : i32
      %dma_start3A_84 = tpu.memref_slice %arg5[%arg0, %mul3A_81, %dma_start3A_83] : memref<2x10112x128xf32, #tpu.memory_space<hbm>> -> memref<1x632x128xf32, #tpu.memory_space<hbm>>
      %dma_start3A_85 = tpu.memref_squeeze %dma_start3A_84 : memref<1x632x128xf32, #tpu.memory_space<hbm>> -> memref<632x128xf32, #tpu.memory_space<hbm>>
      %dma_start3A_86 = arith.constant 0 : i32
      %dma_start3A_87 = tpu.memref_slice %arg6[%mul3A_79, %dma_start3A_86] : memref<10112x128xf32, #tpu.memory_space<vmem_shared>> -> memref<632x128xf32, #tpu.memory_space<vmem_shared>>
      tpu.enqueue_dma source(%dma_start3A_87 : memref<632x128xf32, #tpu.memory_space<vmem_shared>>) target(%dma_start3A_85 : memref<632x128xf32, #tpu.memory_space<hbm>>) target_semaphore(%run_scoped3A_82 : memref<!tpu.dma_semaphore, #tpu.memory_space<semaphore_mem>>)
      %dma_wait3A_88 = arith.constant 0 : i32
      %dma_wait3A_89 = tpu.memref_slice %arg5[%arg0, %mul3A_81, %dma_wait3A_88] : memref<2x10112x128xf32, #tpu.memory_space<hbm>> -> memref<1x632x128xf32, #tpu.memory_space<hbm>>
      %dma_wait3A_90 = tpu.memref_squeeze %dma_wait3A_89 : memref<1x632x128xf32, #tpu.memory_space<hbm>> -> memref<632x128xf32, #tpu.memory_space<hbm>>
      %dma_wait3A_91 = arith.constant 0 : i32
      %dma_wait3A_92 = tpu.memref_slice %arg6[%mul3A_79, %dma_wait3A_91] : memref<10112x128xf32, #tpu.memory_space<vmem_shared>> -> memref<632x128xf32, #tpu.memory_space<vmem_shared>>
      tpu.wait_dma2 semaphore(%run_scoped3A_82 : memref<!tpu.dma_semaphore, #tpu.memory_space<semaphore_mem>>) src(%dma_wait3A_92 : memref<632x128xf32, #tpu.memory_space<vmem_shared>>) dst(%dma_wait3A_90 : memref<632x128xf32, #tpu.memory_space<hbm>>)
      tpu.yield
    }) : () -> ()
    return
  }
}

module attributes {stable_mosaic.version = 14 : i64} {
  func.func @_prep_body(%arg0: i32, %arg1: memref<1264x128xf32, #tpu.memory_space<vmem>>, %arg2: memref<128x128xf32, #tpu.memory_space<vmem>>, %arg3: memref<1x128xf32, #tpu.memory_space<vmem>>, %arg4: memref<128x128xf32, #tpu.memory_space<vmem>>, %arg5: memref<2x1264x1xf32, #tpu.memory_space<vmem>>, %arg6: memref<1264x128xf32, #tpu.memory_space<vmem>>, %arg7: memref<1264x1xf32, #tpu.memory_space<vmem>>) attributes {dimension_semantics = [#tpu.dimension_semantics<arbitrary>], iteration_bounds = array<i64: 8>, scalar_prefetch = 0 : i64, scratch_operands = 0 : i64, tpu.core_type = #tpu.core_type<tc>, window_params = [{transform_indices = @transform_0, window_bounds = array<i64: 1264, 128>}, {pipeline_mode = #tpu.pipeline_mode<synchronous>, transform_indices = @transform_1, window_bounds = array<i64: 128, 128>}, {pipeline_mode = #tpu.pipeline_mode<synchronous>, transform_indices = @transform_2, window_bounds = array<i64: 1, 128>}, {pipeline_mode = #tpu.pipeline_mode<synchronous>, transform_indices = @transform_3, window_bounds = array<i64: 128, 128>}, {transform_indices = @transform_4, window_bounds = array<i64: 2, 1264, 1>}, {transform_indices = @transform_5, window_bounds = array<i64: 1264, 128>}, {transform_indices = @transform_6, window_bounds = array<i64: 1264, 1>}]} {
    %get3A = arith.constant 0 : index
    %get3A_0 = arith.constant 0 : index
    %get3A_1 = arith.constant 0 : index
    %get3A_2 = vector.load %arg5[%get3A, %get3A_0, %get3A_1] : memref<2x1264x1xf32, #tpu.memory_space<vmem>>, vector<1x1264x1xf32>
    %get3A_3 = vector.shape_cast %get3A_2 : vector<1x1264x1xf32> to vector<1264x1xf32>
    %get3A_4 = arith.constant 1 : index
    %get3A_5 = arith.constant 0 : index
    %get3A_6 = arith.constant 0 : index
    %get3A_7 = vector.load %arg5[%get3A_4, %get3A_5, %get3A_6] : memref<2x1264x1xf32, #tpu.memory_space<vmem>>, vector<1x1264x1xf32>
    %get3A_8 = vector.shape_cast %get3A_7 : vector<1x1264x1xf32> to vector<1264x1xf32>
    %add3A = arith.addf %get3A_3, %get3A_8 : vector<1264x1xf32>
    %add3A_9 = arith.constant 1.000000e+00 : f32
    %add3A_10 = vector.broadcast %add3A_9 : f32 to vector<1264x1xf32>
    %add3A_11 = arith.addf %add3A, %add3A_10 : vector<1264x1xf32>
    %iota3A = tpu.iota {dimensions = array<i32: 0>} : vector<1264x1xi32>
    %mul3A = arith.constant 1264 : i32
    %mul3A_12 = arith.muli %arg0, %mul3A : i32
    %add3A_13 = vector.broadcast %mul3A_12 : i32 to vector<1264x1xi32>
    %add3A_14 = arith.addi %iota3A, %add3A_13 : vector<1264x1xi32>
    %lt3A = arith.constant 10000 : i32
    %lt3A_15 = vector.broadcast %lt3A : i32 to vector<1264x1xi32>
    %lt3A_16 = arith.cmpi slt, %add3A_14, %lt3A_15 : vector<1264x1xi32>
    %rsqrt3A = math.rsqrt %add3A_11 : vector<1264x1xf32>
    %jit3A = arith.constant 0.000000e+00 : f32
    %broadcast_in_dim3A = vector.broadcast %jit3A : f32 to vector<1264x1xf32>
    %select_n3A = arith.select %lt3A_16, %rsqrt3A, %broadcast_in_dim3A : vector<1264x1xi1>, vector<1264x1xf32>
    %get3A_17 = arith.constant 0 : index
    %get3A_18 = arith.constant 0 : index
    %get3A_19 = vector.load %arg1[%get3A_17, %get3A_18] : memref<1264x128xf32, #tpu.memory_space<vmem>>, vector<1264x128xf32>
    %get3A_20 = arith.constant 0 : index
    %get3A_21 = arith.constant 0 : index
    %get3A_22 = vector.load %arg2[%get3A_20, %get3A_21] : memref<128x128xf32, #tpu.memory_space<vmem>>, vector<128x128xf32>
    %dot_general3A = arith.constant dense<0.000000e+00> : vector<1264x128xf32>
    %dot_general3A_23 = tpu.matmul %get3A_19, %get3A_22, %dot_general3A {dimension_numbers = #tpu.dot_dimension_numbers<[1], [0], [0], [1], [0, 0, 1, 1], [], []>, transpose_lhs_hint = false} : vector<1264x128xf32>, vector<128x128xf32>, vector<1264x128xf32> -> vector<1264x128xf32>
    %get3A_24 = arith.constant 0 : index
    %get3A_25 = arith.constant 0 : index
    %get3A_26 = vector.load %arg3[%get3A_24, %get3A_25] : memref<1x128xf32, #tpu.memory_space<vmem>>, vector<1x128xf32>
    %add3A_27 = vector.broadcast %get3A_26 : vector<1x128xf32> to vector<1264x128xf32>
    %add3A_28 = arith.addf %dot_general3A_23, %add3A_27 : vector<1264x128xf32>
    %max3A = arith.constant 0.000000e+00 : f32
    %max3A_29 = vector.broadcast %max3A : f32 to vector<1264x128xf32>
    %max3A_30 = arith.maximumf %add3A_28, %max3A_29 : vector<1264x128xf32>
    %get3A_31 = arith.constant 0 : index
    %get3A_32 = arith.constant 0 : index
    %get3A_33 = vector.load %arg4[%get3A_31, %get3A_32] : memref<128x128xf32, #tpu.memory_space<vmem>>, vector<128x128xf32>
    %dot_general3A_34 = arith.constant dense<0.000000e+00> : vector<1264x128xf32>
    %dot_general3A_35 = tpu.matmul %max3A_30, %get3A_33, %dot_general3A_34 {dimension_numbers = #tpu.dot_dimension_numbers<[1], [0], [0], [1], [0, 0, 1, 1], [], []>, transpose_lhs_hint = false} : vector<1264x128xf32>, vector<128x128xf32>, vector<1264x128xf32> -> vector<1264x128xf32>
    %mul3A_36 = vector.broadcast %select_n3A : vector<1264x1xf32> to vector<1264x128xf32>
    %mul3A_37 = arith.mulf %mul3A_36, %dot_general3A_35 : vector<1264x128xf32>
    %swap3A = arith.constant 0 : index
    %swap3A_38 = arith.constant 0 : index
    %swap3A_39 = vector.load %arg6[%swap3A, %swap3A_38] : memref<1264x128xf32, #tpu.memory_space<vmem>>, vector<1264x128xf32>
    tpu.vector_store %arg6[%swap3A, %swap3A_38], %mul3A_37 {strides = array<i32>} : memref<1264x128xf32, #tpu.memory_space<vmem>>, vector<1264x128xf32>,
    %swap3A_40 = arith.constant 0 : index
    %swap3A_41 = arith.constant 0 : index
    %swap3A_42 = vector.load %arg7[%swap3A_40, %swap3A_41] : memref<1264x1xf32, #tpu.memory_space<vmem>>, vector<1264x1xf32>
    tpu.vector_store %arg7[%swap3A_40, %swap3A_41], %select_n3A {strides = array<i32>} : memref<1264x1xf32, #tpu.memory_space<vmem>>, vector<1264x1xf32>,
    return
  }
  func.func @transform_0(%arg0: i32) -> (i32, i32) {
    %c0_i32 = arith.constant 0 : i32
    %c0_i32_0 = arith.constant 0 : i32
    return %arg0, %c0_i32 : i32, i32
  }
  func.func @transform_1(%arg0: i32) -> (i32, i32) {
    %c0_i32 = arith.constant 0 : i32
    %c0_i32_0 = arith.constant 0 : i32
    %c0_i32_1 = arith.constant 0 : i32
    return %c0_i32, %c0_i32_0 : i32, i32
  }
  func.func @transform_2(%arg0: i32) -> (i32, i32) {
    %c0_i32 = arith.constant 0 : i32
    %c0_i32_0 = arith.constant 0 : i32
    %c0_i32_1 = arith.constant 0 : i32
    return %c0_i32, %c0_i32_0 : i32, i32
  }
  func.func @transform_3(%arg0: i32) -> (i32, i32) {
    %c0_i32 = arith.constant 0 : i32
    %c0_i32_0 = arith.constant 0 : i32
    %c0_i32_1 = arith.constant 0 : i32
    return %c0_i32, %c0_i32_0 : i32, i32
  }
  func.func @transform_4(%arg0: i32) -> (i32, i32, i32) {
    %c0_i32 = arith.constant 0 : i32
    %c0_i32_0 = arith.constant 0 : i32
    %c0_i32_1 = arith.constant 0 : i32
    return %c0_i32, %arg0, %c0_i32_0 : i32, i32, i32
  }
  func.func @transform_5(%arg0: i32) -> (i32, i32) {
    %c0_i32 = arith.constant 0 : i32
    %c0_i32_0 = arith.constant 0 : i32
    return %arg0, %c0_i32 : i32, i32
  }
  func.func @transform_6(%arg0: i32) -> (i32, i32) {
    %c0_i32 = arith.constant 0 : i32
    %c0_i32_0 = arith.constant 0 : i32
    return %arg0, %c0_i32 : i32, i32
  }
}

module attributes {stable_mosaic.version = 14 : i64} {
  func.func @_mid_body(%arg0: i32, %arg1: memref<2x1264x128xf32, #tpu.memory_space<vmem>>, %arg2: memref<1264x128xf32, #tpu.memory_space<vmem>>, %arg3: memref<1264x1xf32, #tpu.memory_space<vmem>>, %arg4: memref<1x128xf32, #tpu.memory_space<vmem>>, %arg5: memref<128x128xf32, #tpu.memory_space<vmem>>, %arg6: memref<1264x128xf32, #tpu.memory_space<vmem>>) attributes {dimension_semantics = [#tpu.dimension_semantics<arbitrary>], iteration_bounds = array<i64: 8>, scalar_prefetch = 0 : i64, scratch_operands = 0 : i64, tpu.core_type = #tpu.core_type<tc>, window_params = [{transform_indices = @transform_0, window_bounds = array<i64: 2, 1264, 128>}, {transform_indices = @transform_1, window_bounds = array<i64: 1264, 128>}, {transform_indices = @transform_2, window_bounds = array<i64: 1264, 1>}, {pipeline_mode = #tpu.pipeline_mode<synchronous>, transform_indices = @transform_3, window_bounds = array<i64: 1, 128>}, {pipeline_mode = #tpu.pipeline_mode<synchronous>, transform_indices = @transform_4, window_bounds = array<i64: 128, 128>}, {transform_indices = @transform_5, window_bounds = array<i64: 1264, 128>}]} {
    %get3A = arith.constant 0 : index
    %get3A_0 = arith.constant 0 : index
    %get3A_1 = vector.load %arg3[%get3A, %get3A_0] : memref<1264x1xf32, #tpu.memory_space<vmem>>, vector<1264x1xf32>
    %get3A_2 = arith.constant 0 : index
    %get3A_3 = arith.constant 0 : index
    %get3A_4 = arith.constant 0 : index
    %get3A_5 = vector.load %arg1[%get3A_2, %get3A_3, %get3A_4] : memref<2x1264x128xf32, #tpu.memory_space<vmem>>, vector<1x1264x128xf32>
    %get3A_6 = vector.shape_cast %get3A_5 : vector<1x1264x128xf32> to vector<1264x128xf32>
    %get3A_7 = arith.constant 1 : index
    %get3A_8 = arith.constant 0 : index
    %get3A_9 = arith.constant 0 : index
    %get3A_10 = vector.load %arg1[%get3A_7, %get3A_8, %get3A_9] : memref<2x1264x128xf32, #tpu.memory_space<vmem>>, vector<1x1264x128xf32>
    %get3A_11 = vector.shape_cast %get3A_10 : vector<1x1264x128xf32> to vector<1264x128xf32>
    %add3A = arith.addf %get3A_6, %get3A_11 : vector<1264x128xf32>
    %get3A_12 = arith.constant 0 : index
    %get3A_13 = arith.constant 0 : index
    %get3A_14 = vector.load %arg2[%get3A_12, %get3A_13] : memref<1264x128xf32, #tpu.memory_space<vmem>>, vector<1264x128xf32>
    %add3A_15 = arith.addf %add3A, %get3A_14 : vector<1264x128xf32>
    %mul3A = vector.broadcast %get3A_1 : vector<1264x1xf32> to vector<1264x128xf32>
    %mul3A_16 = arith.mulf %mul3A, %add3A_15 : vector<1264x128xf32>
    %get3A_17 = arith.constant 0 : index
    %get3A_18 = arith.constant 0 : index
    %get3A_19 = vector.load %arg4[%get3A_17, %get3A_18] : memref<1x128xf32, #tpu.memory_space<vmem>>, vector<1x128xf32>
    %add3A_20 = vector.broadcast %get3A_19 : vector<1x128xf32> to vector<1264x128xf32>
    %add3A_21 = arith.addf %mul3A_16, %add3A_20 : vector<1264x128xf32>
    %max3A = arith.constant 0.000000e+00 : f32
    %max3A_22 = vector.broadcast %max3A : f32 to vector<1264x128xf32>
    %max3A_23 = arith.maximumf %add3A_21, %max3A_22 : vector<1264x128xf32>
    %get3A_24 = arith.constant 0 : index
    %get3A_25 = arith.constant 0 : index
    %get3A_26 = vector.load %arg5[%get3A_24, %get3A_25] : memref<128x128xf32, #tpu.memory_space<vmem>>, vector<128x128xf32>
    %dot_general3A = arith.constant dense<0.000000e+00> : vector<1264x128xf32>
    %dot_general3A_27 = tpu.matmul %max3A_23, %get3A_26, %dot_general3A {dimension_numbers = #tpu.dot_dimension_numbers<[1], [0], [0], [1], [0, 0, 1, 1], [], []>, transpose_lhs_hint = false} : vector<1264x128xf32>, vector<128x128xf32>, vector<1264x128xf32> -> vector<1264x128xf32>
    %mul3A_28 = vector.broadcast %get3A_1 : vector<1264x1xf32> to vector<1264x128xf32>
    %mul3A_29 = arith.mulf %mul3A_28, %dot_general3A_27 : vector<1264x128xf32>
    %swap3A = arith.constant 0 : index
    %swap3A_30 = arith.constant 0 : index
    %swap3A_31 = vector.load %arg6[%swap3A, %swap3A_30] : memref<1264x128xf32, #tpu.memory_space<vmem>>, vector<1264x128xf32>
    tpu.vector_store %arg6[%swap3A, %swap3A_30], %mul3A_29 {strides = array<i32>} : memref<1264x128xf32, #tpu.memory_space<vmem>>, vector<1264x128xf32>,
    return
  }
  func.func @transform_0(%arg0: i32) -> (i32, i32, i32) {
    %c0_i32 = arith.constant 0 : i32
    %c0_i32_0 = arith.constant 0 : i32
    %c0_i32_1 = arith.constant 0 : i32
    return %c0_i32, %arg0, %c0_i32_0 : i32, i32, i32
  }
  func.func @transform_1(%arg0: i32) -> (i32, i32) {
    %c0_i32 = arith.constant 0 : i32
    %c0_i32_0 = arith.constant 0 : i32
    return %arg0, %c0_i32 : i32, i32
  }
  func.func @transform_2(%arg0: i32) -> (i32, i32) {
    %c0_i32 = arith.constant 0 : i32
    %c0_i32_0 = arith.constant 0 : i32
    return %arg0, %c0_i32 : i32, i32
  }
  func.func @transform_3(%arg0: i32) -> (i32, i32) {
    %c0_i32 = arith.constant 0 : i32
    %c0_i32_0 = arith.constant 0 : i32
    %c0_i32_1 = arith.constant 0 : i32
    return %c0_i32, %c0_i32_0 : i32, i32
  }
  func.func @transform_4(%arg0: i32) -> (i32, i32) {
    %c0_i32 = arith.constant 0 : i32
    %c0_i32_0 = arith.constant 0 : i32
    %c0_i32_1 = arith.constant 0 : i32
    return %c0_i32, %c0_i32_0 : i32, i32
  }
  func.func @transform_5(%arg0: i32) -> (i32, i32) {
    %c0_i32 = arith.constant 0 : i32
    %c0_i32_0 = arith.constant 0 : i32
    return %arg0, %c0_i32 : i32, i32
  }
}

module attributes {stable_mosaic.version = 14 : i64} {
  func.func @_final_body(%arg0: memref<2x10112x128xf32, #tpu.memory_space<vmem>>, %arg1: memref<10112x128xf32, #tpu.memory_space<vmem>>, %arg2: memref<10112x1xf32, #tpu.memory_space<vmem>>, %arg3: memref<1x128xf32, #tpu.memory_space<vmem>>, %arg4: memref<128x3xf32, #tpu.memory_space<vmem>>, %arg5: memref<1x3xf32, #tpu.memory_space<vmem>>, %arg6: memref<10000x3xf32, #tpu.memory_space<vmem>>) attributes {dimension_semantics = [], scalar_prefetch = 0 : i64, scratch_operands = 0 : i64, tpu.core_type = #tpu.core_type<tc>} {
    %get3A = arith.constant 0 : index
    %get3A_0 = arith.constant 0 : index
    %get3A_1 = vector.load %arg2[%get3A, %get3A_0] : memref<10112x1xf32, #tpu.memory_space<vmem>>, vector<10112x1xf32>
    %get3A_2 = arith.constant 0 : index
    %get3A_3 = arith.constant 0 : index
    %get3A_4 = arith.constant 0 : index
    %get3A_5 = vector.load %arg0[%get3A_2, %get3A_3, %get3A_4] : memref<2x10112x128xf32, #tpu.memory_space<vmem>>, vector<1x10112x128xf32>
    %get3A_6 = vector.shape_cast %get3A_5 : vector<1x10112x128xf32> to vector<10112x128xf32>
    %get3A_7 = arith.constant 1 : index
    %get3A_8 = arith.constant 0 : index
    %get3A_9 = arith.constant 0 : index
    %get3A_10 = vector.load %arg0[%get3A_7, %get3A_8, %get3A_9] : memref<2x10112x128xf32, #tpu.memory_space<vmem>>, vector<1x10112x128xf32>
    %get3A_11 = vector.shape_cast %get3A_10 : vector<1x10112x128xf32> to vector<10112x128xf32>
    %add3A = arith.addf %get3A_6, %get3A_11 : vector<10112x128xf32>
    %get3A_12 = arith.constant 0 : index
    %get3A_13 = arith.constant 0 : index
    %get3A_14 = vector.load %arg1[%get3A_12, %get3A_13] : memref<10112x128xf32, #tpu.memory_space<vmem>>, vector<10112x128xf32>
    %add3A_15 = arith.addf %add3A, %get3A_14 : vector<10112x128xf32>
    %mul3A = vector.broadcast %get3A_1 : vector<10112x1xf32> to vector<10112x128xf32>
    %mul3A_16 = arith.mulf %mul3A, %add3A_15 : vector<10112x128xf32>
    %get3A_17 = arith.constant 0 : index
    %get3A_18 = arith.constant 0 : index
    %get3A_19 = vector.load %arg3[%get3A_17, %get3A_18] : memref<1x128xf32, #tpu.memory_space<vmem>>, vector<1x128xf32>
    %add3A_20 = vector.broadcast %get3A_19 : vector<1x128xf32> to vector<10112x128xf32>
    %add3A_21 = arith.addf %mul3A_16, %add3A_20 : vector<10112x128xf32>
    %max3A = arith.constant 0.000000e+00 : f32
    %max3A_22 = vector.broadcast %max3A : f32 to vector<10112x128xf32>
    %max3A_23 = arith.maximumf %add3A_21, %max3A_22 : vector<10112x128xf32>
    %get3A_24 = arith.constant 0 : index
    %get3A_25 = arith.constant 0 : index
    %get3A_26 = vector.load %arg4[%get3A_24, %get3A_25] : memref<128x3xf32, #tpu.memory_space<vmem>>, vector<128x3xf32>
    %dot_general3A = arith.constant dense<0.000000e+00> : vector<10112x3xf32>
    %dot_general3A_27 = tpu.matmul %max3A_23, %get3A_26, %dot_general3A {dimension_numbers = #tpu.dot_dimension_numbers<[1], [0], [0], [1], [0, 0, 1, 1], [], []>, transpose_lhs_hint = false} : vector<10112x128xf32>, vector<128x3xf32>, vector<10112x3xf32> -> vector<10112x3xf32>
    %get3A_28 = arith.constant 0 : index
    %get3A_29 = arith.constant 0 : index
    %get3A_30 = vector.load %arg5[%get3A_28, %get3A_29] : memref<1x3xf32, #tpu.memory_space<vmem>>, vector<1x3xf32>
    %add3A_31 = vector.broadcast %get3A_30 : vector<1x3xf32> to vector<10112x3xf32>
    %add3A_32 = arith.addf %dot_general3A_27, %add3A_31 : vector<10112x3xf32>
    %slice3A = vector.extract_strided_slice %add3A_32 {offsets = [0, 0], sizes = [10000, 3], strides = [1, 1]} : vector<10112x3xf32> to vector<10000x3xf32>
    %swap3A = arith.constant 0 : index
    %swap3A_33 = arith.constant 0 : index
    %swap3A_34 = vector.load %arg6[%swap3A, %swap3A_33] : memref<10000x3xf32, #tpu.memory_space<vmem>>, vector<10000x3xf32>
    tpu.vector_store %arg6[%swap3A, %swap3A_33], %slice3A {strides = array<i32>} : memref<10000x3xf32, #tpu.memory_space<vmem>>, vector<10000x3xf32>,
    return
  }
}

</mosaic_0001>

<sc_bundles>
// kernel: kernel.12.cloned.1.call-start
scs
__scs_entry_jumppad:
0x0: {  	(pc) =	sbr.rel $0x88, $3  }
0x1: {  	(tag) =	ssettag $0x0;
	lr =	simm.s32 $0x1  }
0x2: {  	[smem:$0x3F99] =	sst lr;
	_ =	strace $0xD0000000  }
0x3: {  	_ = 	snop  }
0x4: {  	_ = 	snop  }
0x5: {  	_ = 	snop  }
0x6: {  	_ = 	snop  }
0x7: {  	_ = 	snop  }
__scs_overlays_trampoline_lowered:
0x8: {  	[smem:$0x3FA8] =	sst s0  }
0x9: {  	[smem:$0x3FA9] =	sst s1  }
0xa: {  	[smem:$0x3FAA] =	sst s2  }
0xb: {  	[smem:$0x3FAB] =	sst s3  }
0xc: {  	[smem:$0x3FAC] =	sst s4  }
0xd: {  	[smem:$0x3FAD] =	sst s5  }
0xe: {  	[smem:$0x3FAE] =	sst s6  }
0xf: {  	[smem:$0x3FAF] =	sst s7  }
0x10: {  	[smem:$0x3FB0] =	sst s8  }
0x11: {  	[smem:$0x3FB1] =	sst s9;
	s0 =	simm.s32 @!p0 $0x0  }
0x12: {  	s1 =	sld [smem:$0x3F97];
	s0 =	simm.s32 @p0 $0x1  }
0x13: {  	[smem:$0x3FB2] =	sst s0;
	s0 =	simm.s32 @!p1 $0x0  }
0x14: {  	s2 =	sld [smem:$0x3F96];
	s0 =	simm.s32 @p1 $0x1  }
0x15: {  	[smem:$0x3FB3] =	sst s0;
	s0 =	simm.s32 @!p2 $0x0  }
0x16: {  	s3 =	sld [smem:$0x3FDB];
	s0 =	simm.s32 @p2 $0x1  }
0x17: {  	s4 =	simm.s32 $0x1BF5;
	[smem:$0x3FB5] =	sst s0  }
0x18: {  	s0 =	sld [smem:$0x3F98];
	_ =	swait.ge [sflag:s4], $0x0  }
0x19: {  	s7 =	sld [smem:$0x3F99]  }
0x1a: {  	s8 =	sadd.s32 $0xFFFFE003, lr  }
0x1b: {  	s9 =	sadd.s32 $0xFFFFFEF7, lr;
	s5 =	simm.s32 $0xFFFFFFFF;
	p2 =	slt.u32 s8, $0xFFFFF086  }
0x1c: {  	p1 =	slt.u32 s9, $0xF7A;
	s5 =	simm.s32 @!p2 $0x0  }
0x1d: {  	s5 =	simm.s32 @p1 $0x1;
	p0 =	seq.s32 s7, s2  }
0x1e: {  	s7 =	smul.u32 @!p0 $0xF7A, s2;
	p2 =	seq.s32 @!p0 s5, $0x0  }
0x1f: {  	s9 =	smul.u32 $0xF7A, s1;
	s8 =	simm.s32 @!p0 $0x1BF5;
	p2 =	por !p2, p0  }
0x20: {  	[sflag:s8] =	ssyncset.s32 @!p0 $0xFFFFF086;
	s6 =	sadd.s32 @!p0 s3, s7;
	s7 =	simm.s32 @!p0 $0x108  }
0x21: {  	s3 =	sadd.s32 s3, s9;
	s6 =	sadd.s32 @!p0 $0x88, s6;
	s7 =	simm.s32 @p2 $0x1082  }
0x22: {  	[simem:s7], [sflag:s8] =	dma.local @!p0 [hbm:s6], $0xF7A  }
0x23: {  	s9 =	sor.u32 $0xD0000000, s2;
	s6 =	simm.s32 $0x108;
	_ =	swait.ge @!p0 [sflag:s8], $0x0  }
0x24: {  	s3 =	sadd.s32 $0x88, s3;
	s6 =	simm.s32 @!p1 $0x1082;
	[sflag:s4] =	ssyncset.s32 $0xFFFFF086  }
0x25: {  	[simem:s6], [sflag:s4] =	dma.local [hbm:s3], $0xF7A  }
0x26: {  	[smem:$0x3F99] =	sst s1;
	(tag) =	ssettag s2;
	_ =	strace s9  }
0x27: {  	s1 =	sld [smem:$0x3FA9]  }
0x28: {  	s2 =	sld [smem:$0x3FAA]  }
0x29: {  	s4 =	sld [smem:$0x3FAC]  }
0x2a: {  	p0 =	seq.s32 s5, $0x0;
	s5 =	sld [smem:$0x3FAD]  }
0x2b: {  	s6 =	sld [smem:$0x3FAE]  }
0x2c: {  	s7 =	sld [smem:$0x3FAF]  }
0x2d: {  	s3 =	simm.s32 $0x108;
	s8 =	sld [smem:$0x3FB0]  }
0x2e: {  	s3 =	simm.s32 @!p0 $0x1082;
	s9 =	sld [smem:$0x3FB1]  }
0x2f: {  	lr =	sadd.s32 s0, s3;
	s0 =	sld [smem:$0x3FA8]  }
0x30: {  	s3 =	sld [smem:$0x3FAB]  }
0x31: {  	[smem:$0x3FB4] =	sst s10  }
0x32: {  	s10 =	sld [smem:$0x3FB2];
	_ =	sdelay $0x3  }
0x33: {  	p0 =	seq.s32 s10, $0x1;
	s10 =	sld [smem:$0x3FB4];
	_ =	sdelay $0x3  }
0x34: {  	[smem:$0x3FB4] =	sst s10  }
0x35: {  	s10 =	sld [smem:$0x3FB3];
	_ =	sdelay $0x3  }
0x36: {  	p1 =	seq.s32 s10, $0x1;
	s10 =	sld [smem:$0x3FB4];
	_ =	sdelay $0x3  }
0x37: {  	[smem:$0x3FB4] =	sst s10  }
0x38: {  	s10 =	sld [smem:$0x3FB5]  }
0x39: {  	_ = 	snop;
	(pc) =	sbr.ind lr, $3  }
0x3a: {  	_ = 	snop  }
0x3b: {  	_ = 	snop  }
0x3c: {  	p2 =	seq.s32 s10, $0x1;
	s10 =	sld [smem:$0x3FB4]  }
0x3d: {  	_ =	shalt  }
0x3e: {  	_ =	shalt  }
0x3f: {  	_ =	shalt  }
0x40: {  	_ =	shalt  }
0x41: {  	_ =	shalt  }
0x42: {  	_ =	shalt  }
0x43: {  	_ =	shalt  }
0x44: {  	_ =	shalt  }
0x45: {  	_ =	shalt  }
0x46: {  	_ =	shalt  }
0x47: {  	_ =	shalt  }
0x48: {  	_ =	shalt  }
0x49: {  	_ =	shalt  }
0x4a: {  	_ =	shalt  }
0x4b: {  	_ =	shalt  }
0x4c: {  	_ =	shalt  }
0x4d: {  	_ =	shalt  }
0x4e: {  	_ =	shalt  }
0x4f: {  	_ =	shalt  }
0x50: {  	_ =	shalt  }
0x51: {  	_ =	shalt  }
0x52: {  	_ =	shalt  }
0x53: {  	_ =	shalt  }
0x54: {  	_ =	shalt  }
0x55: {  	_ =	shalt  }
0x56: {  	_ =	shalt  }
0x57: {  	_ =	shalt  }
0x58: {  	_ =	shalt  }
0x59: {  	_ =	shalt  }
0x5a: {  	_ =	shalt  }
0x5b: {  	_ =	shalt  }
0x5c: {  	_ =	shalt  }
0x5d: {  	_ =	shalt  }
0x5e: {  	_ =	shalt  }
0x5f: {  	_ =	shalt  }
0x60: {  	_ =	shalt  }
0x61: {  	_ =	shalt  }
0x62: {  	_ =	shalt  }
0x63: {  	_ =	shalt  }
0x64: {  	_ =	shalt  }
0x65: {  	_ =	shalt  }
0x66: {  	_ =	shalt  }
0x67: {  	_ =	shalt  }
0x68: {  	_ =	shalt  }
0x69: {  	_ =	shalt  }
0x6a: {  	_ =	shalt  }
0x6b: {  	_ =	shalt  }
0x6c: {  	_ =	shalt  }
0x6d: {  	_ =	shalt  }
0x6e: {  	_ =	shalt  }
0x6f: {  	_ =	shalt  }
0x70: {  	_ =	shalt  }
0x71: {  	_ =	shalt  }
0x72: {  	_ =	shalt  }
0x73: {  	_ =	shalt  }
0x74: {  	_ =	shalt  }
0x75: {  	_ =	shalt  }
0x76: {  	_ =	shalt  }
0x77: {  	_ =	shalt  }
0x78: {  	_ =	shalt  }
0x79: {  	_ =	shalt  }
0x7a: {  	_ =	shalt  }
0x7b: {  	_ =	shalt  }
0x7c: {  	_ =	shalt  }
0x7d: {  	_ =	shalt  }
0x7e: {  	_ =	shalt  }
0x7f: {  	_ =	shalt  }
0x80: {  	_ =	shalt  }
0x81: {  	_ =	shalt  }
0x82: {  	_ =	shalt  }
0x83: {  	_ =	shalt  }
0x84: {  	_ =	shalt  }
0x85: {  	_ =	shalt  }
0x86: {  	_ =	shalt  }
0x87: {  	_ =	shalt  }
.Lfunc_end0:
.L_simem_size_0:
called_computation_lowered:
.L_overlay_start_0:
0x88: {  	s2 =	sld [smem:$0x3FD9]  }
0x89: {  	s3 =	sld [smem:$0x3FFE];
	_ =	sdelay $0x1  }
0x8a: {  	s1 =	srdreg.scid  }
0x8b: {  	s0 =	sand.u32 $0x1, s1  }
0x8c: {  	s17 =	sshll.u32 s0, $0xA;
	s2 =	sadd.s32 s3, s2  }
0x8d: {  	s2 =	sadd.s32 s2, s17  }
0x8e: {  	[smem:$0x3FC0] =	sst s2  }
0x8f: {  	_ = 	snop  }
0x90: {  	s2 =	sld [smem:$0x3FD0];
	(tm) =	ssettm $0x1  }
0x91: {  	s18 =	sld [smem:$0x3FFB];
	_ =	sdelay $0x3  }
0x92: {  	_ =	strace s18  }
0x93: {  	s3 =	sld [smem:$0x3FFC];
	_ =	sdelay $0x3  }
0x94: {  	_ =	strace s3  }
0x95: {  	s3 =	sld [smem:$0x3FFD];
	_ =	sdelay $0x3  }
0x96: {  	_ =	strace s3  }
0x97: {  	_ =	strace $0x8FFFFFFF  }
0x98: {  	s19 =	sld [smem:$0x3FDB];
	_ =	sdelay $0x1  }
0x99: {  	s4 =	simm.s32 $_scs_section_size  }
0x9a: {  	s5 =	simm.s32 $_size__tile_overlayer_lowered;
	s6 =	simm.s32 $_tile_overlayer_lowered  }
0x9b: {  	s22 =	simm.s32 $0x1BFF;
	s21 =	sshll.u32 s6, $0x1;
	s3 =	sadd.s32 s4, s19  }
0x9c: {  	s7 =	simm.s32 $0x0;
	s20 =	sshll.u32 s5, $0x1;
	s5 =	sadd.s32 s21, s3  }
0x9d: {  	[timem:s7], [sflag:s22] =	dma.local [hbm:s5], s20  }
0x9e: {  	_ =	swait.ge [sflag:s22], s20  }
0x9f: {  	s4 =	ssub.s32 $0x0, s20;
	[sflag:s22] =	ssyncset.done $0x0  }
0xa0: {  	[sflag:s22] =	ssyncadd.s32 s4;
	_ =	sdelay $0x1  }
0xa1: {  	s23 =	simm.s32 $0x1B8B  }
0xa2: {  	_ =	swait.ge [sflag:s23], $0x1  }
0xa3: {  	[sflag:s23] =	ssyncset.done $0x0  }
0xa4: {  	s25 =	simm.s32 $0x1B8E;
	s24 =	sld [smem:$0x3FFE];
	[sflag:s23] =	ssyncadd.s32 $0xFFFFFFFF  }
0xa5: {  	s26 =	simm.s32 $execute0_lowered;
	[smem:$0x3FD2] =	sst s25  }
0xa6: {  	s5 =	sshll.u32 s26, $0x1;
	_ =	strace $0x80000046;
	[dreg:$0x1] =	wrdreg $0xFFFFFFFF  }
0xa7: {  	s28 =	simm.s32 $_size_execute0_lowered;
	s3 =	sadd.s32 s3, s5;
	[dreg:$0x0] =	wrdreg $0x0  }
0xa8: {  	s5 =	sshll.u32 s28, $0x1;
	[dreg:$0x2] =	wrdreg s3  }
0xa9: {  	[dreg:$0x3] =	wrdreg s5  }
0xaa: {  	[dreg:$0x4] =	wrdreg $0xC0  }
0xab: {  	_ =	task [dreg:s7], $0x5FFFF  }
0xac: {  	[dreg:$0x1] =	wrdreg $0xFFFFFFFF  }
0xad: {  	[dreg:$0x0] =	wrdreg $0x60  }
0xae: {  	[dreg:$0x2] =	wrdreg s24  }
0xaf: {  	[dreg:$0x3] =	wrdreg s2  }
0xb0: {  	[dreg:$0x4] =	wrdreg $0x0  }
0xb1: {  	[dreg:$0x5] =	wrdreg $0x9  }
0xb2: {  	_ =	task.clear_ibuf [dreg:s7], $0x6FFFF;
	_ =	strace $0x90000046  }
0xb3: {  	s29 =	simm.s32 $0x9;
	_ =	strace $0x80000048  }
0xb4: {  	_ =	swait.ge [sflag:s29], $0x1  }
0xb5: {  	[sflag:s29] =	ssyncadd.s32 $0xFFFFFFFF  }
0xb6: {  	_ =	strace $0x90000048  }
0xb7: {  	_ =	sfence  }
0xb8: {  	s30 =	sld [smem:$0x0];
	_ =	sdelay $0x2  }
0xb9: {  	s31 =	sshll.u32 s1, $0xD;
	s1 =	sshrl.u32 s1, $0x2  }
0xba: {  	s3 =	sand.u32 $0x4000, s31;
	s1 =	sadd.s32 s1, s30  }
0xbb: {  	s0 =	sor.u32 s3, s0;
	s1 =	sshll.u32 s1, $0x11  }
0xbc: {  	s0 =	sor.u32 s1, s0  }
0xbd: {  	s0 =	sadd.s32 $0x8F2B, s0  }
0xbe: {  	[sflag:s0] =	ssyncadd.remote.s32 $0x1  }
0xbf: {  	_ =	sfence.sel $0xFFFF  }
0xc0: {  	[dreg:$0x0] =	wrdreg $0xFFFFFFFF;
	(pc) =	sbr.abs _section_cstart, $3  }
0xc1: {  	[dreg:$0x1] =	wrdreg $0xFFFFFFFF  }
0xc2: {  	_ =	task.clear_ibuf [dreg:s7], $0x2FFFF;
	_ =	strace $0x9FFFFFFF  }
0xc3: {  	(tm) =	ssettm $0x7FFFFFFF  }
tec
execute0_lowered:
.L_overlay_start_1:
0x0: {  	(tag) =	ssettag $0x1  }
0x1: {  	s6 =	rddreg [dreg:$0x0]  }
0x2: {  	s0 =	srdreg.scid;
	s16 =	rddreg [dreg:$0x1]  }
0x3: {  	s2 =	rddreg [dreg:$0x2];
	s1 =	stileid.u32  }
0x4: {  	s3 =	simm.s32 $0x0;
	s21 =	simm.s32 $0x2A78;
	s22 =	simm.s32 $0x80  }
0x5: {  	s23 =	simm.s32 $0x0;
	s8 =	sand.u32 $0x1, s0;
	s0 =	rddreg [dreg:$0x3]  }
0x6: {  	[smem:$0x7FF] =	sst s3;
	s26 =	sshll.u32 s1, $0x7;
	s11 =	sor.u32 $0x10, s1  }
0x7: {  	s14 =	sor.u32 $0x20, s1;
	s15 =	sor.u32 $0x30, s1;
	s19 =	sor.u32 $0x40, s1  }
0x8: {  	p0 =	seq.s32 s1, $0xF;
	s4 =	sshll.u32 s8, $0x4;
	_ =	strace $0x80000047  }
0x9: {  	s7 =	ssub.s32 $0x2, s8;
	s28 =	sshll.u32 s11, $0x7;
	s29 =	sshll.u32 s14, $0x7  }
0xa: {  	s18 =	smul.u32 $0x4F, s8;
	s30 =	sshll.u32 s15, $0x7;
	s13 =	sshll.u32 s19, $0x7  }
0xb: {  	s4 =	sor.u32 s1, s4;
	s9 =	sshrl.u32 s7, $0x1;
	s8 =	sadd.s32 s28, s2  }
0xc: {  	s5 =	smul.u32 $0x2800, s4;
	s4 =	sadd.s32 $0x18000, s6;
	s17 =	ssub.s32 s7, s9  }
0xd: {  	s7 =	sadd.s32 s26, s2;
	s9 =	sadd.s32 s29, s2;
	s12 =	sadd.s32 s1, s18  }
0xe: {  	s20 =	sadd.s32 s11, s18;
	s11 =	sadd.s32 s13, s2;
	s14 =	sadd.s32 s14, s18  }
0xf: {  	s15 =	sadd.s32 s15, s18;
	s18 =	sadd.s32 s19, s18;
	s19 =	simm.s32 $0x1  }
0x10: {  	s12 =	sshll.u32 s12, $0x4;
	s31 =	sshll.u32 s20, $0x4;
	s14 =	sshll.u32 s14, $0x4  }
0x11: {  	s15 =	sshll.u32 s15, $0x4;
	s18 =	sshll.u32 s18, $0x4;
	s17 =	smax.u32 s17, $0x1  }
0x12: {  	s20 =	simm.s32 $0x278;
	s10 =	sshrl.u32 s5, $0x3;
	s5 =	sadd.s32 $0x17E00, s6  }
0x13: {  	s12 =	sadd.s32 s16, s12;
	s13 =	sadd.s32 s16, s31;
	s14 =	sadd.s32 s16, s14  }
0x14: {  	s15 =	sadd.s32 s16, s15;
	s16 =	sadd.s32 s16, s18;
	s6 =	sadd.s32 s6, s10  }
0x15: {  	s18 =	simm.s32 $0x2AF8;
	s10 =	sadd.s32 s30, s2;
	s6 =	sadd.s32 $0xDE00, s6  }
.LBB2_1:
0x16: {  	[tilespmem:s18], [sflag:$0x1] =	stream.linear.gather [hbm4b:s5+s3], $0x80, $0x38;
	[tilespmem:$0x2B78] =	vst v63  }
0x17: {  	_ =	swait.ge [sflag:s19], $0x80  }
0x18: {  	[sflag:s19] =	ssyncset.done $0x0  }
0x19: {  	[sflag:s19] =	ssyncadd.s32 $0xFFFFFF80  }
0x1a: {  	[tilespmem:s20], [sflag:$0x1] =	stream.linear.gather [hbm4b:s6+s3], $0x2800, $0x38;
	[tilespmem:$0x2B78] =	vst v63  }
0x1b: {  	_ =	swait.ge [sflag:s19], $0x2800  }
0x1c: {  	[sflag:s19] =	ssyncset.done $0x0  }
0x1d: {  	[sflag:s19] =	ssyncadd.s32 $0xFFFFD800  }
0x1e: {  	[tilespmem:s21], [sflag:$0x1] =	stream.linear.gather [hbm4b:s4+s3], $0x80, $0x38;
	[tilespmem:$0x2B78] =	vst v63  }
0x1f: {  	_ =	swait.ge [sflag:s19], $0x80  }
0x20: {  	[sflag:s19] =	ssyncset.done $0x0  }
0x21: {  	[sflag:s19] =	ssyncadd.s32 $0xFFFFFF80  }
0x22: {  	[spmem:s7] =	stream.linear.scatter [tilespmem:s18], [sflag:$0x1], $0x80, $0x38;
	[tilespmem:$0x2B78] =	vst v63  }
0x23: {  	_ =	swait.ge [sflag:s19], $0x80  }
0x24: {  	[sflag:s19] =	ssyncset.done $0x0  }
0x25: {  	[sflag:s19] =	ssyncadd.s32 $0xFFFFFF80  }
0x26: {  	[spmem:s8] =	stream.linear.scatter [tilespmem:s18], [sflag:$0x1], $0x80, $0x38;
	[tilespmem:$0x2B78] =	vst v63  }
0x27: {  	_ =	swait.ge [sflag:s19], $0x80  }
0x28: {  	[sflag:s19] =	ssyncset.done $0x0  }
0x29: {  	[sflag:s19] =	ssyncadd.s32 $0xFFFFFF80  }
0x2a: {  	[spmem:s9] =	stream.linear.scatter [tilespmem:s18], [sflag:$0x1], $0x80, $0x38;
	[tilespmem:$0x2B78] =	vst v63  }
0x2b: {  	_ =	swait.ge [sflag:s19], $0x80  }
0x2c: {  	[sflag:s19] =	ssyncset.done $0x0  }
0x2d: {  	[sflag:s19] =	ssyncadd.s32 $0xFFFFFF80  }
0x2e: {  	[spmem:s10] =	stream.linear.scatter [tilespmem:s18], [sflag:$0x1], $0x80, $0x38;
	[tilespmem:$0x2B78] =	vst v63  }
0x2f: {  	_ =	swait.ge [sflag:s19], $0x80  }
0x30: {  	[sflag:s19] =	ssyncset.done $0x0  }
0x31: {  	s24 =	simm.s32 @!p0 $0x2AF8;
	[sflag:s19] =	ssyncadd.s32 $0xFFFFFF80  }
0x32: {  	[spmem:s11] =	stream.linear.scatter @!p0 [tilespmem:s24], [sflag:$0x1], $0x80, $0x38;
	[tilespmem:$0x2B78] =	vst v63  }
0x33: {  	s24 =	simm.s32 @!p0 $0x1  }
0x34: {  	_ =	swait.ge @!p0 [sflag:s24], $0x80  }
0x35: {  	[sflag:s24] =	ssyncset.done @!p0 $0x0  }
0x36: {  	[sflag:s24] =	ssyncadd.s32 @!p0 $0xFFFFFF80  }
0x37: {  	s31 =	simm.s32 $0x278;
	[bflag:$0x0] =	sbarrier.arrive $0xFFFF  }
0x38: {  	[spmem:s2] =	stream.indirect.scatter.add.f32 [tilespmem:s21], [sflag:$0x1], $0x1, s31, s22, $0xb8;
	[tilespmem:$0x2B78] =	vst v63  }
0x39: {  	s24 =	simm.s32 $0x200;
	_ =	swait.ge [sflag:s19], $0x80  }
.LBB2_2:
0x3a: {  	s25 =	sshra.s32 s24, $0x2;
	[sflag:s19] =	ssyncset.done $0x0;
	p1 =	sne.s32 s24, $0x9E00  }
.Ltmp0:
0x3b: {  	s25 =	sadd.s32 $0x278, s25;
	[sflag:s19] =	ssyncadd.s32 $0xFFFFFF80;
	(pc) =	sbr.rel @p1 .LBB2_2-.Ltmp0, $3  }
0x3c: {  	[spmem:s2] =	stream.indirect.scatter.add.f32 [tilespmem:s21], [sflag:$0x1], $0x1, s25, s22, $0xb8;
	[tilespmem:$0x2B78] =	vst v63  }
0x3d: {  	s24 =	sadd.s32 $0x200, s24;
	_ =	sdelay $0x1  }
0x3e: {  	_ =	swait.ge [sflag:s19], $0x80  }
0x3f: {  	[sflag:s19] =	ssyncset.done $0x0  }
0x40: {  	[sflag:s19] =	ssyncadd.s32 $0xFFFFFF80  }
0x41: {  	[bflag:$0x0] =	sbarrier.arrive $0xFFFF  }
0x42: {  	[tilespmem:s18], [sflag:$0x1] =	stream.linear.gather [spmem:s7], $0x80, $0x38;
	[tilespmem:$0x2B78] =	vst v63  }
0x43: {  	_ =	swait.ge [sflag:s19], $0x80  }
0x44: {  	[sflag:s19] =	ssyncset.done $0x0  }
0x45: {  	[sflag:s19] =	ssyncadd.s32 $0xFFFFFF80  }
0x46: {  	[hbm4b:s12+s3] =	stream.linear.scatter [tilespmem:s18], [sflag:$0x1], $0x80, $0x38;
	[tilespmem:$0x2B78] =	vst v63  }
0x47: {  	_ =	swait.ge [sflag:s19], $0x80  }
0x48: {  	[sflag:s19] =	ssyncset.done $0x0  }
0x49: {  	[sflag:s19] =	ssyncadd.s32 $0xFFFFFF80  }
0x4a: {  	[tilespmem:s18], [sflag:$0x1] =	stream.linear.gather [spmem:s8], $0x80, $0x38;
	[tilespmem:$0x2B78] =	vst v63  }
0x4b: {  	_ =	swait.ge [sflag:s19], $0x80  }
0x4c: {  	[sflag:s19] =	ssyncset.done $0x0  }
0x4d: {  	[sflag:s19] =	ssyncadd.s32 $0xFFFFFF80  }
0x4e: {  	[hbm4b:s13+s3] =	stream.linear.scatter [tilespmem:s18], [sflag:$0x1], $0x80, $0x38;
	[tilespmem:$0x2B78] =	vst v63  }
0x4f: {  	_ =	swait.ge [sflag:s19], $0x80  }
0x50: {  	[sflag:s19] =	ssyncset.done $0x0  }
0x51: {  	[sflag:s19] =	ssyncadd.s32 $0xFFFFFF80  }
0x52: {  	[tilespmem:s18], [sflag:$0x1] =	stream.linear.gather [spmem:s9], $0x80, $0x38;
	[tilespmem:$0x2B78] =	vst v63  }
0x53: {  	_ =	swait.ge [sflag:s19], $0x80  }
0x54: {  	[sflag:s19] =	ssyncset.done $0x0  }
0x55: {  	[sflag:s19] =	ssyncadd.s32 $0xFFFFFF80  }
0x56: {  	[hbm4b:s14+s3] =	stream.linear.scatter [tilespmem:s18], [sflag:$0x1], $0x80, $0x38;
	[tilespmem:$0x2B78] =	vst v63  }
0x57: {  	_ =	swait.ge [sflag:s19], $0x80  }
0x58: {  	[sflag:s19] =	ssyncset.done $0x0  }
0x59: {  	[sflag:s19] =	ssyncadd.s32 $0xFFFFFF80  }
0x5a: {  	[tilespmem:s18], [sflag:$0x1] =	stream.linear.gather [spmem:s10], $0x80, $0x38;
	[tilespmem:$0x2B78] =	vst v63  }
0x5b: {  	_ =	swait.ge [sflag:s19], $0x80  }
0x5c: {  	[sflag:s19] =	ssyncset.done $0x0  }
0x5d: {  	[sflag:s19] =	ssyncadd.s32 $0xFFFFFF80  }
0x5e: {  	[hbm4b:s15+s3] =	stream.linear.scatter [tilespmem:s18], [sflag:$0x1], $0x80, $0x38;
	[tilespmem:$0x2B78] =	vst v63  }
0x5f: {  	_ =	swait.ge [sflag:s19], $0x80  }
0x60: {  	[sflag:s19] =	ssyncset.done $0x0  }
0x61: {  	s24 =	simm.s32 @!p0 $0x2AF8;
	s25 =	simm.s32 @!p0 $0x1;
	[sflag:s19] =	ssyncadd.s32 $0xFFFFFF80  }
0x62: {  	[tilespmem:s24], [sflag:$0x1] =	stream.linear.gather @!p0 [spmem:s11], $0x80, $0x38;
	[tilespmem:$0x2B78] =	vst v63  }
0x63: {  	s23 =	sadd.s32 $0x1, s23;
	_ =	swait.ge @!p0 [sflag:s25], $0x80  }
0x64: {  	p1 =	sne.s32 s23, s17;
	[sflag:s25] =	ssyncset.done @!p0 $0x0  }
.Ltmp1:
0x65: {  	s26 =	simm.s32 @!p0 $0x0;
	[sflag:s25] =	ssyncadd.s32 @!p0 $0xFFFFFF80;
	(pc) =	sbr.rel @p1 .LBB2_1-.Ltmp1, $4  }
0x66: {  	[hbm4b:s16+s26] =	stream.linear.scatter @!p0 [tilespmem:s24], [sflag:$0x1], $0x80, $0x38;
	[tilespmem:$0x2B78] =	vst v63  }
0x67: {  	_ =	swait.ge @!p0 [sflag:s25], $0x80  }
0x68: {  	[sflag:s25] =	ssyncset.done @!p0 $0x0  }
0x69: {  	[sflag:s25] =	ssyncadd.s32 @!p0 $0xFFFFFF80  }
0x6a: {  	_ =	sfence.sel $0x180000  }
0x6b: {  	[bflag:$0x0] =	sbarrier.arrive $0xFFFF  }
0x6c: {  	p0 =	sne.s32 s1, $0x0;
	_ =	strace $0x90000047  }
0x6d: {  	s0 =	sadd.s32 @!p0 $0x100000, s0;
	[bflag:$0x2] =	sbarrier.arrive $0xFFFF  }
0x6e: {  	[sflag:s0] =	ssyncadd.tile.s32 @!p0 $0x1;
	_ =	shalt  }
.Lfunc_end2:
_tile_overlayer_lowered:
.L_overlay_start_2:
0x6f: {  	(tag) =	ssettag $0x2  }
0x70: {  	s0 =	rddreg [dreg:$0x0];
	s2 =	stileid.u32  }
0x71: {  	s1 =	rddreg [dreg:$0x1];
	p0 =	sne.s32 s2, $0x0  }
0x72: {  	s3 =	rddreg [dreg:$0x2];
	[bflag:$0x3] =	sbarrier.arrive $0xFFFF;
	s2 =	simm.s32 @!p0 $0x1C01  }
0x73: {  	[timem:s3], [sflag:s2] =	dma.local @!p0 [hbm:s0], s1  }
0x74: {  	s0 =	simm.s32 @!p0 $0x1  }
0x75: {  	_ =	swait.ge @!p0 [sflag:s0], s1  }
0x76: {  	s1 =	ssub.s32 @!p0 $0x0, s1;
	[sflag:s0] =	ssyncset.done @!p0 $0x0  }
0x77: {  	[sflag:s0] =	ssyncadd.s32 @!p0 s1  }
0x78: {  	[bflag:$0x3] =	sbarrier.arrive $0xFFFF  }
0x79: {  	_ =	shalt  }

// kernel: kernel.15.cloned.1.call-start
scs
__scs_entry_jumppad:
0x0: {  	(pc) =	sbr.rel $0x88, $3  }
0x1: {  	(tag) =	ssettag $0x0;
	lr =	simm.s32 $0x1  }
0x2: {  	[smem:$0x3F99] =	sst lr;
	_ =	strace $0xD0000000  }
0x3: {  	_ = 	snop  }
0x4: {  	_ = 	snop  }
0x5: {  	_ = 	snop  }
0x6: {  	_ = 	snop  }
0x7: {  	_ = 	snop  }
__scs_overlays_trampoline_lowered:
0x8: {  	[smem:$0x3FA8] =	sst s0  }
0x9: {  	[smem:$0x3FA9] =	sst s1  }
0xa: {  	[smem:$0x3FAA] =	sst s2  }
0xb: {  	[smem:$0x3FAB] =	sst s3  }
0xc: {  	[smem:$0x3FAC] =	sst s4  }
0xd: {  	[smem:$0x3FAD] =	sst s5  }
0xe: {  	[smem:$0x3FAE] =	sst s6  }
0xf: {  	[smem:$0x3FAF] =	sst s7  }
0x10: {  	[smem:$0x3FB0] =	sst s8  }
0x11: {  	[smem:$0x3FB1] =	sst s9;
	s0 =	simm.s32 @!p0 $0x0  }
0x12: {  	s1 =	sld [smem:$0x3F97];
	s0 =	simm.s32 @p0 $0x1  }
0x13: {  	[smem:$0x3FB2] =	sst s0;
	s0 =	simm.s32 @!p1 $0x0  }
0x14: {  	s2 =	sld [smem:$0x3F96];
	s0 =	simm.s32 @p1 $0x1  }
0x15: {  	[smem:$0x3FB3] =	sst s0;
	s0 =	simm.s32 @!p2 $0x0  }
0x16: {  	s3 =	sld [smem:$0x3FDB];
	s0 =	simm.s32 @p2 $0x1  }
0x17: {  	s4 =	simm.s32 $0x1BF5;
	[smem:$0x3FB5] =	sst s0  }
0x18: {  	s0 =	sld [smem:$0x3F98];
	_ =	swait.ge [sflag:s4], $0x0  }
0x19: {  	s7 =	sld [smem:$0x3F99]  }
0x1a: {  	s8 =	sadd.s32 $0xFFFFE003, lr  }
0x1b: {  	s9 =	sadd.s32 $0xFFFFFEF7, lr;
	s5 =	simm.s32 $0xFFFFFFFF;
	p2 =	slt.u32 s8, $0xFFFFF086  }
0x1c: {  	p1 =	slt.u32 s9, $0xF7A;
	s5 =	simm.s32 @!p2 $0x0  }
0x1d: {  	s5 =	simm.s32 @p1 $0x1;
	p0 =	seq.s32 s7, s2  }
0x1e: {  	s7 =	smul.u32 @!p0 $0xF7A, s2;
	p2 =	seq.s32 @!p0 s5, $0x0  }
0x1f: {  	s9 =	smul.u32 $0xF7A, s1;
	s8 =	simm.s32 @!p0 $0x1BF5;
	p2 =	por !p2, p0  }
0x20: {  	[sflag:s8] =	ssyncset.s32 @!p0 $0xFFFFF086;
	s6 =	sadd.s32 @!p0 s3, s7;
	s7 =	simm.s32 @!p0 $0x108  }
0x21: {  	s3 =	sadd.s32 s3, s9;
	s6 =	sadd.s32 @!p0 $0x88, s6;
	s7 =	simm.s32 @p2 $0x1082  }
0x22: {  	[simem:s7], [sflag:s8] =	dma.local @!p0 [hbm:s6], $0xF7A  }
0x23: {  	s9 =	sor.u32 $0xD0000000, s2;
	s6 =	simm.s32 $0x108;
	_ =	swait.ge @!p0 [sflag:s8], $0x0  }
0x24: {  	s3 =	sadd.s32 $0x88, s3;
	s6 =	simm.s32 @!p1 $0x1082;
	[sflag:s4] =	ssyncset.s32 $0xFFFFF086  }
0x25: {  	[simem:s6], [sflag:s4] =	dma.local [hbm:s3], $0xF7A  }
0x26: {  	[smem:$0x3F99] =	sst s1;
	(tag) =	ssettag s2;
	_ =	strace s9  }
0x27: {  	s1 =	sld [smem:$0x3FA9]  }
0x28: {  	s2 =	sld [smem:$0x3FAA]  }
0x29: {  	s4 =	sld [smem:$0x3FAC]  }
0x2a: {  	p0 =	seq.s32 s5, $0x0;
	s5 =	sld [smem:$0x3FAD]  }
0x2b: {  	s6 =	sld [smem:$0x3FAE]  }
0x2c: {  	s7 =	sld [smem:$0x3FAF]  }
0x2d: {  	s3 =	simm.s32 $0x108;
	s8 =	sld [smem:$0x3FB0]  }
0x2e: {  	s3 =	simm.s32 @!p0 $0x1082;
	s9 =	sld [smem:$0x3FB1]  }
0x2f: {  	lr =	sadd.s32 s0, s3;
	s0 =	sld [smem:$0x3FA8]  }
0x30: {  	s3 =	sld [smem:$0x3FAB]  }
0x31: {  	[smem:$0x3FB4] =	sst s10  }
0x32: {  	s10 =	sld [smem:$0x3FB2];
	_ =	sdelay $0x3  }
0x33: {  	p0 =	seq.s32 s10, $0x1;
	s10 =	sld [smem:$0x3FB4];
	_ =	sdelay $0x3  }
0x34: {  	[smem:$0x3FB4] =	sst s10  }
0x35: {  	s10 =	sld [smem:$0x3FB3];
	_ =	sdelay $0x3  }
0x36: {  	p1 =	seq.s32 s10, $0x1;
	s10 =	sld [smem:$0x3FB4];
	_ =	sdelay $0x3  }
0x37: {  	[smem:$0x3FB4] =	sst s10  }
0x38: {  	s10 =	sld [smem:$0x3FB5]  }
0x39: {  	_ = 	snop;
	(pc) =	sbr.ind lr, $3  }
0x3a: {  	_ = 	snop  }
0x3b: {  	_ = 	snop  }
0x3c: {  	p2 =	seq.s32 s10, $0x1;
	s10 =	sld [smem:$0x3FB4]  }
0x3d: {  	_ =	shalt  }
0x3e: {  	_ =	shalt  }
0x3f: {  	_ =	shalt  }
0x40: {  	_ =	shalt  }
0x41: {  	_ =	shalt  }
0x42: {  	_ =	shalt  }
0x43: {  	_ =	shalt  }
0x44: {  	_ =	shalt  }
0x45: {  	_ =	shalt  }
0x46: {  	_ =	shalt  }
0x47: {  	_ =	shalt  }
0x48: {  	_ =	shalt  }
0x49: {  	_ =	shalt  }
0x4a: {  	_ =	shalt  }
0x4b: {  	_ =	shalt  }
0x4c: {  	_ =	shalt  }
0x4d: {  	_ =	shalt  }
0x4e: {  	_ =	shalt  }
0x4f: {  	_ =	shalt  }
0x50: {  	_ =	shalt  }
0x51: {  	_ =	shalt  }
0x52: {  	_ =	shalt  }
0x53: {  	_ =	shalt  }
0x54: {  	_ =	shalt  }
0x55: {  	_ =	shalt  }
0x56: {  	_ =	shalt  }
0x57: {  	_ =	shalt  }
0x58: {  	_ =	shalt  }
0x59: {  	_ =	shalt  }
0x5a: {  	_ =	shalt  }
0x5b: {  	_ =	shalt  }
0x5c: {  	_ =	shalt  }
0x5d: {  	_ =	shalt  }
0x5e: {  	_ =	shalt  }
0x5f: {  	_ =	shalt  }
0x60: {  	_ =	shalt  }
0x61: {  	_ =	shalt  }
0x62: {  	_ =	shalt  }
0x63: {  	_ =	shalt  }
0x64: {  	_ =	shalt  }
0x65: {  	_ =	shalt  }
0x66: {  	_ =	shalt  }
0x67: {  	_ =	shalt  }
0x68: {  	_ =	shalt  }
0x69: {  	_ =	shalt  }
0x6a: {  	_ =	shalt  }
0x6b: {  	_ =	shalt  }
0x6c: {  	_ =	shalt  }
0x6d: {  	_ =	shalt  }
0x6e: {  	_ =	shalt  }
0x6f: {  	_ =	shalt  }
0x70: {  	_ =	shalt  }
0x71: {  	_ =	shalt  }
0x72: {  	_ =	shalt  }
0x73: {  	_ =	shalt  }
0x74: {  	_ =	shalt  }
0x75: {  	_ =	shalt  }
0x76: {  	_ =	shalt  }
0x77: {  	_ =	shalt  }
0x78: {  	_ =	shalt  }
0x79: {  	_ =	shalt  }
0x7a: {  	_ =	shalt  }
0x7b: {  	_ =	shalt  }
0x7c: {  	_ =	shalt  }
0x7d: {  	_ =	shalt  }
0x7e: {  	_ =	shalt  }
0x7f: {  	_ =	shalt  }
0x80: {  	_ =	shalt  }
0x81: {  	_ =	shalt  }
0x82: {  	_ =	shalt  }
0x83: {  	_ =	shalt  }
0x84: {  	_ =	shalt  }
0x85: {  	_ =	shalt  }
0x86: {  	_ =	shalt  }
0x87: {  	_ =	shalt  }
.Lfunc_end0:
.L_simem_size_0:
called_computation.1_lowered:
.L_overlay_start_0:
0x88: {  	s2 =	sld [smem:$0x3FD9]  }
0x89: {  	s3 =	sld [smem:$0x3FFE];
	_ =	sdelay $0x1  }
0x8a: {  	s1 =	srdreg.scid  }
0x8b: {  	s0 =	sand.u32 $0x1, s1  }
0x8c: {  	s16 =	sshll.u32 s0, $0xA;
	s2 =	sadd.s32 s3, s2  }
0x8d: {  	s2 =	sadd.s32 s2, s16  }
0x8e: {  	[smem:$0x3FC0] =	sst s2  }
0x8f: {  	_ = 	snop  }
0x90: {  	(tm) =	ssettm $0x1  }
0x91: {  	s17 =	sld [smem:$0x3FFB];
	_ =	sdelay $0x3  }
0x92: {  	_ =	strace s17  }
0x93: {  	s2 =	sld [smem:$0x3FFC];
	_ =	sdelay $0x3  }
0x94: {  	_ =	strace s2  }
0x95: {  	s2 =	sld [smem:$0x3FFD];
	_ =	sdelay $0x3  }
0x96: {  	_ =	strace s2  }
0x97: {  	_ =	strace $0x8FFFFFFF  }
0x98: {  	s18 =	sld [smem:$0x3FDB];
	_ =	sdelay $0x1  }
0x99: {  	s19 =	simm.s32 $_scs_section_size  }
0x9a: {  	s4 =	simm.s32 $_size__tile_overlayer_lowered;
	s5 =	simm.s32 $_tile_overlayer_lowered  }
0x9b: {  	s22 =	simm.s32 $0x1BFF;
	s21 =	sshll.u32 s5, $0x1;
	s2 =	sadd.s32 s19, s18  }
0x9c: {  	s6 =	simm.s32 $0x0;
	s20 =	sshll.u32 s4, $0x1;
	s4 =	sadd.s32 s21, s2  }
0x9d: {  	[timem:s6], [sflag:s22] =	dma.local [hbm:s4], s20  }
0x9e: {  	_ =	swait.ge [sflag:s22], s20  }
0x9f: {  	s3 =	ssub.s32 $0x0, s20;
	[sflag:s22] =	ssyncset.done $0x0  }
0xa0: {  	[sflag:s22] =	ssyncadd.s32 s3;
	_ =	sdelay $0x1  }
0xa1: {  	s23 =	simm.s32 $0x1B8B  }
0xa2: {  	_ =	swait.ge [sflag:s23], $0x1  }
0xa3: {  	[sflag:s23] =	ssyncset.done $0x0  }
0xa4: {  	s25 =	simm.s32 $0x1B8E;
	s24 =	sld [smem:$0x3FFE];
	[sflag:s23] =	ssyncadd.s32 $0xFFFFFFFF  }
0xa5: {  	s26 =	simm.s32 $execute0_lowered;
	[smem:$0x3FD2] =	sst s25  }
0xa6: {  	s4 =	sshll.u32 s26, $0x1;
	_ =	strace $0x80000049;
	[dreg:$0x1] =	wrdreg $0xFFFFFFFF  }
0xa7: {  	s28 =	simm.s32 $_size_execute0_lowered;
	s2 =	sadd.s32 s2, s4;
	[dreg:$0x0] =	wrdreg $0x0  }
0xa8: {  	s4 =	sshll.u32 s28, $0x1;
	[dreg:$0x2] =	wrdreg s2  }
0xa9: {  	[dreg:$0x3] =	wrdreg s4  }
0xaa: {  	[dreg:$0x4] =	wrdreg $0xC0  }
0xab: {  	_ =	task [dreg:s6], $0x5FFFF  }
0xac: {  	[dreg:$0x1] =	wrdreg $0xFFFFFFFF  }
0xad: {  	[dreg:$0x0] =	wrdreg $0x60  }
0xae: {  	[dreg:$0x2] =	wrdreg s24  }
0xaf: {  	[dreg:$0x3] =	wrdreg $0x0  }
0xb0: {  	[dreg:$0x4] =	wrdreg $0x9  }
0xb1: {  	_ =	task.clear_ibuf [dreg:s6], $0x5FFFF;
	_ =	strace $0x90000049  }
0xb2: {  	s29 =	simm.s32 $0x9;
	_ =	strace $0x8000004B  }
0xb3: {  	_ =	swait.ge [sflag:s29], $0x1  }
0xb4: {  	[sflag:s29] =	ssyncadd.s32 $0xFFFFFFFF  }
0xb5: {  	_ =	strace $0x9000004B  }
0xb6: {  	_ =	sfence  }
0xb7: {  	s30 =	sld [smem:$0x0];
	_ =	sdelay $0x2  }
0xb8: {  	s31 =	sshll.u32 s1, $0xD;
	s1 =	sshrl.u32 s1, $0x2  }
0xb9: {  	s3 =	sand.u32 $0x4000, s31;
	s1 =	sadd.s32 s1, s30  }
0xba: {  	s0 =	sor.u32 s3, s0;
	s1 =	sshll.u32 s1, $0x11  }
0xbb: {  	s0 =	sor.u32 s1, s0  }
0xbc: {  	s0 =	sadd.s32 $0x8F2B, s0  }
0xbd: {  	[sflag:s0] =	ssyncadd.remote.s32 $0x1  }
0xbe: {  	_ =	sfence.sel $0xFFFF  }
0xbf: {  	[dreg:$0x0] =	wrdreg $0xFFFFFFFF;
	(pc) =	sbr.abs _section_cstart, $3  }
0xc0: {  	[dreg:$0x1] =	wrdreg $0xFFFFFFFF  }
0xc1: {  	_ =	task.clear_ibuf [dreg:s6], $0x2FFFF;
	_ =	strace $0x9FFFFFFF  }
0xc2: {  	(tm) =	ssettm $0x7FFFFFFF  }
0xc3: {  	_ =	shalt  }
tec
execute0_lowered:
.L_overlay_start_1:
0x0: {  	(tag) =	ssettag $0x1  }
0x1: {  	s0 =	srdreg.scid;
	s6 =	rddreg [dreg:$0x0]  }
0x2: {  	s2 =	rddreg [dreg:$0x1];
	s3 =	simm.s32 $0x0;
	s14 =	simm.s32 $0x3  }
0x3: {  	s15 =	simm.s32 $0x13C00;
	s16 =	simm.s32 $0x15000;
	s17 =	simm.s32 $0x80  }
0x4: {  	s18 =	simm.s32 $0x16400;
	s19 =	simm.s32 $0x13C80;
	s20 =	simm.s32 $0x1A400  }
0x5: {  	s21 =	simm.s32 $0x1;
	s5 =	sand.u32 $0x1, s0;
	s0 =	stileid.u32  }
0x6: {  	s22 =	simm.s32 $0x2;
	s23 =	simm.s32 $0x16300;
	s7 =	smul.u32 $0x13C00, s0  }
0x7: {  	s24 =	simm.s32 $0x16380;
	s25 =	simm.s32 $0x0;
	s9 =	smul.u32 $0x13C000, s5  }
0x8: {  	[smem:$0x7FF] =	sst s3;
	s1 =	sshll.u32 s5, $0x4;
	s28 =	smul.u32 $0x4F000, s0  }
0x9: {  	s5 =	ssub.s32 $0x2, s5;
	s31 =	sshll.u32 s0, $0x6;
	s1 =	sor.u32 s0, s1  }
0xa: {  	s29 =	sshrl.u32 s5, $0x1;
	s4 =	smul.u32 $0x2800, s1;
	s1 =	rddreg [dreg:$0x2]  }
0xb: {  	_ =	strace $0x8000004A;
	s26 =	sshrl.u32 s7, $0x3;
	s7 =	sadd.s32 s7, s9  }
0xc: {  	s30 =	sshrl.u32 s28, $0x2;
	s12 =	ssub.s32 s5, s29;
	s7 =	sshrl.u32 s7, $0x3  }
0xd: {  	s13 =	sadd.s32 s30, s2;
	s12 =	smax.u32 s12, $0x1;
	s8 =	sshrl.u32 s4, $0x3  }
0xe: {  	s4 =	sadd.s32 $0x17E00, s6;
	s11 =	sadd.s32 s7, s6;
	s13 =	sshrl.u32 s13, $0x3  }
0xf: {  	s10 =	sadd.s32 s8, s6;
	s8 =	sadd.s32 s26, s6;
	s6 =	sor.u32 $0x1C03, s31  }
0x10: {  	s11 =	sadd.s32 $0x66E00, s11;
	s5 =	sadd.s32 $0x3F600, s8;
	s7 =	sadd.s32 $0x3E00, s10  }
0x11: {  	s8 =	sadd.s32 $0xDE00, s10;
	s9 =	sadd.s32 $0x4080, s10;
	s10 =	sadd.s32 $0xE080, s10  }
.LBB2_1:
0x12: {  	[spmem:s13], [sflag:s6] =	dma.local [hbm:s5], $0x2780  }
0x13: {  	_ =	swait.ge [sflag:s14], $0x2780  }
0x14: {  	[sflag:s14] =	ssyncset.done $0x0  }
0x15: {  	[sflag:s14] =	ssyncadd.s32 $0xFFFFD880  }
0x16: {  	[bflag:$0x0] =	sbarrier.arrive $0xFFFF  }
0x17: {  	[tilespmem:s15], [sflag:$0x3] =	stream.linear.gather [hbm4b:s7+s3], $0x1400, $0x38;
	[tilespmem:$0x1E400] =	vst v63  }
0x18: {  	_ =	swait.ge [sflag:s14], $0x1400  }
0x19: {  	[sflag:s14] =	ssyncset.done $0x0  }
0x1a: {  	[sflag:s14] =	ssyncadd.s32 $0xFFFFEC00  }
0x1b: {  	[tilespmem:s16], [sflag:$0x3] =	stream.linear.gather [hbm4b:s8+s3], $0x1400, $0x38;
	[tilespmem:$0x1E400] =	vst v63  }
0x1c: {  	_ =	swait.ge [sflag:s14], $0x1400  }
0x1d: {  	[sflag:s14] =	ssyncset.done $0x0  }
0x1e: {  	[sflag:s14] =	ssyncadd.s32 $0xFFFFEC00  }
0x1f: {  	[tilespmem:s18], [sflag:$0x1] =	stream.indirect.gather [hbm4b:s4+s17], $0x80, s15, s17, $0xb8;
	[tilespmem:$0x1E400] =	vst v63  }
0x20: {  	_ = 	snop  }
0x21: {  	[tilespmem:s20], [sflag:$0x2] =	stream.indirect.gather [hbm4b:s4+s17], $0x80, s19, s17, $0xb8;
	[tilespmem:$0x1E400] =	vst v63  }
0x22: {  	_ =	swait.ge [sflag:s21], $0x4000  }
0x23: {  	[sflag:s21] =	ssyncset.done $0x0  }
0x24: {  	s26 =	simm.s32 $0x15000;
	[sflag:s21] =	ssyncadd.s32 $0xFFFFC000  }
0x25: {  	[spmem:s2] =	stream.indirect.scatter.add.f32 [tilespmem:s18], [sflag:$0x3], $0x80, s26, s17, $0xb8;
	[tilespmem:$0x1E400] =	vst v63  }
0x26: {  	_ =	swait.ge [sflag:s14], $0x4000  }
0x27: {  	[sflag:s14] =	ssyncset.done $0x0  }
0x28: {  	s30 =	simm.s32 $0x13D00;
	[sflag:s14] =	ssyncadd.s32 $0xFFFFC000  }
0x29: {  	[tilespmem:s18], [sflag:$0x1] =	stream.indirect.gather [hbm4b:s4+s17], $0x80, s30, s17, $0xb8;
	[tilespmem:$0x1E400] =	vst v63  }
0x2a: {  	_ =	swait.ge [sflag:s22], $0x4000  }
0x2b: {  	[sflag:s22] =	ssyncset.done $0x0  }
0x2c: {  	s31 =	simm.s32 $0x15080;
	[sflag:s22] =	ssyncadd.s32 $0xFFFFC000  }
0x2d: {  	[spmem:s2] =	stream.indirect.scatter.add.f32 [tilespmem:s20], [sflag:$0x3], $0x80, s31, s17, $0xb8;
	[tilespmem:$0x1E400] =	vst v63  }
0x2e: {  	_ =	swait.ge [sflag:s14], $0x4000  }
0x2f: {  	[sflag:s14] =	ssyncset.done $0x0  }
0x30: {  	s28 =	simm.s32 $0x13D80;
	s26 =	simm.s32 $0x400;
	[sflag:s14] =	ssyncadd.s32 $0xFFFFC000  }
.LBB2_2:
0x31: {  	[tilespmem:s20], [sflag:$0x2] =	stream.indirect.gather [hbm4b:s4+s17], $0x80, s28, s17, $0xb8;
	[tilespmem:$0x1E400] =	vst v63  }
0x32: {  	s28 =	smov.u32 s26  }
0x33: {  	p0 =	sne.s32 s26, $0x4800;
	s26 =	sadd.s32 $0x400, s26;
	_ =	swait.ge [sflag:s21], $0x4000  }
0x34: {  	s28 =	sshra.s32 s28, $0x2;
	[sflag:s21] =	ssyncset.done $0x0  }
0x35: {  	s29 =	sadd.s32 $0x15000, s28;
	[sflag:s21] =	ssyncadd.s32 $0xFFFFC000  }
0x36: {  	[spmem:s2] =	stream.indirect.scatter.add.f32 [tilespmem:s18], [sflag:$0x3], $0x80, s29, s17, $0xb8;
	[tilespmem:$0x1E400] =	vst v63  }
0x37: {  	_ =	swait.ge [sflag:s14], $0x4000  }
0x38: {  	[sflag:s14] =	ssyncset.done $0x0  }
0x39: {  	s29 =	sadd.s32 $0x13D00, s28;
	[sflag:s14] =	ssyncadd.s32 $0xFFFFC000  }
0x3a: {  	[tilespmem:s18], [sflag:$0x1] =	stream.indirect.gather [hbm4b:s4+s17], $0x80, s29, s17, $0xb8;
	[tilespmem:$0x1E400] =	vst v63  }
0x3b: {  	_ =	swait.ge [sflag:s22], $0x4000  }
0x3c: {  	[sflag:s22] =	ssyncset.done $0x0  }
.Ltmp0:
0x3d: {  	s29 =	sadd.s32 $0x15080, s28;
	[sflag:s22] =	ssyncadd.s32 $0xFFFFC000;
	(pc) =	sbr.rel @p0 .LBB2_2-.Ltmp0, $4  }
0x3e: {  	[spmem:s2] =	stream.indirect.scatter.add.f32 [tilespmem:s20], [sflag:$0x3], $0x80, s29, s17, $0xb8;
	[tilespmem:$0x1E400] =	vst v63  }
0x3f: {  	_ =	swait.ge [sflag:s14], $0x4000  }
0x40: {  	[sflag:s14] =	ssyncset.done $0x0  }
0x41: {  	s28 =	sadd.s32 $0x13D80, s28;
	[sflag:s14] =	ssyncadd.s32 $0xFFFFC000  }
0x42: {  	[tilespmem:s20], [sflag:$0x2] =	stream.indirect.gather [hbm4b:s4+s17], $0x80, s28, s17, $0xb8;
	[tilespmem:$0x1E400] =	vst v63  }
0x43: {  	_ =	swait.ge [sflag:s21], $0x4000  }
0x44: {  	[sflag:s21] =	ssyncset.done $0x0  }
0x45: {  	[sflag:s21] =	ssyncadd.s32 $0xFFFFC000  }
0x46: {  	[spmem:s2] =	stream.indirect.scatter.add.f32 [tilespmem:s18], [sflag:$0x3], $0x80, s23, s17, $0xb8;
	[tilespmem:$0x1E400] =	vst v63  }
0x47: {  	_ =	swait.ge [sflag:s14], $0x4000  }
0x48: {  	[sflag:s14] =	ssyncset.done $0x0  }
0x49: {  	[sflag:s14] =	ssyncadd.s32 $0xFFFFC000  }
0x4a: {  	_ =	swait.ge [sflag:s22], $0x4000  }
0x4b: {  	[sflag:s22] =	ssyncset.done $0x0  }
0x4c: {  	[sflag:s22] =	ssyncadd.s32 $0xFFFFC000  }
0x4d: {  	[spmem:s2] =	stream.indirect.scatter.add.f32 [tilespmem:s20], [sflag:$0x3], $0x80, s24, s17, $0xb8;
	[tilespmem:$0x1E400] =	vst v63  }
0x4e: {  	_ =	swait.ge [sflag:s14], $0x4000  }
0x4f: {  	[sflag:s14] =	ssyncset.done $0x0  }
0x50: {  	s26 =	simm.s32 $0x0;
	[sflag:s14] =	ssyncadd.s32 $0xFFFFC000  }
0x51: {  	[tilespmem:s15], [sflag:$0x3] =	stream.linear.gather [hbm4b:s9+s26], $0x1400, $0x38;
	[tilespmem:$0x1E400] =	vst v63  }
0x52: {  	_ =	swait.ge [sflag:s14], $0x1400  }
0x53: {  	[sflag:s14] =	ssyncset.done $0x0  }
0x54: {  	[sflag:s14] =	ssyncadd.s32 $0xFFFFEC00  }
0x55: {  	[tilespmem:s16], [sflag:$0x3] =	stream.linear.gather [hbm4b:s10+s26], $0x1400, $0x38;
	[tilespmem:$0x1E400] =	vst v63  }
0x56: {  	_ =	swait.ge [sflag:s14], $0x1400  }
0x57: {  	[sflag:s14] =	ssyncset.done $0x0  }
0x58: {  	[sflag:s14] =	ssyncadd.s32 $0xFFFFEC00  }
0x59: {  	[tilespmem:s18], [sflag:$0x1] =	stream.indirect.gather [hbm4b:s4+s17], $0x80, s15, s17, $0xb8;
	[tilespmem:$0x1E400] =	vst v63  }
0x5a: {  	_ = 	snop  }
0x5b: {  	[tilespmem:s20], [sflag:$0x2] =	stream.indirect.gather [hbm4b:s4+s17], $0x80, s19, s17, $0xb8;
	[tilespmem:$0x1E400] =	vst v63  }
0x5c: {  	_ =	swait.ge [sflag:s21], $0x4000  }
0x5d: {  	[sflag:s21] =	ssyncset.done $0x0  }
0x5e: {  	s29 =	simm.s32 $0x15000;
	[sflag:s21] =	ssyncadd.s32 $0xFFFFC000  }
0x5f: {  	[spmem:s2] =	stream.indirect.scatter.add.f32 [tilespmem:s18], [sflag:$0x3], $0x80, s29, s17, $0xb8;
	[tilespmem:$0x1E400] =	vst v63  }
0x60: {  	_ =	swait.ge [sflag:s14], $0x4000  }
0x61: {  	[sflag:s14] =	ssyncset.done $0x0  }
0x62: {  	s30 =	simm.s32 $0x13D00;
	[sflag:s14] =	ssyncadd.s32 $0xFFFFC000  }
0x63: {  	[tilespmem:s18], [sflag:$0x1] =	stream.indirect.gather [hbm4b:s4+s17], $0x80, s30, s17, $0xb8;
	[tilespmem:$0x1E400] =	vst v63  }
0x64: {  	_ =	swait.ge [sflag:s22], $0x4000  }
0x65: {  	[sflag:s22] =	ssyncset.done $0x0  }
0x66: {  	s31 =	simm.s32 $0x15080;
	[sflag:s22] =	ssyncadd.s32 $0xFFFFC000  }
0x67: {  	[spmem:s2] =	stream.indirect.scatter.add.f32 [tilespmem:s20], [sflag:$0x3], $0x80, s31, s17, $0xb8;
	[tilespmem:$0x1E400] =	vst v63  }
0x68: {  	_ =	swait.ge [sflag:s14], $0x4000  }
0x69: {  	[sflag:s14] =	ssyncset.done $0x0  }
0x6a: {  	s28 =	simm.s32 $0x13D80;
	s26 =	simm.s32 $0x400;
	[sflag:s14] =	ssyncadd.s32 $0xFFFFC000  }
.LBB2_4:
0x6b: {  	[tilespmem:s20], [sflag:$0x2] =	stream.indirect.gather [hbm4b:s4+s17], $0x80, s28, s17, $0xb8;
	[tilespmem:$0x1E400] =	vst v63  }
0x6c: {  	s28 =	smov.u32 s26  }
0x6d: {  	p0 =	sne.s32 s26, $0x4800;
	s26 =	sadd.s32 $0x400, s26;
	_ =	swait.ge [sflag:s21], $0x4000  }
0x6e: {  	s28 =	sshra.s32 s28, $0x2;
	[sflag:s21] =	ssyncset.done $0x0  }
0x6f: {  	s29 =	sadd.s32 $0x15000, s28;
	[sflag:s21] =	ssyncadd.s32 $0xFFFFC000  }
0x70: {  	[spmem:s2] =	stream.indirect.scatter.add.f32 [tilespmem:s18], [sflag:$0x3], $0x80, s29, s17, $0xb8;
	[tilespmem:$0x1E400] =	vst v63  }
0x71: {  	_ =	swait.ge [sflag:s14], $0x4000  }
0x72: {  	[sflag:s14] =	ssyncset.done $0x0  }
0x73: {  	s29 =	sadd.s32 $0x13D00, s28;
	[sflag:s14] =	ssyncadd.s32 $0xFFFFC000  }
0x74: {  	[tilespmem:s18], [sflag:$0x1] =	stream.indirect.gather [hbm4b:s4+s17], $0x80, s29, s17, $0xb8;
	[tilespmem:$0x1E400] =	vst v63  }
0x75: {  	_ =	swait.ge [sflag:s22], $0x4000  }
0x76: {  	[sflag:s22] =	ssyncset.done $0x0  }
.Ltmp1:
0x77: {  	s29 =	sadd.s32 $0x15080, s28;
	[sflag:s22] =	ssyncadd.s32 $0xFFFFC000;
	(pc) =	sbr.rel @p0 .LBB2_4-.Ltmp1, $4  }
0x78: {  	[spmem:s2] =	stream.indirect.scatter.add.f32 [tilespmem:s20], [sflag:$0x3], $0x80, s29, s17, $0xb8;
	[tilespmem:$0x1E400] =	vst v63  }
0x79: {  	_ =	swait.ge [sflag:s14], $0x4000  }
0x7a: {  	[sflag:s14] =	ssyncset.done $0x0  }
0x7b: {  	s28 =	sadd.s32 $0x13D80, s28;
	[sflag:s14] =	ssyncadd.s32 $0xFFFFC000  }
0x7c: {  	[tilespmem:s20], [sflag:$0x2] =	stream.indirect.gather [hbm4b:s4+s17], $0x80, s28, s17, $0xb8;
	[tilespmem:$0x1E400] =	vst v63  }
0x7d: {  	_ =	swait.ge [sflag:s21], $0x4000  }
0x7e: {  	[sflag:s21] =	ssyncset.done $0x0  }
0x7f: {  	[sflag:s21] =	ssyncadd.s32 $0xFFFFC000  }
0x80: {  	[spmem:s2] =	stream.indirect.scatter.add.f32 [tilespmem:s18], [sflag:$0x3], $0x80, s23, s17, $0xb8;
	[tilespmem:$0x1E400] =	vst v63  }
0x81: {  	_ =	swait.ge [sflag:s14], $0x4000  }
0x82: {  	[sflag:s14] =	ssyncset.done $0x0  }
0x83: {  	[sflag:s14] =	ssyncadd.s32 $0xFFFFC000  }
0x84: {  	_ =	swait.ge [sflag:s22], $0x4000  }
0x85: {  	[sflag:s22] =	ssyncset.done $0x0  }
0x86: {  	[sflag:s22] =	ssyncadd.s32 $0xFFFFC000  }
0x87: {  	[spmem:s2] =	stream.indirect.scatter.add.f32 [tilespmem:s20], [sflag:$0x3], $0x80, s24, s17, $0xb8;
	[tilespmem:$0x1E400] =	vst v63  }
0x88: {  	_ =	swait.ge [sflag:s14], $0x4000  }
0x89: {  	s25 =	sadd.s32 $0x1, s25;
	[sflag:s14] =	ssyncset.done $0x0  }
0x8a: {  	p0 =	sne.s32 s25, s12;
	[sflag:s14] =	ssyncadd.s32 $0xFFFFC000  }
.Ltmp2:
0x8b: {  	[bflag:$0x0] =	sbarrier.arrive $0xFFFF;
	(pc) =	sbr.rel @p0 .LBB2_1-.Ltmp2, $4  }
0x8c: {  	[hbm:s11], [sflag:s6] =	dma.local [spmem:s13], $0x2780  }
0x8d: {  	_ =	swait.ge [sflag:s14], $0x2780  }
0x8e: {  	[sflag:s14] =	ssyncset.done $0x0  }
0x8f: {  	[sflag:s14] =	ssyncadd.s32 $0xFFFFD880  }
0x90: {  	_ =	sfence.sel $0x180000  }
0x91: {  	[bflag:$0x0] =	sbarrier.arrive $0xFFFF  }
0x92: {  	p0 =	sne.s32 s0, $0x0;
	_ =	strace $0x9000004A  }
0x93: {  	s0 =	sadd.s32 @!p0 $0x100000, s1;
	[bflag:$0x2] =	sbarrier.arrive $0xFFFF  }
0x94: {  	[sflag:s0] =	ssyncadd.tile.s32 @!p0 $0x1;
	_ =	shalt  }
.Lfunc_end2:
_tile_overlayer_lowered:
.L_overlay_start_2:
0x95: {  	(tag) =	ssettag $0x2  }
0x96: {  	s0 =	rddreg [dreg:$0x0];
	s2 =	stileid.u32  }
0x97: {  	s1 =	rddreg [dreg:$0x1];
	p0 =	sne.s32 s2, $0x0  }
0x98: {  	s3 =	rddreg [dreg:$0x2];
	[bflag:$0x3] =	sbarrier.arrive $0xFFFF;
	s2 =	simm.s32 @!p0 $0x1C03  }
0x99: {  	[timem:s3], [sflag:s2] =	dma.local @!p0 [hbm:s0], s1  }
0x9a: {  	s0 =	simm.s32 @!p0 $0x3  }
0x9b: {  	_ =	swait.ge @!p0 [sflag:s0], s1  }
0x9c: {  	s1 =	ssub.s32 @!p0 $0x0, s1;
	[sflag:s0] =	ssyncset.done @!p0 $0x0  }
0x9d: {  	[sflag:s0] =	ssyncadd.s32 @!p0 s1  }
0x9e: {  	[bflag:$0x3] =	sbarrier.arrive $0xFFFF  }
0x9f: {  	_ =	shalt  }

// kernel: kernel.18.cloned.1.call-start
scs
__scs_entry_jumppad:
0x0: {  	(pc) =	sbr.rel $0x88, $3  }
0x1: {  	(tag) =	ssettag $0x0;
	lr =	simm.s32 $0x1  }
0x2: {  	[smem:$0x3F99] =	sst lr;
	_ =	strace $0xD0000000  }
0x3: {  	_ = 	snop  }
0x4: {  	_ = 	snop  }
0x5: {  	_ = 	snop  }
0x6: {  	_ = 	snop  }
0x7: {  	_ = 	snop  }
__scs_overlays_trampoline_lowered:
0x8: {  	[smem:$0x3FA8] =	sst s0  }
0x9: {  	[smem:$0x3FA9] =	sst s1  }
0xa: {  	[smem:$0x3FAA] =	sst s2  }
0xb: {  	[smem:$0x3FAB] =	sst s3  }
0xc: {  	[smem:$0x3FAC] =	sst s4  }
0xd: {  	[smem:$0x3FAD] =	sst s5  }
0xe: {  	[smem:$0x3FAE] =	sst s6  }
0xf: {  	[smem:$0x3FAF] =	sst s7  }
0x10: {  	[smem:$0x3FB0] =	sst s8  }
0x11: {  	[smem:$0x3FB1] =	sst s9;
	s0 =	simm.s32 @!p0 $0x0  }
0x12: {  	s1 =	sld [smem:$0x3F97];
	s0 =	simm.s32 @p0 $0x1  }
0x13: {  	[smem:$0x3FB2] =	sst s0;
	s0 =	simm.s32 @!p1 $0x0  }
0x14: {  	s2 =	sld [smem:$0x3F96];
	s0 =	simm.s32 @p1 $0x1  }
0x15: {  	[smem:$0x3FB3] =	sst s0;
	s0 =	simm.s32 @!p2 $0x0  }
0x16: {  	s3 =	sld [smem:$0x3FDB];
	s0 =	simm.s32 @p2 $0x1  }
0x17: {  	s4 =	simm.s32 $0x1BF5;
	[smem:$0x3FB5] =	sst s0  }
0x18: {  	s0 =	sld [smem:$0x3F98];
	_ =	swait.ge [sflag:s4], $0x0  }
0x19: {  	s7 =	sld [smem:$0x3F99]  }
0x1a: {  	s8 =	sadd.s32 $0xFFFFE003, lr  }
0x1b: {  	s9 =	sadd.s32 $0xFFFFFEF7, lr;
	s5 =	simm.s32 $0xFFFFFFFF;
	p2 =	slt.u32 s8, $0xFFFFF086  }
0x1c: {  	p1 =	slt.u32 s9, $0xF7A;
	s5 =	simm.s32 @!p2 $0x0  }
0x1d: {  	s5 =	simm.s32 @p1 $0x1;
	p0 =	seq.s32 s7, s2  }
0x1e: {  	s7 =	smul.u32 @!p0 $0xF7A, s2;
	p2 =	seq.s32 @!p0 s5, $0x0  }
0x1f: {  	s9 =	smul.u32 $0xF7A, s1;
	s8 =	simm.s32 @!p0 $0x1BF5;
	p2 =	por !p2, p0  }
0x20: {  	[sflag:s8] =	ssyncset.s32 @!p0 $0xFFFFF086;
	s6 =	sadd.s32 @!p0 s3, s7;
	s7 =	simm.s32 @!p0 $0x108  }
0x21: {  	s3 =	sadd.s32 s3, s9;
	s6 =	sadd.s32 @!p0 $0x88, s6;
	s7 =	simm.s32 @p2 $0x1082  }
0x22: {  	[simem:s7], [sflag:s8] =	dma.local @!p0 [hbm:s6], $0xF7A  }
0x23: {  	s9 =	sor.u32 $0xD0000000, s2;
	s6 =	simm.s32 $0x108;
	_ =	swait.ge @!p0 [sflag:s8], $0x0  }
0x24: {  	s3 =	sadd.s32 $0x88, s3;
	s6 =	simm.s32 @!p1 $0x1082;
	[sflag:s4] =	ssyncset.s32 $0xFFFFF086  }
0x25: {  	[simem:s6], [sflag:s4] =	dma.local [hbm:s3], $0xF7A  }
0x26: {  	[smem:$0x3F99] =	sst s1;
	(tag) =	ssettag s2;
	_ =	strace s9  }
0x27: {  	s1 =	sld [smem:$0x3FA9]  }
0x28: {  	s2 =	sld [smem:$0x3FAA]  }
0x29: {  	s4 =	sld [smem:$0x3FAC]  }
0x2a: {  	p0 =	seq.s32 s5, $0x0;
	s5 =	sld [smem:$0x3FAD]  }
0x2b: {  	s6 =	sld [smem:$0x3FAE]  }
0x2c: {  	s7 =	sld [smem:$0x3FAF]  }
0x2d: {  	s3 =	simm.s32 $0x108;
	s8 =	sld [smem:$0x3FB0]  }
0x2e: {  	s3 =	simm.s32 @!p0 $0x1082;
	s9 =	sld [smem:$0x3FB1]  }
0x2f: {  	lr =	sadd.s32 s0, s3;
	s0 =	sld [smem:$0x3FA8]  }
0x30: {  	s3 =	sld [smem:$0x3FAB]  }
0x31: {  	[smem:$0x3FB4] =	sst s10  }
0x32: {  	s10 =	sld [smem:$0x3FB2];
	_ =	sdelay $0x3  }
0x33: {  	p0 =	seq.s32 s10, $0x1;
	s10 =	sld [smem:$0x3FB4];
	_ =	sdelay $0x3  }
0x34: {  	[smem:$0x3FB4] =	sst s10  }
0x35: {  	s10 =	sld [smem:$0x3FB3];
	_ =	sdelay $0x3  }
0x36: {  	p1 =	seq.s32 s10, $0x1;
	s10 =	sld [smem:$0x3FB4];
	_ =	sdelay $0x3  }
0x37: {  	[smem:$0x3FB4] =	sst s10  }
0x38: {  	s10 =	sld [smem:$0x3FB5]  }
0x39: {  	_ = 	snop;
	(pc) =	sbr.ind lr, $3  }
0x3a: {  	_ = 	snop  }
0x3b: {  	_ = 	snop  }
0x3c: {  	p2 =	seq.s32 s10, $0x1;
	s10 =	sld [smem:$0x3FB4]  }
0x3d: {  	_ =	shalt  }
0x3e: {  	_ =	shalt  }
0x3f: {  	_ =	shalt  }
0x40: {  	_ =	shalt  }
0x41: {  	_ =	shalt  }
0x42: {  	_ =	shalt  }
0x43: {  	_ =	shalt  }
0x44: {  	_ =	shalt  }
0x45: {  	_ =	shalt  }
0x46: {  	_ =	shalt  }
0x47: {  	_ =	shalt  }
0x48: {  	_ =	shalt  }
0x49: {  	_ =	shalt  }
0x4a: {  	_ =	shalt  }
0x4b: {  	_ =	shalt  }
0x4c: {  	_ =	shalt  }
0x4d: {  	_ =	shalt  }
0x4e: {  	_ =	shalt  }
0x4f: {  	_ =	shalt  }
0x50: {  	_ =	shalt  }
0x51: {  	_ =	shalt  }
0x52: {  	_ =	shalt  }
0x53: {  	_ =	shalt  }
0x54: {  	_ =	shalt  }
0x55: {  	_ =	shalt  }
0x56: {  	_ =	shalt  }
0x57: {  	_ =	shalt  }
0x58: {  	_ =	shalt  }
0x59: {  	_ =	shalt  }
0x5a: {  	_ =	shalt  }
0x5b: {  	_ =	shalt  }
0x5c: {  	_ =	shalt  }
0x5d: {  	_ =	shalt  }
0x5e: {  	_ =	shalt  }
0x5f: {  	_ =	shalt  }
0x60: {  	_ =	shalt  }
0x61: {  	_ =	shalt  }
0x62: {  	_ =	shalt  }
0x63: {  	_ =	shalt  }
0x64: {  	_ =	shalt  }
0x65: {  	_ =	shalt  }
0x66: {  	_ =	shalt  }
0x67: {  	_ =	shalt  }
0x68: {  	_ =	shalt  }
0x69: {  	_ =	shalt  }
0x6a: {  	_ =	shalt  }
0x6b: {  	_ =	shalt  }
0x6c: {  	_ =	shalt  }
0x6d: {  	_ =	shalt  }
0x6e: {  	_ =	shalt  }
0x6f: {  	_ =	shalt  }
0x70: {  	_ =	shalt  }
0x71: {  	_ =	shalt  }
0x72: {  	_ =	shalt  }
0x73: {  	_ =	shalt  }
0x74: {  	_ =	shalt  }
0x75: {  	_ =	shalt  }
0x76: {  	_ =	shalt  }
0x77: {  	_ =	shalt  }
0x78: {  	_ =	shalt  }
0x79: {  	_ =	shalt  }
0x7a: {  	_ =	shalt  }
0x7b: {  	_ =	shalt  }
0x7c: {  	_ =	shalt  }
0x7d: {  	_ =	shalt  }
0x7e: {  	_ =	shalt  }
0x7f: {  	_ =	shalt  }
0x80: {  	_ =	shalt  }
0x81: {  	_ =	shalt  }
0x82: {  	_ =	shalt  }
0x83: {  	_ =	shalt  }
0x84: {  	_ =	shalt  }
0x85: {  	_ =	shalt  }
0x86: {  	_ =	shalt  }
0x87: {  	_ =	shalt  }
.Lfunc_end0:
.L_simem_size_0:
called_computation.2_lowered:
.L_overlay_start_0:
0x88: {  	s2 =	sld [smem:$0x3FD9]  }
0x89: {  	s3 =	sld [smem:$0x3FFE];
	_ =	sdelay $0x1  }
0x8a: {  	s1 =	srdreg.scid  }
0x8b: {  	s0 =	sand.u32 $0x1, s1  }
0x8c: {  	s16 =	sshll.u32 s0, $0xA;
	s2 =	sadd.s32 s3, s2  }
0x8d: {  	s2 =	sadd.s32 s2, s16  }
0x8e: {  	[smem:$0x3FC0] =	sst s2  }
0x8f: {  	_ = 	snop  }
0x90: {  	(tm) =	ssettm $0x1  }
0x91: {  	s17 =	sld [smem:$0x3FFB];
	_ =	sdelay $0x3  }
0x92: {  	_ =	strace s17  }
0x93: {  	s2 =	sld [smem:$0x3FFC];
	_ =	sdelay $0x3  }
0x94: {  	_ =	strace s2  }
0x95: {  	s2 =	sld [smem:$0x3FFD];
	_ =	sdelay $0x3  }
0x96: {  	_ =	strace s2  }
0x97: {  	_ =	strace $0x8FFFFFFF  }
0x98: {  	s18 =	sld [smem:$0x3FDB];
	_ =	sdelay $0x1  }
0x99: {  	s19 =	simm.s32 $_scs_section_size  }
0x9a: {  	s4 =	simm.s32 $_size__tile_overlayer_lowered;
	s5 =	simm.s32 $_tile_overlayer_lowered  }
0x9b: {  	s22 =	simm.s32 $0x1BFF;
	s21 =	sshll.u32 s5, $0x1;
	s2 =	sadd.s32 s19, s18  }
0x9c: {  	s6 =	simm.s32 $0x0;
	s20 =	sshll.u32 s4, $0x1;
	s4 =	sadd.s32 s21, s2  }
0x9d: {  	[timem:s6], [sflag:s22] =	dma.local [hbm:s4], s20  }
0x9e: {  	_ =	swait.ge [sflag:s22], s20  }
0x9f: {  	s3 =	ssub.s32 $0x0, s20;
	[sflag:s22] =	ssyncset.done $0x0  }
0xa0: {  	[sflag:s22] =	ssyncadd.s32 s3;
	_ =	sdelay $0x1  }
0xa1: {  	s23 =	simm.s32 $0x1B8B  }
0xa2: {  	_ =	swait.ge [sflag:s23], $0x1  }
0xa3: {  	[sflag:s23] =	ssyncset.done $0x0  }
0xa4: {  	s25 =	simm.s32 $0x1B8E;
	s24 =	sld [smem:$0x3FFE];
	[sflag:s23] =	ssyncadd.s32 $0xFFFFFFFF  }
0xa5: {  	s26 =	simm.s32 $execute0_lowered;
	[smem:$0x3FD2] =	sst s25  }
0xa6: {  	s4 =	sshll.u32 s26, $0x1;
	_ =	strace $0x8000004C;
	[dreg:$0x1] =	wrdreg $0xFFFFFFFF  }
0xa7: {  	s28 =	simm.s32 $_size_execute0_lowered;
	s2 =	sadd.s32 s2, s4;
	[dreg:$0x0] =	wrdreg $0x0  }
0xa8: {  	s4 =	sshll.u32 s28, $0x1;
	[dreg:$0x2] =	wrdreg s2  }
0xa9: {  	[dreg:$0x3] =	wrdreg s4  }
0xaa: {  	[dreg:$0x4] =	wrdreg $0xC0  }
0xab: {  	_ =	task [dreg:s6], $0x5FFFF  }
0xac: {  	[dreg:$0x1] =	wrdreg $0xFFFFFFFF  }
0xad: {  	[dreg:$0x0] =	wrdreg $0x60  }
0xae: {  	[dreg:$0x2] =	wrdreg s24  }
0xaf: {  	[dreg:$0x3] =	wrdreg $0x0  }
0xb0: {  	[dreg:$0x4] =	wrdreg $0x9  }
0xb1: {  	_ =	task.clear_ibuf [dreg:s6], $0x5FFFF;
	_ =	strace $0x9000004C  }
0xb2: {  	s29 =	simm.s32 $0x9;
	_ =	strace $0x8000004E  }
0xb3: {  	_ =	swait.ge [sflag:s29], $0x1  }
0xb4: {  	[sflag:s29] =	ssyncadd.s32 $0xFFFFFFFF  }
0xb5: {  	_ =	strace $0x9000004E  }
0xb6: {  	_ =	sfence  }
0xb7: {  	s30 =	sld [smem:$0x0];
	_ =	sdelay $0x2  }
0xb8: {  	s31 =	sshll.u32 s1, $0xD;
	s1 =	sshrl.u32 s1, $0x2  }
0xb9: {  	s3 =	sand.u32 $0x4000, s31;
	s1 =	sadd.s32 s1, s30  }
0xba: {  	s0 =	sor.u32 s3, s0;
	s1 =	sshll.u32 s1, $0x11  }
0xbb: {  	s0 =	sor.u32 s1, s0  }
0xbc: {  	s0 =	sadd.s32 $0x8F2B, s0  }
0xbd: {  	[sflag:s0] =	ssyncadd.remote.s32 $0x1  }
0xbe: {  	_ =	sfence.sel $0xFFFF  }
0xbf: {  	[dreg:$0x0] =	wrdreg $0xFFFFFFFF;
	(pc) =	sbr.abs _section_cstart, $3  }
0xc0: {  	[dreg:$0x1] =	wrdreg $0xFFFFFFFF  }
0xc1: {  	_ =	task.clear_ibuf [dreg:s6], $0x2FFFF;
	_ =	strace $0x9FFFFFFF  }
0xc2: {  	(tm) =	ssettm $0x7FFFFFFF  }
0xc3: {  	_ =	shalt  }
tec
execute0_lowered:
.L_overlay_start_1:
0x0: {  	(tag) =	ssettag $0x1  }
0x1: {  	s0 =	srdreg.scid;
	s6 =	rddreg [dreg:$0x0]  }
0x2: {  	s2 =	rddreg [dreg:$0x1];
	s3 =	simm.s32 $0x0;
	s14 =	simm.s32 $0x3  }
0x3: {  	s15 =	simm.s32 $0x13C00;
	s16 =	simm.s32 $0x15000;
	s17 =	simm.s32 $0x80  }
0x4: {  	s18 =	simm.s32 $0x16400;
	s19 =	simm.s32 $0x13C80;
	s20 =	simm.s32 $0x1A400  }
0x5: {  	s21 =	simm.s32 $0x1;
	s5 =	sand.u32 $0x1, s0;
	s0 =	stileid.u32  }
0x6: {  	s22 =	simm.s32 $0x2;
	s23 =	simm.s32 $0x16300;
	s7 =	smul.u32 $0x13C00, s0  }
0x7: {  	s24 =	simm.s32 $0x16380;
	s25 =	simm.s32 $0x0;
	s9 =	smul.u32 $0x13C000, s5  }
0x8: {  	[smem:$0x7FF] =	sst s3;
	s1 =	sshll.u32 s5, $0x4;
	s28 =	smul.u32 $0x4F000, s0  }
0x9: {  	s5 =	ssub.s32 $0x2, s5;
	s31 =	sshll.u32 s0, $0x6;
	s1 =	sor.u32 s0, s1  }
0xa: {  	s29 =	sshrl.u32 s5, $0x1;
	s4 =	smul.u32 $0x2800, s1;
	s1 =	rddreg [dreg:$0x2]  }
0xb: {  	_ =	strace $0x8000004D;
	s26 =	sshrl.u32 s7, $0x3;
	s7 =	sadd.s32 s7, s9  }
0xc: {  	s30 =	sshrl.u32 s28, $0x2;
	s12 =	ssub.s32 s5, s29;
	s7 =	sshrl.u32 s7, $0x3  }
0xd: {  	s13 =	sadd.s32 s30, s2;
	s12 =	smax.u32 s12, $0x1;
	s8 =	sshrl.u32 s4, $0x3  }
0xe: {  	s4 =	sadd.s32 $0x17E00, s6;
	s11 =	sadd.s32 s7, s6;
	s13 =	sshrl.u32 s13, $0x3  }
0xf: {  	s10 =	sadd.s32 s8, s6;
	s8 =	sadd.s32 s26, s6;
	s6 =	sor.u32 $0x1C03, s31  }
0x10: {  	s11 =	sadd.s32 $0x66E00, s11;
	s5 =	sadd.s32 $0x3F600, s8;
	s7 =	sadd.s32 $0x3E00, s10  }
0x11: {  	s8 =	sadd.s32 $0xDE00, s10;
	s9 =	sadd.s32 $0x4080, s10;
	s10 =	sadd.s32 $0xE080, s10  }
.LBB2_1:
0x12: {  	[spmem:s13], [sflag:s6] =	dma.local [hbm:s5], $0x2780  }
0x13: {  	_ =	swait.ge [sflag:s14], $0x2780  }
0x14: {  	[sflag:s14] =	ssyncset.done $0x0  }
0x15: {  	[sflag:s14] =	ssyncadd.s32 $0xFFFFD880  }
0x16: {  	[bflag:$0x0] =	sbarrier.arrive $0xFFFF  }
0x17: {  	[tilespmem:s15], [sflag:$0x3] =	stream.linear.gather [hbm4b:s7+s3], $0x1400, $0x38;
	[tilespmem:$0x1E400] =	vst v63  }
0x18: {  	_ =	swait.ge [sflag:s14], $0x1400  }
0x19: {  	[sflag:s14] =	ssyncset.done $0x0  }
0x1a: {  	[sflag:s14] =	ssyncadd.s32 $0xFFFFEC00  }
0x1b: {  	[tilespmem:s16], [sflag:$0x3] =	stream.linear.gather [hbm4b:s8+s3], $0x1400, $0x38;
	[tilespmem:$0x1E400] =	vst v63  }
0x1c: {  	_ =	swait.ge [sflag:s14], $0x1400  }
0x1d: {  	[sflag:s14] =	ssyncset.done $0x0  }
0x1e: {  	[sflag:s14] =	ssyncadd.s32 $0xFFFFEC00  }
0x1f: {  	[tilespmem:s18], [sflag:$0x1] =	stream.indirect.gather [hbm4b:s4+s17], $0x80, s15, s17, $0xb8;
	[tilespmem:$0x1E400] =	vst v63  }
0x20: {  	_ = 	snop  }
0x21: {  	[tilespmem:s20], [sflag:$0x2] =	stream.indirect.gather [hbm4b:s4+s17], $0x80, s19, s17, $0xb8;
	[tilespmem:$0x1E400] =	vst v63  }
0x22: {  	_ =	swait.ge [sflag:s21], $0x4000  }
0x23: {  	[sflag:s21] =	ssyncset.done $0x0  }
0x24: {  	s26 =	simm.s32 $0x15000;
	[sflag:s21] =	ssyncadd.s32 $0xFFFFC000  }
0x25: {  	[spmem:s2] =	stream.indirect.scatter.add.f32 [tilespmem:s18], [sflag:$0x3], $0x80, s26, s17, $0xb8;
	[tilespmem:$0x1E400] =	vst v63  }
0x26: {  	_ =	swait.ge [sflag:s14], $0x4000  }
0x27: {  	[sflag:s14] =	ssyncset.done $0x0  }
0x28: {  	s30 =	simm.s32 $0x13D00;
	[sflag:s14] =	ssyncadd.s32 $0xFFFFC000  }
0x29: {  	[tilespmem:s18], [sflag:$0x1] =	stream.indirect.gather [hbm4b:s4+s17], $0x80, s30, s17, $0xb8;
	[tilespmem:$0x1E400] =	vst v63  }
0x2a: {  	_ =	swait.ge [sflag:s22], $0x4000  }
0x2b: {  	[sflag:s22] =	ssyncset.done $0x0  }
0x2c: {  	s31 =	simm.s32 $0x15080;
	[sflag:s22] =	ssyncadd.s32 $0xFFFFC000  }
0x2d: {  	[spmem:s2] =	stream.indirect.scatter.add.f32 [tilespmem:s20], [sflag:$0x3], $0x80, s31, s17, $0xb8;
	[tilespmem:$0x1E400] =	vst v63  }
0x2e: {  	_ =	swait.ge [sflag:s14], $0x4000  }
0x2f: {  	[sflag:s14] =	ssyncset.done $0x0  }
0x30: {  	s28 =	simm.s32 $0x13D80;
	s26 =	simm.s32 $0x400;
	[sflag:s14] =	ssyncadd.s32 $0xFFFFC000  }
.LBB2_2:
0x31: {  	[tilespmem:s20], [sflag:$0x2] =	stream.indirect.gather [hbm4b:s4+s17], $0x80, s28, s17, $0xb8;
	[tilespmem:$0x1E400] =	vst v63  }
0x32: {  	s28 =	smov.u32 s26  }
0x33: {  	p0 =	sne.s32 s26, $0x4800;
	s26 =	sadd.s32 $0x400, s26;
	_ =	swait.ge [sflag:s21], $0x4000  }
0x34: {  	s28 =	sshra.s32 s28, $0x2;
	[sflag:s21] =	ssyncset.done $0x0  }
0x35: {  	s29 =	sadd.s32 $0x15000, s28;
	[sflag:s21] =	ssyncadd.s32 $0xFFFFC000  }
0x36: {  	[spmem:s2] =	stream.indirect.scatter.add.f32 [tilespmem:s18], [sflag:$0x3], $0x80, s29, s17, $0xb8;
	[tilespmem:$0x1E400] =	vst v63  }
0x37: {  	_ =	swait.ge [sflag:s14], $0x4000  }
0x38: {  	[sflag:s14] =	ssyncset.done $0x0  }
0x39: {  	s29 =	sadd.s32 $0x13D00, s28;
	[sflag:s14] =	ssyncadd.s32 $0xFFFFC000  }
0x3a: {  	[tilespmem:s18], [sflag:$0x1] =	stream.indirect.gather [hbm4b:s4+s17], $0x80, s29, s17, $0xb8;
	[tilespmem:$0x1E400] =	vst v63  }
0x3b: {  	_ =	swait.ge [sflag:s22], $0x4000  }
0x3c: {  	[sflag:s22] =	ssyncset.done $0x0  }
.Ltmp0:
0x3d: {  	s29 =	sadd.s32 $0x15080, s28;
	[sflag:s22] =	ssyncadd.s32 $0xFFFFC000;
	(pc) =	sbr.rel @p0 .LBB2_2-.Ltmp0, $4  }
0x3e: {  	[spmem:s2] =	stream.indirect.scatter.add.f32 [tilespmem:s20], [sflag:$0x3], $0x80, s29, s17, $0xb8;
	[tilespmem:$0x1E400] =	vst v63  }
0x3f: {  	_ =	swait.ge [sflag:s14], $0x4000  }
0x40: {  	[sflag:s14] =	ssyncset.done $0x0  }
0x41: {  	s28 =	sadd.s32 $0x13D80, s28;
	[sflag:s14] =	ssyncadd.s32 $0xFFFFC000  }
0x42: {  	[tilespmem:s20], [sflag:$0x2] =	stream.indirect.gather [hbm4b:s4+s17], $0x80, s28, s17, $0xb8;
	[tilespmem:$0x1E400] =	vst v63  }
0x43: {  	_ =	swait.ge [sflag:s21], $0x4000  }
0x44: {  	[sflag:s21] =	ssyncset.done $0x0  }
0x45: {  	[sflag:s21] =	ssyncadd.s32 $0xFFFFC000  }
0x46: {  	[spmem:s2] =	stream.indirect.scatter.add.f32 [tilespmem:s18], [sflag:$0x3], $0x80, s23, s17, $0xb8;
	[tilespmem:$0x1E400] =	vst v63  }
0x47: {  	_ =	swait.ge [sflag:s14], $0x4000  }
0x48: {  	[sflag:s14] =	ssyncset.done $0x0  }
0x49: {  	[sflag:s14] =	ssyncadd.s32 $0xFFFFC000  }
0x4a: {  	_ =	swait.ge [sflag:s22], $0x4000  }
0x4b: {  	[sflag:s22] =	ssyncset.done $0x0  }
0x4c: {  	[sflag:s22] =	ssyncadd.s32 $0xFFFFC000  }
0x4d: {  	[spmem:s2] =	stream.indirect.scatter.add.f32 [tilespmem:s20], [sflag:$0x3], $0x80, s24, s17, $0xb8;
	[tilespmem:$0x1E400] =	vst v63  }
0x4e: {  	_ =	swait.ge [sflag:s14], $0x4000  }
0x4f: {  	[sflag:s14] =	ssyncset.done $0x0  }
0x50: {  	s26 =	simm.s32 $0x0;
	[sflag:s14] =	ssyncadd.s32 $0xFFFFC000  }
0x51: {  	[tilespmem:s15], [sflag:$0x3] =	stream.linear.gather [hbm4b:s9+s26], $0x1400, $0x38;
	[tilespmem:$0x1E400] =	vst v63  }
0x52: {  	_ =	swait.ge [sflag:s14], $0x1400  }
0x53: {  	[sflag:s14] =	ssyncset.done $0x0  }
0x54: {  	[sflag:s14] =	ssyncadd.s32 $0xFFFFEC00  }
0x55: {  	[tilespmem:s16], [sflag:$0x3] =	stream.linear.gather [hbm4b:s10+s26], $0x1400, $0x38;
	[tilespmem:$0x1E400] =	vst v63  }
0x56: {  	_ =	swait.ge [sflag:s14], $0x1400  }
0x57: {  	[sflag:s14] =	ssyncset.done $0x0  }
0x58: {  	[sflag:s14] =	ssyncadd.s32 $0xFFFFEC00  }
0x59: {  	[tilespmem:s18], [sflag:$0x1] =	stream.indirect.gather [hbm4b:s4+s17], $0x80, s15, s17, $0xb8;
	[tilespmem:$0x1E400] =	vst v63  }
0x5a: {  	_ = 	snop  }
0x5b: {  	[tilespmem:s20], [sflag:$0x2] =	stream.indirect.gather [hbm4b:s4+s17], $0x80, s19, s17, $0xb8;
	[tilespmem:$0x1E400] =	vst v63  }
0x5c: {  	_ =	swait.ge [sflag:s21], $0x4000  }
0x5d: {  	[sflag:s21] =	ssyncset.done $0x0  }
0x5e: {  	s29 =	simm.s32 $0x15000;
	[sflag:s21] =	ssyncadd.s32 $0xFFFFC000  }
0x5f: {  	[spmem:s2] =	stream.indirect.scatter.add.f32 [tilespmem:s18], [sflag:$0x3], $0x80, s29, s17, $0xb8;
	[tilespmem:$0x1E400] =	vst v63  }
0x60: {  	_ =	swait.ge [sflag:s14], $0x4000  }
0x61: {  	[sflag:s14] =	ssyncset.done $0x0  }
0x62: {  	s30 =	simm.s32 $0x13D00;
	[sflag:s14] =	ssyncadd.s32 $0xFFFFC000  }
0x63: {  	[tilespmem:s18], [sflag:$0x1] =	stream.indirect.gather [hbm4b:s4+s17], $0x80, s30, s17, $0xb8;
	[tilespmem:$0x1E400] =	vst v63  }
0x64: {  	_ =	swait.ge [sflag:s22], $0x4000  }
0x65: {  	[sflag:s22] =	ssyncset.done $0x0  }
0x66: {  	s31 =	simm.s32 $0x15080;
	[sflag:s22] =	ssyncadd.s32 $0xFFFFC000  }
0x67: {  	[spmem:s2] =	stream.indirect.scatter.add.f32 [tilespmem:s20], [sflag:$0x3], $0x80, s31, s17, $0xb8;
	[tilespmem:$0x1E400] =	vst v63  }
0x68: {  	_ =	swait.ge [sflag:s14], $0x4000  }
0x69: {  	[sflag:s14] =	ssyncset.done $0x0  }
0x6a: {  	s28 =	simm.s32 $0x13D80;
	s26 =	simm.s32 $0x400;
	[sflag:s14] =	ssyncadd.s32 $0xFFFFC000  }
.LBB2_4:
0x6b: {  	[tilespmem:s20], [sflag:$0x2] =	stream.indirect.gather [hbm4b:s4+s17], $0x80, s28, s17, $0xb8;
	[tilespmem:$0x1E400] =	vst v63  }
0x6c: {  	s28 =	smov.u32 s26  }
0x6d: {  	p0 =	sne.s32 s26, $0x4800;
	s26 =	sadd.s32 $0x400, s26;
	_ =	swait.ge [sflag:s21], $0x4000  }
0x6e: {  	s28 =	sshra.s32 s28, $0x2;
	[sflag:s21] =	ssyncset.done $0x0  }
0x6f: {  	s29 =	sadd.s32 $0x15000, s28;
	[sflag:s21] =	ssyncadd.s32 $0xFFFFC000  }
0x70: {  	[spmem:s2] =	stream.indirect.scatter.add.f32 [tilespmem:s18], [sflag:$0x3], $0x80, s29, s17, $0xb8;
	[tilespmem:$0x1E400] =	vst v63  }
0x71: {  	_ =	swait.ge [sflag:s14], $0x4000  }
0x72: {  	[sflag:s14] =	ssyncset.done $0x0  }
0x73: {  	s29 =	sadd.s32 $0x13D00, s28;
	[sflag:s14] =	ssyncadd.s32 $0xFFFFC000  }
0x74: {  	[tilespmem:s18], [sflag:$0x1] =	stream.indirect.gather [hbm4b:s4+s17], $0x80, s29, s17, $0xb8;
	[tilespmem:$0x1E400] =	vst v63  }
0x75: {  	_ =	swait.ge [sflag:s22], $0x4000  }
0x76: {  	[sflag:s22] =	ssyncset.done $0x0  }
.Ltmp1:
0x77: {  	s29 =	sadd.s32 $0x15080, s28;
	[sflag:s22] =	ssyncadd.s32 $0xFFFFC000;
	(pc) =	sbr.rel @p0 .LBB2_4-.Ltmp1, $4  }
0x78: {  	[spmem:s2] =	stream.indirect.scatter.add.f32 [tilespmem:s20], [sflag:$0x3], $0x80, s29, s17, $0xb8;
	[tilespmem:$0x1E400] =	vst v63  }
0x79: {  	_ =	swait.ge [sflag:s14], $0x4000  }
0x7a: {  	[sflag:s14] =	ssyncset.done $0x0  }
0x7b: {  	s28 =	sadd.s32 $0x13D80, s28;
	[sflag:s14] =	ssyncadd.s32 $0xFFFFC000  }
0x7c: {  	[tilespmem:s20], [sflag:$0x2] =	stream.indirect.gather [hbm4b:s4+s17], $0x80, s28, s17, $0xb8;
	[tilespmem:$0x1E400] =	vst v63  }
0x7d: {  	_ =	swait.ge [sflag:s21], $0x4000  }
0x7e: {  	[sflag:s21] =	ssyncset.done $0x0  }
0x7f: {  	[sflag:s21] =	ssyncadd.s32 $0xFFFFC000  }
0x80: {  	[spmem:s2] =	stream.indirect.scatter.add.f32 [tilespmem:s18], [sflag:$0x3], $0x80, s23, s17, $0xb8;
	[tilespmem:$0x1E400] =	vst v63  }
0x81: {  	_ =	swait.ge [sflag:s14], $0x4000  }
0x82: {  	[sflag:s14] =	ssyncset.done $0x0  }
0x83: {  	[sflag:s14] =	ssyncadd.s32 $0xFFFFC000  }
0x84: {  	_ =	swait.ge [sflag:s22], $0x4000  }
0x85: {  	[sflag:s22] =	ssyncset.done $0x0  }
0x86: {  	[sflag:s22] =	ssyncadd.s32 $0xFFFFC000  }
0x87: {  	[spmem:s2] =	stream.indirect.scatter.add.f32 [tilespmem:s20], [sflag:$0x3], $0x80, s24, s17, $0xb8;
	[tilespmem:$0x1E400] =	vst v63  }
0x88: {  	_ =	swait.ge [sflag:s14], $0x4000  }
0x89: {  	s25 =	sadd.s32 $0x1, s25;
	[sflag:s14] =	ssyncset.done $0x0  }
0x8a: {  	p0 =	sne.s32 s25, s12;
	[sflag:s14] =	ssyncadd.s32 $0xFFFFC000  }
.Ltmp2:
0x8b: {  	[bflag:$0x0] =	sbarrier.arrive $0xFFFF;
	(pc) =	sbr.rel @p0 .LBB2_1-.Ltmp2, $4  }
0x8c: {  	[hbm:s11], [sflag:s6] =	dma.local [spmem:s13], $0x2780  }
0x8d: {  	_ =	swait.ge [sflag:s14], $0x2780  }
0x8e: {  	[sflag:s14] =	ssyncset.done $0x0  }
0x8f: {  	[sflag:s14] =	ssyncadd.s32 $0xFFFFD880  }
0x90: {  	_ =	sfence.sel $0x180000  }
0x91: {  	[bflag:$0x0] =	sbarrier.arrive $0xFFFF  }
0x92: {  	p0 =	sne.s32 s0, $0x0;
	_ =	strace $0x9000004D  }
0x93: {  	s0 =	sadd.s32 @!p0 $0x100000, s1;
	[bflag:$0x2] =	sbarrier.arrive $0xFFFF  }
0x94: {  	[sflag:s0] =	ssyncadd.tile.s32 @!p0 $0x1;
	_ =	shalt  }
.Lfunc_end2:
_tile_overlayer_lowered:
.L_overlay_start_2:
0x95: {  	(tag) =	ssettag $0x2  }
0x96: {  	s0 =	rddreg [dreg:$0x0];
	s2 =	stileid.u32  }
0x97: {  	s1 =	rddreg [dreg:$0x1];
	p0 =	sne.s32 s2, $0x0  }
0x98: {  	s3 =	rddreg [dreg:$0x2];
	[bflag:$0x3] =	sbarrier.arrive $0xFFFF;
	s2 =	simm.s32 @!p0 $0x1C03  }
0x99: {  	[timem:s3], [sflag:s2] =	dma.local @!p0 [hbm:s0], s1  }
0x9a: {  	s0 =	simm.s32 @!p0 $0x3  }
0x9b: {  	_ =	swait.ge @!p0 [sflag:s0], s1  }
0x9c: {  	s1 =	ssub.s32 @!p0 $0x0, s1;
	[sflag:s0] =	ssyncset.done @!p0 $0x0  }
0x9d: {  	[sflag:s0] =	ssyncadd.s32 @!p0 s1  }
0x9e: {  	[bflag:$0x3] =	sbarrier.arrive $0xFFFF  }
0x9f: {  	_ =	shalt  }

// kernel: kernel.21.cloned.1.call-start
scs
__scs_entry_jumppad:
0x0: {  	(pc) =	sbr.rel $0x88, $3  }
0x1: {  	(tag) =	ssettag $0x0;
	lr =	simm.s32 $0x1  }
0x2: {  	[smem:$0x3F99] =	sst lr;
	_ =	strace $0xD0000000  }
0x3: {  	_ = 	snop  }
0x4: {  	_ = 	snop  }
0x5: {  	_ = 	snop  }
0x6: {  	_ = 	snop  }
0x7: {  	_ = 	snop  }
__scs_overlays_trampoline_lowered:
0x8: {  	[smem:$0x3FA8] =	sst s0  }
0x9: {  	[smem:$0x3FA9] =	sst s1  }
0xa: {  	[smem:$0x3FAA] =	sst s2  }
0xb: {  	[smem:$0x3FAB] =	sst s3  }
0xc: {  	[smem:$0x3FAC] =	sst s4  }
0xd: {  	[smem:$0x3FAD] =	sst s5  }
0xe: {  	[smem:$0x3FAE] =	sst s6  }
0xf: {  	[smem:$0x3FAF] =	sst s7  }
0x10: {  	[smem:$0x3FB0] =	sst s8  }
0x11: {  	[smem:$0x3FB1] =	sst s9;
	s0 =	simm.s32 @!p0 $0x0  }
0x12: {  	s1 =	sld [smem:$0x3F97];
	s0 =	simm.s32 @p0 $0x1  }
0x13: {  	[smem:$0x3FB2] =	sst s0;
	s0 =	simm.s32 @!p1 $0x0  }
0x14: {  	s2 =	sld [smem:$0x3F96];
	s0 =	simm.s32 @p1 $0x1  }
0x15: {  	[smem:$0x3FB3] =	sst s0;
	s0 =	simm.s32 @!p2 $0x0  }
0x16: {  	s3 =	sld [smem:$0x3FDB];
	s0 =	simm.s32 @p2 $0x1  }
0x17: {  	s4 =	simm.s32 $0x1BF5;
	[smem:$0x3FB5] =	sst s0  }
0x18: {  	s0 =	sld [smem:$0x3F98];
	_ =	swait.ge [sflag:s4], $0x0  }
0x19: {  	s7 =	sld [smem:$0x3F99]  }
0x1a: {  	s8 =	sadd.s32 $0xFFFFE003, lr  }
0x1b: {  	s9 =	sadd.s32 $0xFFFFFEF7, lr;
	s5 =	simm.s32 $0xFFFFFFFF;
	p2 =	slt.u32 s8, $0xFFFFF086  }
0x1c: {  	p1 =	slt.u32 s9, $0xF7A;
	s5 =	simm.s32 @!p2 $0x0  }
0x1d: {  	s5 =	simm.s32 @p1 $0x1;
	p0 =	seq.s32 s7, s2  }
0x1e: {  	s7 =	smul.u32 @!p0 $0xF7A, s2;
	p2 =	seq.s32 @!p0 s5, $0x0  }
0x1f: {  	s9 =	smul.u32 $0xF7A, s1;
	s8 =	simm.s32 @!p0 $0x1BF5;
	p2 =	por !p2, p0  }
0x20: {  	[sflag:s8] =	ssyncset.s32 @!p0 $0xFFFFF086;
	s6 =	sadd.s32 @!p0 s3, s7;
	s7 =	simm.s32 @!p0 $0x108  }
0x21: {  	s3 =	sadd.s32 s3, s9;
	s6 =	sadd.s32 @!p0 $0x88, s6;
	s7 =	simm.s32 @p2 $0x1082  }
0x22: {  	[simem:s7], [sflag:s8] =	dma.local @!p0 [hbm:s6], $0xF7A  }
0x23: {  	s9 =	sor.u32 $0xD0000000, s2;
	s6 =	simm.s32 $0x108;
	_ =	swait.ge @!p0 [sflag:s8], $0x0  }
0x24: {  	s3 =	sadd.s32 $0x88, s3;
	s6 =	simm.s32 @!p1 $0x1082;
	[sflag:s4] =	ssyncset.s32 $0xFFFFF086  }
0x25: {  	[simem:s6], [sflag:s4] =	dma.local [hbm:s3], $0xF7A  }
0x26: {  	[smem:$0x3F99] =	sst s1;
	(tag) =	ssettag s2;
	_ =	strace s9  }
0x27: {  	s1 =	sld [smem:$0x3FA9]  }
0x28: {  	s2 =	sld [smem:$0x3FAA]  }
0x29: {  	s4 =	sld [smem:$0x3FAC]  }
0x2a: {  	p0 =	seq.s32 s5, $0x0;
	s5 =	sld [smem:$0x3FAD]  }
0x2b: {  	s6 =	sld [smem:$0x3FAE]  }
0x2c: {  	s7 =	sld [smem:$0x3FAF]  }
0x2d: {  	s3 =	simm.s32 $0x108;
	s8 =	sld [smem:$0x3FB0]  }
0x2e: {  	s3 =	simm.s32 @!p0 $0x1082;
	s9 =	sld [smem:$0x3FB1]  }
0x2f: {  	lr =	sadd.s32 s0, s3;
	s0 =	sld [smem:$0x3FA8]  }
0x30: {  	s3 =	sld [smem:$0x3FAB]  }
0x31: {  	[smem:$0x3FB4] =	sst s10  }
0x32: {  	s10 =	sld [smem:$0x3FB2];
	_ =	sdelay $0x3  }
0x33: {  	p0 =	seq.s32 s10, $0x1;
	s10 =	sld [smem:$0x3FB4];
	_ =	sdelay $0x3  }
0x34: {  	[smem:$0x3FB4] =	sst s10  }
0x35: {  	s10 =	sld [smem:$0x3FB3];
	_ =	sdelay $0x3  }
0x36: {  	p1 =	seq.s32 s10, $0x1;
	s10 =	sld [smem:$0x3FB4];
	_ =	sdelay $0x3  }
0x37: {  	[smem:$0x3FB4] =	sst s10  }
0x38: {  	s10 =	sld [smem:$0x3FB5]  }
0x39: {  	_ = 	snop;
	(pc) =	sbr.ind lr, $3  }
0x3a: {  	_ = 	snop  }
0x3b: {  	_ = 	snop  }
0x3c: {  	p2 =	seq.s32 s10, $0x1;
	s10 =	sld [smem:$0x3FB4]  }
0x3d: {  	_ =	shalt  }
0x3e: {  	_ =	shalt  }
0x3f: {  	_ =	shalt  }
0x40: {  	_ =	shalt  }
0x41: {  	_ =	shalt  }
0x42: {  	_ =	shalt  }
0x43: {  	_ =	shalt  }
0x44: {  	_ =	shalt  }
0x45: {  	_ =	shalt  }
0x46: {  	_ =	shalt  }
0x47: {  	_ =	shalt  }
0x48: {  	_ =	shalt  }
0x49: {  	_ =	shalt  }
0x4a: {  	_ =	shalt  }
0x4b: {  	_ =	shalt  }
0x4c: {  	_ =	shalt  }
0x4d: {  	_ =	shalt  }
0x4e: {  	_ =	shalt  }
0x4f: {  	_ =	shalt  }
0x50: {  	_ =	shalt  }
0x51: {  	_ =	shalt  }
0x52: {  	_ =	shalt  }
0x53: {  	_ =	shalt  }
0x54: {  	_ =	shalt  }
0x55: {  	_ =	shalt  }
0x56: {  	_ =	shalt  }
0x57: {  	_ =	shalt  }
0x58: {  	_ =	shalt  }
0x59: {  	_ =	shalt  }
0x5a: {  	_ =	shalt  }
0x5b: {  	_ =	shalt  }
0x5c: {  	_ =	shalt  }
0x5d: {  	_ =	shalt  }
0x5e: {  	_ =	shalt  }
0x5f: {  	_ =	shalt  }
0x60: {  	_ =	shalt  }
0x61: {  	_ =	shalt  }
0x62: {  	_ =	shalt  }
0x63: {  	_ =	shalt  }
0x64: {  	_ =	shalt  }
0x65: {  	_ =	shalt  }
0x66: {  	_ =	shalt  }
0x67: {  	_ =	shalt  }
0x68: {  	_ =	shalt  }
0x69: {  	_ =	shalt  }
0x6a: {  	_ =	shalt  }
0x6b: {  	_ =	shalt  }
0x6c: {  	_ =	shalt  }
0x6d: {  	_ =	shalt  }
0x6e: {  	_ =	shalt  }
0x6f: {  	_ =	shalt  }
0x70: {  	_ =	shalt  }
0x71: {  	_ =	shalt  }
0x72: {  	_ =	shalt  }
0x73: {  	_ =	shalt  }
0x74: {  	_ =	shalt  }
0x75: {  	_ =	shalt  }
0x76: {  	_ =	shalt  }
0x77: {  	_ =	shalt  }
0x78: {  	_ =	shalt  }
0x79: {  	_ =	shalt  }
0x7a: {  	_ =	shalt  }
0x7b: {  	_ =	shalt  }
0x7c: {  	_ =	shalt  }
0x7d: {  	_ =	shalt  }
0x7e: {  	_ =	shalt  }
0x7f: {  	_ =	shalt  }
0x80: {  	_ =	shalt  }
0x81: {  	_ =	shalt  }
0x82: {  	_ =	shalt  }
0x83: {  	_ =	shalt  }
0x84: {  	_ =	shalt  }
0x85: {  	_ =	shalt  }
0x86: {  	_ =	shalt  }
0x87: {  	_ =	shalt  }
.Lfunc_end0:
.L_simem_size_0:
called_computation.3_lowered:
.L_overlay_start_0:
0x88: {  	s2 =	sld [smem:$0x3FD9]  }
0x89: {  	s3 =	sld [smem:$0x3FFE];
	_ =	sdelay $0x1  }
0x8a: {  	s1 =	srdreg.scid  }
0x8b: {  	s0 =	sand.u32 $0x1, s1  }
0x8c: {  	s16 =	sshll.u32 s0, $0xA;
	s2 =	sadd.s32 s3, s2  }
0x8d: {  	s2 =	sadd.s32 s2, s16  }
0x8e: {  	[smem:$0x3FC0] =	sst s2  }
0x8f: {  	_ = 	snop  }
0x90: {  	(tm) =	ssettm $0x1  }
0x91: {  	s17 =	sld [smem:$0x3FFB];
	_ =	sdelay $0x3  }
0x92: {  	_ =	strace s17  }
0x93: {  	s2 =	sld [smem:$0x3FFC];
	_ =	sdelay $0x3  }
0x94: {  	_ =	strace s2  }
0x95: {  	s2 =	sld [smem:$0x3FFD];
	_ =	sdelay $0x3  }
0x96: {  	_ =	strace s2  }
0x97: {  	_ =	strace $0x8FFFFFFF  }
0x98: {  	s18 =	sld [smem:$0x3FDB];
	_ =	sdelay $0x1  }
0x99: {  	s19 =	simm.s32 $_scs_section_size  }
0x9a: {  	s4 =	simm.s32 $_size__tile_overlayer_lowered;
	s5 =	simm.s32 $_tile_overlayer_lowered  }
0x9b: {  	s22 =	simm.s32 $0x1BFF;
	s21 =	sshll.u32 s5, $0x1;
	s2 =	sadd.s32 s19, s18  }
0x9c: {  	s6 =	simm.s32 $0x0;
	s20 =	sshll.u32 s4, $0x1;
	s4 =	sadd.s32 s21, s2  }
0x9d: {  	[timem:s6], [sflag:s22] =	dma.local [hbm:s4], s20  }
0x9e: {  	_ =	swait.ge [sflag:s22], s20  }
0x9f: {  	s3 =	ssub.s32 $0x0, s20;
	[sflag:s22] =	ssyncset.done $0x0  }
0xa0: {  	[sflag:s22] =	ssyncadd.s32 s3;
	_ =	sdelay $0x1  }
0xa1: {  	s23 =	simm.s32 $0x1B8B  }
0xa2: {  	_ =	swait.ge [sflag:s23], $0x1  }
0xa3: {  	[sflag:s23] =	ssyncset.done $0x0  }
0xa4: {  	s25 =	simm.s32 $0x1B8E;
	s24 =	sld [smem:$0x3FFE];
	[sflag:s23] =	ssyncadd.s32 $0xFFFFFFFF  }
0xa5: {  	s26 =	simm.s32 $execute0_lowered;
	[smem:$0x3FD2] =	sst s25  }
0xa6: {  	s4 =	sshll.u32 s26, $0x1;
	_ =	strace $0x8000004F;
	[dreg:$0x1] =	wrdreg $0xFFFFFFFF  }
0xa7: {  	s28 =	simm.s32 $_size_execute0_lowered;
	s2 =	sadd.s32 s2, s4;
	[dreg:$0x0] =	wrdreg $0x0  }
0xa8: {  	s4 =	sshll.u32 s28, $0x1;
	[dreg:$0x2] =	wrdreg s2  }
0xa9: {  	[dreg:$0x3] =	wrdreg s4  }
0xaa: {  	[dreg:$0x4] =	wrdreg $0xC0  }
0xab: {  	_ =	task [dreg:s6], $0x5FFFF  }
0xac: {  	[dreg:$0x1] =	wrdreg $0xFFFFFFFF  }
0xad: {  	[dreg:$0x0] =	wrdreg $0x60  }
0xae: {  	[dreg:$0x2] =	wrdreg s24  }
0xaf: {  	[dreg:$0x3] =	wrdreg $0x0  }
0xb0: {  	[dreg:$0x4] =	wrdreg $0x9  }
0xb1: {  	_ =	task.clear_ibuf [dreg:s6], $0x5FFFF;
	_ =	strace $0x9000004F  }
0xb2: {  	s29 =	simm.s32 $0x9;
	_ =	strace $0x80000051  }
0xb3: {  	_ =	swait.ge [sflag:s29], $0x1  }
0xb4: {  	[sflag:s29] =	ssyncadd.s32 $0xFFFFFFFF  }
0xb5: {  	_ =	strace $0x90000051  }
0xb6: {  	_ =	sfence  }
0xb7: {  	s30 =	sld [smem:$0x0];
	_ =	sdelay $0x2  }
0xb8: {  	s31 =	sshll.u32 s1, $0xD;
	s1 =	sshrl.u32 s1, $0x2  }
0xb9: {  	s3 =	sand.u32 $0x4000, s31;
	s1 =	sadd.s32 s1, s30  }
0xba: {  	s0 =	sor.u32 s3, s0;
	s1 =	sshll.u32 s1, $0x11  }
0xbb: {  	s0 =	sor.u32 s1, s0  }
0xbc: {  	s0 =	sadd.s32 $0x8F2B, s0  }
0xbd: {  	[sflag:s0] =	ssyncadd.remote.s32 $0x1  }
0xbe: {  	_ =	sfence.sel $0xFFFF  }
0xbf: {  	[dreg:$0x0] =	wrdreg $0xFFFFFFFF;
	(pc) =	sbr.abs _section_cstart, $3  }
0xc0: {  	[dreg:$0x1] =	wrdreg $0xFFFFFFFF  }
0xc1: {  	_ =	task.clear_ibuf [dreg:s6], $0x2FFFF;
	_ =	strace $0x9FFFFFFF  }
0xc2: {  	(tm) =	ssettm $0x7FFFFFFF  }
0xc3: {  	_ =	shalt  }
tec
execute0_lowered:
.L_overlay_start_1:
0x0: {  	(tag) =	ssettag $0x1  }
0x1: {  	s0 =	srdreg.scid;
	s6 =	rddreg [dreg:$0x0]  }
0x2: {  	s2 =	rddreg [dreg:$0x1];
	s3 =	simm.s32 $0x0;
	s14 =	simm.s32 $0x3  }
0x3: {  	s15 =	simm.s32 $0x13C00;
	s16 =	simm.s32 $0x15000;
	s17 =	simm.s32 $0x80  }
0x4: {  	s18 =	simm.s32 $0x16400;
	s19 =	simm.s32 $0x13C80;
	s20 =	simm.s32 $0x1A400  }
0x5: {  	s21 =	simm.s32 $0x1;
	s5 =	sand.u32 $0x1, s0;
	s0 =	stileid.u32  }
0x6: {  	s22 =	simm.s32 $0x2;
	s23 =	simm.s32 $0x16300;
	s7 =	smul.u32 $0x13C00, s0  }
0x7: {  	s24 =	simm.s32 $0x16380;
	s25 =	simm.s32 $0x0;
	s9 =	smul.u32 $0x13C000, s5  }
0x8: {  	[smem:$0x7FF] =	sst s3;
	s1 =	sshll.u32 s5, $0x4;
	s28 =	smul.u32 $0x4F000, s0  }
0x9: {  	s5 =	ssub.s32 $0x2, s5;
	s31 =	sshll.u32 s0, $0x6;
	s1 =	sor.u32 s0, s1  }
0xa: {  	s29 =	sshrl.u32 s5, $0x1;
	s4 =	smul.u32 $0x2800, s1;
	s1 =	rddreg [dreg:$0x2]  }
0xb: {  	_ =	strace $0x80000050;
	s26 =	sshrl.u32 s7, $0x3;
	s7 =	sadd.s32 s7, s9  }
0xc: {  	s30 =	sshrl.u32 s28, $0x2;
	s12 =	ssub.s32 s5, s29;
	s7 =	sshrl.u32 s7, $0x3  }
0xd: {  	s13 =	sadd.s32 s30, s2;
	s12 =	smax.u32 s12, $0x1;
	s8 =	sshrl.u32 s4, $0x3  }
0xe: {  	s4 =	sadd.s32 $0x17E00, s6;
	s11 =	sadd.s32 s7, s6;
	s13 =	sshrl.u32 s13, $0x3  }
0xf: {  	s10 =	sadd.s32 s8, s6;
	s8 =	sadd.s32 s26, s6;
	s6 =	sor.u32 $0x1C03, s31  }
0x10: {  	s11 =	sadd.s32 $0x66E00, s11;
	s5 =	sadd.s32 $0x3F600, s8;
	s7 =	sadd.s32 $0x3E00, s10  }
0x11: {  	s8 =	sadd.s32 $0xDE00, s10;
	s9 =	sadd.s32 $0x4080, s10;
	s10 =	sadd.s32 $0xE080, s10  }
.LBB2_1:
0x12: {  	[spmem:s13], [sflag:s6] =	dma.local [hbm:s5], $0x2780  }
0x13: {  	_ =	swait.ge [sflag:s14], $0x2780  }
0x14: {  	[sflag:s14] =	ssyncset.done $0x0  }
0x15: {  	[sflag:s14] =	ssyncadd.s32 $0xFFFFD880  }
0x16: {  	[bflag:$0x0] =	sbarrier.arrive $0xFFFF  }
0x17: {  	[tilespmem:s15], [sflag:$0x3] =	stream.linear.gather [hbm4b:s7+s3], $0x1400, $0x38;
	[tilespmem:$0x1E400] =	vst v63  }
0x18: {  	_ =	swait.ge [sflag:s14], $0x1400  }
0x19: {  	[sflag:s14] =	ssyncset.done $0x0  }
0x1a: {  	[sflag:s14] =	ssyncadd.s32 $0xFFFFEC00  }
0x1b: {  	[tilespmem:s16], [sflag:$0x3] =	stream.linear.gather [hbm4b:s8+s3], $0x1400, $0x38;
	[tilespmem:$0x1E400] =	vst v63  }
0x1c: {  	_ =	swait.ge [sflag:s14], $0x1400  }
0x1d: {  	[sflag:s14] =	ssyncset.done $0x0  }
0x1e: {  	[sflag:s14] =	ssyncadd.s32 $0xFFFFEC00  }
0x1f: {  	[tilespmem:s18], [sflag:$0x1] =	stream.indirect.gather [hbm4b:s4+s17], $0x80, s15, s17, $0xb8;
	[tilespmem:$0x1E400] =	vst v63  }
0x20: {  	_ = 	snop  }
0x21: {  	[tilespmem:s20], [sflag:$0x2] =	stream.indirect.gather [hbm4b:s4+s17], $0x80, s19, s17, $0xb8;
	[tilespmem:$0x1E400] =	vst v63  }
0x22: {  	_ =	swait.ge [sflag:s21], $0x4000  }
0x23: {  	[sflag:s21] =	ssyncset.done $0x0  }
0x24: {  	s26 =	simm.s32 $0x15000;
	[sflag:s21] =	ssyncadd.s32 $0xFFFFC000  }
0x25: {  	[spmem:s2] =	stream.indirect.scatter.add.f32 [tilespmem:s18], [sflag:$0x3], $0x80, s26, s17, $0xb8;
	[tilespmem:$0x1E400] =	vst v63  }
0x26: {  	_ =	swait.ge [sflag:s14], $0x4000  }
0x27: {  	[sflag:s14] =	ssyncset.done $0x0  }
0x28: {  	s30 =	simm.s32 $0x13D00;
	[sflag:s14] =	ssyncadd.s32 $0xFFFFC000  }
0x29: {  	[tilespmem:s18], [sflag:$0x1] =	stream.indirect.gather [hbm4b:s4+s17], $0x80, s30, s17, $0xb8;
	[tilespmem:$0x1E400] =	vst v63  }
0x2a: {  	_ =	swait.ge [sflag:s22], $0x4000  }
0x2b: {  	[sflag:s22] =	ssyncset.done $0x0  }
0x2c: {  	s31 =	simm.s32 $0x15080;
	[sflag:s22] =	ssyncadd.s32 $0xFFFFC000  }
0x2d: {  	[spmem:s2] =	stream.indirect.scatter.add.f32 [tilespmem:s20], [sflag:$0x3], $0x80, s31, s17, $0xb8;
	[tilespmem:$0x1E400] =	vst v63  }
0x2e: {  	_ =	swait.ge [sflag:s14], $0x4000  }
0x2f: {  	[sflag:s14] =	ssyncset.done $0x0  }
0x30: {  	s28 =	simm.s32 $0x13D80;
	s26 =	simm.s32 $0x400;
	[sflag:s14] =	ssyncadd.s32 $0xFFFFC000  }
.LBB2_2:
0x31: {  	[tilespmem:s20], [sflag:$0x2] =	stream.indirect.gather [hbm4b:s4+s17], $0x80, s28, s17, $0xb8;
	[tilespmem:$0x1E400] =	vst v63  }
0x32: {  	s28 =	smov.u32 s26  }
0x33: {  	p0 =	sne.s32 s26, $0x4800;
	s26 =	sadd.s32 $0x400, s26;
	_ =	swait.ge [sflag:s21], $0x4000  }
0x34: {  	s28 =	sshra.s32 s28, $0x2;
	[sflag:s21] =	ssyncset.done $0x0  }
0x35: {  	s29 =	sadd.s32 $0x15000, s28;
	[sflag:s21] =	ssyncadd.s32 $0xFFFFC000  }
0x36: {  	[spmem:s2] =	stream.indirect.scatter.add.f32 [tilespmem:s18], [sflag:$0x3], $0x80, s29, s17, $0xb8;
	[tilespmem:$0x1E400] =	vst v63  }
0x37: {  	_ =	swait.ge [sflag:s14], $0x4000  }
0x38: {  	[sflag:s14] =	ssyncset.done $0x0  }
0x39: {  	s29 =	sadd.s32 $0x13D00, s28;
	[sflag:s14] =	ssyncadd.s32 $0xFFFFC000  }
0x3a: {  	[tilespmem:s18], [sflag:$0x1] =	stream.indirect.gather [hbm4b:s4+s17], $0x80, s29, s17, $0xb8;
	[tilespmem:$0x1E400] =	vst v63  }
0x3b: {  	_ =	swait.ge [sflag:s22], $0x4000  }
0x3c: {  	[sflag:s22] =	ssyncset.done $0x0  }
.Ltmp0:
0x3d: {  	s29 =	sadd.s32 $0x15080, s28;
	[sflag:s22] =	ssyncadd.s32 $0xFFFFC000;
	(pc) =	sbr.rel @p0 .LBB2_2-.Ltmp0, $4  }
0x3e: {  	[spmem:s2] =	stream.indirect.scatter.add.f32 [tilespmem:s20], [sflag:$0x3], $0x80, s29, s17, $0xb8;
	[tilespmem:$0x1E400] =	vst v63  }
0x3f: {  	_ =	swait.ge [sflag:s14], $0x4000  }
0x40: {  	[sflag:s14] =	ssyncset.done $0x0  }
0x41: {  	s28 =	sadd.s32 $0x13D80, s28;
	[sflag:s14] =	ssyncadd.s32 $0xFFFFC000  }
0x42: {  	[tilespmem:s20], [sflag:$0x2] =	stream.indirect.gather [hbm4b:s4+s17], $0x80, s28, s17, $0xb8;
	[tilespmem:$0x1E400] =	vst v63  }
0x43: {  	_ =	swait.ge [sflag:s21], $0x4000  }
0x44: {  	[sflag:s21] =	ssyncset.done $0x0  }
0x45: {  	[sflag:s21] =	ssyncadd.s32 $0xFFFFC000  }
0x46: {  	[spmem:s2] =	stream.indirect.scatter.add.f32 [tilespmem:s18], [sflag:$0x3], $0x80, s23, s17, $0xb8;
	[tilespmem:$0x1E400] =	vst v63  }
0x47: {  	_ =	swait.ge [sflag:s14], $0x4000  }
0x48: {  	[sflag:s14] =	ssyncset.done $0x0  }
0x49: {  	[sflag:s14] =	ssyncadd.s32 $0xFFFFC000  }
0x4a: {  	_ =	swait.ge [sflag:s22], $0x4000  }
0x4b: {  	[sflag:s22] =	ssyncset.done $0x0  }
0x4c: {  	[sflag:s22] =	ssyncadd.s32 $0xFFFFC000  }
0x4d: {  	[spmem:s2] =	stream.indirect.scatter.add.f32 [tilespmem:s20], [sflag:$0x3], $0x80, s24, s17, $0xb8;
	[tilespmem:$0x1E400] =	vst v63  }
0x4e: {  	_ =	swait.ge [sflag:s14], $0x4000  }
0x4f: {  	[sflag:s14] =	ssyncset.done $0x0  }
0x50: {  	s26 =	simm.s32 $0x0;
	[sflag:s14] =	ssyncadd.s32 $0xFFFFC000  }
0x51: {  	[tilespmem:s15], [sflag:$0x3] =	stream.linear.gather [hbm4b:s9+s26], $0x1400, $0x38;
	[tilespmem:$0x1E400] =	vst v63  }
0x52: {  	_ =	swait.ge [sflag:s14], $0x1400  }
0x53: {  	[sflag:s14] =	ssyncset.done $0x0  }
0x54: {  	[sflag:s14] =	ssyncadd.s32 $0xFFFFEC00  }
0x55: {  	[tilespmem:s16], [sflag:$0x3] =	stream.linear.gather [hbm4b:s10+s26], $0x1400, $0x38;
	[tilespmem:$0x1E400] =	vst v63  }
0x56: {  	_ =	swait.ge [sflag:s14], $0x1400  }
0x57: {  	[sflag:s14] =	ssyncset.done $0x0  }
0x58: {  	[sflag:s14] =	ssyncadd.s32 $0xFFFFEC00  }
0x59: {  	[tilespmem:s18], [sflag:$0x1] =	stream.indirect.gather [hbm4b:s4+s17], $0x80, s15, s17, $0xb8;
	[tilespmem:$0x1E400] =	vst v63  }
0x5a: {  	_ = 	snop  }
0x5b: {  	[tilespmem:s20], [sflag:$0x2] =	stream.indirect.gather [hbm4b:s4+s17], $0x80, s19, s17, $0xb8;
	[tilespmem:$0x1E400] =	vst v63  }
0x5c: {  	_ =	swait.ge [sflag:s21], $0x4000  }
0x5d: {  	[sflag:s21] =	ssyncset.done $0x0  }
0x5e: {  	s29 =	simm.s32 $0x15000;
	[sflag:s21] =	ssyncadd.s32 $0xFFFFC000  }
0x5f: {  	[spmem:s2] =	stream.indirect.scatter.add.f32 [tilespmem:s18], [sflag:$0x3], $0x80, s29, s17, $0xb8;
	[tilespmem:$0x1E400] =	vst v63  }
0x60: {  	_ =	swait.ge [sflag:s14], $0x4000  }
0x61: {  	[sflag:s14] =	ssyncset.done $0x0  }
0x62: {  	s30 =	simm.s32 $0x13D00;
	[sflag:s14] =	ssyncadd.s32 $0xFFFFC000  }
0x63: {  	[tilespmem:s18], [sflag:$0x1] =	stream.indirect.gather [hbm4b:s4+s17], $0x80, s30, s17, $0xb8;
	[tilespmem:$0x1E400] =	vst v63  }
0x64: {  	_ =	swait.ge [sflag:s22], $0x4000  }
0x65: {  	[sflag:s22] =	ssyncset.done $0x0  }
0x66: {  	s31 =	simm.s32 $0x15080;
	[sflag:s22] =	ssyncadd.s32 $0xFFFFC000  }
0x67: {  	[spmem:s2] =	stream.indirect.scatter.add.f32 [tilespmem:s20], [sflag:$0x3], $0x80, s31, s17, $0xb8;
	[tilespmem:$0x1E400] =	vst v63  }
0x68: {  	_ =	swait.ge [sflag:s14], $0x4000  }
0x69: {  	[sflag:s14] =	ssyncset.done $0x0  }
0x6a: {  	s28 =	simm.s32 $0x13D80;
	s26 =	simm.s32 $0x400;
	[sflag:s14] =	ssyncadd.s32 $0xFFFFC000  }
.LBB2_4:
0x6b: {  	[tilespmem:s20], [sflag:$0x2] =	stream.indirect.gather [hbm4b:s4+s17], $0x80, s28, s17, $0xb8;
	[tilespmem:$0x1E400] =	vst v63  }
0x6c: {  	s28 =	smov.u32 s26  }
0x6d: {  	p0 =	sne.s32 s26, $0x4800;
	s26 =	sadd.s32 $0x400, s26;
	_ =	swait.ge [sflag:s21], $0x4000  }
0x6e: {  	s28 =	sshra.s32 s28, $0x2;
	[sflag:s21] =	ssyncset.done $0x0  }
0x6f: {  	s29 =	sadd.s32 $0x15000, s28;
	[sflag:s21] =	ssyncadd.s32 $0xFFFFC000  }
0x70: {  	[spmem:s2] =	stream.indirect.scatter.add.f32 [tilespmem:s18], [sflag:$0x3], $0x80, s29, s17, $0xb8;
	[tilespmem:$0x1E400] =	vst v63  }
0x71: {  	_ =	swait.ge [sflag:s14], $0x4000  }
0x72: {  	[sflag:s14] =	ssyncset.done $0x0  }
0x73: {  	s29 =	sadd.s32 $0x13D00, s28;
	[sflag:s14] =	ssyncadd.s32 $0xFFFFC000  }
0x74: {  	[tilespmem:s18], [sflag:$0x1] =	stream.indirect.gather [hbm4b:s4+s17], $0x80, s29, s17, $0xb8;
	[tilespmem:$0x1E400] =	vst v63  }
0x75: {  	_ =	swait.ge [sflag:s22], $0x4000  }
0x76: {  	[sflag:s22] =	ssyncset.done $0x0  }
.Ltmp1:
0x77: {  	s29 =	sadd.s32 $0x15080, s28;
	[sflag:s22] =	ssyncadd.s32 $0xFFFFC000;
	(pc) =	sbr.rel @p0 .LBB2_4-.Ltmp1, $4  }
0x78: {  	[spmem:s2] =	stream.indirect.scatter.add.f32 [tilespmem:s20], [sflag:$0x3], $0x80, s29, s17, $0xb8;
	[tilespmem:$0x1E400] =	vst v63  }
0x79: {  	_ =	swait.ge [sflag:s14], $0x4000  }
0x7a: {  	[sflag:s14] =	ssyncset.done $0x0  }
0x7b: {  	s28 =	sadd.s32 $0x13D80, s28;
	[sflag:s14] =	ssyncadd.s32 $0xFFFFC000  }
0x7c: {  	[tilespmem:s20], [sflag:$0x2] =	stream.indirect.gather [hbm4b:s4+s17], $0x80, s28, s17, $0xb8;
	[tilespmem:$0x1E400] =	vst v63  }
0x7d: {  	_ =	swait.ge [sflag:s21], $0x4000  }
0x7e: {  	[sflag:s21] =	ssyncset.done $0x0  }
0x7f: {  	[sflag:s21] =	ssyncadd.s32 $0xFFFFC000  }
0x80: {  	[spmem:s2] =	stream.indirect.scatter.add.f32 [tilespmem:s18], [sflag:$0x3], $0x80, s23, s17, $0xb8;
	[tilespmem:$0x1E400] =	vst v63  }
0x81: {  	_ =	swait.ge [sflag:s14], $0x4000  }
0x82: {  	[sflag:s14] =	ssyncset.done $0x0  }
0x83: {  	[sflag:s14] =	ssyncadd.s32 $0xFFFFC000  }
0x84: {  	_ =	swait.ge [sflag:s22], $0x4000  }
0x85: {  	[sflag:s22] =	ssyncset.done $0x0  }
0x86: {  	[sflag:s22] =	ssyncadd.s32 $0xFFFFC000  }
0x87: {  	[spmem:s2] =	stream.indirect.scatter.add.f32 [tilespmem:s20], [sflag:$0x3], $0x80, s24, s17, $0xb8;
	[tilespmem:$0x1E400] =	vst v63  }
0x88: {  	_ =	swait.ge [sflag:s14], $0x4000  }
0x89: {  	s25 =	sadd.s32 $0x1, s25;
	[sflag:s14] =	ssyncset.done $0x0  }
0x8a: {  	p0 =	sne.s32 s25, s12;
	[sflag:s14] =	ssyncadd.s32 $0xFFFFC000  }
.Ltmp2:
0x8b: {  	[bflag:$0x0] =	sbarrier.arrive $0xFFFF;
	(pc) =	sbr.rel @p0 .LBB2_1-.Ltmp2, $4  }
0x8c: {  	[hbm:s11], [sflag:s6] =	dma.local [spmem:s13], $0x2780  }
0x8d: {  	_ =	swait.ge [sflag:s14], $0x2780  }
0x8e: {  	[sflag:s14] =	ssyncset.done $0x0  }
0x8f: {  	[sflag:s14] =	ssyncadd.s32 $0xFFFFD880  }
0x90: {  	_ =	sfence.sel $0x180000  }
0x91: {  	[bflag:$0x0] =	sbarrier.arrive $0xFFFF  }
0x92: {  	p0 =	sne.s32 s0, $0x0;
	_ =	strace $0x90000050  }
0x93: {  	s0 =	sadd.s32 @!p0 $0x100000, s1;
	[bflag:$0x2] =	sbarrier.arrive $0xFFFF  }
0x94: {  	[sflag:s0] =	ssyncadd.tile.s32 @!p0 $0x1;
	_ =	shalt  }
.Lfunc_end2:
_tile_overlayer_lowered:
.L_overlay_start_2:
0x95: {  	(tag) =	ssettag $0x2  }
0x96: {  	s0 =	rddreg [dreg:$0x0];
	s2 =	stileid.u32  }
0x97: {  	s1 =	rddreg [dreg:$0x1];
	p0 =	sne.s32 s2, $0x0  }
0x98: {  	s3 =	rddreg [dreg:$0x2];
	[bflag:$0x3] =	sbarrier.arrive $0xFFFF;
	s2 =	simm.s32 @!p0 $0x1C03  }
0x99: {  	[timem:s3], [sflag:s2] =	dma.local @!p0 [hbm:s0], s1  }
0x9a: {  	s0 =	simm.s32 @!p0 $0x3  }
0x9b: {  	_ =	swait.ge @!p0 [sflag:s0], s1  }
0x9c: {  	s1 =	ssub.s32 @!p0 $0x0, s1;
	[sflag:s0] =	ssyncset.done @!p0 $0x0  }
0x9d: {  	[sflag:s0] =	ssyncadd.s32 @!p0 s1  }
0x9e: {  	[bflag:$0x3] =	sbarrier.arrive $0xFFFF  }
0x9f: {  	_ =	shalt  }

// kernel: kernel.24.cloned.1.call-start
scs
__scs_entry_jumppad:
0x0: {  	(pc) =	sbr.rel $0x88, $3  }
0x1: {  	(tag) =	ssettag $0x0;
	lr =	simm.s32 $0x1  }
0x2: {  	[smem:$0x3F99] =	sst lr;
	_ =	strace $0xD0000000  }
0x3: {  	_ = 	snop  }
0x4: {  	_ = 	snop  }
0x5: {  	_ = 	snop  }
0x6: {  	_ = 	snop  }
0x7: {  	_ = 	snop  }
__scs_overlays_trampoline_lowered:
0x8: {  	[smem:$0x3FA8] =	sst s0  }
0x9: {  	[smem:$0x3FA9] =	sst s1  }
0xa: {  	[smem:$0x3FAA] =	sst s2  }
0xb: {  	[smem:$0x3FAB] =	sst s3  }
0xc: {  	[smem:$0x3FAC] =	sst s4  }
0xd: {  	[smem:$0x3FAD] =	sst s5  }
0xe: {  	[smem:$0x3FAE] =	sst s6  }
0xf: {  	[smem:$0x3FAF] =	sst s7  }
0x10: {  	[smem:$0x3FB0] =	sst s8  }
0x11: {  	[smem:$0x3FB1] =	sst s9;
	s0 =	simm.s32 @!p0 $0x0  }
0x12: {  	s1 =	sld [smem:$0x3F97];
	s0 =	simm.s32 @p0 $0x1  }
0x13: {  	[smem:$0x3FB2] =	sst s0;
	s0 =	simm.s32 @!p1 $0x0  }
0x14: {  	s2 =	sld [smem:$0x3F96];
	s0 =	simm.s32 @p1 $0x1  }
0x15: {  	[smem:$0x3FB3] =	sst s0;
	s0 =	simm.s32 @!p2 $0x0  }
0x16: {  	s3 =	sld [smem:$0x3FDB];
	s0 =	simm.s32 @p2 $0x1  }
0x17: {  	s4 =	simm.s32 $0x1BF5;
	[smem:$0x3FB5] =	sst s0  }
0x18: {  	s0 =	sld [smem:$0x3F98];
	_ =	swait.ge [sflag:s4], $0x0  }
0x19: {  	s7 =	sld [smem:$0x3F99]  }
0x1a: {  	s8 =	sadd.s32 $0xFFFFE003, lr  }
0x1b: {  	s9 =	sadd.s32 $0xFFFFFEF7, lr;
	s5 =	simm.s32 $0xFFFFFFFF;
	p2 =	slt.u32 s8, $0xFFFFF086  }
0x1c: {  	p1 =	slt.u32 s9, $0xF7A;
	s5 =	simm.s32 @!p2 $0x0  }
0x1d: {  	s5 =	simm.s32 @p1 $0x1;
	p0 =	seq.s32 s7, s2  }
0x1e: {  	s7 =	smul.u32 @!p0 $0xF7A, s2;
	p2 =	seq.s32 @!p0 s5, $0x0  }
0x1f: {  	s9 =	smul.u32 $0xF7A, s1;
	s8 =	simm.s32 @!p0 $0x1BF5;
	p2 =	por !p2, p0  }
0x20: {  	[sflag:s8] =	ssyncset.s32 @!p0 $0xFFFFF086;
	s6 =	sadd.s32 @!p0 s3, s7;
	s7 =	simm.s32 @!p0 $0x108  }
0x21: {  	s3 =	sadd.s32 s3, s9;
	s6 =	sadd.s32 @!p0 $0x88, s6;
	s7 =	simm.s32 @p2 $0x1082  }
0x22: {  	[simem:s7], [sflag:s8] =	dma.local @!p0 [hbm:s6], $0xF7A  }
0x23: {  	s9 =	sor.u32 $0xD0000000, s2;
	s6 =	simm.s32 $0x108;
	_ =	swait.ge @!p0 [sflag:s8], $0x0  }
0x24: {  	s3 =	sadd.s32 $0x88, s3;
	s6 =	simm.s32 @!p1 $0x1082;
	[sflag:s4] =	ssyncset.s32 $0xFFFFF086  }
0x25: {  	[simem:s6], [sflag:s4] =	dma.local [hbm:s3], $0xF7A  }
0x26: {  	[smem:$0x3F99] =	sst s1;
	(tag) =	ssettag s2;
	_ =	strace s9  }
0x27: {  	s1 =	sld [smem:$0x3FA9]  }
0x28: {  	s2 =	sld [smem:$0x3FAA]  }
0x29: {  	s4 =	sld [smem:$0x3FAC]  }
0x2a: {  	p0 =	seq.s32 s5, $0x0;
	s5 =	sld [smem:$0x3FAD]  }
0x2b: {  	s6 =	sld [smem:$0x3FAE]  }
0x2c: {  	s7 =	sld [smem:$0x3FAF]  }
0x2d: {  	s3 =	simm.s32 $0x108;
	s8 =	sld [smem:$0x3FB0]  }
0x2e: {  	s3 =	simm.s32 @!p0 $0x1082;
	s9 =	sld [smem:$0x3FB1]  }
0x2f: {  	lr =	sadd.s32 s0, s3;
	s0 =	sld [smem:$0x3FA8]  }
0x30: {  	s3 =	sld [smem:$0x3FAB]  }
0x31: {  	[smem:$0x3FB4] =	sst s10  }
0x32: {  	s10 =	sld [smem:$0x3FB2];
	_ =	sdelay $0x3  }
0x33: {  	p0 =	seq.s32 s10, $0x1;
	s10 =	sld [smem:$0x3FB4];
	_ =	sdelay $0x3  }
0x34: {  	[smem:$0x3FB4] =	sst s10  }
0x35: {  	s10 =	sld [smem:$0x3FB3];
	_ =	sdelay $0x3  }
0x36: {  	p1 =	seq.s32 s10, $0x1;
	s10 =	sld [smem:$0x3FB4];
	_ =	sdelay $0x3  }
0x37: {  	[smem:$0x3FB4] =	sst s10  }
0x38: {  	s10 =	sld [smem:$0x3FB5]  }
0x39: {  	_ = 	snop;
	(pc) =	sbr.ind lr, $3  }
0x3a: {  	_ = 	snop  }
0x3b: {  	_ = 	snop  }
0x3c: {  	p2 =	seq.s32 s10, $0x1;
	s10 =	sld [smem:$0x3FB4]  }
0x3d: {  	_ =	shalt  }
0x3e: {  	_ =	shalt  }
0x3f: {  	_ =	shalt  }
0x40: {  	_ =	shalt  }
0x41: {  	_ =	shalt  }
0x42: {  	_ =	shalt  }
0x43: {  	_ =	shalt  }
0x44: {  	_ =	shalt  }
0x45: {  	_ =	shalt  }
0x46: {  	_ =	shalt  }
0x47: {  	_ =	shalt  }
0x48: {  	_ =	shalt  }
0x49: {  	_ =	shalt  }
0x4a: {  	_ =	shalt  }
0x4b: {  	_ =	shalt  }
0x4c: {  	_ =	shalt  }
0x4d: {  	_ =	shalt  }
0x4e: {  	_ =	shalt  }
0x4f: {  	_ =	shalt  }
0x50: {  	_ =	shalt  }
0x51: {  	_ =	shalt  }
0x52: {  	_ =	shalt  }
0x53: {  	_ =	shalt  }
0x54: {  	_ =	shalt  }
0x55: {  	_ =	shalt  }
0x56: {  	_ =	shalt  }
0x57: {  	_ =	shalt  }
0x58: {  	_ =	shalt  }
0x59: {  	_ =	shalt  }
0x5a: {  	_ =	shalt  }
0x5b: {  	_ =	shalt  }
0x5c: {  	_ =	shalt  }
0x5d: {  	_ =	shalt  }
0x5e: {  	_ =	shalt  }
0x5f: {  	_ =	shalt  }
0x60: {  	_ =	shalt  }
0x61: {  	_ =	shalt  }
0x62: {  	_ =	shalt  }
0x63: {  	_ =	shalt  }
0x64: {  	_ =	shalt  }
0x65: {  	_ =	shalt  }
0x66: {  	_ =	shalt  }
0x67: {  	_ =	shalt  }
0x68: {  	_ =	shalt  }
0x69: {  	_ =	shalt  }
0x6a: {  	_ =	shalt  }
0x6b: {  	_ =	shalt  }
0x6c: {  	_ =	shalt  }
0x6d: {  	_ =	shalt  }
0x6e: {  	_ =	shalt  }
0x6f: {  	_ =	shalt  }
0x70: {  	_ =	shalt  }
0x71: {  	_ =	shalt  }
0x72: {  	_ =	shalt  }
0x73: {  	_ =	shalt  }
0x74: {  	_ =	shalt  }
0x75: {  	_ =	shalt  }
0x76: {  	_ =	shalt  }
0x77: {  	_ =	shalt  }
0x78: {  	_ =	shalt  }
0x79: {  	_ =	shalt  }
0x7a: {  	_ =	shalt  }
0x7b: {  	_ =	shalt  }
0x7c: {  	_ =	shalt  }
0x7d: {  	_ =	shalt  }
0x7e: {  	_ =	shalt  }
0x7f: {  	_ =	shalt  }
0x80: {  	_ =	shalt  }
0x81: {  	_ =	shalt  }
0x82: {  	_ =	shalt  }
0x83: {  	_ =	shalt  }
0x84: {  	_ =	shalt  }
0x85: {  	_ =	shalt  }
0x86: {  	_ =	shalt  }
0x87: {  	_ =	shalt  }
.Lfunc_end0:
.L_simem_size_0:
called_computation.4_lowered:
.L_overlay_start_0:
0x88: {  	s2 =	sld [smem:$0x3FD9]  }
0x89: {  	s3 =	sld [smem:$0x3FFE];
	_ =	sdelay $0x1  }
0x8a: {  	s1 =	srdreg.scid  }
0x8b: {  	s0 =	sand.u32 $0x1, s1  }
0x8c: {  	s16 =	sshll.u32 s0, $0xA;
	s2 =	sadd.s32 s3, s2  }
0x8d: {  	s2 =	sadd.s32 s2, s16  }
0x8e: {  	[smem:$0x3FC0] =	sst s2  }
0x8f: {  	_ = 	snop  }
0x90: {  	(tm) =	ssettm $0x1  }
0x91: {  	s17 =	sld [smem:$0x3FFB];
	_ =	sdelay $0x3  }
0x92: {  	_ =	strace s17  }
0x93: {  	s2 =	sld [smem:$0x3FFC];
	_ =	sdelay $0x3  }
0x94: {  	_ =	strace s2  }
0x95: {  	s2 =	sld [smem:$0x3FFD];
	_ =	sdelay $0x3  }
0x96: {  	_ =	strace s2  }
0x97: {  	_ =	strace $0x8FFFFFFF  }
0x98: {  	s18 =	sld [smem:$0x3FDB];
	_ =	sdelay $0x1  }
0x99: {  	s19 =	simm.s32 $_scs_section_size  }
0x9a: {  	s4 =	simm.s32 $_size__tile_overlayer_lowered;
	s5 =	simm.s32 $_tile_overlayer_lowered  }
0x9b: {  	s22 =	simm.s32 $0x1BFF;
	s21 =	sshll.u32 s5, $0x1;
	s2 =	sadd.s32 s19, s18  }
0x9c: {  	s6 =	simm.s32 $0x0;
	s20 =	sshll.u32 s4, $0x1;
	s4 =	sadd.s32 s21, s2  }
0x9d: {  	[timem:s6], [sflag:s22] =	dma.local [hbm:s4], s20  }
0x9e: {  	_ =	swait.ge [sflag:s22], s20  }
0x9f: {  	s3 =	ssub.s32 $0x0, s20;
	[sflag:s22] =	ssyncset.done $0x0  }
0xa0: {  	[sflag:s22] =	ssyncadd.s32 s3;
	_ =	sdelay $0x1  }
0xa1: {  	s23 =	simm.s32 $0x1B8B  }
0xa2: {  	_ =	swait.ge [sflag:s23], $0x1  }
0xa3: {  	[sflag:s23] =	ssyncset.done $0x0  }
0xa4: {  	s25 =	simm.s32 $0x1B8E;
	s24 =	sld [smem:$0x3FFE];
	[sflag:s23] =	ssyncadd.s32 $0xFFFFFFFF  }
0xa5: {  	s26 =	simm.s32 $execute0_lowered;
	[smem:$0x3FD2] =	sst s25  }
0xa6: {  	s4 =	sshll.u32 s26, $0x1;
	_ =	strace $0x80000052;
	[dreg:$0x1] =	wrdreg $0xFFFFFFFF  }
0xa7: {  	s28 =	simm.s32 $_size_execute0_lowered;
	s2 =	sadd.s32 s2, s4;
	[dreg:$0x0] =	wrdreg $0x0  }
0xa8: {  	s4 =	sshll.u32 s28, $0x1;
	[dreg:$0x2] =	wrdreg s2  }
0xa9: {  	[dreg:$0x3] =	wrdreg s4  }
0xaa: {  	[dreg:$0x4] =	wrdreg $0xC0  }
0xab: {  	_ =	task [dreg:s6], $0x5FFFF  }
0xac: {  	[dreg:$0x1] =	wrdreg $0xFFFFFFFF  }
0xad: {  	[dreg:$0x0] =	wrdreg $0x60  }
0xae: {  	[dreg:$0x2] =	wrdreg s24  }
0xaf: {  	[dreg:$0x3] =	wrdreg $0x0  }
0xb0: {  	[dreg:$0x4] =	wrdreg $0x9  }
0xb1: {  	_ =	task.clear_ibuf [dreg:s6], $0x5FFFF;
	_ =	strace $0x90000052  }
0xb2: {  	s29 =	simm.s32 $0x9;
	_ =	strace $0x80000054  }
0xb3: {  	_ =	swait.ge [sflag:s29], $0x1  }
0xb4: {  	[sflag:s29] =	ssyncadd.s32 $0xFFFFFFFF  }
0xb5: {  	_ =	strace $0x90000054  }
0xb6: {  	_ =	sfence  }
0xb7: {  	s30 =	sld [smem:$0x0];
	_ =	sdelay $0x2  }
0xb8: {  	s31 =	sshll.u32 s1, $0xD;
	s1 =	sshrl.u32 s1, $0x2  }
0xb9: {  	s3 =	sand.u32 $0x4000, s31;
	s1 =	sadd.s32 s1, s30  }
0xba: {  	s0 =	sor.u32 s3, s0;
	s1 =	sshll.u32 s1, $0x11  }
0xbb: {  	s0 =	sor.u32 s1, s0  }
0xbc: {  	s0 =	sadd.s32 $0x8F2B, s0  }
0xbd: {  	[sflag:s0] =	ssyncadd.remote.s32 $0x1  }
0xbe: {  	_ =	sfence.sel $0xFFFF  }
0xbf: {  	[dreg:$0x0] =	wrdreg $0xFFFFFFFF;
	(pc) =	sbr.abs _section_cstart, $3  }
0xc0: {  	[dreg:$0x1] =	wrdreg $0xFFFFFFFF  }
0xc1: {  	_ =	task.clear_ibuf [dreg:s6], $0x2FFFF;
	_ =	strace $0x9FFFFFFF  }
0xc2: {  	(tm) =	ssettm $0x7FFFFFFF  }
0xc3: {  	_ =	shalt  }
tec
execute0_lowered:
.L_overlay_start_1:
0x0: {  	(tag) =	ssettag $0x1  }
0x1: {  	s0 =	srdreg.scid;
	s6 =	rddreg [dreg:$0x0]  }
0x2: {  	s2 =	rddreg [dreg:$0x1];
	s3 =	simm.s32 $0x0;
	s14 =	simm.s32 $0x3  }
0x3: {  	s15 =	simm.s32 $0x13C00;
	s16 =	simm.s32 $0x15000;
	s17 =	simm.s32 $0x80  }
0x4: {  	s18 =	simm.s32 $0x16400;
	s19 =	simm.s32 $0x13C80;
	s20 =	simm.s32 $0x1A400  }
0x5: {  	s21 =	simm.s32 $0x1;
	s5 =	sand.u32 $0x1, s0;
	s0 =	stileid.u32  }
0x6: {  	s22 =	simm.s32 $0x2;
	s23 =	simm.s32 $0x16300;
	s7 =	smul.u32 $0x13C00, s0  }
0x7: {  	s24 =	simm.s32 $0x16380;
	s25 =	simm.s32 $0x0;
	s9 =	smul.u32 $0x13C000, s5  }
0x8: {  	[smem:$0x7FF] =	sst s3;
	s1 =	sshll.u32 s5, $0x4;
	s28 =	smul.u32 $0x4F000, s0  }
0x9: {  	s5 =	ssub.s32 $0x2, s5;
	s31 =	sshll.u32 s0, $0x6;
	s1 =	sor.u32 s0, s1  }
0xa: {  	s29 =	sshrl.u32 s5, $0x1;
	s4 =	smul.u32 $0x2800, s1;
	s1 =	rddreg [dreg:$0x2]  }
0xb: {  	_ =	strace $0x80000053;
	s26 =	sshrl.u32 s7, $0x3;
	s7 =	sadd.s32 s7, s9  }
0xc: {  	s30 =	sshrl.u32 s28, $0x2;
	s12 =	ssub.s32 s5, s29;
	s7 =	sshrl.u32 s7, $0x3  }
0xd: {  	s13 =	sadd.s32 s30, s2;
	s12 =	smax.u32 s12, $0x1;
	s8 =	sshrl.u32 s4, $0x3  }
0xe: {  	s4 =	sadd.s32 $0x17E00, s6;
	s11 =	sadd.s32 s7, s6;
	s13 =	sshrl.u32 s13, $0x3  }
0xf: {  	s10 =	sadd.s32 s8, s6;
	s8 =	sadd.s32 s26, s6;
	s6 =	sor.u32 $0x1C03, s31  }
0x10: {  	s11 =	sadd.s32 $0x66E00, s11;
	s5 =	sadd.s32 $0x3F600, s8;
	s7 =	sadd.s32 $0x3E00, s10  }
0x11: {  	s8 =	sadd.s32 $0xDE00, s10;
	s9 =	sadd.s32 $0x4080, s10;
	s10 =	sadd.s32 $0xE080, s10  }
.LBB2_1:
0x12: {  	[spmem:s13], [sflag:s6] =	dma.local [hbm:s5], $0x2780  }
0x13: {  	_ =	swait.ge [sflag:s14], $0x2780  }
0x14: {  	[sflag:s14] =	ssyncset.done $0x0  }
0x15: {  	[sflag:s14] =	ssyncadd.s32 $0xFFFFD880  }
0x16: {  	[bflag:$0x0] =	sbarrier.arrive $0xFFFF  }
0x17: {  	[tilespmem:s15], [sflag:$0x3] =	stream.linear.gather [hbm4b:s7+s3], $0x1400, $0x38;
	[tilespmem:$0x1E400] =	vst v63  }
0x18: {  	_ =	swait.ge [sflag:s14], $0x1400  }
0x19: {  	[sflag:s14] =	ssyncset.done $0x0  }
0x1a: {  	[sflag:s14] =	ssyncadd.s32 $0xFFFFEC00  }
0x1b: {  	[tilespmem:s16], [sflag:$0x3] =	stream.linear.gather [hbm4b:s8+s3], $0x1400, $0x38;
	[tilespmem:$0x1E400] =	vst v63  }
0x1c: {  	_ =	swait.ge [sflag:s14], $0x1400  }
0x1d: {  	[sflag:s14] =	ssyncset.done $0x0  }
0x1e: {  	[sflag:s14] =	ssyncadd.s32 $0xFFFFEC00  }
0x1f: {  	[tilespmem:s18], [sflag:$0x1] =	stream.indirect.gather [hbm4b:s4+s17], $0x80, s15, s17, $0xb8;
	[tilespmem:$0x1E400] =	vst v63  }
0x20: {  	_ = 	snop  }
0x21: {  	[tilespmem:s20], [sflag:$0x2] =	stream.indirect.gather [hbm4b:s4+s17], $0x80, s19, s17, $0xb8;
	[tilespmem:$0x1E400] =	vst v63  }
0x22: {  	_ =	swait.ge [sflag:s21], $0x4000  }
0x23: {  	[sflag:s21] =	ssyncset.done $0x0  }
0x24: {  	s26 =	simm.s32 $0x15000;
	[sflag:s21] =	ssyncadd.s32 $0xFFFFC000  }
0x25: {  	[spmem:s2] =	stream.indirect.scatter.add.f32 [tilespmem:s18], [sflag:$0x3], $0x80, s26, s17, $0xb8;
	[tilespmem:$0x1E400] =	vst v63  }
0x26: {  	_ =	swait.ge [sflag:s14], $0x4000  }
0x27: {  	[sflag:s14] =	ssyncset.done $0x0  }
0x28: {  	s30 =	simm.s32 $0x13D00;
	[sflag:s14] =	ssyncadd.s32 $0xFFFFC000  }
0x29: {  	[tilespmem:s18], [sflag:$0x1] =	stream.indirect.gather [hbm4b:s4+s17], $0x80, s30, s17, $0xb8;
	[tilespmem:$0x1E400] =	vst v63  }
0x2a: {  	_ =	swait.ge [sflag:s22], $0x4000  }
0x2b: {  	[sflag:s22] =	ssyncset.done $0x0  }
0x2c: {  	s31 =	simm.s32 $0x15080;
	[sflag:s22] =	ssyncadd.s32 $0xFFFFC000  }
0x2d: {  	[spmem:s2] =	stream.indirect.scatter.add.f32 [tilespmem:s20], [sflag:$0x3], $0x80, s31, s17, $0xb8;
	[tilespmem:$0x1E400] =	vst v63  }
0x2e: {  	_ =	swait.ge [sflag:s14], $0x4000  }
0x2f: {  	[sflag:s14] =	ssyncset.done $0x0  }
0x30: {  	s28 =	simm.s32 $0x13D80;
	s26 =	simm.s32 $0x400;
	[sflag:s14] =	ssyncadd.s32 $0xFFFFC000  }
.LBB2_2:
0x31: {  	[tilespmem:s20], [sflag:$0x2] =	stream.indirect.gather [hbm4b:s4+s17], $0x80, s28, s17, $0xb8;
	[tilespmem:$0x1E400] =	vst v63  }
0x32: {  	s28 =	smov.u32 s26  }
0x33: {  	p0 =	sne.s32 s26, $0x4800;
	s26 =	sadd.s32 $0x400, s26;
	_ =	swait.ge [sflag:s21], $0x4000  }
0x34: {  	s28 =	sshra.s32 s28, $0x2;
	[sflag:s21] =	ssyncset.done $0x0  }
0x35: {  	s29 =	sadd.s32 $0x15000, s28;
	[sflag:s21] =	ssyncadd.s32 $0xFFFFC000  }
0x36: {  	[spmem:s2] =	stream.indirect.scatter.add.f32 [tilespmem:s18], [sflag:$0x3], $0x80, s29, s17, $0xb8;
	[tilespmem:$0x1E400] =	vst v63  }
0x37: {  	_ =	swait.ge [sflag:s14], $0x4000  }
0x38: {  	[sflag:s14] =	ssyncset.done $0x0  }
0x39: {  	s29 =	sadd.s32 $0x13D00, s28;
	[sflag:s14] =	ssyncadd.s32 $0xFFFFC000  }
0x3a: {  	[tilespmem:s18], [sflag:$0x1] =	stream.indirect.gather [hbm4b:s4+s17], $0x80, s29, s17, $0xb8;
	[tilespmem:$0x1E400] =	vst v63  }
0x3b: {  	_ =	swait.ge [sflag:s22], $0x4000  }
0x3c: {  	[sflag:s22] =	ssyncset.done $0x0  }
.Ltmp0:
0x3d: {  	s29 =	sadd.s32 $0x15080, s28;
	[sflag:s22] =	ssyncadd.s32 $0xFFFFC000;
	(pc) =	sbr.rel @p0 .LBB2_2-.Ltmp0, $4  }
0x3e: {  	[spmem:s2] =	stream.indirect.scatter.add.f32 [tilespmem:s20], [sflag:$0x3], $0x80, s29, s17, $0xb8;
	[tilespmem:$0x1E400] =	vst v63  }
0x3f: {  	_ =	swait.ge [sflag:s14], $0x4000  }
0x40: {  	[sflag:s14] =	ssyncset.done $0x0  }
0x41: {  	s28 =	sadd.s32 $0x13D80, s28;
	[sflag:s14] =	ssyncadd.s32 $0xFFFFC000  }
0x42: {  	[tilespmem:s20], [sflag:$0x2] =	stream.indirect.gather [hbm4b:s4+s17], $0x80, s28, s17, $0xb8;
	[tilespmem:$0x1E400] =	vst v63  }
0x43: {  	_ =	swait.ge [sflag:s21], $0x4000  }
0x44: {  	[sflag:s21] =	ssyncset.done $0x0  }
0x45: {  	[sflag:s21] =	ssyncadd.s32 $0xFFFFC000  }
0x46: {  	[spmem:s2] =	stream.indirect.scatter.add.f32 [tilespmem:s18], [sflag:$0x3], $0x80, s23, s17, $0xb8;
	[tilespmem:$0x1E400] =	vst v63  }
0x47: {  	_ =	swait.ge [sflag:s14], $0x4000  }
0x48: {  	[sflag:s14] =	ssyncset.done $0x0  }
0x49: {  	[sflag:s14] =	ssyncadd.s32 $0xFFFFC000  }
0x4a: {  	_ =	swait.ge [sflag:s22], $0x4000  }
0x4b: {  	[sflag:s22] =	ssyncset.done $0x0  }
0x4c: {  	[sflag:s22] =	ssyncadd.s32 $0xFFFFC000  }
0x4d: {  	[spmem:s2] =	stream.indirect.scatter.add.f32 [tilespmem:s20], [sflag:$0x3], $0x80, s24, s17, $0xb8;
	[tilespmem:$0x1E400] =	vst v63  }
0x4e: {  	_ =	swait.ge [sflag:s14], $0x4000  }
0x4f: {  	[sflag:s14] =	ssyncset.done $0x0  }
0x50: {  	s26 =	simm.s32 $0x0;
	[sflag:s14] =	ssyncadd.s32 $0xFFFFC000  }
0x51: {  	[tilespmem:s15], [sflag:$0x3] =	stream.linear.gather [hbm4b:s9+s26], $0x1400, $0x38;
	[tilespmem:$0x1E400] =	vst v63  }
0x52: {  	_ =	swait.ge [sflag:s14], $0x1400  }
0x53: {  	[sflag:s14] =	ssyncset.done $0x0  }
0x54: {  	[sflag:s14] =	ssyncadd.s32 $0xFFFFEC00  }
0x55: {  	[tilespmem:s16], [sflag:$0x3] =	stream.linear.gather [hbm4b:s10+s26], $0x1400, $0x38;
	[tilespmem:$0x1E400] =	vst v63  }
0x56: {  	_ =	swait.ge [sflag:s14], $0x1400  }
0x57: {  	[sflag:s14] =	ssyncset.done $0x0  }
0x58: {  	[sflag:s14] =	ssyncadd.s32 $0xFFFFEC00  }
0x59: {  	[tilespmem:s18], [sflag:$0x1] =	stream.indirect.gather [hbm4b:s4+s17], $0x80, s15, s17, $0xb8;
	[tilespmem:$0x1E400] =	vst v63  }
0x5a: {  	_ = 	snop  }
0x5b: {  	[tilespmem:s20], [sflag:$0x2] =	stream.indirect.gather [hbm4b:s4+s17], $0x80, s19, s17, $0xb8;
	[tilespmem:$0x1E400] =	vst v63  }
0x5c: {  	_ =	swait.ge [sflag:s21], $0x4000  }
0x5d: {  	[sflag:s21] =	ssyncset.done $0x0  }
0x5e: {  	s29 =	simm.s32 $0x15000;
	[sflag:s21] =	ssyncadd.s32 $0xFFFFC000  }
0x5f: {  	[spmem:s2] =	stream.indirect.scatter.add.f32 [tilespmem:s18], [sflag:$0x3], $0x80, s29, s17, $0xb8;
	[tilespmem:$0x1E400] =	vst v63  }
0x60: {  	_ =	swait.ge [sflag:s14], $0x4000  }
0x61: {  	[sflag:s14] =	ssyncset.done $0x0  }
0x62: {  	s30 =	simm.s32 $0x13D00;
	[sflag:s14] =	ssyncadd.s32 $0xFFFFC000  }
0x63: {  	[tilespmem:s18], [sflag:$0x1] =	stream.indirect.gather [hbm4b:s4+s17], $0x80, s30, s17, $0xb8;
	[tilespmem:$0x1E400] =	vst v63  }
0x64: {  	_ =	swait.ge [sflag:s22], $0x4000  }
0x65: {  	[sflag:s22] =	ssyncset.done $0x0  }
0x66: {  	s31 =	simm.s32 $0x15080;
	[sflag:s22] =	ssyncadd.s32 $0xFFFFC000  }
0x67: {  	[spmem:s2] =	stream.indirect.scatter.add.f32 [tilespmem:s20], [sflag:$0x3], $0x80, s31, s17, $0xb8;
	[tilespmem:$0x1E400] =	vst v63  }
0x68: {  	_ =	swait.ge [sflag:s14], $0x4000  }
0x69: {  	[sflag:s14] =	ssyncset.done $0x0  }
0x6a: {  	s28 =	simm.s32 $0x13D80;
	s26 =	simm.s32 $0x400;
	[sflag:s14] =	ssyncadd.s32 $0xFFFFC000  }
.LBB2_4:
0x6b: {  	[tilespmem:s20], [sflag:$0x2] =	stream.indirect.gather [hbm4b:s4+s17], $0x80, s28, s17, $0xb8;
	[tilespmem:$0x1E400] =	vst v63  }
0x6c: {  	s28 =	smov.u32 s26  }
0x6d: {  	p0 =	sne.s32 s26, $0x4800;
	s26 =	sadd.s32 $0x400, s26;
	_ =	swait.ge [sflag:s21], $0x4000  }
0x6e: {  	s28 =	sshra.s32 s28, $0x2;
	[sflag:s21] =	ssyncset.done $0x0  }
0x6f: {  	s29 =	sadd.s32 $0x15000, s28;
	[sflag:s21] =	ssyncadd.s32 $0xFFFFC000  }
0x70: {  	[spmem:s2] =	stream.indirect.scatter.add.f32 [tilespmem:s18], [sflag:$0x3], $0x80, s29, s17, $0xb8;
	[tilespmem:$0x1E400] =	vst v63  }
0x71: {  	_ =	swait.ge [sflag:s14], $0x4000  }
0x72: {  	[sflag:s14] =	ssyncset.done $0x0  }
0x73: {  	s29 =	sadd.s32 $0x13D00, s28;
	[sflag:s14] =	ssyncadd.s32 $0xFFFFC000  }
0x74: {  	[tilespmem:s18], [sflag:$0x1] =	stream.indirect.gather [hbm4b:s4+s17], $0x80, s29, s17, $0xb8;
	[tilespmem:$0x1E400] =	vst v63  }
0x75: {  	_ =	swait.ge [sflag:s22], $0x4000  }
0x76: {  	[sflag:s22] =	ssyncset.done $0x0  }
.Ltmp1:
0x77: {  	s29 =	sadd.s32 $0x15080, s28;
	[sflag:s22] =	ssyncadd.s32 $0xFFFFC000;
	(pc) =	sbr.rel @p0 .LBB2_4-.Ltmp1, $4  }
0x78: {  	[spmem:s2] =	stream.indirect.scatter.add.f32 [tilespmem:s20], [sflag:$0x3], $0x80, s29, s17, $0xb8;
	[tilespmem:$0x1E400] =	vst v63  }
0x79: {  	_ =	swait.ge [sflag:s14], $0x4000  }
0x7a: {  	[sflag:s14] =	ssyncset.done $0x0  }
0x7b: {  	s28 =	sadd.s32 $0x13D80, s28;
	[sflag:s14] =	ssyncadd.s32 $0xFFFFC000  }
0x7c: {  	[tilespmem:s20], [sflag:$0x2] =	stream.indirect.gather [hbm4b:s4+s17], $0x80, s28, s17, $0xb8;
	[tilespmem:$0x1E400] =	vst v63  }
0x7d: {  	_ =	swait.ge [sflag:s21], $0x4000  }
0x7e: {  	[sflag:s21] =	ssyncset.done $0x0  }
0x7f: {  	[sflag:s21] =	ssyncadd.s32 $0xFFFFC000  }
0x80: {  	[spmem:s2] =	stream.indirect.scatter.add.f32 [tilespmem:s18], [sflag:$0x3], $0x80, s23, s17, $0xb8;
	[tilespmem:$0x1E400] =	vst v63  }
0x81: {  	_ =	swait.ge [sflag:s14], $0x4000  }
0x82: {  	[sflag:s14] =	ssyncset.done $0x0  }
0x83: {  	[sflag:s14] =	ssyncadd.s32 $0xFFFFC000  }
0x84: {  	_ =	swait.ge [sflag:s22], $0x4000  }
0x85: {  	[sflag:s22] =	ssyncset.done $0x0  }
0x86: {  	[sflag:s22] =	ssyncadd.s32 $0xFFFFC000  }
0x87: {  	[spmem:s2] =	stream.indirect.scatter.add.f32 [tilespmem:s20], [sflag:$0x3], $0x80, s24, s17, $0xb8;
	[tilespmem:$0x1E400] =	vst v63  }
0x88: {  	_ =	swait.ge [sflag:s14], $0x4000  }
0x89: {  	s25 =	sadd.s32 $0x1, s25;
	[sflag:s14] =	ssyncset.done $0x0  }
0x8a: {  	p0 =	sne.s32 s25, s12;
	[sflag:s14] =	ssyncadd.s32 $0xFFFFC000  }
.Ltmp2:
0x8b: {  	[bflag:$0x0] =	sbarrier.arrive $0xFFFF;
	(pc) =	sbr.rel @p0 .LBB2_1-.Ltmp2, $4  }
0x8c: {  	[hbm:s11], [sflag:s6] =	dma.local [spmem:s13], $0x2780  }
0x8d: {  	_ =	swait.ge [sflag:s14], $0x2780  }
0x8e: {  	[sflag:s14] =	ssyncset.done $0x0  }
0x8f: {  	[sflag:s14] =	ssyncadd.s32 $0xFFFFD880  }
0x90: {  	_ =	sfence.sel $0x180000  }
0x91: {  	[bflag:$0x0] =	sbarrier.arrive $0xFFFF  }
0x92: {  	p0 =	sne.s32 s0, $0x0;
	_ =	strace $0x90000053  }
0x93: {  	s0 =	sadd.s32 @!p0 $0x100000, s1;
	[bflag:$0x2] =	sbarrier.arrive $0xFFFF  }
0x94: {  	[sflag:s0] =	ssyncadd.tile.s32 @!p0 $0x1;
	_ =	shalt  }
.Lfunc_end2:
_tile_overlayer_lowered:
.L_overlay_start_2:
0x95: {  	(tag) =	ssettag $0x2  }
0x96: {  	s0 =	rddreg [dreg:$0x0];
	s2 =	stileid.u32  }
0x97: {  	s1 =	rddreg [dreg:$0x1];
	p0 =	sne.s32 s2, $0x0  }
0x98: {  	s3 =	rddreg [dreg:$0x2];
	[bflag:$0x3] =	sbarrier.arrive $0xFFFF;
	s2 =	simm.s32 @!p0 $0x1C03  }
0x99: {  	[timem:s3], [sflag:s2] =	dma.local @!p0 [hbm:s0], s1  }
0x9a: {  	s0 =	simm.s32 @!p0 $0x3  }
0x9b: {  	_ =	swait.ge @!p0 [sflag:s0], s1  }
0x9c: {  	s1 =	ssub.s32 @!p0 $0x0, s1;
	[sflag:s0] =	ssyncset.done @!p0 $0x0  }
0x9d: {  	[sflag:s0] =	ssyncadd.s32 @!p0 s1  }
0x9e: {  	[bflag:$0x3] =	sbarrier.arrive $0xFFFF  }
0x9f: {  	_ =	shalt  }

</sc_bundles>
